<compile_context>
chip_gen: v7x
topology: tpu7x:2x2x1
jax: 0.10.2.dev20260603
libtpu: 0.0.44.dev20260713+nightly
codegen_flags: <defaults>
</compile_context>

<pallas_src>
import functools

import jax
import jax.numpy as jnp
from jax import lax
from jax.experimental import pallas as pl
from jax.experimental.pallas import tpu as pltpu
from jax.experimental.pallas import tpu_sc as plsc

_B = 16384
_D = 32
_ROWS = 1000000
_SUB = 8
_NT = _ROWS // _SUB
_INFO = plsc.get_sparse_core_info()
_NC = _INFO.num_cores
_NS = _INFO.num_subcores
_L = _INFO.num_lanes
_NW = _NC * _NS
_BPW = _B // _NW
_C = _L
_NCHUNK = _BPW // _C


def _rsqrt(x):
    i = plsc.bitcast(x, jnp.int32)
    i = 0x5F3759DF - lax.shift_right_logical(i, 1)
    y = plsc.bitcast(i, jnp.float32)
    for _ in range(3):
        y = y * (1.5 - 0.5 * x * y * y)
    return y


def _renorm_scale(sumsq):
    r = _rsqrt(sumsq)
    norm = sumsq * r
    inv = 1.0 / (norm + 1e-7)
    return jnp.where(norm > 1.0, inv, jnp.ones_like(norm))


_MESH = plsc.VectorSubcoreMesh(core_axis_name="c", subcore_axis_name="s")


@functools.partial(
    pl.kernel,
    mesh=_MESH,
    compiler_params=pltpu.CompilerParams(
        needs_layout_passes=False, use_tc_tiling_on_sc=True),
    out_type=jax.ShapeDtypeStruct((_B,), jnp.float32),
    scratch_types=[
        pltpu.VMEM((_BPW,), jnp.int32),
        pltpu.VMEM((_BPW,), jnp.int32),
        pltpu.VMEM((_C, _SUB, _D), jnp.float32),
        pltpu.VMEM((_C, _SUB, _D), jnp.float32),
        pltpu.VMEM((_C, _SUB, _D), jnp.float32),
        pltpu.VMEM((_C, _SUB, _D), jnp.float32),
        pltpu.VMEM((_BPW,), jnp.float32),
        pltpu.SemaphoreType.DMA,
        pltpu.SemaphoreType.DMA,
    ],
)
def _mf_kernel(users_hbm, items_hbm, utab_hbm, itab_hbm, out_hbm,
               uidx_s, iidx_s,
               au_v, av_v, bu_v, bv_v, out_v, sem_a, sem_b):
    wid = lax.axis_index("s") * _NC + lax.axis_index("c")
    base = wid * _BPW
    lane = lax.iota(jnp.int32, _L)

    pltpu.sync_copy(users_hbm.at[pl.ds(base, _BPW)], uidx_s)
    pltpu.sync_copy(items_hbm.at[pl.ds(base, _BPW)], iidx_s)

    def fire(c, bufu, bufv, sem):
        ex0 = c * _C
        tu_vec = lax.shift_right_logical(uidx_s[pl.ds(ex0, _L)], 3)
        ti_vec = lax.shift_right_logical(iidx_s[pl.ds(ex0, _L)], 3)
        for e in range(_C):
            pltpu.async_copy(utab_hbm.at[pl.ds(tu_vec[e], 1)],
                             bufu.at[pl.ds(e, 1)], sem)
            pltpu.async_copy(itab_hbm.at[pl.ds(ti_vec[e], 1)],
                             bufv.at[pl.ds(e, 1)], sem)

    def wait_pair(bufu, bufv, sem):
        pltpu.make_async_copy(utab_hbm.at[pl.ds(0, _C)], bufu, sem).wait()
        pltpu.make_async_copy(itab_hbm.at[pl.ds(0, _C)], bufv, sem).wait()

    def compute(c, bufu, bufv):
        ex0 = c * _C
        uu = jnp.zeros((_L,), jnp.float32)
        vv = jnp.zeros((_L,), jnp.float32)
        uv = jnp.zeros((_L,), jnp.float32)
        su_vec = uidx_s[pl.ds(ex0, _L)] & 7
        sv_vec = iidx_s[pl.ds(ex0, _L)] & 7
        for e in range(_C):
            su = su_vec[e]
            sv = sv_vec[e]
            u_lo = bufu[e, su, pl.ds(0, _L)]
            u_hi = bufu[e, su, pl.ds(_L, _L)]
            v_lo = bufv[e, sv, pl.ds(0, _L)]
            v_hi = bufv[e, sv, pl.ds(_L, _L)]
            p_uu = u_lo * u_lo + u_hi * u_hi
            p_vv = v_lo * v_lo + v_hi * v_hi
            p_uv = u_lo * v_lo + u_hi * v_hi
            m = lane == e
            uu = jnp.where(m, jnp.sum(p_uu), uu)
            vv = jnp.where(m, jnp.sum(p_vv), vv)
            uv = jnp.where(m, jnp.sum(p_uv), uv)
        scale = _renorm_scale(uu) * _renorm_scale(vv)
        out_v[pl.ds(ex0, _L)] = uv * scale

    fire(0, au_v, av_v, sem_a)

    def body(i, carry):
        c0 = 2 * i
        fire(c0 + 1, bu_v, bv_v, sem_b)
        wait_pair(au_v, av_v, sem_a)
        compute(c0, au_v, av_v)

        @pl.when(i < _NCHUNK // 2 - 1)
        def _():
            fire(c0 + 2, au_v, av_v, sem_a)

        wait_pair(bu_v, bv_v, sem_b)
        compute(c0 + 1, bu_v, bv_v)
        return carry

    lax.fori_loop(0, _NCHUNK // 2, body, 0)

    pltpu.sync_copy(out_v, out_hbm.at[pl.ds(base, _BPW)])


def kernel(users, items, user_table, item_table):
    utab3 = user_table.reshape(_NT, _SUB, _D)
    itab3 = item_table.reshape(_NT, _SUB, _D)
    return _mf_kernel(users.astype(jnp.int32), items.astype(jnp.int32),
                      utab3, itab3)

# --- scband reference (transcript-rebuilt; emitter-appended) ---
"""Pipeline reference for scband-matrix-factorization-20246475833399 (READ-ONLY COPY).

The authoritative reference and input builder live on the scoring server;
editing this copy changes nothing except your own understanding.
"""

import jax, jax.numpy as jnp
import numpy as np

N_USERS = 1000000
N_ITEMS = 1000000
N_FACTORS = 32
BATCH = 16384


def _renorm(v, max_norm=1.0, eps=1e-7):
    # Faithful to torch nn.Embedding(max_norm=1): rows whose L2 norm exceeds
    # max_norm are rescaled to have norm max_norm (with torch's 1e-7 eps).
    norm = jnp.linalg.norm(v, axis=-1, keepdims=True)
    scale = jnp.where(norm > max_norm, max_norm / (norm + eps), 1.0)
    return v * scale


def setup_inputs(seed: int = 0) -> dict:
    key = jax.random.key(seed)
    k1, k2, k3, k4 = jax.random.split(key, 4)
    users = jax.random.randint(k1, (BATCH,), 0, N_USERS, dtype=jnp.int64 if jax.config.jax_enable_x64 else jnp.int32)
    items = jax.random.randint(k2, (BATCH,), 0, N_ITEMS, dtype=jnp.int64 if jax.config.jax_enable_x64 else jnp.int32)
    # nn.Embedding default init: N(0, 1)
    user_table = jax.random.normal(k3, (N_USERS, N_FACTORS), dtype=jnp.float32)
    item_table = jax.random.normal(k4, (N_ITEMS, N_FACTORS), dtype=jnp.float32)
    return {"users": users, "items": items, "user_table": user_table, "item_table": item_table}


def reference(users, items, user_table, item_table):
    vec_users = jnp.take(user_table, users, axis=0)
    vec_items = jnp.take(item_table, items, axis=0)
    vec_users = _renorm(vec_users, 1.0)
    vec_items = _renorm(vec_items, 1.0)
    pred = (vec_users * vec_items).sum(axis=1)
    return pred

if __name__ == "__main__":
    import jax
    _d = setup_inputs()
    print(jax.jit(kernel)(*tuple(_d.values())))

</pallas_src>

<mosaic_0001>
#map = affine_map<(d0, d1) -> (0)>
#map1 = affine_map<(d0, d1) -> (0, 0, 0)>
module attributes {stable_mosaic.version = 14 : i64} {
  func.func @_mf_kernel(%arg0: i32, %arg1: i32, %arg2: memref<16384xi32, #tpu.memory_space<hbm>>, %arg3: memref<16384xi32, #tpu.memory_space<hbm>>, %arg4: memref<125000x8x32xf32, #tpu.memory_space<hbm>>, %arg5: memref<125000x8x32xf32, #tpu.memory_space<hbm>>, %arg6: memref<16384xf32, #tpu.memory_space<hbm>>, %arg7: memref<512xi32, #tpu.memory_space<vmem>>, %arg8: memref<512xi32, #tpu.memory_space<vmem>>, %arg9: memref<16x8x32xf32, #tpu.memory_space<vmem>>, %arg10: memref<16x8x32xf32, #tpu.memory_space<vmem>>, %arg11: memref<16x8x32xf32, #tpu.memory_space<vmem>>, %arg12: memref<16x8x32xf32, #tpu.memory_space<vmem>>, %arg13: memref<512xf32, #tpu.memory_space<vmem>>, %arg14: memref<!tpu.dma_semaphore, #tpu.memory_space<semaphore_mem>>, %arg15: memref<!tpu.dma_semaphore, #tpu.memory_space<semaphore_mem>>) attributes {dimension_semantics = [#tpu.dimension_semantics<core_parallel>, #tpu.dimension_semantics<subcore_parallel>], iteration_bounds = array<i64: 2, 16>, scalar_prefetch = 0 : i64, scratch_operands = 9 : i64, tpu.core_type = #tpu.core_type<sc_vector_subcore>, window_params = [{transform_indices = #map}, {transform_indices = #map}, {transform_indices = #map1}, {transform_indices = #map1}, {transform_indices = #map}]} {
    %mul3A = arith.constant 2 : i32
    %mul3A_0 = arith.muli %arg1, %mul3A : i32
    %add3A = arith.addi %mul3A_0, %arg0 : i32
    %mul3A_1 = arith.constant 512 : i32
    %mul3A_2 = arith.muli %add3A, %mul3A_1 : i32
    %iota3A = tpu.iota {dimensions = array<i32: 0>} : vector<16xi32>
    "tpu.region"() ({
      %run_scoped3A = tpu.sem_alloc : memref<!tpu.dma_semaphore, #tpu.memory_space<semaphore_mem>>
      %dma_start3A_525 = tpu.memref_slice %arg2[%mul3A_2] : memref<16384xi32, #tpu.memory_space<hbm>> -> memref<512xi32, #tpu.memory_space<hbm>>
      %dma_start3A_526 = tpu.memref_slice %arg2[%mul3A_2] : memref<16384xi32, #tpu.memory_space<hbm>> -> memref<512xi32, #tpu.memory_space<hbm>>
      tpu.enqueue_dma source(%dma_start3A_526 : memref<512xi32, #tpu.memory_space<hbm>>) target(%arg7 : memref<512xi32, #tpu.memory_space<vmem>>) target_semaphore(%run_scoped3A : memref<!tpu.dma_semaphore, #tpu.memory_space<semaphore_mem>>)
      %dma_wait3A = tpu.memref_slice %arg2[%mul3A_2] : memref<16384xi32, #tpu.memory_space<hbm>> -> memref<512xi32, #tpu.memory_space<hbm>>
      %dma_wait3A_527 = tpu.memref_slice %arg2[%mul3A_2] : memref<16384xi32, #tpu.memory_space<hbm>> -> memref<512xi32, #tpu.memory_space<hbm>>
      tpu.wait_dma2 semaphore(%run_scoped3A : memref<!tpu.dma_semaphore, #tpu.memory_space<semaphore_mem>>) src(%dma_wait3A_527 : memref<512xi32, #tpu.memory_space<hbm>>) dst(%arg7 : memref<512xi32, #tpu.memory_space<vmem>>)
      tpu.yield
    }) : () -> ()
    "tpu.region"() ({
      %run_scoped3A = tpu.sem_alloc : memref<!tpu.dma_semaphore, #tpu.memory_space<semaphore_mem>>
      %dma_start3A_525 = tpu.memref_slice %arg3[%mul3A_2] : memref<16384xi32, #tpu.memory_space<hbm>> -> memref<512xi32, #tpu.memory_space<hbm>>
      %dma_start3A_526 = tpu.memref_slice %arg3[%mul3A_2] : memref<16384xi32, #tpu.memory_space<hbm>> -> memref<512xi32, #tpu.memory_space<hbm>>
      tpu.enqueue_dma source(%dma_start3A_526 : memref<512xi32, #tpu.memory_space<hbm>>) target(%arg8 : memref<512xi32, #tpu.memory_space<vmem>>) target_semaphore(%run_scoped3A : memref<!tpu.dma_semaphore, #tpu.memory_space<semaphore_mem>>)
      %dma_wait3A = tpu.memref_slice %arg3[%mul3A_2] : memref<16384xi32, #tpu.memory_space<hbm>> -> memref<512xi32, #tpu.memory_space<hbm>>
      %dma_wait3A_527 = tpu.memref_slice %arg3[%mul3A_2] : memref<16384xi32, #tpu.memory_space<hbm>> -> memref<512xi32, #tpu.memory_space<hbm>>
      tpu.wait_dma2 semaphore(%run_scoped3A : memref<!tpu.dma_semaphore, #tpu.memory_space<semaphore_mem>>) src(%dma_wait3A_527 : memref<512xi32, #tpu.memory_space<hbm>>) dst(%arg8 : memref<512xi32, #tpu.memory_space<vmem>>)
      tpu.yield
    }) : () -> ()
    %get3A = arith.constant 0 : index
    %get3A_3 = tpu.vector_load %arg7[%get3A] {strides = array<i32>} : memref<512xi32, #tpu.memory_space<vmem>>, vector<16xi32>,
    %shift_right_logical3A = arith.constant 3 : i32
    %shift_right_logical3A_4 = vector.broadcast %shift_right_logical3A : i32 to vector<16xi32>
    %shift_right_logical3A_5 = arith.shrui %get3A_3, %shift_right_logical3A_4 : vector<16xi32>
    %get3A_6 = arith.constant 0 : index
    %get3A_7 = tpu.vector_load %arg8[%get3A_6] {strides = array<i32>} : memref<512xi32, #tpu.memory_space<vmem>>, vector<16xi32>,
    %shift_right_logical3A_8 = arith.constant 3 : i32
    %shift_right_logical3A_9 = vector.broadcast %shift_right_logical3A_8 : i32 to vector<16xi32>
    %shift_right_logical3A_10 = arith.shrui %get3A_7, %shift_right_logical3A_9 : vector<16xi32>
    %slice3A = vector.extract_strided_slice %shift_right_logical3A_5 {offsets = [0], sizes = [1], strides = [1]} : vector<16xi32> to vector<1xi32>
    %squeeze3A = vector.extract %slice3A[0] : i32 from vector<1xi32>
    %dma_start3A = arith.constant 0 : i32
    %dma_start3A_11 = arith.constant 0 : i32
    %dma_start3A_12 = arith.constant 0 : i32
    %dma_start3A_13 = tpu.memref_slice %arg9[%dma_start3A, %dma_start3A_11, %dma_start3A_12] : memref<16x8x32xf32, #tpu.memory_space<vmem>> -> memref<1x8x32xf32, #tpu.memory_space<vmem>>
    %dma_start3A_14 = arith.constant 0 : i32
    %dma_start3A_15 = arith.constant 0 : i32
    %dma_start3A_16 = tpu.memref_slice %arg4[%squeeze3A, %dma_start3A_14, %dma_start3A_15] : memref<125000x8x32xf32, #tpu.memory_space<hbm>> -> memref<1x8x32xf32, #tpu.memory_space<hbm>>
    %dma_start3A_17 = arith.constant 0 : i32
    %dma_start3A_18 = arith.constant 0 : i32
    %dma_start3A_19 = arith.constant 0 : i32
    %dma_start3A_20 = tpu.memref_slice %arg9[%dma_start3A_17, %dma_start3A_18, %dma_start3A_19] : memref<16x8x32xf32, #tpu.memory_space<vmem>> -> memref<1x8x32xf32, #tpu.memory_space<vmem>>
    %dma_start3A_21 = arith.constant 0 : i32
    %dma_start3A_22 = arith.constant 0 : i32
    %dma_start3A_23 = tpu.memref_slice %arg4[%squeeze3A, %dma_start3A_21, %dma_start3A_22] : memref<125000x8x32xf32, #tpu.memory_space<hbm>> -> memref<1x8x32xf32, #tpu.memory_space<hbm>>
    tpu.enqueue_dma source(%dma_start3A_23 : memref<1x8x32xf32, #tpu.memory_space<hbm>>) target(%dma_start3A_20 : memref<1x8x32xf32, #tpu.memory_space<vmem>>) target_semaphore(%arg14 : memref<!tpu.dma_semaphore, #tpu.memory_space<semaphore_mem>>)
    %slice3A_24 = vector.extract_strided_slice %shift_right_logical3A_10 {offsets = [0], sizes = [1], strides = [1]} : vector<16xi32> to vector<1xi32>
    %squeeze3A_25 = vector.extract %slice3A_24[0] : i32 from vector<1xi32>
    %dma_start3A_26 = arith.constant 0 : i32
    %dma_start3A_27 = arith.constant 0 : i32
    %dma_start3A_28 = arith.constant 0 : i32
    %dma_start3A_29 = tpu.memref_slice %arg10[%dma_start3A_26, %dma_start3A_27, %dma_start3A_28] : memref<16x8x32xf32, #tpu.memory_space<vmem>> -> memref<1x8x32xf32, #tpu.memory_space<vmem>>
    %dma_start3A_30 = arith.constant 0 : i32
    %dma_start3A_31 = arith.constant 0 : i32
    %dma_start3A_32 = tpu.memref_slice %arg5[%squeeze3A_25, %dma_start3A_30, %dma_start3A_31] : memref<125000x8x32xf32, #tpu.memory_space<hbm>> -> memref<1x8x32xf32, #tpu.memory_space<hbm>>
    %dma_start3A_33 = arith.constant 0 : i32
    %dma_start3A_34 = arith.constant 0 : i32
    %dma_start3A_35 = arith.constant 0 : i32
    %dma_start3A_36 = tpu.memref_slice %arg10[%dma_start3A_33, %dma_start3A_34, %dma_start3A_35] : memref<16x8x32xf32, #tpu.memory_space<vmem>> -> memref<1x8x32xf32, #tpu.memory_space<vmem>>
    %dma_start3A_37 = arith.constant 0 : i32
    %dma_start3A_38 = arith.constant 0 : i32
    %dma_start3A_39 = tpu.memref_slice %arg5[%squeeze3A_25, %dma_start3A_37, %dma_start3A_38] : memref<125000x8x32xf32, #tpu.memory_space<hbm>> -> memref<1x8x32xf32, #tpu.memory_space<hbm>>
    tpu.enqueue_dma source(%dma_start3A_39 : memref<1x8x32xf32, #tpu.memory_space<hbm>>) target(%dma_start3A_36 : memref<1x8x32xf32, #tpu.memory_space<vmem>>) target_semaphore(%arg14 : memref<!tpu.dma_semaphore, #tpu.memory_space<semaphore_mem>>)
    %slice3A_40 = vector.extract_strided_slice %shift_right_logical3A_5 {offsets = [1], sizes = [1], strides = [1]} : vector<16xi32> to vector<1xi32>
    %squeeze3A_41 = vector.extract %slice3A_40[0] : i32 from vector<1xi32>
    %dma_start3A_42 = arith.constant 1 : i32
    %dma_start3A_43 = arith.constant 0 : i32
    %dma_start3A_44 = arith.constant 0 : i32
    %dma_start3A_45 = tpu.memref_slice %arg9[%dma_start3A_42, %dma_start3A_43, %dma_start3A_44] : memref<16x8x32xf32, #tpu.memory_space<vmem>> -> memref<1x8x32xf32, #tpu.memory_space<vmem>>
    %dma_start3A_46 = arith.constant 0 : i32
    %dma_start3A_47 = arith.constant 0 : i32
    %dma_start3A_48 = tpu.memref_slice %arg4[%squeeze3A_41, %dma_start3A_46, %dma_start3A_47] : memref<125000x8x32xf32, #tpu.memory_space<hbm>> -> memref<1x8x32xf32, #tpu.memory_space<hbm>>
    %dma_start3A_49 = arith.constant 1 : i32
    %dma_start3A_50 = arith.constant 0 : i32
    %dma_start3A_51 = arith.constant 0 : i32
    %dma_start3A_52 = tpu.memref_slice %arg9[%dma_start3A_49, %dma_start3A_50, %dma_start3A_51] : memref<16x8x32xf32, #tpu.memory_space<vmem>> -> memref<1x8x32xf32, #tpu.memory_space<vmem>>
    %dma_start3A_53 = arith.constant 0 : i32
    %dma_start3A_54 = arith.constant 0 : i32
    %dma_start3A_55 = tpu.memref_slice %arg4[%squeeze3A_41, %dma_start3A_53, %dma_start3A_54] : memref<125000x8x32xf32, #tpu.memory_space<hbm>> -> memref<1x8x32xf32, #tpu.memory_space<hbm>>
    tpu.enqueue_dma source(%dma_start3A_55 : memref<1x8x32xf32, #tpu.memory_space<hbm>>) target(%dma_start3A_52 : memref<1x8x32xf32, #tpu.memory_space<vmem>>) target_semaphore(%arg14 : memref<!tpu.dma_semaphore, #tpu.memory_space<semaphore_mem>>)
    %slice3A_56 = vector.extract_strided_slice %shift_right_logical3A_10 {offsets = [1], sizes = [1], strides = [1]} : vector<16xi32> to vector<1xi32>
    %squeeze3A_57 = vector.extract %slice3A_56[0] : i32 from vector<1xi32>
    %dma_start3A_58 = arith.constant 1 : i32
    %dma_start3A_59 = arith.constant 0 : i32
    %dma_start3A_60 = arith.constant 0 : i32
    %dma_start3A_61 = tpu.memref_slice %arg10[%dma_start3A_58, %dma_start3A_59, %dma_start3A_60] : memref<16x8x32xf32, #tpu.memory_space<vmem>> -> memref<1x8x32xf32, #tpu.memory_space<vmem>>
    %dma_start3A_62 = arith.constant 0 : i32
    %dma_start3A_63 = arith.constant 0 : i32
    %dma_start3A_64 = tpu.memref_slice %arg5[%squeeze3A_57, %dma_start3A_62, %dma_start3A_63] : memref<125000x8x32xf32, #tpu.memory_space<hbm>> -> memref<1x8x32xf32, #tpu.memory_space<hbm>>
    %dma_start3A_65 = arith.constant 1 : i32
    %dma_start3A_66 = arith.constant 0 : i32
    %dma_start3A_67 = arith.constant 0 : i32
    %dma_start3A_68 = tpu.memref_slice %arg10[%dma_start3A_65, %dma_start3A_66, %dma_start3A_67] : memref<16x8x32xf32, #tpu.memory_space<vmem>> -> memref<1x8x32xf32, #tpu.memory_space<vmem>>
    %dma_start3A_69 = arith.constant 0 : i32
    %dma_start3A_70 = arith.constant 0 : i32
    %dma_start3A_71 = tpu.memref_slice %arg5[%squeeze3A_57, %dma_start3A_69, %dma_start3A_70] : memref<125000x8x32xf32, #tpu.memory_space<hbm>> -> memref<1x8x32xf32, #tpu.memory_space<hbm>>
    tpu.enqueue_dma source(%dma_start3A_71 : memref<1x8x32xf32, #tpu.memory_space<hbm>>) target(%dma_start3A_68 : memref<1x8x32xf32, #tpu.memory_space<vmem>>) target_semaphore(%arg14 : memref<!tpu.dma_semaphore, #tpu.memory_space<semaphore_mem>>)
    %slice3A_72 = vector.extract_strided_slice %shift_right_logical3A_5 {offsets = [2], sizes = [1], strides = [1]} : vector<16xi32> to vector<1xi32>
    %squeeze3A_73 = vector.extract %slice3A_72[0] : i32 from vector<1xi32>
    %dma_start3A_74 = arith.constant 2 : i32
    %dma_start3A_75 = arith.constant 0 : i32
    %dma_start3A_76 = arith.constant 0 : i32
    %dma_start3A_77 = tpu.memref_slice %arg9[%dma_start3A_74, %dma_start3A_75, %dma_start3A_76] : memref<16x8x32xf32, #tpu.memory_space<vmem>> -> memref<1x8x32xf32, #tpu.memory_space<vmem>>
    %dma_start3A_78 = arith.constant 0 : i32
    %dma_start3A_79 = arith.constant 0 : i32
    %dma_start3A_80 = tpu.memref_slice %arg4[%squeeze3A_73, %dma_start3A_78, %dma_start3A_79] : memref<125000x8x32xf32, #tpu.memory_space<hbm>> -> memref<1x8x32xf32, #tpu.memory_space<hbm>>
    %dma_start3A_81 = arith.constant 2 : i32
    %dma_start3A_82 = arith.constant 0 : i32
    %dma_start3A_83 = arith.constant 0 : i32
    %dma_start3A_84 = tpu.memref_slice %arg9[%dma_start3A_81, %dma_start3A_82, %dma_start3A_83] : memref<16x8x32xf32, #tpu.memory_space<vmem>> -> memref<1x8x32xf32, #tpu.memory_space<vmem>>
    %dma_start3A_85 = arith.constant 0 : i32
    %dma_start3A_86 = arith.constant 0 : i32
    %dma_start3A_87 = tpu.memref_slice %arg4[%squeeze3A_73, %dma_start3A_85, %dma_start3A_86] : memref<125000x8x32xf32, #tpu.memory_space<hbm>> -> memref<1x8x32xf32, #tpu.memory_space<hbm>>
    tpu.enqueue_dma source(%dma_start3A_87 : memref<1x8x32xf32, #tpu.memory_space<hbm>>) target(%dma_start3A_84 : memref<1x8x32xf32, #tpu.memory_space<vmem>>) target_semaphore(%arg14 : memref<!tpu.dma_semaphore, #tpu.memory_space<semaphore_mem>>)
    %slice3A_88 = vector.extract_strided_slice %shift_right_logical3A_10 {offsets = [2], sizes = [1], strides = [1]} : vector<16xi32> to vector<1xi32>
    %squeeze3A_89 = vector.extract %slice3A_88[0] : i32 from vector<1xi32>
    %dma_start3A_90 = arith.constant 2 : i32
    %dma_start3A_91 = arith.constant 0 : i32
    %dma_start3A_92 = arith.constant 0 : i32
    %dma_start3A_93 = tpu.memref_slice %arg10[%dma_start3A_90, %dma_start3A_91, %dma_start3A_92] : memref<16x8x32xf32, #tpu.memory_space<vmem>> -> memref<1x8x32xf32, #tpu.memory_space<vmem>>
    %dma_start3A_94 = arith.constant 0 : i32
    %dma_start3A_95 = arith.constant 0 : i32
    %dma_start3A_96 = tpu.memref_slice %arg5[%squeeze3A_89, %dma_start3A_94, %dma_start3A_95] : memref<125000x8x32xf32, #tpu.memory_space<hbm>> -> memref<1x8x32xf32, #tpu.memory_space<hbm>>
    %dma_start3A_97 = arith.constant 2 : i32
    %dma_start3A_98 = arith.constant 0 : i32
    %dma_start3A_99 = arith.constant 0 : i32
    %dma_start3A_100 = tpu.memref_slice %arg10[%dma_start3A_97, %dma_start3A_98, %dma_start3A_99] : memref<16x8x32xf32, #tpu.memory_space<vmem>> -> memref<1x8x32xf32, #tpu.memory_space<vmem>>
    %dma_start3A_101 = arith.constant 0 : i32
    %dma_start3A_102 = arith.constant 0 : i32
    %dma_start3A_103 = tpu.memref_slice %arg5[%squeeze3A_89, %dma_start3A_101, %dma_start3A_102] : memref<125000x8x32xf32, #tpu.memory_space<hbm>> -> memref<1x8x32xf32, #tpu.memory_space<hbm>>
    tpu.enqueue_dma source(%dma_start3A_103 : memref<1x8x32xf32, #tpu.memory_space<hbm>>) target(%dma_start3A_100 : memref<1x8x32xf32, #tpu.memory_space<vmem>>) target_semaphore(%arg14 : memref<!tpu.dma_semaphore, #tpu.memory_space<semaphore_mem>>)
    %slice3A_104 = vector.extract_strided_slice %shift_right_logical3A_5 {offsets = [3], sizes = [1], strides = [1]} : vector<16xi32> to vector<1xi32>
    %squeeze3A_105 = vector.extract %slice3A_104[0] : i32 from vector<1xi32>
    %dma_start3A_106 = arith.constant 3 : i32
    %dma_start3A_107 = arith.constant 0 : i32
    %dma_start3A_108 = arith.constant 0 : i32
    %dma_start3A_109 = tpu.memref_slice %arg9[%dma_start3A_106, %dma_start3A_107, %dma_start3A_108] : memref<16x8x32xf32, #tpu.memory_space<vmem>> -> memref<1x8x32xf32, #tpu.memory_space<vmem>>
    %dma_start3A_110 = arith.constant 0 : i32
    %dma_start3A_111 = arith.constant 0 : i32
    %dma_start3A_112 = tpu.memref_slice %arg4[%squeeze3A_105, %dma_start3A_110, %dma_start3A_111] : memref<125000x8x32xf32, #tpu.memory_space<hbm>> -> memref<1x8x32xf32, #tpu.memory_space<hbm>>
    %dma_start3A_113 = arith.constant 3 : i32
    %dma_start3A_114 = arith.constant 0 : i32
    %dma_start3A_115 = arith.constant 0 : i32
    %dma_start3A_116 = tpu.memref_slice %arg9[%dma_start3A_113, %dma_start3A_114, %dma_start3A_115] : memref<16x8x32xf32, #tpu.memory_space<vmem>> -> memref<1x8x32xf32, #tpu.memory_space<vmem>>
    %dma_start3A_117 = arith.constant 0 : i32
    %dma_start3A_118 = arith.constant 0 : i32
    %dma_start3A_119 = tpu.memref_slice %arg4[%squeeze3A_105, %dma_start3A_117, %dma_start3A_118] : memref<125000x8x32xf32, #tpu.memory_space<hbm>> -> memref<1x8x32xf32, #tpu.memory_space<hbm>>
    tpu.enqueue_dma source(%dma_start3A_119 : memref<1x8x32xf32, #tpu.memory_space<hbm>>) target(%dma_start3A_116 : memref<1x8x32xf32, #tpu.memory_space<vmem>>) target_semaphore(%arg14 : memref<!tpu.dma_semaphore, #tpu.memory_space<semaphore_mem>>)
    %slice3A_120 = vector.extract_strided_slice %shift_right_logical3A_10 {offsets = [3], sizes = [1], strides = [1]} : vector<16xi32> to vector<1xi32>
    %squeeze3A_121 = vector.extract %slice3A_120[0] : i32 from vector<1xi32>
    %dma_start3A_122 = arith.constant 3 : i32
    %dma_start3A_123 = arith.constant 0 : i32
    %dma_start3A_124 = arith.constant 0 : i32
    %dma_start3A_125 = tpu.memref_slice %arg10[%dma_start3A_122, %dma_start3A_123, %dma_start3A_124] : memref<16x8x32xf32, #tpu.memory_space<vmem>> -> memref<1x8x32xf32, #tpu.memory_space<vmem>>
    %dma_start3A_126 = arith.constant 0 : i32
    %dma_start3A_127 = arith.constant 0 : i32
    %dma_start3A_128 = tpu.memref_slice %arg5[%squeeze3A_121, %dma_start3A_126, %dma_start3A_127] : memref<125000x8x32xf32, #tpu.memory_space<hbm>> -> memref<1x8x32xf32, #tpu.memory_space<hbm>>
    %dma_start3A_129 = arith.constant 3 : i32
    %dma_start3A_130 = arith.constant 0 : i32
    %dma_start3A_131 = arith.constant 0 : i32
    %dma_start3A_132 = tpu.memref_slice %arg10[%dma_start3A_129, %dma_start3A_130, %dma_start3A_131] : memref<16x8x32xf32, #tpu.memory_space<vmem>> -> memref<1x8x32xf32, #tpu.memory_space<vmem>>
    %dma_start3A_133 = arith.constant 0 : i32
    %dma_start3A_134 = arith.constant 0 : i32
    %dma_start3A_135 = tpu.memref_slice %arg5[%squeeze3A_121, %dma_start3A_133, %dma_start3A_134] : memref<125000x8x32xf32, #tpu.memory_space<hbm>> -> memref<1x8x32xf32, #tpu.memory_space<hbm>>
    tpu.enqueue_dma source(%dma_start3A_135 : memref<1x8x32xf32, #tpu.memory_space<hbm>>) target(%dma_start3A_132 : memref<1x8x32xf32, #tpu.memory_space<vmem>>) target_semaphore(%arg14 : memref<!tpu.dma_semaphore, #tpu.memory_space<semaphore_mem>>)
    %slice3A_136 = vector.extract_strided_slice %shift_right_logical3A_5 {offsets = [4], sizes = [1], strides = [1]} : vector<16xi32> to vector<1xi32>
    %squeeze3A_137 = vector.extract %slice3A_136[0] : i32 from vector<1xi32>
    %dma_start3A_138 = arith.constant 4 : i32
    %dma_start3A_139 = arith.constant 0 : i32
    %dma_start3A_140 = arith.constant 0 : i32
    %dma_start3A_141 = tpu.memref_slice %arg9[%dma_start3A_138, %dma_start3A_139, %dma_start3A_140] : memref<16x8x32xf32, #tpu.memory_space<vmem>> -> memref<1x8x32xf32, #tpu.memory_space<vmem>>
    %dma_start3A_142 = arith.constant 0 : i32
    %dma_start3A_143 = arith.constant 0 : i32
    %dma_start3A_144 = tpu.memref_slice %arg4[%squeeze3A_137, %dma_start3A_142, %dma_start3A_143] : memref<125000x8x32xf32, #tpu.memory_space<hbm>> -> memref<1x8x32xf32, #tpu.memory_space<hbm>>
    %dma_start3A_145 = arith.constant 4 : i32
    %dma_start3A_146 = arith.constant 0 : i32
    %dma_start3A_147 = arith.constant 0 : i32
    %dma_start3A_148 = tpu.memref_slice %arg9[%dma_start3A_145, %dma_start3A_146, %dma_start3A_147] : memref<16x8x32xf32, #tpu.memory_space<vmem>> -> memref<1x8x32xf32, #tpu.memory_space<vmem>>
    %dma_start3A_149 = arith.constant 0 : i32
    %dma_start3A_150 = arith.constant 0 : i32
    %dma_start3A_151 = tpu.memref_slice %arg4[%squeeze3A_137, %dma_start3A_149, %dma_start3A_150] : memref<125000x8x32xf32, #tpu.memory_space<hbm>> -> memref<1x8x32xf32, #tpu.memory_space<hbm>>
    tpu.enqueue_dma source(%dma_start3A_151 : memref<1x8x32xf32, #tpu.memory_space<hbm>>) target(%dma_start3A_148 : memref<1x8x32xf32, #tpu.memory_space<vmem>>) target_semaphore(%arg14 : memref<!tpu.dma_semaphore, #tpu.memory_space<semaphore_mem>>)
    %slice3A_152 = vector.extract_strided_slice %shift_right_logical3A_10 {offsets = [4], sizes = [1], strides = [1]} : vector<16xi32> to vector<1xi32>
    %squeeze3A_153 = vector.extract %slice3A_152[0] : i32 from vector<1xi32>
    %dma_start3A_154 = arith.constant 4 : i32
    %dma_start3A_155 = arith.constant 0 : i32
    %dma_start3A_156 = arith.constant 0 : i32
    %dma_start3A_157 = tpu.memref_slice %arg10[%dma_start3A_154, %dma_start3A_155, %dma_start3A_156] : memref<16x8x32xf32, #tpu.memory_space<vmem>> -> memref<1x8x32xf32, #tpu.memory_space<vmem>>
    %dma_start3A_158 = arith.constant 0 : i32
    %dma_start3A_159 = arith.constant 0 : i32
    %dma_start3A_160 = tpu.memref_slice %arg5[%squeeze3A_153, %dma_start3A_158, %dma_start3A_159] : memref<125000x8x32xf32, #tpu.memory_space<hbm>> -> memref<1x8x32xf32, #tpu.memory_space<hbm>>
    %dma_start3A_161 = arith.constant 4 : i32
    %dma_start3A_162 = arith.constant 0 : i32
    %dma_start3A_163 = arith.constant 0 : i32
    %dma_start3A_164 = tpu.memref_slice %arg10[%dma_start3A_161, %dma_start3A_162, %dma_start3A_163] : memref<16x8x32xf32, #tpu.memory_space<vmem>> -> memref<1x8x32xf32, #tpu.memory_space<vmem>>
    %dma_start3A_165 = arith.constant 0 : i32
    %dma_start3A_166 = arith.constant 0 : i32
    %dma_start3A_167 = tpu.memref_slice %arg5[%squeeze3A_153, %dma_start3A_165, %dma_start3A_166] : memref<125000x8x32xf32, #tpu.memory_space<hbm>> -> memref<1x8x32xf32, #tpu.memory_space<hbm>>
    tpu.enqueue_dma source(%dma_start3A_167 : memref<1x8x32xf32, #tpu.memory_space<hbm>>) target(%dma_start3A_164 : memref<1x8x32xf32, #tpu.memory_space<vmem>>) target_semaphore(%arg14 : memref<!tpu.dma_semaphore, #tpu.memory_space<semaphore_mem>>)
    %slice3A_168 = vector.extract_strided_slice %shift_right_logical3A_5 {offsets = [5], sizes = [1], strides = [1]} : vector<16xi32> to vector<1xi32>
    %squeeze3A_169 = vector.extract %slice3A_168[0] : i32 from vector<1xi32>
    %dma_start3A_170 = arith.constant 5 : i32
    %dma_start3A_171 = arith.constant 0 : i32
    %dma_start3A_172 = arith.constant 0 : i32
    %dma_start3A_173 = tpu.memref_slice %arg9[%dma_start3A_170, %dma_start3A_171, %dma_start3A_172] : memref<16x8x32xf32, #tpu.memory_space<vmem>> -> memref<1x8x32xf32, #tpu.memory_space<vmem>>
    %dma_start3A_174 = arith.constant 0 : i32
    %dma_start3A_175 = arith.constant 0 : i32
    %dma_start3A_176 = tpu.memref_slice %arg4[%squeeze3A_169, %dma_start3A_174, %dma_start3A_175] : memref<125000x8x32xf32, #tpu.memory_space<hbm>> -> memref<1x8x32xf32, #tpu.memory_space<hbm>>
    %dma_start3A_177 = arith.constant 5 : i32
    %dma_start3A_178 = arith.constant 0 : i32
    %dma_start3A_179 = arith.constant 0 : i32
    %dma_start3A_180 = tpu.memref_slice %arg9[%dma_start3A_177, %dma_start3A_178, %dma_start3A_179] : memref<16x8x32xf32, #tpu.memory_space<vmem>> -> memref<1x8x32xf32, #tpu.memory_space<vmem>>
    %dma_start3A_181 = arith.constant 0 : i32
    %dma_start3A_182 = arith.constant 0 : i32
    %dma_start3A_183 = tpu.memref_slice %arg4[%squeeze3A_169, %dma_start3A_181, %dma_start3A_182] : memref<125000x8x32xf32, #tpu.memory_space<hbm>> -> memref<1x8x32xf32, #tpu.memory_space<hbm>>
    tpu.enqueue_dma source(%dma_start3A_183 : memref<1x8x32xf32, #tpu.memory_space<hbm>>) target(%dma_start3A_180 : memref<1x8x32xf32, #tpu.memory_space<vmem>>) target_semaphore(%arg14 : memref<!tpu.dma_semaphore, #tpu.memory_space<semaphore_mem>>)
    %slice3A_184 = vector.extract_strided_slice %shift_right_logical3A_10 {offsets = [5], sizes = [1], strides = [1]} : vector<16xi32> to vector<1xi32>
    %squeeze3A_185 = vector.extract %slice3A_184[0] : i32 from vector<1xi32>
    %dma_start3A_186 = arith.constant 5 : i32
    %dma_start3A_187 = arith.constant 0 : i32
    %dma_start3A_188 = arith.constant 0 : i32
    %dma_start3A_189 = tpu.memref_slice %arg10[%dma_start3A_186, %dma_start3A_187, %dma_start3A_188] : memref<16x8x32xf32, #tpu.memory_space<vmem>> -> memref<1x8x32xf32, #tpu.memory_space<vmem>>
    %dma_start3A_190 = arith.constant 0 : i32
    %dma_start3A_191 = arith.constant 0 : i32
    %dma_start3A_192 = tpu.memref_slice %arg5[%squeeze3A_185, %dma_start3A_190, %dma_start3A_191] : memref<125000x8x32xf32, #tpu.memory_space<hbm>> -> memref<1x8x32xf32, #tpu.memory_space<hbm>>
    %dma_start3A_193 = arith.constant 5 : i32
    %dma_start3A_194 = arith.constant 0 : i32
    %dma_start3A_195 = arith.constant 0 : i32
    %dma_start3A_196 = tpu.memref_slice %arg10[%dma_start3A_193, %dma_start3A_194, %dma_start3A_195] : memref<16x8x32xf32, #tpu.memory_space<vmem>> -> memref<1x8x32xf32, #tpu.memory_space<vmem>>
    %dma_start3A_197 = arith.constant 0 : i32
    %dma_start3A_198 = arith.constant 0 : i32
    %dma_start3A_199 = tpu.memref_slice %arg5[%squeeze3A_185, %dma_start3A_197, %dma_start3A_198] : memref<125000x8x32xf32, #tpu.memory_space<hbm>> -> memref<1x8x32xf32, #tpu.memory_space<hbm>>
    tpu.enqueue_dma source(%dma_start3A_199 : memref<1x8x32xf32, #tpu.memory_space<hbm>>) target(%dma_start3A_196 : memref<1x8x32xf32, #tpu.memory_space<vmem>>) target_semaphore(%arg14 : memref<!tpu.dma_semaphore, #tpu.memory_space<semaphore_mem>>)
    %slice3A_200 = vector.extract_strided_slice %shift_right_logical3A_5 {offsets = [6], sizes = [1], strides = [1]} : vector<16xi32> to vector<1xi32>
    %squeeze3A_201 = vector.extract %slice3A_200[0] : i32 from vector<1xi32>
    %dma_start3A_202 = arith.constant 6 : i32
    %dma_start3A_203 = arith.constant 0 : i32
    %dma_start3A_204 = arith.constant 0 : i32
    %dma_start3A_205 = tpu.memref_slice %arg9[%dma_start3A_202, %dma_start3A_203, %dma_start3A_204] : memref<16x8x32xf32, #tpu.memory_space<vmem>> -> memref<1x8x32xf32, #tpu.memory_space<vmem>>
    %dma_start3A_206 = arith.constant 0 : i32
    %dma_start3A_207 = arith.constant 0 : i32
    %dma_start3A_208 = tpu.memref_slice %arg4[%squeeze3A_201, %dma_start3A_206, %dma_start3A_207] : memref<125000x8x32xf32, #tpu.memory_space<hbm>> -> memref<1x8x32xf32, #tpu.memory_space<hbm>>
    %dma_start3A_209 = arith.constant 6 : i32
    %dma_start3A_210 = arith.constant 0 : i32
    %dma_start3A_211 = arith.constant 0 : i32
    %dma_start3A_212 = tpu.memref_slice %arg9[%dma_start3A_209, %dma_start3A_210, %dma_start3A_211] : memref<16x8x32xf32, #tpu.memory_space<vmem>> -> memref<1x8x32xf32, #tpu.memory_space<vmem>>
    %dma_start3A_213 = arith.constant 0 : i32
    %dma_start3A_214 = arith.constant 0 : i32
    %dma_start3A_215 = tpu.memref_slice %arg4[%squeeze3A_201, %dma_start3A_213, %dma_start3A_214] : memref<125000x8x32xf32, #tpu.memory_space<hbm>> -> memref<1x8x32xf32, #tpu.memory_space<hbm>>
    tpu.enqueue_dma source(%dma_start3A_215 : memref<1x8x32xf32, #tpu.memory_space<hbm>>) target(%dma_start3A_212 : memref<1x8x32xf32, #tpu.memory_space<vmem>>) target_semaphore(%arg14 : memref<!tpu.dma_semaphore, #tpu.memory_space<semaphore_mem>>)
    %slice3A_216 = vector.extract_strided_slice %shift_right_logical3A_10 {offsets = [6], sizes = [1], strides = [1]} : vector<16xi32> to vector<1xi32>
    %squeeze3A_217 = vector.extract %slice3A_216[0] : i32 from vector<1xi32>
    %dma_start3A_218 = arith.constant 6 : i32
    %dma_start3A_219 = arith.constant 0 : i32
    %dma_start3A_220 = arith.constant 0 : i32
    %dma_start3A_221 = tpu.memref_slice %arg10[%dma_start3A_218, %dma_start3A_219, %dma_start3A_220] : memref<16x8x32xf32, #tpu.memory_space<vmem>> -> memref<1x8x32xf32, #tpu.memory_space<vmem>>
    %dma_start3A_222 = arith.constant 0 : i32
    %dma_start3A_223 = arith.constant 0 : i32
    %dma_start3A_224 = tpu.memref_slice %arg5[%squeeze3A_217, %dma_start3A_222, %dma_start3A_223] : memref<125000x8x32xf32, #tpu.memory_space<hbm>> -> memref<1x8x32xf32, #tpu.memory_space<hbm>>
    %dma_start3A_225 = arith.constant 6 : i32
    %dma_start3A_226 = arith.constant 0 : i32
    %dma_start3A_227 = arith.constant 0 : i32
    %dma_start3A_228 = tpu.memref_slice %arg10[%dma_start3A_225, %dma_start3A_226, %dma_start3A_227] : memref<16x8x32xf32, #tpu.memory_space<vmem>> -> memref<1x8x32xf32, #tpu.memory_space<vmem>>
    %dma_start3A_229 = arith.constant 0 : i32
    %dma_start3A_230 = arith.constant 0 : i32
    %dma_start3A_231 = tpu.memref_slice %arg5[%squeeze3A_217, %dma_start3A_229, %dma_start3A_230] : memref<125000x8x32xf32, #tpu.memory_space<hbm>> -> memref<1x8x32xf32, #tpu.memory_space<hbm>>
    tpu.enqueue_dma source(%dma_start3A_231 : memref<1x8x32xf32, #tpu.memory_space<hbm>>) target(%dma_start3A_228 : memref<1x8x32xf32, #tpu.memory_space<vmem>>) target_semaphore(%arg14 : memref<!tpu.dma_semaphore, #tpu.memory_space<semaphore_mem>>)
    %slice3A_232 = vector.extract_strided_slice %shift_right_logical3A_5 {offsets = [7], sizes = [1], strides = [1]} : vector<16xi32> to vector<1xi32>
    %squeeze3A_233 = vector.extract %slice3A_232[0] : i32 from vector<1xi32>
    %dma_start3A_234 = arith.constant 7 : i32
    %dma_start3A_235 = arith.constant 0 : i32
    %dma_start3A_236 = arith.constant 0 : i32
    %dma_start3A_237 = tpu.memref_slice %arg9[%dma_start3A_234, %dma_start3A_235, %dma_start3A_236] : memref<16x8x32xf32, #tpu.memory_space<vmem>> -> memref<1x8x32xf32, #tpu.memory_space<vmem>>
    %dma_start3A_238 = arith.constant 0 : i32
    %dma_start3A_239 = arith.constant 0 : i32
    %dma_start3A_240 = tpu.memref_slice %arg4[%squeeze3A_233, %dma_start3A_238, %dma_start3A_239] : memref<125000x8x32xf32, #tpu.memory_space<hbm>> -> memref<1x8x32xf32, #tpu.memory_space<hbm>>
    %dma_start3A_241 = arith.constant 7 : i32
    %dma_start3A_242 = arith.constant 0 : i32
    %dma_start3A_243 = arith.constant 0 : i32
    %dma_start3A_244 = tpu.memref_slice %arg9[%dma_start3A_241, %dma_start3A_242, %dma_start3A_243] : memref<16x8x32xf32, #tpu.memory_space<vmem>> -> memref<1x8x32xf32, #tpu.memory_space<vmem>>
    %dma_start3A_245 = arith.constant 0 : i32
    %dma_start3A_246 = arith.constant 0 : i32
    %dma_start3A_247 = tpu.memref_slice %arg4[%squeeze3A_233, %dma_start3A_245, %dma_start3A_246] : memref<125000x8x32xf32, #tpu.memory_space<hbm>> -> memref<1x8x32xf32, #tpu.memory_space<hbm>>
    tpu.enqueue_dma source(%dma_start3A_247 : memref<1x8x32xf32, #tpu.memory_space<hbm>>) target(%dma_start3A_244 : memref<1x8x32xf32, #tpu.memory_space<vmem>>) target_semaphore(%arg14 : memref<!tpu.dma_semaphore, #tpu.memory_space<semaphore_mem>>)
    %slice3A_248 = vector.extract_strided_slice %shift_right_logical3A_10 {offsets = [7], sizes = [1], strides = [1]} : vector<16xi32> to vector<1xi32>
    %squeeze3A_249 = vector.extract %slice3A_248[0] : i32 from vector<1xi32>
    %dma_start3A_250 = arith.constant 7 : i32
    %dma_start3A_251 = arith.constant 0 : i32
    %dma_start3A_252 = arith.constant 0 : i32
    %dma_start3A_253 = tpu.memref_slice %arg10[%dma_start3A_250, %dma_start3A_251, %dma_start3A_252] : memref<16x8x32xf32, #tpu.memory_space<vmem>> -> memref<1x8x32xf32, #tpu.memory_space<vmem>>
    %dma_start3A_254 = arith.constant 0 : i32
    %dma_start3A_255 = arith.constant 0 : i32
    %dma_start3A_256 = tpu.memref_slice %arg5[%squeeze3A_249, %dma_start3A_254, %dma_start3A_255] : memref<125000x8x32xf32, #tpu.memory_space<hbm>> -> memref<1x8x32xf32, #tpu.memory_space<hbm>>
    %dma_start3A_257 = arith.constant 7 : i32
    %dma_start3A_258 = arith.constant 0 : i32
    %dma_start3A_259 = arith.constant 0 : i32
    %dma_start3A_260 = tpu.memref_slice %arg10[%dma_start3A_257, %dma_start3A_258, %dma_start3A_259] : memref<16x8x32xf32, #tpu.memory_space<vmem>> -> memref<1x8x32xf32, #tpu.memory_space<vmem>>
    %dma_start3A_261 = arith.constant 0 : i32
    %dma_start3A_262 = arith.constant 0 : i32
    %dma_start3A_263 = tpu.memref_slice %arg5[%squeeze3A_249, %dma_start3A_261, %dma_start3A_262] : memref<125000x8x32xf32, #tpu.memory_space<hbm>> -> memref<1x8x32xf32, #tpu.memory_space<hbm>>
    tpu.enqueue_dma source(%dma_start3A_263 : memref<1x8x32xf32, #tpu.memory_space<hbm>>) target(%dma_start3A_260 : memref<1x8x32xf32, #tpu.memory_space<vmem>>) target_semaphore(%arg14 : memref<!tpu.dma_semaphore, #tpu.memory_space<semaphore_mem>>)
    %slice3A_264 = vector.extract_strided_slice %shift_right_logical3A_5 {offsets = [8], sizes = [1], strides = [1]} : vector<16xi32> to vector<1xi32>
    %squeeze3A_265 = vector.extract %slice3A_264[0] : i32 from vector<1xi32>
    %dma_start3A_266 = arith.constant 8 : i32
    %dma_start3A_267 = arith.constant 0 : i32
    %dma_start3A_268 = arith.constant 0 : i32
    %dma_start3A_269 = tpu.memref_slice %arg9[%dma_start3A_266, %dma_start3A_267, %dma_start3A_268] : memref<16x8x32xf32, #tpu.memory_space<vmem>> -> memref<1x8x32xf32, #tpu.memory_space<vmem>>
    %dma_start3A_270 = arith.constant 0 : i32
    %dma_start3A_271 = arith.constant 0 : i32
    %dma_start3A_272 = tpu.memref_slice %arg4[%squeeze3A_265, %dma_start3A_270, %dma_start3A_271] : memref<125000x8x32xf32, #tpu.memory_space<hbm>> -> memref<1x8x32xf32, #tpu.memory_space<hbm>>
    %dma_start3A_273 = arith.constant 8 : i32
    %dma_start3A_274 = arith.constant 0 : i32
    %dma_start3A_275 = arith.constant 0 : i32
    %dma_start3A_276 = tpu.memref_slice %arg9[%dma_start3A_273, %dma_start3A_274, %dma_start3A_275] : memref<16x8x32xf32, #tpu.memory_space<vmem>> -> memref<1x8x32xf32, #tpu.memory_space<vmem>>
    %dma_start3A_277 = arith.constant 0 : i32
    %dma_start3A_278 = arith.constant 0 : i32
    %dma_start3A_279 = tpu.memref_slice %arg4[%squeeze3A_265, %dma_start3A_277, %dma_start3A_278] : memref<125000x8x32xf32, #tpu.memory_space<hbm>> -> memref<1x8x32xf32, #tpu.memory_space<hbm>>
    tpu.enqueue_dma source(%dma_start3A_279 : memref<1x8x32xf32, #tpu.memory_space<hbm>>) target(%dma_start3A_276 : memref<1x8x32xf32, #tpu.memory_space<vmem>>) target_semaphore(%arg14 : memref<!tpu.dma_semaphore, #tpu.memory_space<semaphore_mem>>)
    %slice3A_280 = vector.extract_strided_slice %shift_right_logical3A_10 {offsets = [8], sizes = [1], strides = [1]} : vector<16xi32> to vector<1xi32>
    %squeeze3A_281 = vector.extract %slice3A_280[0] : i32 from vector<1xi32>
    %dma_start3A_282 = arith.constant 8 : i32
    %dma_start3A_283 = arith.constant 0 : i32
    %dma_start3A_284 = arith.constant 0 : i32
    %dma_start3A_285 = tpu.memref_slice %arg10[%dma_start3A_282, %dma_start3A_283, %dma_start3A_284] : memref<16x8x32xf32, #tpu.memory_space<vmem>> -> memref<1x8x32xf32, #tpu.memory_space<vmem>>
    %dma_start3A_286 = arith.constant 0 : i32
    %dma_start3A_287 = arith.constant 0 : i32
    %dma_start3A_288 = tpu.memref_slice %arg5[%squeeze3A_281, %dma_start3A_286, %dma_start3A_287] : memref<125000x8x32xf32, #tpu.memory_space<hbm>> -> memref<1x8x32xf32, #tpu.memory_space<hbm>>
    %dma_start3A_289 = arith.constant 8 : i32
    %dma_start3A_290 = arith.constant 0 : i32
    %dma_start3A_291 = arith.constant 0 : i32
    %dma_start3A_292 = tpu.memref_slice %arg10[%dma_start3A_289, %dma_start3A_290, %dma_start3A_291] : memref<16x8x32xf32, #tpu.memory_space<vmem>> -> memref<1x8x32xf32, #tpu.memory_space<vmem>>
    %dma_start3A_293 = arith.constant 0 : i32
    %dma_start3A_294 = arith.constant 0 : i32
    %dma_start3A_295 = tpu.memref_slice %arg5[%squeeze3A_281, %dma_start3A_293, %dma_start3A_294] : memref<125000x8x32xf32, #tpu.memory_space<hbm>> -> memref<1x8x32xf32, #tpu.memory_space<hbm>>
    tpu.enqueue_dma source(%dma_start3A_295 : memref<1x8x32xf32, #tpu.memory_space<hbm>>) target(%dma_start3A_292 : memref<1x8x32xf32, #tpu.memory_space<vmem>>) target_semaphore(%arg14 : memref<!tpu.dma_semaphore, #tpu.memory_space<semaphore_mem>>)
    %slice3A_296 = vector.extract_strided_slice %shift_right_logical3A_5 {offsets = [9], sizes = [1], strides = [1]} : vector<16xi32> to vector<1xi32>
    %squeeze3A_297 = vector.extract %slice3A_296[0] : i32 from vector<1xi32>
    %dma_start3A_298 = arith.constant 9 : i32
    %dma_start3A_299 = arith.constant 0 : i32
    %dma_start3A_300 = arith.constant 0 : i32
    %dma_start3A_301 = tpu.memref_slice %arg9[%dma_start3A_298, %dma_start3A_299, %dma_start3A_300] : memref<16x8x32xf32, #tpu.memory_space<vmem>> -> memref<1x8x32xf32, #tpu.memory_space<vmem>>
    %dma_start3A_302 = arith.constant 0 : i32
    %dma_start3A_303 = arith.constant 0 : i32
    %dma_start3A_304 = tpu.memref_slice %arg4[%squeeze3A_297, %dma_start3A_302, %dma_start3A_303] : memref<125000x8x32xf32, #tpu.memory_space<hbm>> -> memref<1x8x32xf32, #tpu.memory_space<hbm>>
    %dma_start3A_305 = arith.constant 9 : i32
    %dma_start3A_306 = arith.constant 0 : i32
    %dma_start3A_307 = arith.constant 0 : i32
    %dma_start3A_308 = tpu.memref_slice %arg9[%dma_start3A_305, %dma_start3A_306, %dma_start3A_307] : memref<16x8x32xf32, #tpu.memory_space<vmem>> -> memref<1x8x32xf32, #tpu.memory_space<vmem>>
    %dma_start3A_309 = arith.constant 0 : i32
    %dma_start3A_310 = arith.constant 0 : i32
    %dma_start3A_311 = tpu.memref_slice %arg4[%squeeze3A_297, %dma_start3A_309, %dma_start3A_310] : memref<125000x8x32xf32, #tpu.memory_space<hbm>> -> memref<1x8x32xf32, #tpu.memory_space<hbm>>
    tpu.enqueue_dma source(%dma_start3A_311 : memref<1x8x32xf32, #tpu.memory_space<hbm>>) target(%dma_start3A_308 : memref<1x8x32xf32, #tpu.memory_space<vmem>>) target_semaphore(%arg14 : memref<!tpu.dma_semaphore, #tpu.memory_space<semaphore_mem>>)
    %slice3A_312 = vector.extract_strided_slice %shift_right_logical3A_10 {offsets = [9], sizes = [1], strides = [1]} : vector<16xi32> to vector<1xi32>
    %squeeze3A_313 = vector.extract %slice3A_312[0] : i32 from vector<1xi32>
    %dma_start3A_314 = arith.constant 9 : i32
    %dma_start3A_315 = arith.constant 0 : i32
    %dma_start3A_316 = arith.constant 0 : i32
    %dma_start3A_317 = tpu.memref_slice %arg10[%dma_start3A_314, %dma_start3A_315, %dma_start3A_316] : memref<16x8x32xf32, #tpu.memory_space<vmem>> -> memref<1x8x32xf32, #tpu.memory_space<vmem>>
    %dma_start3A_318 = arith.constant 0 : i32
    %dma_start3A_319 = arith.constant 0 : i32
    %dma_start3A_320 = tpu.memref_slice %arg5[%squeeze3A_313, %dma_start3A_318, %dma_start3A_319] : memref<125000x8x32xf32, #tpu.memory_space<hbm>> -> memref<1x8x32xf32, #tpu.memory_space<hbm>>
    %dma_start3A_321 = arith.constant 9 : i32
    %dma_start3A_322 = arith.constant 0 : i32
    %dma_start3A_323 = arith.constant 0 : i32
    %dma_start3A_324 = tpu.memref_slice %arg10[%dma_start3A_321, %dma_start3A_322, %dma_start3A_323] : memref<16x8x32xf32, #tpu.memory_space<vmem>> -> memref<1x8x32xf32, #tpu.memory_space<vmem>>
    %dma_start3A_325 = arith.constant 0 : i32
    %dma_start3A_326 = arith.constant 0 : i32
    %dma_start3A_327 = tpu.memref_slice %arg5[%squeeze3A_313, %dma_start3A_325, %dma_start3A_326] : memref<125000x8x32xf32, #tpu.memory_space<hbm>> -> memref<1x8x32xf32, #tpu.memory_space<hbm>>
    tpu.enqueue_dma source(%dma_start3A_327 : memref<1x8x32xf32, #tpu.memory_space<hbm>>) target(%dma_start3A_324 : memref<1x8x32xf32, #tpu.memory_space<vmem>>) target_semaphore(%arg14 : memref<!tpu.dma_semaphore, #tpu.memory_space<semaphore_mem>>)
    %slice3A_328 = vector.extract_strided_slice %shift_right_logical3A_5 {offsets = [10], sizes = [1], strides = [1]} : vector<16xi32> to vector<1xi32>
    %squeeze3A_329 = vector.extract %slice3A_328[0] : i32 from vector<1xi32>
    %dma_start3A_330 = arith.constant 10 : i32
    %dma_start3A_331 = arith.constant 0 : i32
    %dma_start3A_332 = arith.constant 0 : i32
    %dma_start3A_333 = tpu.memref_slice %arg9[%dma_start3A_330, %dma_start3A_331, %dma_start3A_332] : memref<16x8x32xf32, #tpu.memory_space<vmem>> -> memref<1x8x32xf32, #tpu.memory_space<vmem>>
    %dma_start3A_334 = arith.constant 0 : i32
    %dma_start3A_335 = arith.constant 0 : i32
    %dma_start3A_336 = tpu.memref_slice %arg4[%squeeze3A_329, %dma_start3A_334, %dma_start3A_335] : memref<125000x8x32xf32, #tpu.memory_space<hbm>> -> memref<1x8x32xf32, #tpu.memory_space<hbm>>
    %dma_start3A_337 = arith.constant 10 : i32
    %dma_start3A_338 = arith.constant 0 : i32
    %dma_start3A_339 = arith.constant 0 : i32
    %dma_start3A_340 = tpu.memref_slice %arg9[%dma_start3A_337, %dma_start3A_338, %dma_start3A_339] : memref<16x8x32xf32, #tpu.memory_space<vmem>> -> memref<1x8x32xf32, #tpu.memory_space<vmem>>
    %dma_start3A_341 = arith.constant 0 : i32
    %dma_start3A_342 = arith.constant 0 : i32
    %dma_start3A_343 = tpu.memref_slice %arg4[%squeeze3A_329, %dma_start3A_341, %dma_start3A_342] : memref<125000x8x32xf32, #tpu.memory_space<hbm>> -> memref<1x8x32xf32, #tpu.memory_space<hbm>>
    tpu.enqueue_dma source(%dma_start3A_343 : memref<1x8x32xf32, #tpu.memory_space<hbm>>) target(%dma_start3A_340 : memref<1x8x32xf32, #tpu.memory_space<vmem>>) target_semaphore(%arg14 : memref<!tpu.dma_semaphore, #tpu.memory_space<semaphore_mem>>)
    %slice3A_344 = vector.extract_strided_slice %shift_right_logical3A_10 {offsets = [10], sizes = [1], strides = [1]} : vector<16xi32> to vector<1xi32>
    %squeeze3A_345 = vector.extract %slice3A_344[0] : i32 from vector<1xi32>
    %dma_start3A_346 = arith.constant 10 : i32
    %dma_start3A_347 = arith.constant 0 : i32
    %dma_start3A_348 = arith.constant 0 : i32
    %dma_start3A_349 = tpu.memref_slice %arg10[%dma_start3A_346, %dma_start3A_347, %dma_start3A_348] : memref<16x8x32xf32, #tpu.memory_space<vmem>> -> memref<1x8x32xf32, #tpu.memory_space<vmem>>
    %dma_start3A_350 = arith.constant 0 : i32
    %dma_start3A_351 = arith.constant 0 : i32
    %dma_start3A_352 = tpu.memref_slice %arg5[%squeeze3A_345, %dma_start3A_350, %dma_start3A_351] : memref<125000x8x32xf32, #tpu.memory_space<hbm>> -> memref<1x8x32xf32, #tpu.memory_space<hbm>>
    %dma_start3A_353 = arith.constant 10 : i32
    %dma_start3A_354 = arith.constant 0 : i32
    %dma_start3A_355 = arith.constant 0 : i32
    %dma_start3A_356 = tpu.memref_slice %arg10[%dma_start3A_353, %dma_start3A_354, %dma_start3A_355] : memref<16x8x32xf32, #tpu.memory_space<vmem>> -> memref<1x8x32xf32, #tpu.memory_space<vmem>>
    %dma_start3A_357 = arith.constant 0 : i32
    %dma_start3A_358 = arith.constant 0 : i32
    %dma_start3A_359 = tpu.memref_slice %arg5[%squeeze3A_345, %dma_start3A_357, %dma_start3A_358] : memref<125000x8x32xf32, #tpu.memory_space<hbm>> -> memref<1x8x32xf32, #tpu.memory_space<hbm>>
    tpu.enqueue_dma source(%dma_start3A_359 : memref<1x8x32xf32, #tpu.memory_space<hbm>>) target(%dma_start3A_356 : memref<1x8x32xf32, #tpu.memory_space<vmem>>) target_semaphore(%arg14 : memref<!tpu.dma_semaphore, #tpu.memory_space<semaphore_mem>>)
    %slice3A_360 = vector.extract_strided_slice %shift_right_logical3A_5 {offsets = [11], sizes = [1], strides = [1]} : vector<16xi32> to vector<1xi32>
    %squeeze3A_361 = vector.extract %slice3A_360[0] : i32 from vector<1xi32>
    %dma_start3A_362 = arith.constant 11 : i32
    %dma_start3A_363 = arith.constant 0 : i32
    %dma_start3A_364 = arith.constant 0 : i32
    %dma_start3A_365 = tpu.memref_slice %arg9[%dma_start3A_362, %dma_start3A_363, %dma_start3A_364] : memref<16x8x32xf32, #tpu.memory_space<vmem>> -> memref<1x8x32xf32, #tpu.memory_space<vmem>>
    %dma_start3A_366 = arith.constant 0 : i32
    %dma_start3A_367 = arith.constant 0 : i32
    %dma_start3A_368 = tpu.memref_slice %arg4[%squeeze3A_361, %dma_start3A_366, %dma_start3A_367] : memref<125000x8x32xf32, #tpu.memory_space<hbm>> -> memref<1x8x32xf32, #tpu.memory_space<hbm>>
    %dma_start3A_369 = arith.constant 11 : i32
    %dma_start3A_370 = arith.constant 0 : i32
    %dma_start3A_371 = arith.constant 0 : i32
    %dma_start3A_372 = tpu.memref_slice %arg9[%dma_start3A_369, %dma_start3A_370, %dma_start3A_371] : memref<16x8x32xf32, #tpu.memory_space<vmem>> -> memref<1x8x32xf32, #tpu.memory_space<vmem>>
    %dma_start3A_373 = arith.constant 0 : i32
    %dma_start3A_374 = arith.constant 0 : i32
    %dma_start3A_375 = tpu.memref_slice %arg4[%squeeze3A_361, %dma_start3A_373, %dma_start3A_374] : memref<125000x8x32xf32, #tpu.memory_space<hbm>> -> memref<1x8x32xf32, #tpu.memory_space<hbm>>
    tpu.enqueue_dma source(%dma_start3A_375 : memref<1x8x32xf32, #tpu.memory_space<hbm>>) target(%dma_start3A_372 : memref<1x8x32xf32, #tpu.memory_space<vmem>>) target_semaphore(%arg14 : memref<!tpu.dma_semaphore, #tpu.memory_space<semaphore_mem>>)
    %slice3A_376 = vector.extract_strided_slice %shift_right_logical3A_10 {offsets = [11], sizes = [1], strides = [1]} : vector<16xi32> to vector<1xi32>
    %squeeze3A_377 = vector.extract %slice3A_376[0] : i32 from vector<1xi32>
    %dma_start3A_378 = arith.constant 11 : i32
    %dma_start3A_379 = arith.constant 0 : i32
    %dma_start3A_380 = arith.constant 0 : i32
    %dma_start3A_381 = tpu.memref_slice %arg10[%dma_start3A_378, %dma_start3A_379, %dma_start3A_380] : memref<16x8x32xf32, #tpu.memory_space<vmem>> -> memref<1x8x32xf32, #tpu.memory_space<vmem>>
    %dma_start3A_382 = arith.constant 0 : i32
    %dma_start3A_383 = arith.constant 0 : i32
    %dma_start3A_384 = tpu.memref_slice %arg5[%squeeze3A_377, %dma_start3A_382, %dma_start3A_383] : memref<125000x8x32xf32, #tpu.memory_space<hbm>> -> memref<1x8x32xf32, #tpu.memory_space<hbm>>
    %dma_start3A_385 = arith.constant 11 : i32
    %dma_start3A_386 = arith.constant 0 : i32
    %dma_start3A_387 = arith.constant 0 : i32
    %dma_start3A_388 = tpu.memref_slice %arg10[%dma_start3A_385, %dma_start3A_386, %dma_start3A_387] : memref<16x8x32xf32, #tpu.memory_space<vmem>> -> memref<1x8x32xf32, #tpu.memory_space<vmem>>
    %dma_start3A_389 = arith.constant 0 : i32
    %dma_start3A_390 = arith.constant 0 : i32
    %dma_start3A_391 = tpu.memref_slice %arg5[%squeeze3A_377, %dma_start3A_389, %dma_start3A_390] : memref<125000x8x32xf32, #tpu.memory_space<hbm>> -> memref<1x8x32xf32, #tpu.memory_space<hbm>>
    tpu.enqueue_dma source(%dma_start3A_391 : memref<1x8x32xf32, #tpu.memory_space<hbm>>) target(%dma_start3A_388 : memref<1x8x32xf32, #tpu.memory_space<vmem>>) target_semaphore(%arg14 : memref<!tpu.dma_semaphore, #tpu.memory_space<semaphore_mem>>)
    %slice3A_392 = vector.extract_strided_slice %shift_right_logical3A_5 {offsets = [12], sizes = [1], strides = [1]} : vector<16xi32> to vector<1xi32>
    %squeeze3A_393 = vector.extract %slice3A_392[0] : i32 from vector<1xi32>
    %dma_start3A_394 = arith.constant 12 : i32
    %dma_start3A_395 = arith.constant 0 : i32
    %dma_start3A_396 = arith.constant 0 : i32
    %dma_start3A_397 = tpu.memref_slice %arg9[%dma_start3A_394, %dma_start3A_395, %dma_start3A_396] : memref<16x8x32xf32, #tpu.memory_space<vmem>> -> memref<1x8x32xf32, #tpu.memory_space<vmem>>
    %dma_start3A_398 = arith.constant 0 : i32
    %dma_start3A_399 = arith.constant 0 : i32
    %dma_start3A_400 = tpu.memref_slice %arg4[%squeeze3A_393, %dma_start3A_398, %dma_start3A_399] : memref<125000x8x32xf32, #tpu.memory_space<hbm>> -> memref<1x8x32xf32, #tpu.memory_space<hbm>>
    %dma_start3A_401 = arith.constant 12 : i32
    %dma_start3A_402 = arith.constant 0 : i32
    %dma_start3A_403 = arith.constant 0 : i32
    %dma_start3A_404 = tpu.memref_slice %arg9[%dma_start3A_401, %dma_start3A_402, %dma_start3A_403] : memref<16x8x32xf32, #tpu.memory_space<vmem>> -> memref<1x8x32xf32, #tpu.memory_space<vmem>>
    %dma_start3A_405 = arith.constant 0 : i32
    %dma_start3A_406 = arith.constant 0 : i32
    %dma_start3A_407 = tpu.memref_slice %arg4[%squeeze3A_393, %dma_start3A_405, %dma_start3A_406] : memref<125000x8x32xf32, #tpu.memory_space<hbm>> -> memref<1x8x32xf32, #tpu.memory_space<hbm>>
    tpu.enqueue_dma source(%dma_start3A_407 : memref<1x8x32xf32, #tpu.memory_space<hbm>>) target(%dma_start3A_404 : memref<1x8x32xf32, #tpu.memory_space<vmem>>) target_semaphore(%arg14 : memref<!tpu.dma_semaphore, #tpu.memory_space<semaphore_mem>>)
    %slice3A_408 = vector.extract_strided_slice %shift_right_logical3A_10 {offsets = [12], sizes = [1], strides = [1]} : vector<16xi32> to vector<1xi32>
    %squeeze3A_409 = vector.extract %slice3A_408[0] : i32 from vector<1xi32>
    %dma_start3A_410 = arith.constant 12 : i32
    %dma_start3A_411 = arith.constant 0 : i32
    %dma_start3A_412 = arith.constant 0 : i32
    %dma_start3A_413 = tpu.memref_slice %arg10[%dma_start3A_410, %dma_start3A_411, %dma_start3A_412] : memref<16x8x32xf32, #tpu.memory_space<vmem>> -> memref<1x8x32xf32, #tpu.memory_space<vmem>>
    %dma_start3A_414 = arith.constant 0 : i32
    %dma_start3A_415 = arith.constant 0 : i32
    %dma_start3A_416 = tpu.memref_slice %arg5[%squeeze3A_409, %dma_start3A_414, %dma_start3A_415] : memref<125000x8x32xf32, #tpu.memory_space<hbm>> -> memref<1x8x32xf32, #tpu.memory_space<hbm>>
    %dma_start3A_417 = arith.constant 12 : i32
    %dma_start3A_418 = arith.constant 0 : i32
    %dma_start3A_419 = arith.constant 0 : i32
    %dma_start3A_420 = tpu.memref_slice %arg10[%dma_start3A_417, %dma_start3A_418, %dma_start3A_419] : memref<16x8x32xf32, #tpu.memory_space<vmem>> -> memref<1x8x32xf32, #tpu.memory_space<vmem>>
    %dma_start3A_421 = arith.constant 0 : i32
    %dma_start3A_422 = arith.constant 0 : i32
    %dma_start3A_423 = tpu.memref_slice %arg5[%squeeze3A_409, %dma_start3A_421, %dma_start3A_422] : memref<125000x8x32xf32, #tpu.memory_space<hbm>> -> memref<1x8x32xf32, #tpu.memory_space<hbm>>
    tpu.enqueue_dma source(%dma_start3A_423 : memref<1x8x32xf32, #tpu.memory_space<hbm>>) target(%dma_start3A_420 : memref<1x8x32xf32, #tpu.memory_space<vmem>>) target_semaphore(%arg14 : memref<!tpu.dma_semaphore, #tpu.memory_space<semaphore_mem>>)
    %slice3A_424 = vector.extract_strided_slice %shift_right_logical3A_5 {offsets = [13], sizes = [1], strides = [1]} : vector<16xi32> to vector<1xi32>
    %squeeze3A_425 = vector.extract %slice3A_424[0] : i32 from vector<1xi32>
    %dma_start3A_426 = arith.constant 13 : i32
    %dma_start3A_427 = arith.constant 0 : i32
    %dma_start3A_428 = arith.constant 0 : i32
    %dma_start3A_429 = tpu.memref_slice %arg9[%dma_start3A_426, %dma_start3A_427, %dma_start3A_428] : memref<16x8x32xf32, #tpu.memory_space<vmem>> -> memref<1x8x32xf32, #tpu.memory_space<vmem>>
    %dma_start3A_430 = arith.constant 0 : i32
    %dma_start3A_431 = arith.constant 0 : i32
    %dma_start3A_432 = tpu.memref_slice %arg4[%squeeze3A_425, %dma_start3A_430, %dma_start3A_431] : memref<125000x8x32xf32, #tpu.memory_space<hbm>> -> memref<1x8x32xf32, #tpu.memory_space<hbm>>
    %dma_start3A_433 = arith.constant 13 : i32
    %dma_start3A_434 = arith.constant 0 : i32
    %dma_start3A_435 = arith.constant 0 : i32
    %dma_start3A_436 = tpu.memref_slice %arg9[%dma_start3A_433, %dma_start3A_434, %dma_start3A_435] : memref<16x8x32xf32, #tpu.memory_space<vmem>> -> memref<1x8x32xf32, #tpu.memory_space<vmem>>
    %dma_start3A_437 = arith.constant 0 : i32
    %dma_start3A_438 = arith.constant 0 : i32
    %dma_start3A_439 = tpu.memref_slice %arg4[%squeeze3A_425, %dma_start3A_437, %dma_start3A_438] : memref<125000x8x32xf32, #tpu.memory_space<hbm>> -> memref<1x8x32xf32, #tpu.memory_space<hbm>>
    tpu.enqueue_dma source(%dma_start3A_439 : memref<1x8x32xf32, #tpu.memory_space<hbm>>) target(%dma_start3A_436 : memref<1x8x32xf32, #tpu.memory_space<vmem>>) target_semaphore(%arg14 : memref<!tpu.dma_semaphore, #tpu.memory_space<semaphore_mem>>)
    %slice3A_440 = vector.extract_strided_slice %shift_right_logical3A_10 {offsets = [13], sizes = [1], strides = [1]} : vector<16xi32> to vector<1xi32>
    %squeeze3A_441 = vector.extract %slice3A_440[0] : i32 from vector<1xi32>
    %dma_start3A_442 = arith.constant 13 : i32
    %dma_start3A_443 = arith.constant 0 : i32
    %dma_start3A_444 = arith.constant 0 : i32
    %dma_start3A_445 = tpu.memref_slice %arg10[%dma_start3A_442, %dma_start3A_443, %dma_start3A_444] : memref<16x8x32xf32, #tpu.memory_space<vmem>> -> memref<1x8x32xf32, #tpu.memory_space<vmem>>
    %dma_start3A_446 = arith.constant 0 : i32
    %dma_start3A_447 = arith.constant 0 : i32
    %dma_start3A_448 = tpu.memref_slice %arg5[%squeeze3A_441, %dma_start3A_446, %dma_start3A_447] : memref<125000x8x32xf32, #tpu.memory_space<hbm>> -> memref<1x8x32xf32, #tpu.memory_space<hbm>>
    %dma_start3A_449 = arith.constant 13 : i32
    %dma_start3A_450 = arith.constant 0 : i32
    %dma_start3A_451 = arith.constant 0 : i32
    %dma_start3A_452 = tpu.memref_slice %arg10[%dma_start3A_449, %dma_start3A_450, %dma_start3A_451] : memref<16x8x32xf32, #tpu.memory_space<vmem>> -> memref<1x8x32xf32, #tpu.memory_space<vmem>>
    %dma_start3A_453 = arith.constant 0 : i32
    %dma_start3A_454 = arith.constant 0 : i32
    %dma_start3A_455 = tpu.memref_slice %arg5[%squeeze3A_441, %dma_start3A_453, %dma_start3A_454] : memref<125000x8x32xf32, #tpu.memory_space<hbm>> -> memref<1x8x32xf32, #tpu.memory_space<hbm>>
    tpu.enqueue_dma source(%dma_start3A_455 : memref<1x8x32xf32, #tpu.memory_space<hbm>>) target(%dma_start3A_452 : memref<1x8x32xf32, #tpu.memory_space<vmem>>) target_semaphore(%arg14 : memref<!tpu.dma_semaphore, #tpu.memory_space<semaphore_mem>>)
    %slice3A_456 = vector.extract_strided_slice %shift_right_logical3A_5 {offsets = [14], sizes = [1], strides = [1]} : vector<16xi32> to vector<1xi32>
    %squeeze3A_457 = vector.extract %slice3A_456[0] : i32 from vector<1xi32>
    %dma_start3A_458 = arith.constant 14 : i32
    %dma_start3A_459 = arith.constant 0 : i32
    %dma_start3A_460 = arith.constant 0 : i32
    %dma_start3A_461 = tpu.memref_slice %arg9[%dma_start3A_458, %dma_start3A_459, %dma_start3A_460] : memref<16x8x32xf32, #tpu.memory_space<vmem>> -> memref<1x8x32xf32, #tpu.memory_space<vmem>>
    %dma_start3A_462 = arith.constant 0 : i32
    %dma_start3A_463 = arith.constant 0 : i32
    %dma_start3A_464 = tpu.memref_slice %arg4[%squeeze3A_457, %dma_start3A_462, %dma_start3A_463] : memref<125000x8x32xf32, #tpu.memory_space<hbm>> -> memref<1x8x32xf32, #tpu.memory_space<hbm>>
    %dma_start3A_465 = arith.constant 14 : i32
    %dma_start3A_466 = arith.constant 0 : i32
    %dma_start3A_467 = arith.constant 0 : i32
    %dma_start3A_468 = tpu.memref_slice %arg9[%dma_start3A_465, %dma_start3A_466, %dma_start3A_467] : memref<16x8x32xf32, #tpu.memory_space<vmem>> -> memref<1x8x32xf32, #tpu.memory_space<vmem>>
    %dma_start3A_469 = arith.constant 0 : i32
    %dma_start3A_470 = arith.constant 0 : i32
    %dma_start3A_471 = tpu.memref_slice %arg4[%squeeze3A_457, %dma_start3A_469, %dma_start3A_470] : memref<125000x8x32xf32, #tpu.memory_space<hbm>> -> memref<1x8x32xf32, #tpu.memory_space<hbm>>
    tpu.enqueue_dma source(%dma_start3A_471 : memref<1x8x32xf32, #tpu.memory_space<hbm>>) target(%dma_start3A_468 : memref<1x8x32xf32, #tpu.memory_space<vmem>>) target_semaphore(%arg14 : memref<!tpu.dma_semaphore, #tpu.memory_space<semaphore_mem>>)
    %slice3A_472 = vector.extract_strided_slice %shift_right_logical3A_10 {offsets = [14], sizes = [1], strides = [1]} : vector<16xi32> to vector<1xi32>
    %squeeze3A_473 = vector.extract %slice3A_472[0] : i32 from vector<1xi32>
    %dma_start3A_474 = arith.constant 14 : i32
    %dma_start3A_475 = arith.constant 0 : i32
    %dma_start3A_476 = arith.constant 0 : i32
    %dma_start3A_477 = tpu.memref_slice %arg10[%dma_start3A_474, %dma_start3A_475, %dma_start3A_476] : memref<16x8x32xf32, #tpu.memory_space<vmem>> -> memref<1x8x32xf32, #tpu.memory_space<vmem>>
    %dma_start3A_478 = arith.constant 0 : i32
    %dma_start3A_479 = arith.constant 0 : i32
    %dma_start3A_480 = tpu.memref_slice %arg5[%squeeze3A_473, %dma_start3A_478, %dma_start3A_479] : memref<125000x8x32xf32, #tpu.memory_space<hbm>> -> memref<1x8x32xf32, #tpu.memory_space<hbm>>
    %dma_start3A_481 = arith.constant 14 : i32
    %dma_start3A_482 = arith.constant 0 : i32
    %dma_start3A_483 = arith.constant 0 : i32
    %dma_start3A_484 = tpu.memref_slice %arg10[%dma_start3A_481, %dma_start3A_482, %dma_start3A_483] : memref<16x8x32xf32, #tpu.memory_space<vmem>> -> memref<1x8x32xf32, #tpu.memory_space<vmem>>
    %dma_start3A_485 = arith.constant 0 : i32
    %dma_start3A_486 = arith.constant 0 : i32
    %dma_start3A_487 = tpu.memref_slice %arg5[%squeeze3A_473, %dma_start3A_485, %dma_start3A_486] : memref<125000x8x32xf32, #tpu.memory_space<hbm>> -> memref<1x8x32xf32, #tpu.memory_space<hbm>>
    tpu.enqueue_dma source(%dma_start3A_487 : memref<1x8x32xf32, #tpu.memory_space<hbm>>) target(%dma_start3A_484 : memref<1x8x32xf32, #tpu.memory_space<vmem>>) target_semaphore(%arg14 : memref<!tpu.dma_semaphore, #tpu.memory_space<semaphore_mem>>)
    %slice3A_488 = vector.extract_strided_slice %shift_right_logical3A_5 {offsets = [15], sizes = [1], strides = [1]} : vector<16xi32> to vector<1xi32>
    %squeeze3A_489 = vector.extract %slice3A_488[0] : i32 from vector<1xi32>
    %dma_start3A_490 = arith.constant 15 : i32
    %dma_start3A_491 = arith.constant 0 : i32
    %dma_start3A_492 = arith.constant 0 : i32
    %dma_start3A_493 = tpu.memref_slice %arg9[%dma_start3A_490, %dma_start3A_491, %dma_start3A_492] : memref<16x8x32xf32, #tpu.memory_space<vmem>> -> memref<1x8x32xf32, #tpu.memory_space<vmem>>
    %dma_start3A_494 = arith.constant 0 : i32
    %dma_start3A_495 = arith.constant 0 : i32
    %dma_start3A_496 = tpu.memref_slice %arg4[%squeeze3A_489, %dma_start3A_494, %dma_start3A_495] : memref<125000x8x32xf32, #tpu.memory_space<hbm>> -> memref<1x8x32xf32, #tpu.memory_space<hbm>>
    %dma_start3A_497 = arith.constant 15 : i32
    %dma_start3A_498 = arith.constant 0 : i32
    %dma_start3A_499 = arith.constant 0 : i32
    %dma_start3A_500 = tpu.memref_slice %arg9[%dma_start3A_497, %dma_start3A_498, %dma_start3A_499] : memref<16x8x32xf32, #tpu.memory_space<vmem>> -> memref<1x8x32xf32, #tpu.memory_space<vmem>>
    %dma_start3A_501 = arith.constant 0 : i32
    %dma_start3A_502 = arith.constant 0 : i32
    %dma_start3A_503 = tpu.memref_slice %arg4[%squeeze3A_489, %dma_start3A_501, %dma_start3A_502] : memref<125000x8x32xf32, #tpu.memory_space<hbm>> -> memref<1x8x32xf32, #tpu.memory_space<hbm>>
    tpu.enqueue_dma source(%dma_start3A_503 : memref<1x8x32xf32, #tpu.memory_space<hbm>>) target(%dma_start3A_500 : memref<1x8x32xf32, #tpu.memory_space<vmem>>) target_semaphore(%arg14 : memref<!tpu.dma_semaphore, #tpu.memory_space<semaphore_mem>>)
    %slice3A_504 = vector.extract_strided_slice %shift_right_logical3A_10 {offsets = [15], sizes = [1], strides = [1]} : vector<16xi32> to vector<1xi32>
    %squeeze3A_505 = vector.extract %slice3A_504[0] : i32 from vector<1xi32>
    %dma_start3A_506 = arith.constant 15 : i32
    %dma_start3A_507 = arith.constant 0 : i32
    %dma_start3A_508 = arith.constant 0 : i32
    %dma_start3A_509 = tpu.memref_slice %arg10[%dma_start3A_506, %dma_start3A_507, %dma_start3A_508] : memref<16x8x32xf32, #tpu.memory_space<vmem>> -> memref<1x8x32xf32, #tpu.memory_space<vmem>>
    %dma_start3A_510 = arith.constant 0 : i32
    %dma_start3A_511 = arith.constant 0 : i32
    %dma_start3A_512 = tpu.memref_slice %arg5[%squeeze3A_505, %dma_start3A_510, %dma_start3A_511] : memref<125000x8x32xf32, #tpu.memory_space<hbm>> -> memref<1x8x32xf32, #tpu.memory_space<hbm>>
    %dma_start3A_513 = arith.constant 15 : i32
    %dma_start3A_514 = arith.constant 0 : i32
    %dma_start3A_515 = arith.constant 0 : i32
    %dma_start3A_516 = tpu.memref_slice %arg10[%dma_start3A_513, %dma_start3A_514, %dma_start3A_515] : memref<16x8x32xf32, #tpu.memory_space<vmem>> -> memref<1x8x32xf32, #tpu.memory_space<vmem>>
    %dma_start3A_517 = arith.constant 0 : i32
    %dma_start3A_518 = arith.constant 0 : i32
    %dma_start3A_519 = tpu.memref_slice %arg5[%squeeze3A_505, %dma_start3A_517, %dma_start3A_518] : memref<125000x8x32xf32, #tpu.memory_space<hbm>> -> memref<1x8x32xf32, #tpu.memory_space<hbm>>
    tpu.enqueue_dma source(%dma_start3A_519 : memref<1x8x32xf32, #tpu.memory_space<hbm>>) target(%dma_start3A_516 : memref<1x8x32xf32, #tpu.memory_space<vmem>>) target_semaphore(%arg14 : memref<!tpu.dma_semaphore, #tpu.memory_space<semaphore_mem>>)
    %scan3A = arith.constant 0 : i32
    %scan3A_520 = arith.constant 0 : i32
    %scan3A_521 = arith.constant 16 : i32
    %scan3A_522 = arith.addi %scan3A_520, %scan3A_521 : i32
    %scan3A_523 = arith.constant 1 : i32
    scf.for %scan3A_525 = %scan3A_520 to %scan3A_522 step %scan3A_523  : i32 {
      %mul3A_526 = arith.constant 2 : i32
      %mul3A_527 = arith.muli %mul3A_526, %scan3A_525 : i32
      %add3A_528 = arith.constant 1 : i32
      %add3A_529 = arith.addi %mul3A_527, %add3A_528 : i32
      %mul3A_530 = arith.constant 16 : i32
      %mul3A_531 = arith.muli %add3A_529, %mul3A_530 : i32
      %get3A_532 = arith.index_cast %mul3A_531 : i32 to index
      %get3A_533 = tpu.vector_load %arg7[%get3A_532] {strides = array<i32>} : memref<512xi32, #tpu.memory_space<vmem>>, vector<16xi32>,
      %shift_right_logical3A_534 = arith.constant 3 : i32
      %shift_right_logical3A_535 = vector.broadcast %shift_right_logical3A_534 : i32 to vector<16xi32>
      %shift_right_logical3A_536 = arith.shrui %get3A_533, %shift_right_logical3A_535 : vector<16xi32>
      %get3A_537 = arith.index_cast %mul3A_531 : i32 to index
      %get3A_538 = tpu.vector_load %arg8[%get3A_537] {strides = array<i32>} : memref<512xi32, #tpu.memory_space<vmem>>, vector<16xi32>,
      %shift_right_logical3A_539 = arith.constant 3 : i32
      %shift_right_logical3A_540 = vector.broadcast %shift_right_logical3A_539 : i32 to vector<16xi32>
      %shift_right_logical3A_541 = arith.shrui %get3A_538, %shift_right_logical3A_540 : vector<16xi32>
      %slice3A_542 = vector.extract_strided_slice %shift_right_logical3A_536 {offsets = [0], sizes = [1], strides = [1]} : vector<16xi32> to vector<1xi32>
      %squeeze3A_543 = vector.extract %slice3A_542[0] : i32 from vector<1xi32>
      %dma_start3A_544 = arith.constant 0 : i32
      %dma_start3A_545 = arith.constant 0 : i32
      %dma_start3A_546 = arith.constant 0 : i32
      %dma_start3A_547 = tpu.memref_slice %arg11[%dma_start3A_544, %dma_start3A_545, %dma_start3A_546] : memref<16x8x32xf32, #tpu.memory_space<vmem>> -> memref<1x8x32xf32, #tpu.memory_space<vmem>>
      %dma_start3A_548 = arith.constant 0 : i32
      %dma_start3A_549 = arith.constant 0 : i32
      %dma_start3A_550 = tpu.memref_slice %arg4[%squeeze3A_543, %dma_start3A_548, %dma_start3A_549] : memref<125000x8x32xf32, #tpu.memory_space<hbm>> -> memref<1x8x32xf32, #tpu.memory_space<hbm>>
      %dma_start3A_551 = arith.constant 0 : i32
      %dma_start3A_552 = arith.constant 0 : i32
      %dma_start3A_553 = arith.constant 0 : i32
      %dma_start3A_554 = tpu.memref_slice %arg11[%dma_start3A_551, %dma_start3A_552, %dma_start3A_553] : memref<16x8x32xf32, #tpu.memory_space<vmem>> -> memref<1x8x32xf32, #tpu.memory_space<vmem>>
      %dma_start3A_555 = arith.constant 0 : i32
      %dma_start3A_556 = arith.constant 0 : i32
      %dma_start3A_557 = tpu.memref_slice %arg4[%squeeze3A_543, %dma_start3A_555, %dma_start3A_556] : memref<125000x8x32xf32, #tpu.memory_space<hbm>> -> memref<1x8x32xf32, #tpu.memory_space<hbm>>
      tpu.enqueue_dma source(%dma_start3A_557 : memref<1x8x32xf32, #tpu.memory_space<hbm>>) target(%dma_start3A_554 : memref<1x8x32xf32, #tpu.memory_space<vmem>>) target_semaphore(%arg15 : memref<!tpu.dma_semaphore, #tpu.memory_space<semaphore_mem>>)
      %slice3A_558 = vector.extract_strided_slice %shift_right_logical3A_541 {offsets = [0], sizes = [1], strides = [1]} : vector<16xi32> to vector<1xi32>
      %squeeze3A_559 = vector.extract %slice3A_558[0] : i32 from vector<1xi32>
      %dma_start3A_560 = arith.constant 0 : i32
      %dma_start3A_561 = arith.constant 0 : i32
      %dma_start3A_562 = arith.constant 0 : i32
      %dma_start3A_563 = tpu.memref_slice %arg12[%dma_start3A_560, %dma_start3A_561, %dma_start3A_562] : memref<16x8x32xf32, #tpu.memory_space<vmem>> -> memref<1x8x32xf32, #tpu.memory_space<vmem>>
      %dma_start3A_564 = arith.constant 0 : i32
      %dma_start3A_565 = arith.constant 0 : i32
      %dma_start3A_566 = tpu.memref_slice %arg5[%squeeze3A_559, %dma_start3A_564, %dma_start3A_565] : memref<125000x8x32xf32, #tpu.memory_space<hbm>> -> memref<1x8x32xf32, #tpu.memory_space<hbm>>
      %dma_start3A_567 = arith.constant 0 : i32
      %dma_start3A_568 = arith.constant 0 : i32
      %dma_start3A_569 = arith.constant 0 : i32
      %dma_start3A_570 = tpu.memref_slice %arg12[%dma_start3A_567, %dma_start3A_568, %dma_start3A_569] : memref<16x8x32xf32, #tpu.memory_space<vmem>> -> memref<1x8x32xf32, #tpu.memory_space<vmem>>
      %dma_start3A_571 = arith.constant 0 : i32
      %dma_start3A_572 = arith.constant 0 : i32
      %dma_start3A_573 = tpu.memref_slice %arg5[%squeeze3A_559, %dma_start3A_571, %dma_start3A_572] : memref<125000x8x32xf32, #tpu.memory_space<hbm>> -> memref<1x8x32xf32, #tpu.memory_space<hbm>>
      tpu.enqueue_dma source(%dma_start3A_573 : memref<1x8x32xf32, #tpu.memory_space<hbm>>) target(%dma_start3A_570 : memref<1x8x32xf32, #tpu.memory_space<vmem>>) target_semaphore(%arg15 : memref<!tpu.dma_semaphore, #tpu.memory_space<semaphore_mem>>)
      %slice3A_574 = vector.extract_strided_slice %shift_right_logical3A_536 {offsets = [1], sizes = [1], strides = [1]} : vector<16xi32> to vector<1xi32>
      %squeeze3A_575 = vector.extract %slice3A_574[0] : i32 from vector<1xi32>
      %dma_start3A_576 = arith.constant 1 : i32
      %dma_start3A_577 = arith.constant 0 : i32
      %dma_start3A_578 = arith.constant 0 : i32
      %dma_start3A_579 = tpu.memref_slice %arg11[%dma_start3A_576, %dma_start3A_577, %dma_start3A_578] : memref<16x8x32xf32, #tpu.memory_space<vmem>> -> memref<1x8x32xf32, #tpu.memory_space<vmem>>
      %dma_start3A_580 = arith.constant 0 : i32
      %dma_start3A_581 = arith.constant 0 : i32
      %dma_start3A_582 = tpu.memref_slice %arg4[%squeeze3A_575, %dma_start3A_580, %dma_start3A_581] : memref<125000x8x32xf32, #tpu.memory_space<hbm>> -> memref<1x8x32xf32, #tpu.memory_space<hbm>>
      %dma_start3A_583 = arith.constant 1 : i32
      %dma_start3A_584 = arith.constant 0 : i32
      %dma_start3A_585 = arith.constant 0 : i32
      %dma_start3A_586 = tpu.memref_slice %arg11[%dma_start3A_583, %dma_start3A_584, %dma_start3A_585] : memref<16x8x32xf32, #tpu.memory_space<vmem>> -> memref<1x8x32xf32, #tpu.memory_space<vmem>>
      %dma_start3A_587 = arith.constant 0 : i32
      %dma_start3A_588 = arith.constant 0 : i32
      %dma_start3A_589 = tpu.memref_slice %arg4[%squeeze3A_575, %dma_start3A_587, %dma_start3A_588] : memref<125000x8x32xf32, #tpu.memory_space<hbm>> -> memref<1x8x32xf32, #tpu.memory_space<hbm>>
      tpu.enqueue_dma source(%dma_start3A_589 : memref<1x8x32xf32, #tpu.memory_space<hbm>>) target(%dma_start3A_586 : memref<1x8x32xf32, #tpu.memory_space<vmem>>) target_semaphore(%arg15 : memref<!tpu.dma_semaphore, #tpu.memory_space<semaphore_mem>>)
      %slice3A_590 = vector.extract_strided_slice %shift_right_logical3A_541 {offsets = [1], sizes = [1], strides = [1]} : vector<16xi32> to vector<1xi32>
      %squeeze3A_591 = vector.extract %slice3A_590[0] : i32 from vector<1xi32>
      %dma_start3A_592 = arith.constant 1 : i32
      %dma_start3A_593 = arith.constant 0 : i32
      %dma_start3A_594 = arith.constant 0 : i32
      %dma_start3A_595 = tpu.memref_slice %arg12[%dma_start3A_592, %dma_start3A_593, %dma_start3A_594] : memref<16x8x32xf32, #tpu.memory_space<vmem>> -> memref<1x8x32xf32, #tpu.memory_space<vmem>>
      %dma_start3A_596 = arith.constant 0 : i32
      %dma_start3A_597 = arith.constant 0 : i32
      %dma_start3A_598 = tpu.memref_slice %arg5[%squeeze3A_591, %dma_start3A_596, %dma_start3A_597] : memref<125000x8x32xf32, #tpu.memory_space<hbm>> -> memref<1x8x32xf32, #tpu.memory_space<hbm>>
      %dma_start3A_599 = arith.constant 1 : i32
      %dma_start3A_600 = arith.constant 0 : i32
      %dma_start3A_601 = arith.constant 0 : i32
      %dma_start3A_602 = tpu.memref_slice %arg12[%dma_start3A_599, %dma_start3A_600, %dma_start3A_601] : memref<16x8x32xf32, #tpu.memory_space<vmem>> -> memref<1x8x32xf32, #tpu.memory_space<vmem>>
      %dma_start3A_603 = arith.constant 0 : i32
      %dma_start3A_604 = arith.constant 0 : i32
      %dma_start3A_605 = tpu.memref_slice %arg5[%squeeze3A_591, %dma_start3A_603, %dma_start3A_604] : memref<125000x8x32xf32, #tpu.memory_space<hbm>> -> memref<1x8x32xf32, #tpu.memory_space<hbm>>
      tpu.enqueue_dma source(%dma_start3A_605 : memref<1x8x32xf32, #tpu.memory_space<hbm>>) target(%dma_start3A_602 : memref<1x8x32xf32, #tpu.memory_space<vmem>>) target_semaphore(%arg15 : memref<!tpu.dma_semaphore, #tpu.memory_space<semaphore_mem>>)
      %slice3A_606 = vector.extract_strided_slice %shift_right_logical3A_536 {offsets = [2], sizes = [1], strides = [1]} : vector<16xi32> to vector<1xi32>
      %squeeze3A_607 = vector.extract %slice3A_606[0] : i32 from vector<1xi32>
      %dma_start3A_608 = arith.constant 2 : i32
      %dma_start3A_609 = arith.constant 0 : i32
      %dma_start3A_610 = arith.constant 0 : i32
      %dma_start3A_611 = tpu.memref_slice %arg11[%dma_start3A_608, %dma_start3A_609, %dma_start3A_610] : memref<16x8x32xf32, #tpu.memory_space<vmem>> -> memref<1x8x32xf32, #tpu.memory_space<vmem>>
      %dma_start3A_612 = arith.constant 0 : i32
      %dma_start3A_613 = arith.constant 0 : i32
      %dma_start3A_614 = tpu.memref_slice %arg4[%squeeze3A_607, %dma_start3A_612, %dma_start3A_613] : memref<125000x8x32xf32, #tpu.memory_space<hbm>> -> memref<1x8x32xf32, #tpu.memory_space<hbm>>
      %dma_start3A_615 = arith.constant 2 : i32
      %dma_start3A_616 = arith.constant 0 : i32
      %dma_start3A_617 = arith.constant 0 : i32
      %dma_start3A_618 = tpu.memref_slice %arg11[%dma_start3A_615, %dma_start3A_616, %dma_start3A_617] : memref<16x8x32xf32, #tpu.memory_space<vmem>> -> memref<1x8x32xf32, #tpu.memory_space<vmem>>
      %dma_start3A_619 = arith.constant 0 : i32
      %dma_start3A_620 = arith.constant 0 : i32
      %dma_start3A_621 = tpu.memref_slice %arg4[%squeeze3A_607, %dma_start3A_619, %dma_start3A_620] : memref<125000x8x32xf32, #tpu.memory_space<hbm>> -> memref<1x8x32xf32, #tpu.memory_space<hbm>>
      tpu.enqueue_dma source(%dma_start3A_621 : memref<1x8x32xf32, #tpu.memory_space<hbm>>) target(%dma_start3A_618 : memref<1x8x32xf32, #tpu.memory_space<vmem>>) target_semaphore(%arg15 : memref<!tpu.dma_semaphore, #tpu.memory_space<semaphore_mem>>)
      %slice3A_622 = vector.extract_strided_slice %shift_right_logical3A_541 {offsets = [2], sizes = [1], strides = [1]} : vector<16xi32> to vector<1xi32>
      %squeeze3A_623 = vector.extract %slice3A_622[0] : i32 from vector<1xi32>
      %dma_start3A_624 = arith.constant 2 : i32
      %dma_start3A_625 = arith.constant 0 : i32
      %dma_start3A_626 = arith.constant 0 : i32
      %dma_start3A_627 = tpu.memref_slice %arg12[%dma_start3A_624, %dma_start3A_625, %dma_start3A_626] : memref<16x8x32xf32, #tpu.memory_space<vmem>> -> memref<1x8x32xf32, #tpu.memory_space<vmem>>
      %dma_start3A_628 = arith.constant 0 : i32
      %dma_start3A_629 = arith.constant 0 : i32
      %dma_start3A_630 = tpu.memref_slice %arg5[%squeeze3A_623, %dma_start3A_628, %dma_start3A_629] : memref<125000x8x32xf32, #tpu.memory_space<hbm>> -> memref<1x8x32xf32, #tpu.memory_space<hbm>>
      %dma_start3A_631 = arith.constant 2 : i32
      %dma_start3A_632 = arith.constant 0 : i32
      %dma_start3A_633 = arith.constant 0 : i32
      %dma_start3A_634 = tpu.memref_slice %arg12[%dma_start3A_631, %dma_start3A_632, %dma_start3A_633] : memref<16x8x32xf32, #tpu.memory_space<vmem>> -> memref<1x8x32xf32, #tpu.memory_space<vmem>>
      %dma_start3A_635 = arith.constant 0 : i32
      %dma_start3A_636 = arith.constant 0 : i32
      %dma_start3A_637 = tpu.memref_slice %arg5[%squeeze3A_623, %dma_start3A_635, %dma_start3A_636] : memref<125000x8x32xf32, #tpu.memory_space<hbm>> -> memref<1x8x32xf32, #tpu.memory_space<hbm>>
      tpu.enqueue_dma source(%dma_start3A_637 : memref<1x8x32xf32, #tpu.memory_space<hbm>>) target(%dma_start3A_634 : memref<1x8x32xf32, #tpu.memory_space<vmem>>) target_semaphore(%arg15 : memref<!tpu.dma_semaphore, #tpu.memory_space<semaphore_mem>>)
      %slice3A_638 = vector.extract_strided_slice %shift_right_logical3A_536 {offsets = [3], sizes = [1], strides = [1]} : vector<16xi32> to vector<1xi32>
      %squeeze3A_639 = vector.extract %slice3A_638[0] : i32 from vector<1xi32>
      %dma_start3A_640 = arith.constant 3 : i32
      %dma_start3A_641 = arith.constant 0 : i32
      %dma_start3A_642 = arith.constant 0 : i32
      %dma_start3A_643 = tpu.memref_slice %arg11[%dma_start3A_640, %dma_start3A_641, %dma_start3A_642] : memref<16x8x32xf32, #tpu.memory_space<vmem>> -> memref<1x8x32xf32, #tpu.memory_space<vmem>>
      %dma_start3A_644 = arith.constant 0 : i32
      %dma_start3A_645 = arith.constant 0 : i32
      %dma_start3A_646 = tpu.memref_slice %arg4[%squeeze3A_639, %dma_start3A_644, %dma_start3A_645] : memref<125000x8x32xf32, #tpu.memory_space<hbm>> -> memref<1x8x32xf32, #tpu.memory_space<hbm>>
      %dma_start3A_647 = arith.constant 3 : i32
      %dma_start3A_648 = arith.constant 0 : i32
      %dma_start3A_649 = arith.constant 0 : i32
      %dma_start3A_650 = tpu.memref_slice %arg11[%dma_start3A_647, %dma_start3A_648, %dma_start3A_649] : memref<16x8x32xf32, #tpu.memory_space<vmem>> -> memref<1x8x32xf32, #tpu.memory_space<vmem>>
      %dma_start3A_651 = arith.constant 0 : i32
      %dma_start3A_652 = arith.constant 0 : i32
      %dma_start3A_653 = tpu.memref_slice %arg4[%squeeze3A_639, %dma_start3A_651, %dma_start3A_652] : memref<125000x8x32xf32, #tpu.memory_space<hbm>> -> memref<1x8x32xf32, #tpu.memory_space<hbm>>
      tpu.enqueue_dma source(%dma_start3A_653 : memref<1x8x32xf32, #tpu.memory_space<hbm>>) target(%dma_start3A_650 : memref<1x8x32xf32, #tpu.memory_space<vmem>>) target_semaphore(%arg15 : memref<!tpu.dma_semaphore, #tpu.memory_space<semaphore_mem>>)
      %slice3A_654 = vector.extract_strided_slice %shift_right_logical3A_541 {offsets = [3], sizes = [1], strides = [1]} : vector<16xi32> to vector<1xi32>
      %squeeze3A_655 = vector.extract %slice3A_654[0] : i32 from vector<1xi32>
      %dma_start3A_656 = arith.constant 3 : i32
      %dma_start3A_657 = arith.constant 0 : i32
      %dma_start3A_658 = arith.constant 0 : i32
      %dma_start3A_659 = tpu.memref_slice %arg12[%dma_start3A_656, %dma_start3A_657, %dma_start3A_658] : memref<16x8x32xf32, #tpu.memory_space<vmem>> -> memref<1x8x32xf32, #tpu.memory_space<vmem>>
      %dma_start3A_660 = arith.constant 0 : i32
      %dma_start3A_661 = arith.constant 0 : i32
      %dma_start3A_662 = tpu.memref_slice %arg5[%squeeze3A_655, %dma_start3A_660, %dma_start3A_661] : memref<125000x8x32xf32, #tpu.memory_space<hbm>> -> memref<1x8x32xf32, #tpu.memory_space<hbm>>
      %dma_start3A_663 = arith.constant 3 : i32
      %dma_start3A_664 = arith.constant 0 : i32
      %dma_start3A_665 = arith.constant 0 : i32
      %dma_start3A_666 = tpu.memref_slice %arg12[%dma_start3A_663, %dma_start3A_664, %dma_start3A_665] : memref<16x8x32xf32, #tpu.memory_space<vmem>> -> memref<1x8x32xf32, #tpu.memory_space<vmem>>
      %dma_start3A_667 = arith.constant 0 : i32
      %dma_start3A_668 = arith.constant 0 : i32
      %dma_start3A_669 = tpu.memref_slice %arg5[%squeeze3A_655, %dma_start3A_667, %dma_start3A_668] : memref<125000x8x32xf32, #tpu.memory_space<hbm>> -> memref<1x8x32xf32, #tpu.memory_space<hbm>>
      tpu.enqueue_dma source(%dma_start3A_669 : memref<1x8x32xf32, #tpu.memory_space<hbm>>) target(%dma_start3A_666 : memref<1x8x32xf32, #tpu.memory_space<vmem>>) target_semaphore(%arg15 : memref<!tpu.dma_semaphore, #tpu.memory_space<semaphore_mem>>)
      %slice3A_670 = vector.extract_strided_slice %shift_right_logical3A_536 {offsets = [4], sizes = [1], strides = [1]} : vector<16xi32> to vector<1xi32>
      %squeeze3A_671 = vector.extract %slice3A_670[0] : i32 from vector<1xi32>
      %dma_start3A_672 = arith.constant 4 : i32
      %dma_start3A_673 = arith.constant 0 : i32
      %dma_start3A_674 = arith.constant 0 : i32
      %dma_start3A_675 = tpu.memref_slice %arg11[%dma_start3A_672, %dma_start3A_673, %dma_start3A_674] : memref<16x8x32xf32, #tpu.memory_space<vmem>> -> memref<1x8x32xf32, #tpu.memory_space<vmem>>
      %dma_start3A_676 = arith.constant 0 : i32
      %dma_start3A_677 = arith.constant 0 : i32
      %dma_start3A_678 = tpu.memref_slice %arg4[%squeeze3A_671, %dma_start3A_676, %dma_start3A_677] : memref<125000x8x32xf32, #tpu.memory_space<hbm>> -> memref<1x8x32xf32, #tpu.memory_space<hbm>>
      %dma_start3A_679 = arith.constant 4 : i32
      %dma_start3A_680 = arith.constant 0 : i32
      %dma_start3A_681 = arith.constant 0 : i32
      %dma_start3A_682 = tpu.memref_slice %arg11[%dma_start3A_679, %dma_start3A_680, %dma_start3A_681] : memref<16x8x32xf32, #tpu.memory_space<vmem>> -> memref<1x8x32xf32, #tpu.memory_space<vmem>>
      %dma_start3A_683 = arith.constant 0 : i32
      %dma_start3A_684 = arith.constant 0 : i32
      %dma_start3A_685 = tpu.memref_slice %arg4[%squeeze3A_671, %dma_start3A_683, %dma_start3A_684] : memref<125000x8x32xf32, #tpu.memory_space<hbm>> -> memref<1x8x32xf32, #tpu.memory_space<hbm>>
      tpu.enqueue_dma source(%dma_start3A_685 : memref<1x8x32xf32, #tpu.memory_space<hbm>>) target(%dma_start3A_682 : memref<1x8x32xf32, #tpu.memory_space<vmem>>) target_semaphore(%arg15 : memref<!tpu.dma_semaphore, #tpu.memory_space<semaphore_mem>>)
      %slice3A_686 = vector.extract_strided_slice %shift_right_logical3A_541 {offsets = [4], sizes = [1], strides = [1]} : vector<16xi32> to vector<1xi32>
      %squeeze3A_687 = vector.extract %slice3A_686[0] : i32 from vector<1xi32>
      %dma_start3A_688 = arith.constant 4 : i32
      %dma_start3A_689 = arith.constant 0 : i32
      %dma_start3A_690 = arith.constant 0 : i32
      %dma_start3A_691 = tpu.memref_slice %arg12[%dma_start3A_688, %dma_start3A_689, %dma_start3A_690] : memref<16x8x32xf32, #tpu.memory_space<vmem>> -> memref<1x8x32xf32, #tpu.memory_space<vmem>>
      %dma_start3A_692 = arith.constant 0 : i32
      %dma_start3A_693 = arith.constant 0 : i32
      %dma_start3A_694 = tpu.memref_slice %arg5[%squeeze3A_687, %dma_start3A_692, %dma_start3A_693] : memref<125000x8x32xf32, #tpu.memory_space<hbm>> -> memref<1x8x32xf32, #tpu.memory_space<hbm>>
      %dma_start3A_695 = arith.constant 4 : i32
      %dma_start3A_696 = arith.constant 0 : i32
      %dma_start3A_697 = arith.constant 0 : i32
      %dma_start3A_698 = tpu.memref_slice %arg12[%dma_start3A_695, %dma_start3A_696, %dma_start3A_697] : memref<16x8x32xf32, #tpu.memory_space<vmem>> -> memref<1x8x32xf32, #tpu.memory_space<vmem>>
      %dma_start3A_699 = arith.constant 0 : i32
      %dma_start3A_700 = arith.constant 0 : i32
      %dma_start3A_701 = tpu.memref_slice %arg5[%squeeze3A_687, %dma_start3A_699, %dma_start3A_700] : memref<125000x8x32xf32, #tpu.memory_space<hbm>> -> memref<1x8x32xf32, #tpu.memory_space<hbm>>
      tpu.enqueue_dma source(%dma_start3A_701 : memref<1x8x32xf32, #tpu.memory_space<hbm>>) target(%dma_start3A_698 : memref<1x8x32xf32, #tpu.memory_space<vmem>>) target_semaphore(%arg15 : memref<!tpu.dma_semaphore, #tpu.memory_space<semaphore_mem>>)
      %slice3A_702 = vector.extract_strided_slice %shift_right_logical3A_536 {offsets = [5], sizes = [1], strides = [1]} : vector<16xi32> to vector<1xi32>
      %squeeze3A_703 = vector.extract %slice3A_702[0] : i32 from vector<1xi32>
      %dma_start3A_704 = arith.constant 5 : i32
      %dma_start3A_705 = arith.constant 0 : i32
      %dma_start3A_706 = arith.constant 0 : i32
      %dma_start3A_707 = tpu.memref_slice %arg11[%dma_start3A_704, %dma_start3A_705, %dma_start3A_706] : memref<16x8x32xf32, #tpu.memory_space<vmem>> -> memref<1x8x32xf32, #tpu.memory_space<vmem>>
      %dma_start3A_708 = arith.constant 0 : i32
      %dma_start3A_709 = arith.constant 0 : i32
      %dma_start3A_710 = tpu.memref_slice %arg4[%squeeze3A_703, %dma_start3A_708, %dma_start3A_709] : memref<125000x8x32xf32, #tpu.memory_space<hbm>> -> memref<1x8x32xf32, #tpu.memory_space<hbm>>
      %dma_start3A_711 = arith.constant 5 : i32
      %dma_start3A_712 = arith.constant 0 : i32
      %dma_start3A_713 = arith.constant 0 : i32
      %dma_start3A_714 = tpu.memref_slice %arg11[%dma_start3A_711, %dma_start3A_712, %dma_start3A_713] : memref<16x8x32xf32, #tpu.memory_space<vmem>> -> memref<1x8x32xf32, #tpu.memory_space<vmem>>
      %dma_start3A_715 = arith.constant 0 : i32
      %dma_start3A_716 = arith.constant 0 : i32
      %dma_start3A_717 = tpu.memref_slice %arg4[%squeeze3A_703, %dma_start3A_715, %dma_start3A_716] : memref<125000x8x32xf32, #tpu.memory_space<hbm>> -> memref<1x8x32xf32, #tpu.memory_space<hbm>>
      tpu.enqueue_dma source(%dma_start3A_717 : memref<1x8x32xf32, #tpu.memory_space<hbm>>) target(%dma_start3A_714 : memref<1x8x32xf32, #tpu.memory_space<vmem>>) target_semaphore(%arg15 : memref<!tpu.dma_semaphore, #tpu.memory_space<semaphore_mem>>)
      %slice3A_718 = vector.extract_strided_slice %shift_right_logical3A_541 {offsets = [5], sizes = [1], strides = [1]} : vector<16xi32> to vector<1xi32>
      %squeeze3A_719 = vector.extract %slice3A_718[0] : i32 from vector<1xi32>
      %dma_start3A_720 = arith.constant 5 : i32
      %dma_start3A_721 = arith.constant 0 : i32
      %dma_start3A_722 = arith.constant 0 : i32
      %dma_start3A_723 = tpu.memref_slice %arg12[%dma_start3A_720, %dma_start3A_721, %dma_start3A_722] : memref<16x8x32xf32, #tpu.memory_space<vmem>> -> memref<1x8x32xf32, #tpu.memory_space<vmem>>
      %dma_start3A_724 = arith.constant 0 : i32
      %dma_start3A_725 = arith.constant 0 : i32
      %dma_start3A_726 = tpu.memref_slice %arg5[%squeeze3A_719, %dma_start3A_724, %dma_start3A_725] : memref<125000x8x32xf32, #tpu.memory_space<hbm>> -> memref<1x8x32xf32, #tpu.memory_space<hbm>>
      %dma_start3A_727 = arith.constant 5 : i32
      %dma_start3A_728 = arith.constant 0 : i32
      %dma_start3A_729 = arith.constant 0 : i32
      %dma_start3A_730 = tpu.memref_slice %arg12[%dma_start3A_727, %dma_start3A_728, %dma_start3A_729] : memref<16x8x32xf32, #tpu.memory_space<vmem>> -> memref<1x8x32xf32, #tpu.memory_space<vmem>>
      %dma_start3A_731 = arith.constant 0 : i32
      %dma_start3A_732 = arith.constant 0 : i32
      %dma_start3A_733 = tpu.memref_slice %arg5[%squeeze3A_719, %dma_start3A_731, %dma_start3A_732] : memref<125000x8x32xf32, #tpu.memory_space<hbm>> -> memref<1x8x32xf32, #tpu.memory_space<hbm>>
      tpu.enqueue_dma source(%dma_start3A_733 : memref<1x8x32xf32, #tpu.memory_space<hbm>>) target(%dma_start3A_730 : memref<1x8x32xf32, #tpu.memory_space<vmem>>) target_semaphore(%arg15 : memref<!tpu.dma_semaphore, #tpu.memory_space<semaphore_mem>>)
      %slice3A_734 = vector.extract_strided_slice %shift_right_logical3A_536 {offsets = [6], sizes = [1], strides = [1]} : vector<16xi32> to vector<1xi32>
      %squeeze3A_735 = vector.extract %slice3A_734[0] : i32 from vector<1xi32>
      %dma_start3A_736 = arith.constant 6 : i32
      %dma_start3A_737 = arith.constant 0 : i32
      %dma_start3A_738 = arith.constant 0 : i32
      %dma_start3A_739 = tpu.memref_slice %arg11[%dma_start3A_736, %dma_start3A_737, %dma_start3A_738] : memref<16x8x32xf32, #tpu.memory_space<vmem>> -> memref<1x8x32xf32, #tpu.memory_space<vmem>>
      %dma_start3A_740 = arith.constant 0 : i32
      %dma_start3A_741 = arith.constant 0 : i32
      %dma_start3A_742 = tpu.memref_slice %arg4[%squeeze3A_735, %dma_start3A_740, %dma_start3A_741] : memref<125000x8x32xf32, #tpu.memory_space<hbm>> -> memref<1x8x32xf32, #tpu.memory_space<hbm>>
      %dma_start3A_743 = arith.constant 6 : i32
      %dma_start3A_744 = arith.constant 0 : i32
      %dma_start3A_745 = arith.constant 0 : i32
      %dma_start3A_746 = tpu.memref_slice %arg11[%dma_start3A_743, %dma_start3A_744, %dma_start3A_745] : memref<16x8x32xf32, #tpu.memory_space<vmem>> -> memref<1x8x32xf32, #tpu.memory_space<vmem>>
      %dma_start3A_747 = arith.constant 0 : i32
      %dma_start3A_748 = arith.constant 0 : i32
      %dma_start3A_749 = tpu.memref_slice %arg4[%squeeze3A_735, %dma_start3A_747, %dma_start3A_748] : memref<125000x8x32xf32, #tpu.memory_space<hbm>> -> memref<1x8x32xf32, #tpu.memory_space<hbm>>
      tpu.enqueue_dma source(%dma_start3A_749 : memref<1x8x32xf32, #tpu.memory_space<hbm>>) target(%dma_start3A_746 : memref<1x8x32xf32, #tpu.memory_space<vmem>>) target_semaphore(%arg15 : memref<!tpu.dma_semaphore, #tpu.memory_space<semaphore_mem>>)
      %slice3A_750 = vector.extract_strided_slice %shift_right_logical3A_541 {offsets = [6], sizes = [1], strides = [1]} : vector<16xi32> to vector<1xi32>
      %squeeze3A_751 = vector.extract %slice3A_750[0] : i32 from vector<1xi32>
      %dma_start3A_752 = arith.constant 6 : i32
      %dma_start3A_753 = arith.constant 0 : i32
      %dma_start3A_754 = arith.constant 0 : i32
      %dma_start3A_755 = tpu.memref_slice %arg12[%dma_start3A_752, %dma_start3A_753, %dma_start3A_754] : memref<16x8x32xf32, #tpu.memory_space<vmem>> -> memref<1x8x32xf32, #tpu.memory_space<vmem>>
      %dma_start3A_756 = arith.constant 0 : i32
      %dma_start3A_757 = arith.constant 0 : i32
      %dma_start3A_758 = tpu.memref_slice %arg5[%squeeze3A_751, %dma_start3A_756, %dma_start3A_757] : memref<125000x8x32xf32, #tpu.memory_space<hbm>> -> memref<1x8x32xf32, #tpu.memory_space<hbm>>
      %dma_start3A_759 = arith.constant 6 : i32
      %dma_start3A_760 = arith.constant 0 : i32
      %dma_start3A_761 = arith.constant 0 : i32
      %dma_start3A_762 = tpu.memref_slice %arg12[%dma_start3A_759, %dma_start3A_760, %dma_start3A_761] : memref<16x8x32xf32, #tpu.memory_space<vmem>> -> memref<1x8x32xf32, #tpu.memory_space<vmem>>
      %dma_start3A_763 = arith.constant 0 : i32
      %dma_start3A_764 = arith.constant 0 : i32
      %dma_start3A_765 = tpu.memref_slice %arg5[%squeeze3A_751, %dma_start3A_763, %dma_start3A_764] : memref<125000x8x32xf32, #tpu.memory_space<hbm>> -> memref<1x8x32xf32, #tpu.memory_space<hbm>>
      tpu.enqueue_dma source(%dma_start3A_765 : memref<1x8x32xf32, #tpu.memory_space<hbm>>) target(%dma_start3A_762 : memref<1x8x32xf32, #tpu.memory_space<vmem>>) target_semaphore(%arg15 : memref<!tpu.dma_semaphore, #tpu.memory_space<semaphore_mem>>)
      %slice3A_766 = vector.extract_strided_slice %shift_right_logical3A_536 {offsets = [7], sizes = [1], strides = [1]} : vector<16xi32> to vector<1xi32>
      %squeeze3A_767 = vector.extract %slice3A_766[0] : i32 from vector<1xi32>
      %dma_start3A_768 = arith.constant 7 : i32
      %dma_start3A_769 = arith.constant 0 : i32
      %dma_start3A_770 = arith.constant 0 : i32
      %dma_start3A_771 = tpu.memref_slice %arg11[%dma_start3A_768, %dma_start3A_769, %dma_start3A_770] : memref<16x8x32xf32, #tpu.memory_space<vmem>> -> memref<1x8x32xf32, #tpu.memory_space<vmem>>
      %dma_start3A_772 = arith.constant 0 : i32
      %dma_start3A_773 = arith.constant 0 : i32
      %dma_start3A_774 = tpu.memref_slice %arg4[%squeeze3A_767, %dma_start3A_772, %dma_start3A_773] : memref<125000x8x32xf32, #tpu.memory_space<hbm>> -> memref<1x8x32xf32, #tpu.memory_space<hbm>>
      %dma_start3A_775 = arith.constant 7 : i32
      %dma_start3A_776 = arith.constant 0 : i32
      %dma_start3A_777 = arith.constant 0 : i32
      %dma_start3A_778 = tpu.memref_slice %arg11[%dma_start3A_775, %dma_start3A_776, %dma_start3A_777] : memref<16x8x32xf32, #tpu.memory_space<vmem>> -> memref<1x8x32xf32, #tpu.memory_space<vmem>>
      %dma_start3A_779 = arith.constant 0 : i32
      %dma_start3A_780 = arith.constant 0 : i32
      %dma_start3A_781 = tpu.memref_slice %arg4[%squeeze3A_767, %dma_start3A_779, %dma_start3A_780] : memref<125000x8x32xf32, #tpu.memory_space<hbm>> -> memref<1x8x32xf32, #tpu.memory_space<hbm>>
      tpu.enqueue_dma source(%dma_start3A_781 : memref<1x8x32xf32, #tpu.memory_space<hbm>>) target(%dma_start3A_778 : memref<1x8x32xf32, #tpu.memory_space<vmem>>) target_semaphore(%arg15 : memref<!tpu.dma_semaphore, #tpu.memory_space<semaphore_mem>>)
      %slice3A_782 = vector.extract_strided_slice %shift_right_logical3A_541 {offsets = [7], sizes = [1], strides = [1]} : vector<16xi32> to vector<1xi32>
      %squeeze3A_783 = vector.extract %slice3A_782[0] : i32 from vector<1xi32>
      %dma_start3A_784 = arith.constant 7 : i32
      %dma_start3A_785 = arith.constant 0 : i32
      %dma_start3A_786 = arith.constant 0 : i32
      %dma_start3A_787 = tpu.memref_slice %arg12[%dma_start3A_784, %dma_start3A_785, %dma_start3A_786] : memref<16x8x32xf32, #tpu.memory_space<vmem>> -> memref<1x8x32xf32, #tpu.memory_space<vmem>>
      %dma_start3A_788 = arith.constant 0 : i32
      %dma_start3A_789 = arith.constant 0 : i32
      %dma_start3A_790 = tpu.memref_slice %arg5[%squeeze3A_783, %dma_start3A_788, %dma_start3A_789] : memref<125000x8x32xf32, #tpu.memory_space<hbm>> -> memref<1x8x32xf32, #tpu.memory_space<hbm>>
      %dma_start3A_791 = arith.constant 7 : i32
      %dma_start3A_792 = arith.constant 0 : i32
      %dma_start3A_793 = arith.constant 0 : i32
      %dma_start3A_794 = tpu.memref_slice %arg12[%dma_start3A_791, %dma_start3A_792, %dma_start3A_793] : memref<16x8x32xf32, #tpu.memory_space<vmem>> -> memref<1x8x32xf32, #tpu.memory_space<vmem>>
      %dma_start3A_795 = arith.constant 0 : i32
      %dma_start3A_796 = arith.constant 0 : i32
      %dma_start3A_797 = tpu.memref_slice %arg5[%squeeze3A_783, %dma_start3A_795, %dma_start3A_796] : memref<125000x8x32xf32, #tpu.memory_space<hbm>> -> memref<1x8x32xf32, #tpu.memory_space<hbm>>
      tpu.enqueue_dma source(%dma_start3A_797 : memref<1x8x32xf32, #tpu.memory_space<hbm>>) target(%dma_start3A_794 : memref<1x8x32xf32, #tpu.memory_space<vmem>>) target_semaphore(%arg15 : memref<!tpu.dma_semaphore, #tpu.memory_space<semaphore_mem>>)
      %slice3A_798 = vector.extract_strided_slice %shift_right_logical3A_536 {offsets = [8], sizes = [1], strides = [1]} : vector<16xi32> to vector<1xi32>
      %squeeze3A_799 = vector.extract %slice3A_798[0] : i32 from vector<1xi32>
      %dma_start3A_800 = arith.constant 8 : i32
      %dma_start3A_801 = arith.constant 0 : i32
      %dma_start3A_802 = arith.constant 0 : i32
      %dma_start3A_803 = tpu.memref_slice %arg11[%dma_start3A_800, %dma_start3A_801, %dma_start3A_802] : memref<16x8x32xf32, #tpu.memory_space<vmem>> -> memref<1x8x32xf32, #tpu.memory_space<vmem>>
      %dma_start3A_804 = arith.constant 0 : i32
      %dma_start3A_805 = arith.constant 0 : i32
      %dma_start3A_806 = tpu.memref_slice %arg4[%squeeze3A_799, %dma_start3A_804, %dma_start3A_805] : memref<125000x8x32xf32, #tpu.memory_space<hbm>> -> memref<1x8x32xf32, #tpu.memory_space<hbm>>
      %dma_start3A_807 = arith.constant 8 : i32
      %dma_start3A_808 = arith.constant 0 : i32
      %dma_start3A_809 = arith.constant 0 : i32
      %dma_start3A_810 = tpu.memref_slice %arg11[%dma_start3A_807, %dma_start3A_808, %dma_start3A_809] : memref<16x8x32xf32, #tpu.memory_space<vmem>> -> memref<1x8x32xf32, #tpu.memory_space<vmem>>
      %dma_start3A_811 = arith.constant 0 : i32
      %dma_start3A_812 = arith.constant 0 : i32
      %dma_start3A_813 = tpu.memref_slice %arg4[%squeeze3A_799, %dma_start3A_811, %dma_start3A_812] : memref<125000x8x32xf32, #tpu.memory_space<hbm>> -> memref<1x8x32xf32, #tpu.memory_space<hbm>>
      tpu.enqueue_dma source(%dma_start3A_813 : memref<1x8x32xf32, #tpu.memory_space<hbm>>) target(%dma_start3A_810 : memref<1x8x32xf32, #tpu.memory_space<vmem>>) target_semaphore(%arg15 : memref<!tpu.dma_semaphore, #tpu.memory_space<semaphore_mem>>)
      %slice3A_814 = vector.extract_strided_slice %shift_right_logical3A_541 {offsets = [8], sizes = [1], strides = [1]} : vector<16xi32> to vector<1xi32>
      %squeeze3A_815 = vector.extract %slice3A_814[0] : i32 from vector<1xi32>
      %dma_start3A_816 = arith.constant 8 : i32
      %dma_start3A_817 = arith.constant 0 : i32
      %dma_start3A_818 = arith.constant 0 : i32
      %dma_start3A_819 = tpu.memref_slice %arg12[%dma_start3A_816, %dma_start3A_817, %dma_start3A_818] : memref<16x8x32xf32, #tpu.memory_space<vmem>> -> memref<1x8x32xf32, #tpu.memory_space<vmem>>
      %dma_start3A_820 = arith.constant 0 : i32
      %dma_start3A_821 = arith.constant 0 : i32
      %dma_start3A_822 = tpu.memref_slice %arg5[%squeeze3A_815, %dma_start3A_820, %dma_start3A_821] : memref<125000x8x32xf32, #tpu.memory_space<hbm>> -> memref<1x8x32xf32, #tpu.memory_space<hbm>>
      %dma_start3A_823 = arith.constant 8 : i32
      %dma_start3A_824 = arith.constant 0 : i32
      %dma_start3A_825 = arith.constant 0 : i32
      %dma_start3A_826 = tpu.memref_slice %arg12[%dma_start3A_823, %dma_start3A_824, %dma_start3A_825] : memref<16x8x32xf32, #tpu.memory_space<vmem>> -> memref<1x8x32xf32, #tpu.memory_space<vmem>>
      %dma_start3A_827 = arith.constant 0 : i32
      %dma_start3A_828 = arith.constant 0 : i32
      %dma_start3A_829 = tpu.memref_slice %arg5[%squeeze3A_815, %dma_start3A_827, %dma_start3A_828] : memref<125000x8x32xf32, #tpu.memory_space<hbm>> -> memref<1x8x32xf32, #tpu.memory_space<hbm>>
      tpu.enqueue_dma source(%dma_start3A_829 : memref<1x8x32xf32, #tpu.memory_space<hbm>>) target(%dma_start3A_826 : memref<1x8x32xf32, #tpu.memory_space<vmem>>) target_semaphore(%arg15 : memref<!tpu.dma_semaphore, #tpu.memory_space<semaphore_mem>>)
      %slice3A_830 = vector.extract_strided_slice %shift_right_logical3A_536 {offsets = [9], sizes = [1], strides = [1]} : vector<16xi32> to vector<1xi32>
      %squeeze3A_831 = vector.extract %slice3A_830[0] : i32 from vector<1xi32>
      %dma_start3A_832 = arith.constant 9 : i32
      %dma_start3A_833 = arith.constant 0 : i32
      %dma_start3A_834 = arith.constant 0 : i32
      %dma_start3A_835 = tpu.memref_slice %arg11[%dma_start3A_832, %dma_start3A_833, %dma_start3A_834] : memref<16x8x32xf32, #tpu.memory_space<vmem>> -> memref<1x8x32xf32, #tpu.memory_space<vmem>>
      %dma_start3A_836 = arith.constant 0 : i32
      %dma_start3A_837 = arith.constant 0 : i32
      %dma_start3A_838 = tpu.memref_slice %arg4[%squeeze3A_831, %dma_start3A_836, %dma_start3A_837] : memref<125000x8x32xf32, #tpu.memory_space<hbm>> -> memref<1x8x32xf32, #tpu.memory_space<hbm>>
      %dma_start3A_839 = arith.constant 9 : i32
      %dma_start3A_840 = arith.constant 0 : i32
      %dma_start3A_841 = arith.constant 0 : i32
      %dma_start3A_842 = tpu.memref_slice %arg11[%dma_start3A_839, %dma_start3A_840, %dma_start3A_841] : memref<16x8x32xf32, #tpu.memory_space<vmem>> -> memref<1x8x32xf32, #tpu.memory_space<vmem>>
      %dma_start3A_843 = arith.constant 0 : i32
      %dma_start3A_844 = arith.constant 0 : i32
      %dma_start3A_845 = tpu.memref_slice %arg4[%squeeze3A_831, %dma_start3A_843, %dma_start3A_844] : memref<125000x8x32xf32, #tpu.memory_space<hbm>> -> memref<1x8x32xf32, #tpu.memory_space<hbm>>
      tpu.enqueue_dma source(%dma_start3A_845 : memref<1x8x32xf32, #tpu.memory_space<hbm>>) target(%dma_start3A_842 : memref<1x8x32xf32, #tpu.memory_space<vmem>>) target_semaphore(%arg15 : memref<!tpu.dma_semaphore, #tpu.memory_space<semaphore_mem>>)
      %slice3A_846 = vector.extract_strided_slice %shift_right_logical3A_541 {offsets = [9], sizes = [1], strides = [1]} : vector<16xi32> to vector<1xi32>
      %squeeze3A_847 = vector.extract %slice3A_846[0] : i32 from vector<1xi32>
      %dma_start3A_848 = arith.constant 9 : i32
      %dma_start3A_849 = arith.constant 0 : i32
      %dma_start3A_850 = arith.constant 0 : i32
      %dma_start3A_851 = tpu.memref_slice %arg12[%dma_start3A_848, %dma_start3A_849, %dma_start3A_850] : memref<16x8x32xf32, #tpu.memory_space<vmem>> -> memref<1x8x32xf32, #tpu.memory_space<vmem>>
      %dma_start3A_852 = arith.constant 0 : i32
      %dma_start3A_853 = arith.constant 0 : i32
      %dma_start3A_854 = tpu.memref_slice %arg5[%squeeze3A_847, %dma_start3A_852, %dma_start3A_853] : memref<125000x8x32xf32, #tpu.memory_space<hbm>> -> memref<1x8x32xf32, #tpu.memory_space<hbm>>
      %dma_start3A_855 = arith.constant 9 : i32
      %dma_start3A_856 = arith.constant 0 : i32
      %dma_start3A_857 = arith.constant 0 : i32
      %dma_start3A_858 = tpu.memref_slice %arg12[%dma_start3A_855, %dma_start3A_856, %dma_start3A_857] : memref<16x8x32xf32, #tpu.memory_space<vmem>> -> memref<1x8x32xf32, #tpu.memory_space<vmem>>
      %dma_start3A_859 = arith.constant 0 : i32
      %dma_start3A_860 = arith.constant 0 : i32
      %dma_start3A_861 = tpu.memref_slice %arg5[%squeeze3A_847, %dma_start3A_859, %dma_start3A_860] : memref<125000x8x32xf32, #tpu.memory_space<hbm>> -> memref<1x8x32xf32, #tpu.memory_space<hbm>>
      tpu.enqueue_dma source(%dma_start3A_861 : memref<1x8x32xf32, #tpu.memory_space<hbm>>) target(%dma_start3A_858 : memref<1x8x32xf32, #tpu.memory_space<vmem>>) target_semaphore(%arg15 : memref<!tpu.dma_semaphore, #tpu.memory_space<semaphore_mem>>)
      %slice3A_862 = vector.extract_strided_slice %shift_right_logical3A_536 {offsets = [10], sizes = [1], strides = [1]} : vector<16xi32> to vector<1xi32>
      %squeeze3A_863 = vector.extract %slice3A_862[0] : i32 from vector<1xi32>
      %dma_start3A_864 = arith.constant 10 : i32
      %dma_start3A_865 = arith.constant 0 : i32
      %dma_start3A_866 = arith.constant 0 : i32
      %dma_start3A_867 = tpu.memref_slice %arg11[%dma_start3A_864, %dma_start3A_865, %dma_start3A_866] : memref<16x8x32xf32, #tpu.memory_space<vmem>> -> memref<1x8x32xf32, #tpu.memory_space<vmem>>
      %dma_start3A_868 = arith.constant 0 : i32
      %dma_start3A_869 = arith.constant 0 : i32
      %dma_start3A_870 = tpu.memref_slice %arg4[%squeeze3A_863, %dma_start3A_868, %dma_start3A_869] : memref<125000x8x32xf32, #tpu.memory_space<hbm>> -> memref<1x8x32xf32, #tpu.memory_space<hbm>>
      %dma_start3A_871 = arith.constant 10 : i32
      %dma_start3A_872 = arith.constant 0 : i32
      %dma_start3A_873 = arith.constant 0 : i32
      %dma_start3A_874 = tpu.memref_slice %arg11[%dma_start3A_871, %dma_start3A_872, %dma_start3A_873] : memref<16x8x32xf32, #tpu.memory_space<vmem>> -> memref<1x8x32xf32, #tpu.memory_space<vmem>>
      %dma_start3A_875 = arith.constant 0 : i32
      %dma_start3A_876 = arith.constant 0 : i32
      %dma_start3A_877 = tpu.memref_slice %arg4[%squeeze3A_863, %dma_start3A_875, %dma_start3A_876] : memref<125000x8x32xf32, #tpu.memory_space<hbm>> -> memref<1x8x32xf32, #tpu.memory_space<hbm>>
      tpu.enqueue_dma source(%dma_start3A_877 : memref<1x8x32xf32, #tpu.memory_space<hbm>>) target(%dma_start3A_874 : memref<1x8x32xf32, #tpu.memory_space<vmem>>) target_semaphore(%arg15 : memref<!tpu.dma_semaphore, #tpu.memory_space<semaphore_mem>>)
      %slice3A_878 = vector.extract_strided_slice %shift_right_logical3A_541 {offsets = [10], sizes = [1], strides = [1]} : vector<16xi32> to vector<1xi32>
      %squeeze3A_879 = vector.extract %slice3A_878[0] : i32 from vector<1xi32>
      %dma_start3A_880 = arith.constant 10 : i32
      %dma_start3A_881 = arith.constant 0 : i32
      %dma_start3A_882 = arith.constant 0 : i32
      %dma_start3A_883 = tpu.memref_slice %arg12[%dma_start3A_880, %dma_start3A_881, %dma_start3A_882] : memref<16x8x32xf32, #tpu.memory_space<vmem>> -> memref<1x8x32xf32, #tpu.memory_space<vmem>>
      %dma_start3A_884 = arith.constant 0 : i32
      %dma_start3A_885 = arith.constant 0 : i32
      %dma_start3A_886 = tpu.memref_slice %arg5[%squeeze3A_879, %dma_start3A_884, %dma_start3A_885] : memref<125000x8x32xf32, #tpu.memory_space<hbm>> -> memref<1x8x32xf32, #tpu.memory_space<hbm>>
      %dma_start3A_887 = arith.constant 10 : i32
      %dma_start3A_888 = arith.constant 0 : i32
      %dma_start3A_889 = arith.constant 0 : i32
      %dma_start3A_890 = tpu.memref_slice %arg12[%dma_start3A_887, %dma_start3A_888, %dma_start3A_889] : memref<16x8x32xf32, #tpu.memory_space<vmem>> -> memref<1x8x32xf32, #tpu.memory_space<vmem>>
      %dma_start3A_891 = arith.constant 0 : i32
      %dma_start3A_892 = arith.constant 0 : i32
      %dma_start3A_893 = tpu.memref_slice %arg5[%squeeze3A_879, %dma_start3A_891, %dma_start3A_892] : memref<125000x8x32xf32, #tpu.memory_space<hbm>> -> memref<1x8x32xf32, #tpu.memory_space<hbm>>
      tpu.enqueue_dma source(%dma_start3A_893 : memref<1x8x32xf32, #tpu.memory_space<hbm>>) target(%dma_start3A_890 : memref<1x8x32xf32, #tpu.memory_space<vmem>>) target_semaphore(%arg15 : memref<!tpu.dma_semaphore, #tpu.memory_space<semaphore_mem>>)
      %slice3A_894 = vector.extract_strided_slice %shift_right_logical3A_536 {offsets = [11], sizes = [1], strides = [1]} : vector<16xi32> to vector<1xi32>
      %squeeze3A_895 = vector.extract %slice3A_894[0] : i32 from vector<1xi32>
      %dma_start3A_896 = arith.constant 11 : i32
      %dma_start3A_897 = arith.constant 0 : i32
      %dma_start3A_898 = arith.constant 0 : i32
      %dma_start3A_899 = tpu.memref_slice %arg11[%dma_start3A_896, %dma_start3A_897, %dma_start3A_898] : memref<16x8x32xf32, #tpu.memory_space<vmem>> -> memref<1x8x32xf32, #tpu.memory_space<vmem>>
      %dma_start3A_900 = arith.constant 0 : i32
      %dma_start3A_901 = arith.constant 0 : i32
      %dma_start3A_902 = tpu.memref_slice %arg4[%squeeze3A_895, %dma_start3A_900, %dma_start3A_901] : memref<125000x8x32xf32, #tpu.memory_space<hbm>> -> memref<1x8x32xf32, #tpu.memory_space<hbm>>
      %dma_start3A_903 = arith.constant 11 : i32
      %dma_start3A_904 = arith.constant 0 : i32
      %dma_start3A_905 = arith.constant 0 : i32
      %dma_start3A_906 = tpu.memref_slice %arg11[%dma_start3A_903, %dma_start3A_904, %dma_start3A_905] : memref<16x8x32xf32, #tpu.memory_space<vmem>> -> memref<1x8x32xf32, #tpu.memory_space<vmem>>
      %dma_start3A_907 = arith.constant 0 : i32
      %dma_start3A_908 = arith.constant 0 : i32
      %dma_start3A_909 = tpu.memref_slice %arg4[%squeeze3A_895, %dma_start3A_907, %dma_start3A_908] : memref<125000x8x32xf32, #tpu.memory_space<hbm>> -> memref<1x8x32xf32, #tpu.memory_space<hbm>>
      tpu.enqueue_dma source(%dma_start3A_909 : memref<1x8x32xf32, #tpu.memory_space<hbm>>) target(%dma_start3A_906 : memref<1x8x32xf32, #tpu.memory_space<vmem>>) target_semaphore(%arg15 : memref<!tpu.dma_semaphore, #tpu.memory_space<semaphore_mem>>)
      %slice3A_910 = vector.extract_strided_slice %shift_right_logical3A_541 {offsets = [11], sizes = [1], strides = [1]} : vector<16xi32> to vector<1xi32>
      %squeeze3A_911 = vector.extract %slice3A_910[0] : i32 from vector<1xi32>
      %dma_start3A_912 = arith.constant 11 : i32
      %dma_start3A_913 = arith.constant 0 : i32
      %dma_start3A_914 = arith.constant 0 : i32
      %dma_start3A_915 = tpu.memref_slice %arg12[%dma_start3A_912, %dma_start3A_913, %dma_start3A_914] : memref<16x8x32xf32, #tpu.memory_space<vmem>> -> memref<1x8x32xf32, #tpu.memory_space<vmem>>
      %dma_start3A_916 = arith.constant 0 : i32
      %dma_start3A_917 = arith.constant 0 : i32
      %dma_start3A_918 = tpu.memref_slice %arg5[%squeeze3A_911, %dma_start3A_916, %dma_start3A_917] : memref<125000x8x32xf32, #tpu.memory_space<hbm>> -> memref<1x8x32xf32, #tpu.memory_space<hbm>>
      %dma_start3A_919 = arith.constant 11 : i32
      %dma_start3A_920 = arith.constant 0 : i32
      %dma_start3A_921 = arith.constant 0 : i32
      %dma_start3A_922 = tpu.memref_slice %arg12[%dma_start3A_919, %dma_start3A_920, %dma_start3A_921] : memref<16x8x32xf32, #tpu.memory_space<vmem>> -> memref<1x8x32xf32, #tpu.memory_space<vmem>>
      %dma_start3A_923 = arith.constant 0 : i32
      %dma_start3A_924 = arith.constant 0 : i32
      %dma_start3A_925 = tpu.memref_slice %arg5[%squeeze3A_911, %dma_start3A_923, %dma_start3A_924] : memref<125000x8x32xf32, #tpu.memory_space<hbm>> -> memref<1x8x32xf32, #tpu.memory_space<hbm>>
      tpu.enqueue_dma source(%dma_start3A_925 : memref<1x8x32xf32, #tpu.memory_space<hbm>>) target(%dma_start3A_922 : memref<1x8x32xf32, #tpu.memory_space<vmem>>) target_semaphore(%arg15 : memref<!tpu.dma_semaphore, #tpu.memory_space<semaphore_mem>>)
      %slice3A_926 = vector.extract_strided_slice %shift_right_logical3A_536 {offsets = [12], sizes = [1], strides = [1]} : vector<16xi32> to vector<1xi32>
      %squeeze3A_927 = vector.extract %slice3A_926[0] : i32 from vector<1xi32>
      %dma_start3A_928 = arith.constant 12 : i32
      %dma_start3A_929 = arith.constant 0 : i32
      %dma_start3A_930 = arith.constant 0 : i32
      %dma_start3A_931 = tpu.memref_slice %arg11[%dma_start3A_928, %dma_start3A_929, %dma_start3A_930] : memref<16x8x32xf32, #tpu.memory_space<vmem>> -> memref<1x8x32xf32, #tpu.memory_space<vmem>>
      %dma_start3A_932 = arith.constant 0 : i32
      %dma_start3A_933 = arith.constant 0 : i32
      %dma_start3A_934 = tpu.memref_slice %arg4[%squeeze3A_927, %dma_start3A_932, %dma_start3A_933] : memref<125000x8x32xf32, #tpu.memory_space<hbm>> -> memref<1x8x32xf32, #tpu.memory_space<hbm>>
      %dma_start3A_935 = arith.constant 12 : i32
      %dma_start3A_936 = arith.constant 0 : i32
      %dma_start3A_937 = arith.constant 0 : i32
      %dma_start3A_938 = tpu.memref_slice %arg11[%dma_start3A_935, %dma_start3A_936, %dma_start3A_937] : memref<16x8x32xf32, #tpu.memory_space<vmem>> -> memref<1x8x32xf32, #tpu.memory_space<vmem>>
      %dma_start3A_939 = arith.constant 0 : i32
      %dma_start3A_940 = arith.constant 0 : i32
      %dma_start3A_941 = tpu.memref_slice %arg4[%squeeze3A_927, %dma_start3A_939, %dma_start3A_940] : memref<125000x8x32xf32, #tpu.memory_space<hbm>> -> memref<1x8x32xf32, #tpu.memory_space<hbm>>
      tpu.enqueue_dma source(%dma_start3A_941 : memref<1x8x32xf32, #tpu.memory_space<hbm>>) target(%dma_start3A_938 : memref<1x8x32xf32, #tpu.memory_space<vmem>>) target_semaphore(%arg15 : memref<!tpu.dma_semaphore, #tpu.memory_space<semaphore_mem>>)
      %slice3A_942 = vector.extract_strided_slice %shift_right_logical3A_541 {offsets = [12], sizes = [1], strides = [1]} : vector<16xi32> to vector<1xi32>
      %squeeze3A_943 = vector.extract %slice3A_942[0] : i32 from vector<1xi32>
      %dma_start3A_944 = arith.constant 12 : i32
      %dma_start3A_945 = arith.constant 0 : i32
      %dma_start3A_946 = arith.constant 0 : i32
      %dma_start3A_947 = tpu.memref_slice %arg12[%dma_start3A_944, %dma_start3A_945, %dma_start3A_946] : memref<16x8x32xf32, #tpu.memory_space<vmem>> -> memref<1x8x32xf32, #tpu.memory_space<vmem>>
      %dma_start3A_948 = arith.constant 0 : i32
      %dma_start3A_949 = arith.constant 0 : i32
      %dma_start3A_950 = tpu.memref_slice %arg5[%squeeze3A_943, %dma_start3A_948, %dma_start3A_949] : memref<125000x8x32xf32, #tpu.memory_space<hbm>> -> memref<1x8x32xf32, #tpu.memory_space<hbm>>
      %dma_start3A_951 = arith.constant 12 : i32
      %dma_start3A_952 = arith.constant 0 : i32
      %dma_start3A_953 = arith.constant 0 : i32
      %dma_start3A_954 = tpu.memref_slice %arg12[%dma_start3A_951, %dma_start3A_952, %dma_start3A_953] : memref<16x8x32xf32, #tpu.memory_space<vmem>> -> memref<1x8x32xf32, #tpu.memory_space<vmem>>
      %dma_start3A_955 = arith.constant 0 : i32
      %dma_start3A_956 = arith.constant 0 : i32
      %dma_start3A_957 = tpu.memref_slice %arg5[%squeeze3A_943, %dma_start3A_955, %dma_start3A_956] : memref<125000x8x32xf32, #tpu.memory_space<hbm>> -> memref<1x8x32xf32, #tpu.memory_space<hbm>>
      tpu.enqueue_dma source(%dma_start3A_957 : memref<1x8x32xf32, #tpu.memory_space<hbm>>) target(%dma_start3A_954 : memref<1x8x32xf32, #tpu.memory_space<vmem>>) target_semaphore(%arg15 : memref<!tpu.dma_semaphore, #tpu.memory_space<semaphore_mem>>)
      %slice3A_958 = vector.extract_strided_slice %shift_right_logical3A_536 {offsets = [13], sizes = [1], strides = [1]} : vector<16xi32> to vector<1xi32>
      %squeeze3A_959 = vector.extract %slice3A_958[0] : i32 from vector<1xi32>
      %dma_start3A_960 = arith.constant 13 : i32
      %dma_start3A_961 = arith.constant 0 : i32
      %dma_start3A_962 = arith.constant 0 : i32
      %dma_start3A_963 = tpu.memref_slice %arg11[%dma_start3A_960, %dma_start3A_961, %dma_start3A_962] : memref<16x8x32xf32, #tpu.memory_space<vmem>> -> memref<1x8x32xf32, #tpu.memory_space<vmem>>
      %dma_start3A_964 = arith.constant 0 : i32
      %dma_start3A_965 = arith.constant 0 : i32
      %dma_start3A_966 = tpu.memref_slice %arg4[%squeeze3A_959, %dma_start3A_964, %dma_start3A_965] : memref<125000x8x32xf32, #tpu.memory_space<hbm>> -> memref<1x8x32xf32, #tpu.memory_space<hbm>>
      %dma_start3A_967 = arith.constant 13 : i32
      %dma_start3A_968 = arith.constant 0 : i32
      %dma_start3A_969 = arith.constant 0 : i32
      %dma_start3A_970 = tpu.memref_slice %arg11[%dma_start3A_967, %dma_start3A_968, %dma_start3A_969] : memref<16x8x32xf32, #tpu.memory_space<vmem>> -> memref<1x8x32xf32, #tpu.memory_space<vmem>>
      %dma_start3A_971 = arith.constant 0 : i32
      %dma_start3A_972 = arith.constant 0 : i32
      %dma_start3A_973 = tpu.memref_slice %arg4[%squeeze3A_959, %dma_start3A_971, %dma_start3A_972] : memref<125000x8x32xf32, #tpu.memory_space<hbm>> -> memref<1x8x32xf32, #tpu.memory_space<hbm>>
      tpu.enqueue_dma source(%dma_start3A_973 : memref<1x8x32xf32, #tpu.memory_space<hbm>>) target(%dma_start3A_970 : memref<1x8x32xf32, #tpu.memory_space<vmem>>) target_semaphore(%arg15 : memref<!tpu.dma_semaphore, #tpu.memory_space<semaphore_mem>>)
      %slice3A_974 = vector.extract_strided_slice %shift_right_logical3A_541 {offsets = [13], sizes = [1], strides = [1]} : vector<16xi32> to vector<1xi32>
      %squeeze3A_975 = vector.extract %slice3A_974[0] : i32 from vector<1xi32>
      %dma_start3A_976 = arith.constant 13 : i32
      %dma_start3A_977 = arith.constant 0 : i32
      %dma_start3A_978 = arith.constant 0 : i32
      %dma_start3A_979 = tpu.memref_slice %arg12[%dma_start3A_976, %dma_start3A_977, %dma_start3A_978] : memref<16x8x32xf32, #tpu.memory_space<vmem>> -> memref<1x8x32xf32, #tpu.memory_space<vmem>>
      %dma_start3A_980 = arith.constant 0 : i32
      %dma_start3A_981 = arith.constant 0 : i32
      %dma_start3A_982 = tpu.memref_slice %arg5[%squeeze3A_975, %dma_start3A_980, %dma_start3A_981] : memref<125000x8x32xf32, #tpu.memory_space<hbm>> -> memref<1x8x32xf32, #tpu.memory_space<hbm>>
      %dma_start3A_983 = arith.constant 13 : i32
      %dma_start3A_984 = arith.constant 0 : i32
      %dma_start3A_985 = arith.constant 0 : i32
      %dma_start3A_986 = tpu.memref_slice %arg12[%dma_start3A_983, %dma_start3A_984, %dma_start3A_985] : memref<16x8x32xf32, #tpu.memory_space<vmem>> -> memref<1x8x32xf32, #tpu.memory_space<vmem>>
      %dma_start3A_987 = arith.constant 0 : i32
      %dma_start3A_988 = arith.constant 0 : i32
      %dma_start3A_989 = tpu.memref_slice %arg5[%squeeze3A_975, %dma_start3A_987, %dma_start3A_988] : memref<125000x8x32xf32, #tpu.memory_space<hbm>> -> memref<1x8x32xf32, #tpu.memory_space<hbm>>
      tpu.enqueue_dma source(%dma_start3A_989 : memref<1x8x32xf32, #tpu.memory_space<hbm>>) target(%dma_start3A_986 : memref<1x8x32xf32, #tpu.memory_space<vmem>>) target_semaphore(%arg15 : memref<!tpu.dma_semaphore, #tpu.memory_space<semaphore_mem>>)
      %slice3A_990 = vector.extract_strided_slice %shift_right_logical3A_536 {offsets = [14], sizes = [1], strides = [1]} : vector<16xi32> to vector<1xi32>
      %squeeze3A_991 = vector.extract %slice3A_990[0] : i32 from vector<1xi32>
      %dma_start3A_992 = arith.constant 14 : i32
      %dma_start3A_993 = arith.constant 0 : i32
      %dma_start3A_994 = arith.constant 0 : i32
      %dma_start3A_995 = tpu.memref_slice %arg11[%dma_start3A_992, %dma_start3A_993, %dma_start3A_994] : memref<16x8x32xf32, #tpu.memory_space<vmem>> -> memref<1x8x32xf32, #tpu.memory_space<vmem>>
      %dma_start3A_996 = arith.constant 0 : i32
      %dma_start3A_997 = arith.constant 0 : i32
      %dma_start3A_998 = tpu.memref_slice %arg4[%squeeze3A_991, %dma_start3A_996, %dma_start3A_997] : memref<125000x8x32xf32, #tpu.memory_space<hbm>> -> memref<1x8x32xf32, #tpu.memory_space<hbm>>
      %dma_start3A_999 = arith.constant 14 : i32
      %dma_start3A_1000 = arith.constant 0 : i32
      %dma_start3A_1001 = arith.constant 0 : i32
      %dma_start3A_1002 = tpu.memref_slice %arg11[%dma_start3A_999, %dma_start3A_1000, %dma_start3A_1001] : memref<16x8x32xf32, #tpu.memory_space<vmem>> -> memref<1x8x32xf32, #tpu.memory_space<vmem>>
      %dma_start3A_1003 = arith.constant 0 : i32
      %dma_start3A_1004 = arith.constant 0 : i32
      %dma_start3A_1005 = tpu.memref_slice %arg4[%squeeze3A_991, %dma_start3A_1003, %dma_start3A_1004] : memref<125000x8x32xf32, #tpu.memory_space<hbm>> -> memref<1x8x32xf32, #tpu.memory_space<hbm>>
      tpu.enqueue_dma source(%dma_start3A_1005 : memref<1x8x32xf32, #tpu.memory_space<hbm>>) target(%dma_start3A_1002 : memref<1x8x32xf32, #tpu.memory_space<vmem>>) target_semaphore(%arg15 : memref<!tpu.dma_semaphore, #tpu.memory_space<semaphore_mem>>)
      %slice3A_1006 = vector.extract_strided_slice %shift_right_logical3A_541 {offsets = [14], sizes = [1], strides = [1]} : vector<16xi32> to vector<1xi32>
      %squeeze3A_1007 = vector.extract %slice3A_1006[0] : i32 from vector<1xi32>
      %dma_start3A_1008 = arith.constant 14 : i32
      %dma_start3A_1009 = arith.constant 0 : i32
      %dma_start3A_1010 = arith.constant 0 : i32
      %dma_start3A_1011 = tpu.memref_slice %arg12[%dma_start3A_1008, %dma_start3A_1009, %dma_start3A_1010] : memref<16x8x32xf32, #tpu.memory_space<vmem>> -> memref<1x8x32xf32, #tpu.memory_space<vmem>>
      %dma_start3A_1012 = arith.constant 0 : i32
      %dma_start3A_1013 = arith.constant 0 : i32
      %dma_start3A_1014 = tpu.memref_slice %arg5[%squeeze3A_1007, %dma_start3A_1012, %dma_start3A_1013] : memref<125000x8x32xf32, #tpu.memory_space<hbm>> -> memref<1x8x32xf32, #tpu.memory_space<hbm>>
      %dma_start3A_1015 = arith.constant 14 : i32
      %dma_start3A_1016 = arith.constant 0 : i32
      %dma_start3A_1017 = arith.constant 0 : i32
      %dma_start3A_1018 = tpu.memref_slice %arg12[%dma_start3A_1015, %dma_start3A_1016, %dma_start3A_1017] : memref<16x8x32xf32, #tpu.memory_space<vmem>> -> memref<1x8x32xf32, #tpu.memory_space<vmem>>
      %dma_start3A_1019 = arith.constant 0 : i32
      %dma_start3A_1020 = arith.constant 0 : i32
      %dma_start3A_1021 = tpu.memref_slice %arg5[%squeeze3A_1007, %dma_start3A_1019, %dma_start3A_1020] : memref<125000x8x32xf32, #tpu.memory_space<hbm>> -> memref<1x8x32xf32, #tpu.memory_space<hbm>>
      tpu.enqueue_dma source(%dma_start3A_1021 : memref<1x8x32xf32, #tpu.memory_space<hbm>>) target(%dma_start3A_1018 : memref<1x8x32xf32, #tpu.memory_space<vmem>>) target_semaphore(%arg15 : memref<!tpu.dma_semaphore, #tpu.memory_space<semaphore_mem>>)
      %slice3A_1022 = vector.extract_strided_slice %shift_right_logical3A_536 {offsets = [15], sizes = [1], strides = [1]} : vector<16xi32> to vector<1xi32>
      %squeeze3A_1023 = vector.extract %slice3A_1022[0] : i32 from vector<1xi32>
      %dma_start3A_1024 = arith.constant 15 : i32
      %dma_start3A_1025 = arith.constant 0 : i32
      %dma_start3A_1026 = arith.constant 0 : i32
      %dma_start3A_1027 = tpu.memref_slice %arg11[%dma_start3A_1024, %dma_start3A_1025, %dma_start3A_1026] : memref<16x8x32xf32, #tpu.memory_space<vmem>> -> memref<1x8x32xf32, #tpu.memory_space<vmem>>
      %dma_start3A_1028 = arith.constant 0 : i32
      %dma_start3A_1029 = arith.constant 0 : i32
      %dma_start3A_1030 = tpu.memref_slice %arg4[%squeeze3A_1023, %dma_start3A_1028, %dma_start3A_1029] : memref<125000x8x32xf32, #tpu.memory_space<hbm>> -> memref<1x8x32xf32, #tpu.memory_space<hbm>>
      %dma_start3A_1031 = arith.constant 15 : i32
      %dma_start3A_1032 = arith.constant 0 : i32
      %dma_start3A_1033 = arith.constant 0 : i32
      %dma_start3A_1034 = tpu.memref_slice %arg11[%dma_start3A_1031, %dma_start3A_1032, %dma_start3A_1033] : memref<16x8x32xf32, #tpu.memory_space<vmem>> -> memref<1x8x32xf32, #tpu.memory_space<vmem>>
      %dma_start3A_1035 = arith.constant 0 : i32
      %dma_start3A_1036 = arith.constant 0 : i32
      %dma_start3A_1037 = tpu.memref_slice %arg4[%squeeze3A_1023, %dma_start3A_1035, %dma_start3A_1036] : memref<125000x8x32xf32, #tpu.memory_space<hbm>> -> memref<1x8x32xf32, #tpu.memory_space<hbm>>
      tpu.enqueue_dma source(%dma_start3A_1037 : memref<1x8x32xf32, #tpu.memory_space<hbm>>) target(%dma_start3A_1034 : memref<1x8x32xf32, #tpu.memory_space<vmem>>) target_semaphore(%arg15 : memref<!tpu.dma_semaphore, #tpu.memory_space<semaphore_mem>>)
      %slice3A_1038 = vector.extract_strided_slice %shift_right_logical3A_541 {offsets = [15], sizes = [1], strides = [1]} : vector<16xi32> to vector<1xi32>
      %squeeze3A_1039 = vector.extract %slice3A_1038[0] : i32 from vector<1xi32>
      %dma_start3A_1040 = arith.constant 15 : i32
      %dma_start3A_1041 = arith.constant 0 : i32
      %dma_start3A_1042 = arith.constant 0 : i32
      %dma_start3A_1043 = tpu.memref_slice %arg12[%dma_start3A_1040, %dma_start3A_1041, %dma_start3A_1042] : memref<16x8x32xf32, #tpu.memory_space<vmem>> -> memref<1x8x32xf32, #tpu.memory_space<vmem>>
      %dma_start3A_1044 = arith.constant 0 : i32
      %dma_start3A_1045 = arith.constant 0 : i32
      %dma_start3A_1046 = tpu.memref_slice %arg5[%squeeze3A_1039, %dma_start3A_1044, %dma_start3A_1045] : memref<125000x8x32xf32, #tpu.memory_space<hbm>> -> memref<1x8x32xf32, #tpu.memory_space<hbm>>
      %dma_start3A_1047 = arith.constant 15 : i32
      %dma_start3A_1048 = arith.constant 0 : i32
      %dma_start3A_1049 = arith.constant 0 : i32
      %dma_start3A_1050 = tpu.memref_slice %arg12[%dma_start3A_1047, %dma_start3A_1048, %dma_start3A_1049] : memref<16x8x32xf32, #tpu.memory_space<vmem>> -> memref<1x8x32xf32, #tpu.memory_space<vmem>>
      %dma_start3A_1051 = arith.constant 0 : i32
      %dma_start3A_1052 = arith.constant 0 : i32
      %dma_start3A_1053 = tpu.memref_slice %arg5[%squeeze3A_1039, %dma_start3A_1051, %dma_start3A_1052] : memref<125000x8x32xf32, #tpu.memory_space<hbm>> -> memref<1x8x32xf32, #tpu.memory_space<hbm>>
      tpu.enqueue_dma source(%dma_start3A_1053 : memref<1x8x32xf32, #tpu.memory_space<hbm>>) target(%dma_start3A_1050 : memref<1x8x32xf32, #tpu.memory_space<vmem>>) target_semaphore(%arg15 : memref<!tpu.dma_semaphore, #tpu.memory_space<semaphore_mem>>)
      %dma_wait3A = arith.constant 0 : i32
      %dma_wait3A_1054 = arith.constant 0 : i32
      %dma_wait3A_1055 = arith.constant 0 : i32
      %dma_wait3A_1056 = tpu.memref_slice %arg4[%dma_wait3A, %dma_wait3A_1054, %dma_wait3A_1055] : memref<125000x8x32xf32, #tpu.memory_space<hbm>> -> memref<16x8x32xf32, #tpu.memory_space<hbm>>
      %dma_wait3A_1057 = arith.constant 0 : i32
      %dma_wait3A_1058 = arith.constant 0 : i32
      %dma_wait3A_1059 = arith.constant 0 : i32
      %dma_wait3A_1060 = tpu.memref_slice %arg4[%dma_wait3A_1057, %dma_wait3A_1058, %dma_wait3A_1059] : memref<125000x8x32xf32, #tpu.memory_space<hbm>> -> memref<16x8x32xf32, #tpu.memory_space<hbm>>
      tpu.wait_dma2 semaphore(%arg14 : memref<!tpu.dma_semaphore, #tpu.memory_space<semaphore_mem>>) src(%dma_wait3A_1060 : memref<16x8x32xf32, #tpu.memory_space<hbm>>) dst(%arg9 : memref<16x8x32xf32, #tpu.memory_space<vmem>>)
      %dma_wait3A_1061 = arith.constant 0 : i32
      %dma_wait3A_1062 = arith.constant 0 : i32
      %dma_wait3A_1063 = arith.constant 0 : i32
      %dma_wait3A_1064 = tpu.memref_slice %arg5[%dma_wait3A_1061, %dma_wait3A_1062, %dma_wait3A_1063] : memref<125000x8x32xf32, #tpu.memory_space<hbm>> -> memref<16x8x32xf32, #tpu.memory_space<hbm>>
      %dma_wait3A_1065 = arith.constant 0 : i32
      %dma_wait3A_1066 = arith.constant 0 : i32
      %dma_wait3A_1067 = arith.constant 0 : i32
      %dma_wait3A_1068 = tpu.memref_slice %arg5[%dma_wait3A_1065, %dma_wait3A_1066, %dma_wait3A_1067] : memref<125000x8x32xf32, #tpu.memory_space<hbm>> -> memref<16x8x32xf32, #tpu.memory_space<hbm>>
      tpu.wait_dma2 semaphore(%arg14 : memref<!tpu.dma_semaphore, #tpu.memory_space<semaphore_mem>>) src(%dma_wait3A_1068 : memref<16x8x32xf32, #tpu.memory_space<hbm>>) dst(%arg10 : memref<16x8x32xf32, #tpu.memory_space<vmem>>)
      %mul3A_1069 = arith.constant 16 : i32
      %mul3A_1070 = arith.muli %mul3A_527, %mul3A_1069 : i32
      %broadcast_in_dim3A = arith.constant 0.000000e+00 : f32
      %broadcast_in_dim3A_1071 = vector.broadcast %broadcast_in_dim3A : f32 to vector<16xf32>
      %broadcast_in_dim3A_1072 = arith.constant 0.000000e+00 : f32
      %broadcast_in_dim3A_1073 = vector.broadcast %broadcast_in_dim3A_1072 : f32 to vector<16xf32>
      %broadcast_in_dim3A_1074 = arith.constant 0.000000e+00 : f32
      %broadcast_in_dim3A_1075 = vector.broadcast %broadcast_in_dim3A_1074 : f32 to vector<16xf32>
      %get3A_1076 = arith.index_cast %mul3A_1070 : i32 to index
      %get3A_1077 = tpu.vector_load %arg7[%get3A_1076] {strides = array<i32>} : memref<512xi32, #tpu.memory_space<vmem>>, vector<16xi32>,
      %and3A = arith.constant 7 : i32
      %and3A_1078 = vector.broadcast %and3A : i32 to vector<16xi32>
      %and3A_1079 = arith.andi %get3A_1077, %and3A_1078 : vector<16xi32>
      %get3A_1080 = arith.index_cast %mul3A_1070 : i32 to index
      %get3A_1081 = tpu.vector_load %arg8[%get3A_1080] {strides = array<i32>} : memref<512xi32, #tpu.memory_space<vmem>>, vector<16xi32>,
      %and3A_1082 = arith.constant 7 : i32
      %and3A_1083 = vector.broadcast %and3A_1082 : i32 to vector<16xi32>
      %and3A_1084 = arith.andi %get3A_1081, %and3A_1083 : vector<16xi32>
      %slice3A_1085 = vector.extract_strided_slice %and3A_1079 {offsets = [0], sizes = [1], strides = [1]} : vector<16xi32> to vector<1xi32>
      %squeeze3A_1086 = vector.extract %slice3A_1085[0] : i32 from vector<1xi32>
      %slice3A_1087 = vector.extract_strided_slice %and3A_1084 {offsets = [0], sizes = [1], strides = [1]} : vector<16xi32> to vector<1xi32>
      %squeeze3A_1088 = vector.extract %slice3A_1087[0] : i32 from vector<1xi32>
      %get3A_1089 = arith.constant 0 : i32
      %get3A_1090 = arith.index_cast %get3A_1089 : i32 to index
      %get3A_1091 = arith.index_cast %squeeze3A_1086 : i32 to index
      %get3A_1092 = arith.constant 0 : index
      %get3A_1093 = tpu.vector_load %arg9[%get3A_1090, %get3A_1091, %get3A_1092] {strides = array<i32>} : memref<16x8x32xf32, #tpu.memory_space<vmem>>, vector<16xf32>,
      %get3A_1094 = arith.constant 0 : i32
      %get3A_1095 = arith.index_cast %get3A_1094 : i32 to index
      %get3A_1096 = arith.index_cast %squeeze3A_1086 : i32 to index
      %get3A_1097 = arith.constant 16 : index
      %get3A_1098 = tpu.vector_load %arg9[%get3A_1095, %get3A_1096, %get3A_1097] {strides = array<i32>} : memref<16x8x32xf32, #tpu.memory_space<vmem>>, vector<16xf32>,
      %get3A_1099 = arith.constant 0 : i32
      %get3A_1100 = arith.index_cast %get3A_1099 : i32 to index
      %get3A_1101 = arith.index_cast %squeeze3A_1088 : i32 to index
      %get3A_1102 = arith.constant 0 : index
      %get3A_1103 = tpu.vector_load %arg10[%get3A_1100, %get3A_1101, %get3A_1102] {strides = array<i32>} : memref<16x8x32xf32, #tpu.memory_space<vmem>>, vector<16xf32>,
      %get3A_1104 = arith.constant 0 : i32
      %get3A_1105 = arith.index_cast %get3A_1104 : i32 to index
      %get3A_1106 = arith.index_cast %squeeze3A_1088 : i32 to index
      %get3A_1107 = arith.constant 16 : index
      %get3A_1108 = tpu.vector_load %arg10[%get3A_1105, %get3A_1106, %get3A_1107] {strides = array<i32>} : memref<16x8x32xf32, #tpu.memory_space<vmem>>, vector<16xf32>,
      %mul3A_1109 = arith.mulf %get3A_1093, %get3A_1093 : vector<16xf32>
      %mul3A_1110 = arith.mulf %get3A_1098, %get3A_1098 : vector<16xf32>
      %add3A_1111 = arith.addf %mul3A_1109, %mul3A_1110 : vector<16xf32>
      %mul3A_1112 = arith.mulf %get3A_1103, %get3A_1103 : vector<16xf32>
      %mul3A_1113 = arith.mulf %get3A_1108, %get3A_1108 : vector<16xf32>
      %add3A_1114 = arith.addf %mul3A_1112, %mul3A_1113 : vector<16xf32>
      %mul3A_1115 = arith.mulf %get3A_1093, %get3A_1103 : vector<16xf32>
      %mul3A_1116 = arith.mulf %get3A_1098, %get3A_1108 : vector<16xf32>
      %add3A_1117 = arith.addf %mul3A_1115, %mul3A_1116 : vector<16xf32>
      %eq3A = arith.constant 0 : i32
      %eq3A_1118 = vector.broadcast %eq3A : i32 to vector<16xi32>
      %eq3A_1119 = arith.cmpi eq, %iota3A, %eq3A_1118 : vector<16xi32>
      %reduce_sum3A = arith.constant true
      %reduce_sum3A_1120 = vector.broadcast %reduce_sum3A : i1 to vector<16xi1>
      %reduce_sum3A_1121 = tpu.scan <sum>, %add3A_1111 masked %reduce_sum3A_1120 : vector<16xf32>, vector<16xi1> -> vector<16xf32>
      %reduce_sum3A_1122 = vector.extract %reduce_sum3A_1121[15] : f32 from vector<16xf32>
      %broadcast_in_dim3A_1123 = vector.broadcast %reduce_sum3A_1122 : f32 to vector<16xf32>
      %select_n3A = arith.select %eq3A_1119, %broadcast_in_dim3A_1123, %broadcast_in_dim3A_1071 : vector<16xi1>, vector<16xf32>
      %reduce_sum3A_1124 = arith.constant true
      %reduce_sum3A_1125 = vector.broadcast %reduce_sum3A_1124 : i1 to vector<16xi1>
      %reduce_sum3A_1126 = tpu.scan <sum>, %add3A_1114 masked %reduce_sum3A_1125 : vector<16xf32>, vector<16xi1> -> vector<16xf32>
      %reduce_sum3A_1127 = vector.extract %reduce_sum3A_1126[15] : f32 from vector<16xf32>
      %broadcast_in_dim3A_1128 = vector.broadcast %reduce_sum3A_1127 : f32 to vector<16xf32>
      %select_n3A_1129 = arith.select %eq3A_1119, %broadcast_in_dim3A_1128, %broadcast_in_dim3A_1073 : vector<16xi1>, vector<16xf32>
      %reduce_sum3A_1130 = arith.constant true
      %reduce_sum3A_1131 = vector.broadcast %reduce_sum3A_1130 : i1 to vector<16xi1>
      %reduce_sum3A_1132 = tpu.scan <sum>, %add3A_1117 masked %reduce_sum3A_1131 : vector<16xf32>, vector<16xi1> -> vector<16xf32>
      %reduce_sum3A_1133 = vector.extract %reduce_sum3A_1132[15] : f32 from vector<16xf32>
      %broadcast_in_dim3A_1134 = vector.broadcast %reduce_sum3A_1133 : f32 to vector<16xf32>
      %select_n3A_1135 = arith.select %eq3A_1119, %broadcast_in_dim3A_1134, %broadcast_in_dim3A_1075 : vector<16xi1>, vector<16xf32>
      %slice3A_1136 = vector.extract_strided_slice %and3A_1079 {offsets = [1], sizes = [1], strides = [1]} : vector<16xi32> to vector<1xi32>
      %squeeze3A_1137 = vector.extract %slice3A_1136[0] : i32 from vector<1xi32>
      %slice3A_1138 = vector.extract_strided_slice %and3A_1084 {offsets = [1], sizes = [1], strides = [1]} : vector<16xi32> to vector<1xi32>
      %squeeze3A_1139 = vector.extract %slice3A_1138[0] : i32 from vector<1xi32>
      %get3A_1140 = arith.constant 1 : i32
      %get3A_1141 = arith.index_cast %get3A_1140 : i32 to index
      %get3A_1142 = arith.index_cast %squeeze3A_1137 : i32 to index
      %get3A_1143 = arith.constant 0 : index
      %get3A_1144 = tpu.vector_load %arg9[%get3A_1141, %get3A_1142, %get3A_1143] {strides = array<i32>} : memref<16x8x32xf32, #tpu.memory_space<vmem>>, vector<16xf32>,
      %get3A_1145 = arith.constant 1 : i32
      %get3A_1146 = arith.index_cast %get3A_1145 : i32 to index
      %get3A_1147 = arith.index_cast %squeeze3A_1137 : i32 to index
      %get3A_1148 = arith.constant 16 : index
      %get3A_1149 = tpu.vector_load %arg9[%get3A_1146, %get3A_1147, %get3A_1148] {strides = array<i32>} : memref<16x8x32xf32, #tpu.memory_space<vmem>>, vector<16xf32>,
      %get3A_1150 = arith.constant 1 : i32
      %get3A_1151 = arith.index_cast %get3A_1150 : i32 to index
      %get3A_1152 = arith.index_cast %squeeze3A_1139 : i32 to index
      %get3A_1153 = arith.constant 0 : index
      %get3A_1154 = tpu.vector_load %arg10[%get3A_1151, %get3A_1152, %get3A_1153] {strides = array<i32>} : memref<16x8x32xf32, #tpu.memory_space<vmem>>, vector<16xf32>,
      %get3A_1155 = arith.constant 1 : i32
      %get3A_1156 = arith.index_cast %get3A_1155 : i32 to index
      %get3A_1157 = arith.index_cast %squeeze3A_1139 : i32 to index
      %get3A_1158 = arith.constant 16 : index
      %get3A_1159 = tpu.vector_load %arg10[%get3A_1156, %get3A_1157, %get3A_1158] {strides = array<i32>} : memref<16x8x32xf32, #tpu.memory_space<vmem>>, vector<16xf32>,
      %mul3A_1160 = arith.mulf %get3A_1144, %get3A_1144 : vector<16xf32>
      %mul3A_1161 = arith.mulf %get3A_1149, %get3A_1149 : vector<16xf32>
      %add3A_1162 = arith.addf %mul3A_1160, %mul3A_1161 : vector<16xf32>
      %mul3A_1163 = arith.mulf %get3A_1154, %get3A_1154 : vector<16xf32>
      %mul3A_1164 = arith.mulf %get3A_1159, %get3A_1159 : vector<16xf32>
      %add3A_1165 = arith.addf %mul3A_1163, %mul3A_1164 : vector<16xf32>
      %mul3A_1166 = arith.mulf %get3A_1144, %get3A_1154 : vector<16xf32>
      %mul3A_1167 = arith.mulf %get3A_1149, %get3A_1159 : vector<16xf32>
      %add3A_1168 = arith.addf %mul3A_1166, %mul3A_1167 : vector<16xf32>
      %eq3A_1169 = arith.constant 1 : i32
      %eq3A_1170 = vector.broadcast %eq3A_1169 : i32 to vector<16xi32>
      %eq3A_1171 = arith.cmpi eq, %iota3A, %eq3A_1170 : vector<16xi32>
      %reduce_sum3A_1172 = arith.constant true
      %reduce_sum3A_1173 = vector.broadcast %reduce_sum3A_1172 : i1 to vector<16xi1>
      %reduce_sum3A_1174 = tpu.scan <sum>, %add3A_1162 masked %reduce_sum3A_1173 : vector<16xf32>, vector<16xi1> -> vector<16xf32>
      %reduce_sum3A_1175 = vector.extract %reduce_sum3A_1174[15] : f32 from vector<16xf32>
      %broadcast_in_dim3A_1176 = vector.broadcast %reduce_sum3A_1175 : f32 to vector<16xf32>
      %select_n3A_1177 = arith.select %eq3A_1171, %broadcast_in_dim3A_1176, %select_n3A : vector<16xi1>, vector<16xf32>
      %reduce_sum3A_1178 = arith.constant true
      %reduce_sum3A_1179 = vector.broadcast %reduce_sum3A_1178 : i1 to vector<16xi1>
      %reduce_sum3A_1180 = tpu.scan <sum>, %add3A_1165 masked %reduce_sum3A_1179 : vector<16xf32>, vector<16xi1> -> vector<16xf32>
      %reduce_sum3A_1181 = vector.extract %reduce_sum3A_1180[15] : f32 from vector<16xf32>
      %broadcast_in_dim3A_1182 = vector.broadcast %reduce_sum3A_1181 : f32 to vector<16xf32>
      %select_n3A_1183 = arith.select %eq3A_1171, %broadcast_in_dim3A_1182, %select_n3A_1129 : vector<16xi1>, vector<16xf32>
      %reduce_sum3A_1184 = arith.constant true
      %reduce_sum3A_1185 = vector.broadcast %reduce_sum3A_1184 : i1 to vector<16xi1>
      %reduce_sum3A_1186 = tpu.scan <sum>, %add3A_1168 masked %reduce_sum3A_1185 : vector<16xf32>, vector<16xi1> -> vector<16xf32>
      %reduce_sum3A_1187 = vector.extract %reduce_sum3A_1186[15] : f32 from vector<16xf32>
      %broadcast_in_dim3A_1188 = vector.broadcast %reduce_sum3A_1187 : f32 to vector<16xf32>
      %select_n3A_1189 = arith.select %eq3A_1171, %broadcast_in_dim3A_1188, %select_n3A_1135 : vector<16xi1>, vector<16xf32>
      %slice3A_1190 = vector.extract_strided_slice %and3A_1079 {offsets = [2], sizes = [1], strides = [1]} : vector<16xi32> to vector<1xi32>
      %squeeze3A_1191 = vector.extract %slice3A_1190[0] : i32 from vector<1xi32>
      %slice3A_1192 = vector.extract_strided_slice %and3A_1084 {offsets = [2], sizes = [1], strides = [1]} : vector<16xi32> to vector<1xi32>
      %squeeze3A_1193 = vector.extract %slice3A_1192[0] : i32 from vector<1xi32>
      %get3A_1194 = arith.constant 2 : i32
      %get3A_1195 = arith.index_cast %get3A_1194 : i32 to index
      %get3A_1196 = arith.index_cast %squeeze3A_1191 : i32 to index
      %get3A_1197 = arith.constant 0 : index
      %get3A_1198 = tpu.vector_load %arg9[%get3A_1195, %get3A_1196, %get3A_1197] {strides = array<i32>} : memref<16x8x32xf32, #tpu.memory_space<vmem>>, vector<16xf32>,
      %get3A_1199 = arith.constant 2 : i32
      %get3A_1200 = arith.index_cast %get3A_1199 : i32 to index
      %get3A_1201 = arith.index_cast %squeeze3A_1191 : i32 to index
      %get3A_1202 = arith.constant 16 : index
      %get3A_1203 = tpu.vector_load %arg9[%get3A_1200, %get3A_1201, %get3A_1202] {strides = array<i32>} : memref<16x8x32xf32, #tpu.memory_space<vmem>>, vector<16xf32>,
      %get3A_1204 = arith.constant 2 : i32
      %get3A_1205 = arith.index_cast %get3A_1204 : i32 to index
      %get3A_1206 = arith.index_cast %squeeze3A_1193 : i32 to index
      %get3A_1207 = arith.constant 0 : index
      %get3A_1208 = tpu.vector_load %arg10[%get3A_1205, %get3A_1206, %get3A_1207] {strides = array<i32>} : memref<16x8x32xf32, #tpu.memory_space<vmem>>, vector<16xf32>,
      %get3A_1209 = arith.constant 2 : i32
      %get3A_1210 = arith.index_cast %get3A_1209 : i32 to index
      %get3A_1211 = arith.index_cast %squeeze3A_1193 : i32 to index
      %get3A_1212 = arith.constant 16 : index
      %get3A_1213 = tpu.vector_load %arg10[%get3A_1210, %get3A_1211, %get3A_1212] {strides = array<i32>} : memref<16x8x32xf32, #tpu.memory_space<vmem>>, vector<16xf32>,
      %mul3A_1214 = arith.mulf %get3A_1198, %get3A_1198 : vector<16xf32>
      %mul3A_1215 = arith.mulf %get3A_1203, %get3A_1203 : vector<16xf32>
      %add3A_1216 = arith.addf %mul3A_1214, %mul3A_1215 : vector<16xf32>
      %mul3A_1217 = arith.mulf %get3A_1208, %get3A_1208 : vector<16xf32>
      %mul3A_1218 = arith.mulf %get3A_1213, %get3A_1213 : vector<16xf32>
      %add3A_1219 = arith.addf %mul3A_1217, %mul3A_1218 : vector<16xf32>
      %mul3A_1220 = arith.mulf %get3A_1198, %get3A_1208 : vector<16xf32>
      %mul3A_1221 = arith.mulf %get3A_1203, %get3A_1213 : vector<16xf32>
      %add3A_1222 = arith.addf %mul3A_1220, %mul3A_1221 : vector<16xf32>
      %eq3A_1223 = arith.constant 2 : i32
      %eq3A_1224 = vector.broadcast %eq3A_1223 : i32 to vector<16xi32>
      %eq3A_1225 = arith.cmpi eq, %iota3A, %eq3A_1224 : vector<16xi32>
      %reduce_sum3A_1226 = arith.constant true
      %reduce_sum3A_1227 = vector.broadcast %reduce_sum3A_1226 : i1 to vector<16xi1>
      %reduce_sum3A_1228 = tpu.scan <sum>, %add3A_1216 masked %reduce_sum3A_1227 : vector<16xf32>, vector<16xi1> -> vector<16xf32>
      %reduce_sum3A_1229 = vector.extract %reduce_sum3A_1228[15] : f32 from vector<16xf32>
      %broadcast_in_dim3A_1230 = vector.broadcast %reduce_sum3A_1229 : f32 to vector<16xf32>
      %select_n3A_1231 = arith.select %eq3A_1225, %broadcast_in_dim3A_1230, %select_n3A_1177 : vector<16xi1>, vector<16xf32>
      %reduce_sum3A_1232 = arith.constant true
      %reduce_sum3A_1233 = vector.broadcast %reduce_sum3A_1232 : i1 to vector<16xi1>
      %reduce_sum3A_1234 = tpu.scan <sum>, %add3A_1219 masked %reduce_sum3A_1233 : vector<16xf32>, vector<16xi1> -> vector<16xf32>
      %reduce_sum3A_1235 = vector.extract %reduce_sum3A_1234[15] : f32 from vector<16xf32>
      %broadcast_in_dim3A_1236 = vector.broadcast %reduce_sum3A_1235 : f32 to vector<16xf32>
      %select_n3A_1237 = arith.select %eq3A_1225, %broadcast_in_dim3A_1236, %select_n3A_1183 : vector<16xi1>, vector<16xf32>
      %reduce_sum3A_1238 = arith.constant true
      %reduce_sum3A_1239 = vector.broadcast %reduce_sum3A_1238 : i1 to vector<16xi1>
      %reduce_sum3A_1240 = tpu.scan <sum>, %add3A_1222 masked %reduce_sum3A_1239 : vector<16xf32>, vector<16xi1> -> vector<16xf32>
      %reduce_sum3A_1241 = vector.extract %reduce_sum3A_1240[15] : f32 from vector<16xf32>
      %broadcast_in_dim3A_1242 = vector.broadcast %reduce_sum3A_1241 : f32 to vector<16xf32>
      %select_n3A_1243 = arith.select %eq3A_1225, %broadcast_in_dim3A_1242, %select_n3A_1189 : vector<16xi1>, vector<16xf32>
      %slice3A_1244 = vector.extract_strided_slice %and3A_1079 {offsets = [3], sizes = [1], strides = [1]} : vector<16xi32> to vector<1xi32>
      %squeeze3A_1245 = vector.extract %slice3A_1244[0] : i32 from vector<1xi32>
      %slice3A_1246 = vector.extract_strided_slice %and3A_1084 {offsets = [3], sizes = [1], strides = [1]} : vector<16xi32> to vector<1xi32>
      %squeeze3A_1247 = vector.extract %slice3A_1246[0] : i32 from vector<1xi32>
      %get3A_1248 = arith.constant 3 : i32
      %get3A_1249 = arith.index_cast %get3A_1248 : i32 to index
      %get3A_1250 = arith.index_cast %squeeze3A_1245 : i32 to index
      %get3A_1251 = arith.constant 0 : index
      %get3A_1252 = tpu.vector_load %arg9[%get3A_1249, %get3A_1250, %get3A_1251] {strides = array<i32>} : memref<16x8x32xf32, #tpu.memory_space<vmem>>, vector<16xf32>,
      %get3A_1253 = arith.constant 3 : i32
      %get3A_1254 = arith.index_cast %get3A_1253 : i32 to index
      %get3A_1255 = arith.index_cast %squeeze3A_1245 : i32 to index
      %get3A_1256 = arith.constant 16 : index
      %get3A_1257 = tpu.vector_load %arg9[%get3A_1254, %get3A_1255, %get3A_1256] {strides = array<i32>} : memref<16x8x32xf32, #tpu.memory_space<vmem>>, vector<16xf32>,
      %get3A_1258 = arith.constant 3 : i32
      %get3A_1259 = arith.index_cast %get3A_1258 : i32 to index
      %get3A_1260 = arith.index_cast %squeeze3A_1247 : i32 to index
      %get3A_1261 = arith.constant 0 : index
      %get3A_1262 = tpu.vector_load %arg10[%get3A_1259, %get3A_1260, %get3A_1261] {strides = array<i32>} : memref<16x8x32xf32, #tpu.memory_space<vmem>>, vector<16xf32>,
      %get3A_1263 = arith.constant 3 : i32
      %get3A_1264 = arith.index_cast %get3A_1263 : i32 to index
      %get3A_1265 = arith.index_cast %squeeze3A_1247 : i32 to index
      %get3A_1266 = arith.constant 16 : index
      %get3A_1267 = tpu.vector_load %arg10[%get3A_1264, %get3A_1265, %get3A_1266] {strides = array<i32>} : memref<16x8x32xf32, #tpu.memory_space<vmem>>, vector<16xf32>,
      %mul3A_1268 = arith.mulf %get3A_1252, %get3A_1252 : vector<16xf32>
      %mul3A_1269 = arith.mulf %get3A_1257, %get3A_1257 : vector<16xf32>
      %add3A_1270 = arith.addf %mul3A_1268, %mul3A_1269 : vector<16xf32>
      %mul3A_1271 = arith.mulf %get3A_1262, %get3A_1262 : vector<16xf32>
      %mul3A_1272 = arith.mulf %get3A_1267, %get3A_1267 : vector<16xf32>
      %add3A_1273 = arith.addf %mul3A_1271, %mul3A_1272 : vector<16xf32>
      %mul3A_1274 = arith.mulf %get3A_1252, %get3A_1262 : vector<16xf32>
      %mul3A_1275 = arith.mulf %get3A_1257, %get3A_1267 : vector<16xf32>
      %add3A_1276 = arith.addf %mul3A_1274, %mul3A_1275 : vector<16xf32>
      %eq3A_1277 = arith.constant 3 : i32
      %eq3A_1278 = vector.broadcast %eq3A_1277 : i32 to vector<16xi32>
      %eq3A_1279 = arith.cmpi eq, %iota3A, %eq3A_1278 : vector<16xi32>
      %reduce_sum3A_1280 = arith.constant true
      %reduce_sum3A_1281 = vector.broadcast %reduce_sum3A_1280 : i1 to vector<16xi1>
      %reduce_sum3A_1282 = tpu.scan <sum>, %add3A_1270 masked %reduce_sum3A_1281 : vector<16xf32>, vector<16xi1> -> vector<16xf32>
      %reduce_sum3A_1283 = vector.extract %reduce_sum3A_1282[15] : f32 from vector<16xf32>
      %broadcast_in_dim3A_1284 = vector.broadcast %reduce_sum3A_1283 : f32 to vector<16xf32>
      %select_n3A_1285 = arith.select %eq3A_1279, %broadcast_in_dim3A_1284, %select_n3A_1231 : vector<16xi1>, vector<16xf32>
      %reduce_sum3A_1286 = arith.constant true
      %reduce_sum3A_1287 = vector.broadcast %reduce_sum3A_1286 : i1 to vector<16xi1>
      %reduce_sum3A_1288 = tpu.scan <sum>, %add3A_1273 masked %reduce_sum3A_1287 : vector<16xf32>, vector<16xi1> -> vector<16xf32>
      %reduce_sum3A_1289 = vector.extract %reduce_sum3A_1288[15] : f32 from vector<16xf32>
      %broadcast_in_dim3A_1290 = vector.broadcast %reduce_sum3A_1289 : f32 to vector<16xf32>
      %select_n3A_1291 = arith.select %eq3A_1279, %broadcast_in_dim3A_1290, %select_n3A_1237 : vector<16xi1>, vector<16xf32>
      %reduce_sum3A_1292 = arith.constant true
      %reduce_sum3A_1293 = vector.broadcast %reduce_sum3A_1292 : i1 to vector<16xi1>
      %reduce_sum3A_1294 = tpu.scan <sum>, %add3A_1276 masked %reduce_sum3A_1293 : vector<16xf32>, vector<16xi1> -> vector<16xf32>
      %reduce_sum3A_1295 = vector.extract %reduce_sum3A_1294[15] : f32 from vector<16xf32>
      %broadcast_in_dim3A_1296 = vector.broadcast %reduce_sum3A_1295 : f32 to vector<16xf32>
      %select_n3A_1297 = arith.select %eq3A_1279, %broadcast_in_dim3A_1296, %select_n3A_1243 : vector<16xi1>, vector<16xf32>
      %slice3A_1298 = vector.extract_strided_slice %and3A_1079 {offsets = [4], sizes = [1], strides = [1]} : vector<16xi32> to vector<1xi32>
      %squeeze3A_1299 = vector.extract %slice3A_1298[0] : i32 from vector<1xi32>
      %slice3A_1300 = vector.extract_strided_slice %and3A_1084 {offsets = [4], sizes = [1], strides = [1]} : vector<16xi32> to vector<1xi32>
      %squeeze3A_1301 = vector.extract %slice3A_1300[0] : i32 from vector<1xi32>
      %get3A_1302 = arith.constant 4 : i32
      %get3A_1303 = arith.index_cast %get3A_1302 : i32 to index
      %get3A_1304 = arith.index_cast %squeeze3A_1299 : i32 to index
      %get3A_1305 = arith.constant 0 : index
      %get3A_1306 = tpu.vector_load %arg9[%get3A_1303, %get3A_1304, %get3A_1305] {strides = array<i32>} : memref<16x8x32xf32, #tpu.memory_space<vmem>>, vector<16xf32>,
      %get3A_1307 = arith.constant 4 : i32
      %get3A_1308 = arith.index_cast %get3A_1307 : i32 to index
      %get3A_1309 = arith.index_cast %squeeze3A_1299 : i32 to index
      %get3A_1310 = arith.constant 16 : index
      %get3A_1311 = tpu.vector_load %arg9[%get3A_1308, %get3A_1309, %get3A_1310] {strides = array<i32>} : memref<16x8x32xf32, #tpu.memory_space<vmem>>, vector<16xf32>,
      %get3A_1312 = arith.constant 4 : i32
      %get3A_1313 = arith.index_cast %get3A_1312 : i32 to index
      %get3A_1314 = arith.index_cast %squeeze3A_1301 : i32 to index
      %get3A_1315 = arith.constant 0 : index
      %get3A_1316 = tpu.vector_load %arg10[%get3A_1313, %get3A_1314, %get3A_1315] {strides = array<i32>} : memref<16x8x32xf32, #tpu.memory_space<vmem>>, vector<16xf32>,
      %get3A_1317 = arith.constant 4 : i32
      %get3A_1318 = arith.index_cast %get3A_1317 : i32 to index
      %get3A_1319 = arith.index_cast %squeeze3A_1301 : i32 to index
      %get3A_1320 = arith.constant 16 : index
      %get3A_1321 = tpu.vector_load %arg10[%get3A_1318, %get3A_1319, %get3A_1320] {strides = array<i32>} : memref<16x8x32xf32, #tpu.memory_space<vmem>>, vector<16xf32>,
      %mul3A_1322 = arith.mulf %get3A_1306, %get3A_1306 : vector<16xf32>
      %mul3A_1323 = arith.mulf %get3A_1311, %get3A_1311 : vector<16xf32>
      %add3A_1324 = arith.addf %mul3A_1322, %mul3A_1323 : vector<16xf32>
      %mul3A_1325 = arith.mulf %get3A_1316, %get3A_1316 : vector<16xf32>
      %mul3A_1326 = arith.mulf %get3A_1321, %get3A_1321 : vector<16xf32>
      %add3A_1327 = arith.addf %mul3A_1325, %mul3A_1326 : vector<16xf32>
      %mul3A_1328 = arith.mulf %get3A_1306, %get3A_1316 : vector<16xf32>
      %mul3A_1329 = arith.mulf %get3A_1311, %get3A_1321 : vector<16xf32>
      %add3A_1330 = arith.addf %mul3A_1328, %mul3A_1329 : vector<16xf32>
      %eq3A_1331 = arith.constant 4 : i32
      %eq3A_1332 = vector.broadcast %eq3A_1331 : i32 to vector<16xi32>
      %eq3A_1333 = arith.cmpi eq, %iota3A, %eq3A_1332 : vector<16xi32>
      %reduce_sum3A_1334 = arith.constant true
      %reduce_sum3A_1335 = vector.broadcast %reduce_sum3A_1334 : i1 to vector<16xi1>
      %reduce_sum3A_1336 = tpu.scan <sum>, %add3A_1324 masked %reduce_sum3A_1335 : vector<16xf32>, vector<16xi1> -> vector<16xf32>
      %reduce_sum3A_1337 = vector.extract %reduce_sum3A_1336[15] : f32 from vector<16xf32>
      %broadcast_in_dim3A_1338 = vector.broadcast %reduce_sum3A_1337 : f32 to vector<16xf32>
      %select_n3A_1339 = arith.select %eq3A_1333, %broadcast_in_dim3A_1338, %select_n3A_1285 : vector<16xi1>, vector<16xf32>
      %reduce_sum3A_1340 = arith.constant true
      %reduce_sum3A_1341 = vector.broadcast %reduce_sum3A_1340 : i1 to vector<16xi1>
      %reduce_sum3A_1342 = tpu.scan <sum>, %add3A_1327 masked %reduce_sum3A_1341 : vector<16xf32>, vector<16xi1> -> vector<16xf32>
      %reduce_sum3A_1343 = vector.extract %reduce_sum3A_1342[15] : f32 from vector<16xf32>
      %broadcast_in_dim3A_1344 = vector.broadcast %reduce_sum3A_1343 : f32 to vector<16xf32>
      %select_n3A_1345 = arith.select %eq3A_1333, %broadcast_in_dim3A_1344, %select_n3A_1291 : vector<16xi1>, vector<16xf32>
      %reduce_sum3A_1346 = arith.constant true
      %reduce_sum3A_1347 = vector.broadcast %reduce_sum3A_1346 : i1 to vector<16xi1>
      %reduce_sum3A_1348 = tpu.scan <sum>, %add3A_1330 masked %reduce_sum3A_1347 : vector<16xf32>, vector<16xi1> -> vector<16xf32>
      %reduce_sum3A_1349 = vector.extract %reduce_sum3A_1348[15] : f32 from vector<16xf32>
      %broadcast_in_dim3A_1350 = vector.broadcast %reduce_sum3A_1349 : f32 to vector<16xf32>
      %select_n3A_1351 = arith.select %eq3A_1333, %broadcast_in_dim3A_1350, %select_n3A_1297 : vector<16xi1>, vector<16xf32>
      %slice3A_1352 = vector.extract_strided_slice %and3A_1079 {offsets = [5], sizes = [1], strides = [1]} : vector<16xi32> to vector<1xi32>
      %squeeze3A_1353 = vector.extract %slice3A_1352[0] : i32 from vector<1xi32>
      %slice3A_1354 = vector.extract_strided_slice %and3A_1084 {offsets = [5], sizes = [1], strides = [1]} : vector<16xi32> to vector<1xi32>
      %squeeze3A_1355 = vector.extract %slice3A_1354[0] : i32 from vector<1xi32>
      %get3A_1356 = arith.constant 5 : i32
      %get3A_1357 = arith.index_cast %get3A_1356 : i32 to index
      %get3A_1358 = arith.index_cast %squeeze3A_1353 : i32 to index
      %get3A_1359 = arith.constant 0 : index
      %get3A_1360 = tpu.vector_load %arg9[%get3A_1357, %get3A_1358, %get3A_1359] {strides = array<i32>} : memref<16x8x32xf32, #tpu.memory_space<vmem>>, vector<16xf32>,
      %get3A_1361 = arith.constant 5 : i32
      %get3A_1362 = arith.index_cast %get3A_1361 : i32 to index
      %get3A_1363 = arith.index_cast %squeeze3A_1353 : i32 to index
      %get3A_1364 = arith.constant 16 : index
      %get3A_1365 = tpu.vector_load %arg9[%get3A_1362, %get3A_1363, %get3A_1364] {strides = array<i32>} : memref<16x8x32xf32, #tpu.memory_space<vmem>>, vector<16xf32>,
      %get3A_1366 = arith.constant 5 : i32
      %get3A_1367 = arith.index_cast %get3A_1366 : i32 to index
      %get3A_1368 = arith.index_cast %squeeze3A_1355 : i32 to index
      %get3A_1369 = arith.constant 0 : index
      %get3A_1370 = tpu.vector_load %arg10[%get3A_1367, %get3A_1368, %get3A_1369] {strides = array<i32>} : memref<16x8x32xf32, #tpu.memory_space<vmem>>, vector<16xf32>,
      %get3A_1371 = arith.constant 5 : i32
      %get3A_1372 = arith.index_cast %get3A_1371 : i32 to index
      %get3A_1373 = arith.index_cast %squeeze3A_1355 : i32 to index
      %get3A_1374 = arith.constant 16 : index
      %get3A_1375 = tpu.vector_load %arg10[%get3A_1372, %get3A_1373, %get3A_1374] {strides = array<i32>} : memref<16x8x32xf32, #tpu.memory_space<vmem>>, vector<16xf32>,
      %mul3A_1376 = arith.mulf %get3A_1360, %get3A_1360 : vector<16xf32>
      %mul3A_1377 = arith.mulf %get3A_1365, %get3A_1365 : vector<16xf32>
      %add3A_1378 = arith.addf %mul3A_1376, %mul3A_1377 : vector<16xf32>
      %mul3A_1379 = arith.mulf %get3A_1370, %get3A_1370 : vector<16xf32>
      %mul3A_1380 = arith.mulf %get3A_1375, %get3A_1375 : vector<16xf32>
      %add3A_1381 = arith.addf %mul3A_1379, %mul3A_1380 : vector<16xf32>
      %mul3A_1382 = arith.mulf %get3A_1360, %get3A_1370 : vector<16xf32>
      %mul3A_1383 = arith.mulf %get3A_1365, %get3A_1375 : vector<16xf32>
      %add3A_1384 = arith.addf %mul3A_1382, %mul3A_1383 : vector<16xf32>
      %eq3A_1385 = arith.constant 5 : i32
      %eq3A_1386 = vector.broadcast %eq3A_1385 : i32 to vector<16xi32>
      %eq3A_1387 = arith.cmpi eq, %iota3A, %eq3A_1386 : vector<16xi32>
      %reduce_sum3A_1388 = arith.constant true
      %reduce_sum3A_1389 = vector.broadcast %reduce_sum3A_1388 : i1 to vector<16xi1>
      %reduce_sum3A_1390 = tpu.scan <sum>, %add3A_1378 masked %reduce_sum3A_1389 : vector<16xf32>, vector<16xi1> -> vector<16xf32>
      %reduce_sum3A_1391 = vector.extract %reduce_sum3A_1390[15] : f32 from vector<16xf32>
      %broadcast_in_dim3A_1392 = vector.broadcast %reduce_sum3A_1391 : f32 to vector<16xf32>
      %select_n3A_1393 = arith.select %eq3A_1387, %broadcast_in_dim3A_1392, %select_n3A_1339 : vector<16xi1>, vector<16xf32>
      %reduce_sum3A_1394 = arith.constant true
      %reduce_sum3A_1395 = vector.broadcast %reduce_sum3A_1394 : i1 to vector<16xi1>
      %reduce_sum3A_1396 = tpu.scan <sum>, %add3A_1381 masked %reduce_sum3A_1395 : vector<16xf32>, vector<16xi1> -> vector<16xf32>
      %reduce_sum3A_1397 = vector.extract %reduce_sum3A_1396[15] : f32 from vector<16xf32>
      %broadcast_in_dim3A_1398 = vector.broadcast %reduce_sum3A_1397 : f32 to vector<16xf32>
      %select_n3A_1399 = arith.select %eq3A_1387, %broadcast_in_dim3A_1398, %select_n3A_1345 : vector<16xi1>, vector<16xf32>
      %reduce_sum3A_1400 = arith.constant true
      %reduce_sum3A_1401 = vector.broadcast %reduce_sum3A_1400 : i1 to vector<16xi1>
      %reduce_sum3A_1402 = tpu.scan <sum>, %add3A_1384 masked %reduce_sum3A_1401 : vector<16xf32>, vector<16xi1> -> vector<16xf32>
      %reduce_sum3A_1403 = vector.extract %reduce_sum3A_1402[15] : f32 from vector<16xf32>
      %broadcast_in_dim3A_1404 = vector.broadcast %reduce_sum3A_1403 : f32 to vector<16xf32>
      %select_n3A_1405 = arith.select %eq3A_1387, %broadcast_in_dim3A_1404, %select_n3A_1351 : vector<16xi1>, vector<16xf32>
      %slice3A_1406 = vector.extract_strided_slice %and3A_1079 {offsets = [6], sizes = [1], strides = [1]} : vector<16xi32> to vector<1xi32>
      %squeeze3A_1407 = vector.extract %slice3A_1406[0] : i32 from vector<1xi32>
      %slice3A_1408 = vector.extract_strided_slice %and3A_1084 {offsets = [6], sizes = [1], strides = [1]} : vector<16xi32> to vector<1xi32>
      %squeeze3A_1409 = vector.extract %slice3A_1408[0] : i32 from vector<1xi32>
      %get3A_1410 = arith.constant 6 : i32
      %get3A_1411 = arith.index_cast %get3A_1410 : i32 to index
      %get3A_1412 = arith.index_cast %squeeze3A_1407 : i32 to index
      %get3A_1413 = arith.constant 0 : index
      %get3A_1414 = tpu.vector_load %arg9[%get3A_1411, %get3A_1412, %get3A_1413] {strides = array<i32>} : memref<16x8x32xf32, #tpu.memory_space<vmem>>, vector<16xf32>,
      %get3A_1415 = arith.constant 6 : i32
      %get3A_1416 = arith.index_cast %get3A_1415 : i32 to index
      %get3A_1417 = arith.index_cast %squeeze3A_1407 : i32 to index
      %get3A_1418 = arith.constant 16 : index
      %get3A_1419 = tpu.vector_load %arg9[%get3A_1416, %get3A_1417, %get3A_1418] {strides = array<i32>} : memref<16x8x32xf32, #tpu.memory_space<vmem>>, vector<16xf32>,
      %get3A_1420 = arith.constant 6 : i32
      %get3A_1421 = arith.index_cast %get3A_1420 : i32 to index
      %get3A_1422 = arith.index_cast %squeeze3A_1409 : i32 to index
      %get3A_1423 = arith.constant 0 : index
      %get3A_1424 = tpu.vector_load %arg10[%get3A_1421, %get3A_1422, %get3A_1423] {strides = array<i32>} : memref<16x8x32xf32, #tpu.memory_space<vmem>>, vector<16xf32>,
      %get3A_1425 = arith.constant 6 : i32
      %get3A_1426 = arith.index_cast %get3A_1425 : i32 to index
      %get3A_1427 = arith.index_cast %squeeze3A_1409 : i32 to index
      %get3A_1428 = arith.constant 16 : index
      %get3A_1429 = tpu.vector_load %arg10[%get3A_1426, %get3A_1427, %get3A_1428] {strides = array<i32>} : memref<16x8x32xf32, #tpu.memory_space<vmem>>, vector<16xf32>,
      %mul3A_1430 = arith.mulf %get3A_1414, %get3A_1414 : vector<16xf32>
      %mul3A_1431 = arith.mulf %get3A_1419, %get3A_1419 : vector<16xf32>
      %add3A_1432 = arith.addf %mul3A_1430, %mul3A_1431 : vector<16xf32>
      %mul3A_1433 = arith.mulf %get3A_1424, %get3A_1424 : vector<16xf32>
      %mul3A_1434 = arith.mulf %get3A_1429, %get3A_1429 : vector<16xf32>
      %add3A_1435 = arith.addf %mul3A_1433, %mul3A_1434 : vector<16xf32>
      %mul3A_1436 = arith.mulf %get3A_1414, %get3A_1424 : vector<16xf32>
      %mul3A_1437 = arith.mulf %get3A_1419, %get3A_1429 : vector<16xf32>
      %add3A_1438 = arith.addf %mul3A_1436, %mul3A_1437 : vector<16xf32>
      %eq3A_1439 = arith.constant 6 : i32
      %eq3A_1440 = vector.broadcast %eq3A_1439 : i32 to vector<16xi32>
      %eq3A_1441 = arith.cmpi eq, %iota3A, %eq3A_1440 : vector<16xi32>
      %reduce_sum3A_1442 = arith.constant true
      %reduce_sum3A_1443 = vector.broadcast %reduce_sum3A_1442 : i1 to vector<16xi1>
      %reduce_sum3A_1444 = tpu.scan <sum>, %add3A_1432 masked %reduce_sum3A_1443 : vector<16xf32>, vector<16xi1> -> vector<16xf32>
      %reduce_sum3A_1445 = vector.extract %reduce_sum3A_1444[15] : f32 from vector<16xf32>
      %broadcast_in_dim3A_1446 = vector.broadcast %reduce_sum3A_1445 : f32 to vector<16xf32>
      %select_n3A_1447 = arith.select %eq3A_1441, %broadcast_in_dim3A_1446, %select_n3A_1393 : vector<16xi1>, vector<16xf32>
      %reduce_sum3A_1448 = arith.constant true
      %reduce_sum3A_1449 = vector.broadcast %reduce_sum3A_1448 : i1 to vector<16xi1>
      %reduce_sum3A_1450 = tpu.scan <sum>, %add3A_1435 masked %reduce_sum3A_1449 : vector<16xf32>, vector<16xi1> -> vector<16xf32>
      %reduce_sum3A_1451 = vector.extract %reduce_sum3A_1450[15] : f32 from vector<16xf32>
      %broadcast_in_dim3A_1452 = vector.broadcast %reduce_sum3A_1451 : f32 to vector<16xf32>
      %select_n3A_1453 = arith.select %eq3A_1441, %broadcast_in_dim3A_1452, %select_n3A_1399 : vector<16xi1>, vector<16xf32>
      %reduce_sum3A_1454 = arith.constant true
      %reduce_sum3A_1455 = vector.broadcast %reduce_sum3A_1454 : i1 to vector<16xi1>
      %reduce_sum3A_1456 = tpu.scan <sum>, %add3A_1438 masked %reduce_sum3A_1455 : vector<16xf32>, vector<16xi1> -> vector<16xf32>
      %reduce_sum3A_1457 = vector.extract %reduce_sum3A_1456[15] : f32 from vector<16xf32>
      %broadcast_in_dim3A_1458 = vector.broadcast %reduce_sum3A_1457 : f32 to vector<16xf32>
      %select_n3A_1459 = arith.select %eq3A_1441, %broadcast_in_dim3A_1458, %select_n3A_1405 : vector<16xi1>, vector<16xf32>
      %slice3A_1460 = vector.extract_strided_slice %and3A_1079 {offsets = [7], sizes = [1], strides = [1]} : vector<16xi32> to vector<1xi32>
      %squeeze3A_1461 = vector.extract %slice3A_1460[0] : i32 from vector<1xi32>
      %slice3A_1462 = vector.extract_strided_slice %and3A_1084 {offsets = [7], sizes = [1], strides = [1]} : vector<16xi32> to vector<1xi32>
      %squeeze3A_1463 = vector.extract %slice3A_1462[0] : i32 from vector<1xi32>
      %get3A_1464 = arith.constant 7 : i32
      %get3A_1465 = arith.index_cast %get3A_1464 : i32 to index
      %get3A_1466 = arith.index_cast %squeeze3A_1461 : i32 to index
      %get3A_1467 = arith.constant 0 : index
      %get3A_1468 = tpu.vector_load %arg9[%get3A_1465, %get3A_1466, %get3A_1467] {strides = array<i32>} : memref<16x8x32xf32, #tpu.memory_space<vmem>>, vector<16xf32>,
      %get3A_1469 = arith.constant 7 : i32
      %get3A_1470 = arith.index_cast %get3A_1469 : i32 to index
      %get3A_1471 = arith.index_cast %squeeze3A_1461 : i32 to index
      %get3A_1472 = arith.constant 16 : index
      %get3A_1473 = tpu.vector_load %arg9[%get3A_1470, %get3A_1471, %get3A_1472] {strides = array<i32>} : memref<16x8x32xf32, #tpu.memory_space<vmem>>, vector<16xf32>,
      %get3A_1474 = arith.constant 7 : i32
      %get3A_1475 = arith.index_cast %get3A_1474 : i32 to index
      %get3A_1476 = arith.index_cast %squeeze3A_1463 : i32 to index
      %get3A_1477 = arith.constant 0 : index
      %get3A_1478 = tpu.vector_load %arg10[%get3A_1475, %get3A_1476, %get3A_1477] {strides = array<i32>} : memref<16x8x32xf32, #tpu.memory_space<vmem>>, vector<16xf32>,
      %get3A_1479 = arith.constant 7 : i32
      %get3A_1480 = arith.index_cast %get3A_1479 : i32 to index
      %get3A_1481 = arith.index_cast %squeeze3A_1463 : i32 to index
      %get3A_1482 = arith.constant 16 : index
      %get3A_1483 = tpu.vector_load %arg10[%get3A_1480, %get3A_1481, %get3A_1482] {strides = array<i32>} : memref<16x8x32xf32, #tpu.memory_space<vmem>>, vector<16xf32>,
      %mul3A_1484 = arith.mulf %get3A_1468, %get3A_1468 : vector<16xf32>
      %mul3A_1485 = arith.mulf %get3A_1473, %get3A_1473 : vector<16xf32>
      %add3A_1486 = arith.addf %mul3A_1484, %mul3A_1485 : vector<16xf32>
      %mul3A_1487 = arith.mulf %get3A_1478, %get3A_1478 : vector<16xf32>
      %mul3A_1488 = arith.mulf %get3A_1483, %get3A_1483 : vector<16xf32>
      %add3A_1489 = arith.addf %mul3A_1487, %mul3A_1488 : vector<16xf32>
      %mul3A_1490 = arith.mulf %get3A_1468, %get3A_1478 : vector<16xf32>
      %mul3A_1491 = arith.mulf %get3A_1473, %get3A_1483 : vector<16xf32>
      %add3A_1492 = arith.addf %mul3A_1490, %mul3A_1491 : vector<16xf32>
      %eq3A_1493 = arith.constant 7 : i32
      %eq3A_1494 = vector.broadcast %eq3A_1493 : i32 to vector<16xi32>
      %eq3A_1495 = arith.cmpi eq, %iota3A, %eq3A_1494 : vector<16xi32>
      %reduce_sum3A_1496 = arith.constant true
      %reduce_sum3A_1497 = vector.broadcast %reduce_sum3A_1496 : i1 to vector<16xi1>
      %reduce_sum3A_1498 = tpu.scan <sum>, %add3A_1486 masked %reduce_sum3A_1497 : vector<16xf32>, vector<16xi1> -> vector<16xf32>
      %reduce_sum3A_1499 = vector.extract %reduce_sum3A_1498[15] : f32 from vector<16xf32>
      %broadcast_in_dim3A_1500 = vector.broadcast %reduce_sum3A_1499 : f32 to vector<16xf32>
      %select_n3A_1501 = arith.select %eq3A_1495, %broadcast_in_dim3A_1500, %select_n3A_1447 : vector<16xi1>, vector<16xf32>
      %reduce_sum3A_1502 = arith.constant true
      %reduce_sum3A_1503 = vector.broadcast %reduce_sum3A_1502 : i1 to vector<16xi1>
      %reduce_sum3A_1504 = tpu.scan <sum>, %add3A_1489 masked %reduce_sum3A_1503 : vector<16xf32>, vector<16xi1> -> vector<16xf32>
      %reduce_sum3A_1505 = vector.extract %reduce_sum3A_1504[15] : f32 from vector<16xf32>
      %broadcast_in_dim3A_1506 = vector.broadcast %reduce_sum3A_1505 : f32 to vector<16xf32>
      %select_n3A_1507 = arith.select %eq3A_1495, %broadcast_in_dim3A_1506, %select_n3A_1453 : vector<16xi1>, vector<16xf32>
      %reduce_sum3A_1508 = arith.constant true
      %reduce_sum3A_1509 = vector.broadcast %reduce_sum3A_1508 : i1 to vector<16xi1>
      %reduce_sum3A_1510 = tpu.scan <sum>, %add3A_1492 masked %reduce_sum3A_1509 : vector<16xf32>, vector<16xi1> -> vector<16xf32>
      %reduce_sum3A_1511 = vector.extract %reduce_sum3A_1510[15] : f32 from vector<16xf32>
      %broadcast_in_dim3A_1512 = vector.broadcast %reduce_sum3A_1511 : f32 to vector<16xf32>
      %select_n3A_1513 = arith.select %eq3A_1495, %broadcast_in_dim3A_1512, %select_n3A_1459 : vector<16xi1>, vector<16xf32>
      %slice3A_1514 = vector.extract_strided_slice %and3A_1079 {offsets = [8], sizes = [1], strides = [1]} : vector<16xi32> to vector<1xi32>
      %squeeze3A_1515 = vector.extract %slice3A_1514[0] : i32 from vector<1xi32>
      %slice3A_1516 = vector.extract_strided_slice %and3A_1084 {offsets = [8], sizes = [1], strides = [1]} : vector<16xi32> to vector<1xi32>
      %squeeze3A_1517 = vector.extract %slice3A_1516[0] : i32 from vector<1xi32>
      %get3A_1518 = arith.constant 8 : i32
      %get3A_1519 = arith.index_cast %get3A_1518 : i32 to index
      %get3A_1520 = arith.index_cast %squeeze3A_1515 : i32 to index
      %get3A_1521 = arith.constant 0 : index
      %get3A_1522 = tpu.vector_load %arg9[%get3A_1519, %get3A_1520, %get3A_1521] {strides = array<i32>} : memref<16x8x32xf32, #tpu.memory_space<vmem>>, vector<16xf32>,
      %get3A_1523 = arith.constant 8 : i32
      %get3A_1524 = arith.index_cast %get3A_1523 : i32 to index
      %get3A_1525 = arith.index_cast %squeeze3A_1515 : i32 to index
      %get3A_1526 = arith.constant 16 : index
      %get3A_1527 = tpu.vector_load %arg9[%get3A_1524, %get3A_1525, %get3A_1526] {strides = array<i32>} : memref<16x8x32xf32, #tpu.memory_space<vmem>>, vector<16xf32>,
      %get3A_1528 = arith.constant 8 : i32
      %get3A_1529 = arith.index_cast %get3A_1528 : i32 to index
      %get3A_1530 = arith.index_cast %squeeze3A_1517 : i32 to index
      %get3A_1531 = arith.constant 0 : index
      %get3A_1532 = tpu.vector_load %arg10[%get3A_1529, %get3A_1530, %get3A_1531] {strides = array<i32>} : memref<16x8x32xf32, #tpu.memory_space<vmem>>, vector<16xf32>,
      %get3A_1533 = arith.constant 8 : i32
      %get3A_1534 = arith.index_cast %get3A_1533 : i32 to index
      %get3A_1535 = arith.index_cast %squeeze3A_1517 : i32 to index
      %get3A_1536 = arith.constant 16 : index
      %get3A_1537 = tpu.vector_load %arg10[%get3A_1534, %get3A_1535, %get3A_1536] {strides = array<i32>} : memref<16x8x32xf32, #tpu.memory_space<vmem>>, vector<16xf32>,
      %mul3A_1538 = arith.mulf %get3A_1522, %get3A_1522 : vector<16xf32>
      %mul3A_1539 = arith.mulf %get3A_1527, %get3A_1527 : vector<16xf32>
      %add3A_1540 = arith.addf %mul3A_1538, %mul3A_1539 : vector<16xf32>
      %mul3A_1541 = arith.mulf %get3A_1532, %get3A_1532 : vector<16xf32>
      %mul3A_1542 = arith.mulf %get3A_1537, %get3A_1537 : vector<16xf32>
      %add3A_1543 = arith.addf %mul3A_1541, %mul3A_1542 : vector<16xf32>
      %mul3A_1544 = arith.mulf %get3A_1522, %get3A_1532 : vector<16xf32>
      %mul3A_1545 = arith.mulf %get3A_1527, %get3A_1537 : vector<16xf32>
      %add3A_1546 = arith.addf %mul3A_1544, %mul3A_1545 : vector<16xf32>
      %eq3A_1547 = arith.constant 8 : i32
      %eq3A_1548 = vector.broadcast %eq3A_1547 : i32 to vector<16xi32>
      %eq3A_1549 = arith.cmpi eq, %iota3A, %eq3A_1548 : vector<16xi32>
      %reduce_sum3A_1550 = arith.constant true
      %reduce_sum3A_1551 = vector.broadcast %reduce_sum3A_1550 : i1 to vector<16xi1>
      %reduce_sum3A_1552 = tpu.scan <sum>, %add3A_1540 masked %reduce_sum3A_1551 : vector<16xf32>, vector<16xi1> -> vector<16xf32>
      %reduce_sum3A_1553 = vector.extract %reduce_sum3A_1552[15] : f32 from vector<16xf32>
      %broadcast_in_dim3A_1554 = vector.broadcast %reduce_sum3A_1553 : f32 to vector<16xf32>
      %select_n3A_1555 = arith.select %eq3A_1549, %broadcast_in_dim3A_1554, %select_n3A_1501 : vector<16xi1>, vector<16xf32>
      %reduce_sum3A_1556 = arith.constant true
      %reduce_sum3A_1557 = vector.broadcast %reduce_sum3A_1556 : i1 to vector<16xi1>
      %reduce_sum3A_1558 = tpu.scan <sum>, %add3A_1543 masked %reduce_sum3A_1557 : vector<16xf32>, vector<16xi1> -> vector<16xf32>
      %reduce_sum3A_1559 = vector.extract %reduce_sum3A_1558[15] : f32 from vector<16xf32>
      %broadcast_in_dim3A_1560 = vector.broadcast %reduce_sum3A_1559 : f32 to vector<16xf32>
      %select_n3A_1561 = arith.select %eq3A_1549, %broadcast_in_dim3A_1560, %select_n3A_1507 : vector<16xi1>, vector<16xf32>
      %reduce_sum3A_1562 = arith.constant true
      %reduce_sum3A_1563 = vector.broadcast %reduce_sum3A_1562 : i1 to vector<16xi1>
      %reduce_sum3A_1564 = tpu.scan <sum>, %add3A_1546 masked %reduce_sum3A_1563 : vector<16xf32>, vector<16xi1> -> vector<16xf32>
      %reduce_sum3A_1565 = vector.extract %reduce_sum3A_1564[15] : f32 from vector<16xf32>
      %broadcast_in_dim3A_1566 = vector.broadcast %reduce_sum3A_1565 : f32 to vector<16xf32>
      %select_n3A_1567 = arith.select %eq3A_1549, %broadcast_in_dim3A_1566, %select_n3A_1513 : vector<16xi1>, vector<16xf32>
      %slice3A_1568 = vector.extract_strided_slice %and3A_1079 {offsets = [9], sizes = [1], strides = [1]} : vector<16xi32> to vector<1xi32>
      %squeeze3A_1569 = vector.extract %slice3A_1568[0] : i32 from vector<1xi32>
      %slice3A_1570 = vector.extract_strided_slice %and3A_1084 {offsets = [9], sizes = [1], strides = [1]} : vector<16xi32> to vector<1xi32>
      %squeeze3A_1571 = vector.extract %slice3A_1570[0] : i32 from vector<1xi32>
      %get3A_1572 = arith.constant 9 : i32
      %get3A_1573 = arith.index_cast %get3A_1572 : i32 to index
      %get3A_1574 = arith.index_cast %squeeze3A_1569 : i32 to index
      %get3A_1575 = arith.constant 0 : index
      %get3A_1576 = tpu.vector_load %arg9[%get3A_1573, %get3A_1574, %get3A_1575] {strides = array<i32>} : memref<16x8x32xf32, #tpu.memory_space<vmem>>, vector<16xf32>,
      %get3A_1577 = arith.constant 9 : i32
      %get3A_1578 = arith.index_cast %get3A_1577 : i32 to index
      %get3A_1579 = arith.index_cast %squeeze3A_1569 : i32 to index
      %get3A_1580 = arith.constant 16 : index
      %get3A_1581 = tpu.vector_load %arg9[%get3A_1578, %get3A_1579, %get3A_1580] {strides = array<i32>} : memref<16x8x32xf32, #tpu.memory_space<vmem>>, vector<16xf32>,
      %get3A_1582 = arith.constant 9 : i32
      %get3A_1583 = arith.index_cast %get3A_1582 : i32 to index
      %get3A_1584 = arith.index_cast %squeeze3A_1571 : i32 to index
      %get3A_1585 = arith.constant 0 : index
      %get3A_1586 = tpu.vector_load %arg10[%get3A_1583, %get3A_1584, %get3A_1585] {strides = array<i32>} : memref<16x8x32xf32, #tpu.memory_space<vmem>>, vector<16xf32>,
      %get3A_1587 = arith.constant 9 : i32
      %get3A_1588 = arith.index_cast %get3A_1587 : i32 to index
      %get3A_1589 = arith.index_cast %squeeze3A_1571 : i32 to index
      %get3A_1590 = arith.constant 16 : index
      %get3A_1591 = tpu.vector_load %arg10[%get3A_1588, %get3A_1589, %get3A_1590] {strides = array<i32>} : memref<16x8x32xf32, #tpu.memory_space<vmem>>, vector<16xf32>,
      %mul3A_1592 = arith.mulf %get3A_1576, %get3A_1576 : vector<16xf32>
      %mul3A_1593 = arith.mulf %get3A_1581, %get3A_1581 : vector<16xf32>
      %add3A_1594 = arith.addf %mul3A_1592, %mul3A_1593 : vector<16xf32>
      %mul3A_1595 = arith.mulf %get3A_1586, %get3A_1586 : vector<16xf32>
      %mul3A_1596 = arith.mulf %get3A_1591, %get3A_1591 : vector<16xf32>
      %add3A_1597 = arith.addf %mul3A_1595, %mul3A_1596 : vector<16xf32>
      %mul3A_1598 = arith.mulf %get3A_1576, %get3A_1586 : vector<16xf32>
      %mul3A_1599 = arith.mulf %get3A_1581, %get3A_1591 : vector<16xf32>
      %add3A_1600 = arith.addf %mul3A_1598, %mul3A_1599 : vector<16xf32>
      %eq3A_1601 = arith.constant 9 : i32
      %eq3A_1602 = vector.broadcast %eq3A_1601 : i32 to vector<16xi32>
      %eq3A_1603 = arith.cmpi eq, %iota3A, %eq3A_1602 : vector<16xi32>
      %reduce_sum3A_1604 = arith.constant true
      %reduce_sum3A_1605 = vector.broadcast %reduce_sum3A_1604 : i1 to vector<16xi1>
      %reduce_sum3A_1606 = tpu.scan <sum>, %add3A_1594 masked %reduce_sum3A_1605 : vector<16xf32>, vector<16xi1> -> vector<16xf32>
      %reduce_sum3A_1607 = vector.extract %reduce_sum3A_1606[15] : f32 from vector<16xf32>
      %broadcast_in_dim3A_1608 = vector.broadcast %reduce_sum3A_1607 : f32 to vector<16xf32>
      %select_n3A_1609 = arith.select %eq3A_1603, %broadcast_in_dim3A_1608, %select_n3A_1555 : vector<16xi1>, vector<16xf32>
      %reduce_sum3A_1610 = arith.constant true
      %reduce_sum3A_1611 = vector.broadcast %reduce_sum3A_1610 : i1 to vector<16xi1>
      %reduce_sum3A_1612 = tpu.scan <sum>, %add3A_1597 masked %reduce_sum3A_1611 : vector<16xf32>, vector<16xi1> -> vector<16xf32>
      %reduce_sum3A_1613 = vector.extract %reduce_sum3A_1612[15] : f32 from vector<16xf32>
      %broadcast_in_dim3A_1614 = vector.broadcast %reduce_sum3A_1613 : f32 to vector<16xf32>
      %select_n3A_1615 = arith.select %eq3A_1603, %broadcast_in_dim3A_1614, %select_n3A_1561 : vector<16xi1>, vector<16xf32>
      %reduce_sum3A_1616 = arith.constant true
      %reduce_sum3A_1617 = vector.broadcast %reduce_sum3A_1616 : i1 to vector<16xi1>
      %reduce_sum3A_1618 = tpu.scan <sum>, %add3A_1600 masked %reduce_sum3A_1617 : vector<16xf32>, vector<16xi1> -> vector<16xf32>
      %reduce_sum3A_1619 = vector.extract %reduce_sum3A_1618[15] : f32 from vector<16xf32>
      %broadcast_in_dim3A_1620 = vector.broadcast %reduce_sum3A_1619 : f32 to vector<16xf32>
      %select_n3A_1621 = arith.select %eq3A_1603, %broadcast_in_dim3A_1620, %select_n3A_1567 : vector<16xi1>, vector<16xf32>
      %slice3A_1622 = vector.extract_strided_slice %and3A_1079 {offsets = [10], sizes = [1], strides = [1]} : vector<16xi32> to vector<1xi32>
      %squeeze3A_1623 = vector.extract %slice3A_1622[0] : i32 from vector<1xi32>
      %slice3A_1624 = vector.extract_strided_slice %and3A_1084 {offsets = [10], sizes = [1], strides = [1]} : vector<16xi32> to vector<1xi32>
      %squeeze3A_1625 = vector.extract %slice3A_1624[0] : i32 from vector<1xi32>
      %get3A_1626 = arith.constant 10 : i32
      %get3A_1627 = arith.index_cast %get3A_1626 : i32 to index
      %get3A_1628 = arith.index_cast %squeeze3A_1623 : i32 to index
      %get3A_1629 = arith.constant 0 : index
      %get3A_1630 = tpu.vector_load %arg9[%get3A_1627, %get3A_1628, %get3A_1629] {strides = array<i32>} : memref<16x8x32xf32, #tpu.memory_space<vmem>>, vector<16xf32>,
      %get3A_1631 = arith.constant 10 : i32
      %get3A_1632 = arith.index_cast %get3A_1631 : i32 to index
      %get3A_1633 = arith.index_cast %squeeze3A_1623 : i32 to index
      %get3A_1634 = arith.constant 16 : index
      %get3A_1635 = tpu.vector_load %arg9[%get3A_1632, %get3A_1633, %get3A_1634] {strides = array<i32>} : memref<16x8x32xf32, #tpu.memory_space<vmem>>, vector<16xf32>,
      %get3A_1636 = arith.constant 10 : i32
      %get3A_1637 = arith.index_cast %get3A_1636 : i32 to index
      %get3A_1638 = arith.index_cast %squeeze3A_1625 : i32 to index
      %get3A_1639 = arith.constant 0 : index
      %get3A_1640 = tpu.vector_load %arg10[%get3A_1637, %get3A_1638, %get3A_1639] {strides = array<i32>} : memref<16x8x32xf32, #tpu.memory_space<vmem>>, vector<16xf32>,
      %get3A_1641 = arith.constant 10 : i32
      %get3A_1642 = arith.index_cast %get3A_1641 : i32 to index
      %get3A_1643 = arith.index_cast %squeeze3A_1625 : i32 to index
      %get3A_1644 = arith.constant 16 : index
      %get3A_1645 = tpu.vector_load %arg10[%get3A_1642, %get3A_1643, %get3A_1644] {strides = array<i32>} : memref<16x8x32xf32, #tpu.memory_space<vmem>>, vector<16xf32>,
      %mul3A_1646 = arith.mulf %get3A_1630, %get3A_1630 : vector<16xf32>
      %mul3A_1647 = arith.mulf %get3A_1635, %get3A_1635 : vector<16xf32>
      %add3A_1648 = arith.addf %mul3A_1646, %mul3A_1647 : vector<16xf32>
      %mul3A_1649 = arith.mulf %get3A_1640, %get3A_1640 : vector<16xf32>
      %mul3A_1650 = arith.mulf %get3A_1645, %get3A_1645 : vector<16xf32>
      %add3A_1651 = arith.addf %mul3A_1649, %mul3A_1650 : vector<16xf32>
      %mul3A_1652 = arith.mulf %get3A_1630, %get3A_1640 : vector<16xf32>
      %mul3A_1653 = arith.mulf %get3A_1635, %get3A_1645 : vector<16xf32>
      %add3A_1654 = arith.addf %mul3A_1652, %mul3A_1653 : vector<16xf32>
      %eq3A_1655 = arith.constant 10 : i32
      %eq3A_1656 = vector.broadcast %eq3A_1655 : i32 to vector<16xi32>
      %eq3A_1657 = arith.cmpi eq, %iota3A, %eq3A_1656 : vector<16xi32>
      %reduce_sum3A_1658 = arith.constant true
      %reduce_sum3A_1659 = vector.broadcast %reduce_sum3A_1658 : i1 to vector<16xi1>
      %reduce_sum3A_1660 = tpu.scan <sum>, %add3A_1648 masked %reduce_sum3A_1659 : vector<16xf32>, vector<16xi1> -> vector<16xf32>
      %reduce_sum3A_1661 = vector.extract %reduce_sum3A_1660[15] : f32 from vector<16xf32>
      %broadcast_in_dim3A_1662 = vector.broadcast %reduce_sum3A_1661 : f32 to vector<16xf32>
      %select_n3A_1663 = arith.select %eq3A_1657, %broadcast_in_dim3A_1662, %select_n3A_1609 : vector<16xi1>, vector<16xf32>
      %reduce_sum3A_1664 = arith.constant true
      %reduce_sum3A_1665 = vector.broadcast %reduce_sum3A_1664 : i1 to vector<16xi1>
      %reduce_sum3A_1666 = tpu.scan <sum>, %add3A_1651 masked %reduce_sum3A_1665 : vector<16xf32>, vector<16xi1> -> vector<16xf32>
      %reduce_sum3A_1667 = vector.extract %reduce_sum3A_1666[15] : f32 from vector<16xf32>
      %broadcast_in_dim3A_1668 = vector.broadcast %reduce_sum3A_1667 : f32 to vector<16xf32>
      %select_n3A_1669 = arith.select %eq3A_1657, %broadcast_in_dim3A_1668, %select_n3A_1615 : vector<16xi1>, vector<16xf32>
      %reduce_sum3A_1670 = arith.constant true
      %reduce_sum3A_1671 = vector.broadcast %reduce_sum3A_1670 : i1 to vector<16xi1>
      %reduce_sum3A_1672 = tpu.scan <sum>, %add3A_1654 masked %reduce_sum3A_1671 : vector<16xf32>, vector<16xi1> -> vector<16xf32>
      %reduce_sum3A_1673 = vector.extract %reduce_sum3A_1672[15] : f32 from vector<16xf32>
      %broadcast_in_dim3A_1674 = vector.broadcast %reduce_sum3A_1673 : f32 to vector<16xf32>
      %select_n3A_1675 = arith.select %eq3A_1657, %broadcast_in_dim3A_1674, %select_n3A_1621 : vector<16xi1>, vector<16xf32>
      %slice3A_1676 = vector.extract_strided_slice %and3A_1079 {offsets = [11], sizes = [1], strides = [1]} : vector<16xi32> to vector<1xi32>
      %squeeze3A_1677 = vector.extract %slice3A_1676[0] : i32 from vector<1xi32>
      %slice3A_1678 = vector.extract_strided_slice %and3A_1084 {offsets = [11], sizes = [1], strides = [1]} : vector<16xi32> to vector<1xi32>
      %squeeze3A_1679 = vector.extract %slice3A_1678[0] : i32 from vector<1xi32>
      %get3A_1680 = arith.constant 11 : i32
      %get3A_1681 = arith.index_cast %get3A_1680 : i32 to index
      %get3A_1682 = arith.index_cast %squeeze3A_1677 : i32 to index
      %get3A_1683 = arith.constant 0 : index
      %get3A_1684 = tpu.vector_load %arg9[%get3A_1681, %get3A_1682, %get3A_1683] {strides = array<i32>} : memref<16x8x32xf32, #tpu.memory_space<vmem>>, vector<16xf32>,
      %get3A_1685 = arith.constant 11 : i32
      %get3A_1686 = arith.index_cast %get3A_1685 : i32 to index
      %get3A_1687 = arith.index_cast %squeeze3A_1677 : i32 to index
      %get3A_1688 = arith.constant 16 : index
      %get3A_1689 = tpu.vector_load %arg9[%get3A_1686, %get3A_1687, %get3A_1688] {strides = array<i32>} : memref<16x8x32xf32, #tpu.memory_space<vmem>>, vector<16xf32>,
      %get3A_1690 = arith.constant 11 : i32
      %get3A_1691 = arith.index_cast %get3A_1690 : i32 to index
      %get3A_1692 = arith.index_cast %squeeze3A_1679 : i32 to index
      %get3A_1693 = arith.constant 0 : index
      %get3A_1694 = tpu.vector_load %arg10[%get3A_1691, %get3A_1692, %get3A_1693] {strides = array<i32>} : memref<16x8x32xf32, #tpu.memory_space<vmem>>, vector<16xf32>,
      %get3A_1695 = arith.constant 11 : i32
      %get3A_1696 = arith.index_cast %get3A_1695 : i32 to index
      %get3A_1697 = arith.index_cast %squeeze3A_1679 : i32 to index
      %get3A_1698 = arith.constant 16 : index
      %get3A_1699 = tpu.vector_load %arg10[%get3A_1696, %get3A_1697, %get3A_1698] {strides = array<i32>} : memref<16x8x32xf32, #tpu.memory_space<vmem>>, vector<16xf32>,
      %mul3A_1700 = arith.mulf %get3A_1684, %get3A_1684 : vector<16xf32>
      %mul3A_1701 = arith.mulf %get3A_1689, %get3A_1689 : vector<16xf32>
      %add3A_1702 = arith.addf %mul3A_1700, %mul3A_1701 : vector<16xf32>
      %mul3A_1703 = arith.mulf %get3A_1694, %get3A_1694 : vector<16xf32>
      %mul3A_1704 = arith.mulf %get3A_1699, %get3A_1699 : vector<16xf32>
      %add3A_1705 = arith.addf %mul3A_1703, %mul3A_1704 : vector<16xf32>
      %mul3A_1706 = arith.mulf %get3A_1684, %get3A_1694 : vector<16xf32>
      %mul3A_1707 = arith.mulf %get3A_1689, %get3A_1699 : vector<16xf32>
      %add3A_1708 = arith.addf %mul3A_1706, %mul3A_1707 : vector<16xf32>
      %eq3A_1709 = arith.constant 11 : i32
      %eq3A_1710 = vector.broadcast %eq3A_1709 : i32 to vector<16xi32>
      %eq3A_1711 = arith.cmpi eq, %iota3A, %eq3A_1710 : vector<16xi32>
      %reduce_sum3A_1712 = arith.constant true
      %reduce_sum3A_1713 = vector.broadcast %reduce_sum3A_1712 : i1 to vector<16xi1>
      %reduce_sum3A_1714 = tpu.scan <sum>, %add3A_1702 masked %reduce_sum3A_1713 : vector<16xf32>, vector<16xi1> -> vector<16xf32>
      %reduce_sum3A_1715 = vector.extract %reduce_sum3A_1714[15] : f32 from vector<16xf32>
      %broadcast_in_dim3A_1716 = vector.broadcast %reduce_sum3A_1715 : f32 to vector<16xf32>
      %select_n3A_1717 = arith.select %eq3A_1711, %broadcast_in_dim3A_1716, %select_n3A_1663 : vector<16xi1>, vector<16xf32>
      %reduce_sum3A_1718 = arith.constant true
      %reduce_sum3A_1719 = vector.broadcast %reduce_sum3A_1718 : i1 to vector<16xi1>
      %reduce_sum3A_1720 = tpu.scan <sum>, %add3A_1705 masked %reduce_sum3A_1719 : vector<16xf32>, vector<16xi1> -> vector<16xf32>
      %reduce_sum3A_1721 = vector.extract %reduce_sum3A_1720[15] : f32 from vector<16xf32>
      %broadcast_in_dim3A_1722 = vector.broadcast %reduce_sum3A_1721 : f32 to vector<16xf32>
      %select_n3A_1723 = arith.select %eq3A_1711, %broadcast_in_dim3A_1722, %select_n3A_1669 : vector<16xi1>, vector<16xf32>
      %reduce_sum3A_1724 = arith.constant true
      %reduce_sum3A_1725 = vector.broadcast %reduce_sum3A_1724 : i1 to vector<16xi1>
      %reduce_sum3A_1726 = tpu.scan <sum>, %add3A_1708 masked %reduce_sum3A_1725 : vector<16xf32>, vector<16xi1> -> vector<16xf32>
      %reduce_sum3A_1727 = vector.extract %reduce_sum3A_1726[15] : f32 from vector<16xf32>
      %broadcast_in_dim3A_1728 = vector.broadcast %reduce_sum3A_1727 : f32 to vector<16xf32>
      %select_n3A_1729 = arith.select %eq3A_1711, %broadcast_in_dim3A_1728, %select_n3A_1675 : vector<16xi1>, vector<16xf32>
      %slice3A_1730 = vector.extract_strided_slice %and3A_1079 {offsets = [12], sizes = [1], strides = [1]} : vector<16xi32> to vector<1xi32>
      %squeeze3A_1731 = vector.extract %slice3A_1730[0] : i32 from vector<1xi32>
      %slice3A_1732 = vector.extract_strided_slice %and3A_1084 {offsets = [12], sizes = [1], strides = [1]} : vector<16xi32> to vector<1xi32>
      %squeeze3A_1733 = vector.extract %slice3A_1732[0] : i32 from vector<1xi32>
      %get3A_1734 = arith.constant 12 : i32
      %get3A_1735 = arith.index_cast %get3A_1734 : i32 to index
      %get3A_1736 = arith.index_cast %squeeze3A_1731 : i32 to index
      %get3A_1737 = arith.constant 0 : index
      %get3A_1738 = tpu.vector_load %arg9[%get3A_1735, %get3A_1736, %get3A_1737] {strides = array<i32>} : memref<16x8x32xf32, #tpu.memory_space<vmem>>, vector<16xf32>,
      %get3A_1739 = arith.constant 12 : i32
      %get3A_1740 = arith.index_cast %get3A_1739 : i32 to index
      %get3A_1741 = arith.index_cast %squeeze3A_1731 : i32 to index
      %get3A_1742 = arith.constant 16 : index
      %get3A_1743 = tpu.vector_load %arg9[%get3A_1740, %get3A_1741, %get3A_1742] {strides = array<i32>} : memref<16x8x32xf32, #tpu.memory_space<vmem>>, vector<16xf32>,
      %get3A_1744 = arith.constant 12 : i32
      %get3A_1745 = arith.index_cast %get3A_1744 : i32 to index
      %get3A_1746 = arith.index_cast %squeeze3A_1733 : i32 to index
      %get3A_1747 = arith.constant 0 : index
      %get3A_1748 = tpu.vector_load %arg10[%get3A_1745, %get3A_1746, %get3A_1747] {strides = array<i32>} : memref<16x8x32xf32, #tpu.memory_space<vmem>>, vector<16xf32>,
      %get3A_1749 = arith.constant 12 : i32
      %get3A_1750 = arith.index_cast %get3A_1749 : i32 to index
      %get3A_1751 = arith.index_cast %squeeze3A_1733 : i32 to index
      %get3A_1752 = arith.constant 16 : index
      %get3A_1753 = tpu.vector_load %arg10[%get3A_1750, %get3A_1751, %get3A_1752] {strides = array<i32>} : memref<16x8x32xf32, #tpu.memory_space<vmem>>, vector<16xf32>,
      %mul3A_1754 = arith.mulf %get3A_1738, %get3A_1738 : vector<16xf32>
      %mul3A_1755 = arith.mulf %get3A_1743, %get3A_1743 : vector<16xf32>
      %add3A_1756 = arith.addf %mul3A_1754, %mul3A_1755 : vector<16xf32>
      %mul3A_1757 = arith.mulf %get3A_1748, %get3A_1748 : vector<16xf32>
      %mul3A_1758 = arith.mulf %get3A_1753, %get3A_1753 : vector<16xf32>
      %add3A_1759 = arith.addf %mul3A_1757, %mul3A_1758 : vector<16xf32>
      %mul3A_1760 = arith.mulf %get3A_1738, %get3A_1748 : vector<16xf32>
      %mul3A_1761 = arith.mulf %get3A_1743, %get3A_1753 : vector<16xf32>
      %add3A_1762 = arith.addf %mul3A_1760, %mul3A_1761 : vector<16xf32>
      %eq3A_1763 = arith.constant 12 : i32
      %eq3A_1764 = vector.broadcast %eq3A_1763 : i32 to vector<16xi32>
      %eq3A_1765 = arith.cmpi eq, %iota3A, %eq3A_1764 : vector<16xi32>
      %reduce_sum3A_1766 = arith.constant true
      %reduce_sum3A_1767 = vector.broadcast %reduce_sum3A_1766 : i1 to vector<16xi1>
      %reduce_sum3A_1768 = tpu.scan <sum>, %add3A_1756 masked %reduce_sum3A_1767 : vector<16xf32>, vector<16xi1> -> vector<16xf32>
      %reduce_sum3A_1769 = vector.extract %reduce_sum3A_1768[15] : f32 from vector<16xf32>
      %broadcast_in_dim3A_1770 = vector.broadcast %reduce_sum3A_1769 : f32 to vector<16xf32>
      %select_n3A_1771 = arith.select %eq3A_1765, %broadcast_in_dim3A_1770, %select_n3A_1717 : vector<16xi1>, vector<16xf32>
      %reduce_sum3A_1772 = arith.constant true
      %reduce_sum3A_1773 = vector.broadcast %reduce_sum3A_1772 : i1 to vector<16xi1>
      %reduce_sum3A_1774 = tpu.scan <sum>, %add3A_1759 masked %reduce_sum3A_1773 : vector<16xf32>, vector<16xi1> -> vector<16xf32>
      %reduce_sum3A_1775 = vector.extract %reduce_sum3A_1774[15] : f32 from vector<16xf32>
      %broadcast_in_dim3A_1776 = vector.broadcast %reduce_sum3A_1775 : f32 to vector<16xf32>
      %select_n3A_1777 = arith.select %eq3A_1765, %broadcast_in_dim3A_1776, %select_n3A_1723 : vector<16xi1>, vector<16xf32>
      %reduce_sum3A_1778 = arith.constant true
      %reduce_sum3A_1779 = vector.broadcast %reduce_sum3A_1778 : i1 to vector<16xi1>
      %reduce_sum3A_1780 = tpu.scan <sum>, %add3A_1762 masked %reduce_sum3A_1779 : vector<16xf32>, vector<16xi1> -> vector<16xf32>
      %reduce_sum3A_1781 = vector.extract %reduce_sum3A_1780[15] : f32 from vector<16xf32>
      %broadcast_in_dim3A_1782 = vector.broadcast %reduce_sum3A_1781 : f32 to vector<16xf32>
      %select_n3A_1783 = arith.select %eq3A_1765, %broadcast_in_dim3A_1782, %select_n3A_1729 : vector<16xi1>, vector<16xf32>
      %slice3A_1784 = vector.extract_strided_slice %and3A_1079 {offsets = [13], sizes = [1], strides = [1]} : vector<16xi32> to vector<1xi32>
      %squeeze3A_1785 = vector.extract %slice3A_1784[0] : i32 from vector<1xi32>
      %slice3A_1786 = vector.extract_strided_slice %and3A_1084 {offsets = [13], sizes = [1], strides = [1]} : vector<16xi32> to vector<1xi32>
      %squeeze3A_1787 = vector.extract %slice3A_1786[0] : i32 from vector<1xi32>
      %get3A_1788 = arith.constant 13 : i32
      %get3A_1789 = arith.index_cast %get3A_1788 : i32 to index
      %get3A_1790 = arith.index_cast %squeeze3A_1785 : i32 to index
      %get3A_1791 = arith.constant 0 : index
      %get3A_1792 = tpu.vector_load %arg9[%get3A_1789, %get3A_1790, %get3A_1791] {strides = array<i32>} : memref<16x8x32xf32, #tpu.memory_space<vmem>>, vector<16xf32>,
      %get3A_1793 = arith.constant 13 : i32
      %get3A_1794 = arith.index_cast %get3A_1793 : i32 to index
      %get3A_1795 = arith.index_cast %squeeze3A_1785 : i32 to index
      %get3A_1796 = arith.constant 16 : index
      %get3A_1797 = tpu.vector_load %arg9[%get3A_1794, %get3A_1795, %get3A_1796] {strides = array<i32>} : memref<16x8x32xf32, #tpu.memory_space<vmem>>, vector<16xf32>,
      %get3A_1798 = arith.constant 13 : i32
      %get3A_1799 = arith.index_cast %get3A_1798 : i32 to index
      %get3A_1800 = arith.index_cast %squeeze3A_1787 : i32 to index
      %get3A_1801 = arith.constant 0 : index
      %get3A_1802 = tpu.vector_load %arg10[%get3A_1799, %get3A_1800, %get3A_1801] {strides = array<i32>} : memref<16x8x32xf32, #tpu.memory_space<vmem>>, vector<16xf32>,
      %get3A_1803 = arith.constant 13 : i32
      %get3A_1804 = arith.index_cast %get3A_1803 : i32 to index
      %get3A_1805 = arith.index_cast %squeeze3A_1787 : i32 to index
      %get3A_1806 = arith.constant 16 : index
      %get3A_1807 = tpu.vector_load %arg10[%get3A_1804, %get3A_1805, %get3A_1806] {strides = array<i32>} : memref<16x8x32xf32, #tpu.memory_space<vmem>>, vector<16xf32>,
      %mul3A_1808 = arith.mulf %get3A_1792, %get3A_1792 : vector<16xf32>
      %mul3A_1809 = arith.mulf %get3A_1797, %get3A_1797 : vector<16xf32>
      %add3A_1810 = arith.addf %mul3A_1808, %mul3A_1809 : vector<16xf32>
      %mul3A_1811 = arith.mulf %get3A_1802, %get3A_1802 : vector<16xf32>
      %mul3A_1812 = arith.mulf %get3A_1807, %get3A_1807 : vector<16xf32>
      %add3A_1813 = arith.addf %mul3A_1811, %mul3A_1812 : vector<16xf32>
      %mul3A_1814 = arith.mulf %get3A_1792, %get3A_1802 : vector<16xf32>
      %mul3A_1815 = arith.mulf %get3A_1797, %get3A_1807 : vector<16xf32>
      %add3A_1816 = arith.addf %mul3A_1814, %mul3A_1815 : vector<16xf32>
      %eq3A_1817 = arith.constant 13 : i32
      %eq3A_1818 = vector.broadcast %eq3A_1817 : i32 to vector<16xi32>
      %eq3A_1819 = arith.cmpi eq, %iota3A, %eq3A_1818 : vector<16xi32>
      %reduce_sum3A_1820 = arith.constant true
      %reduce_sum3A_1821 = vector.broadcast %reduce_sum3A_1820 : i1 to vector<16xi1>
      %reduce_sum3A_1822 = tpu.scan <sum>, %add3A_1810 masked %reduce_sum3A_1821 : vector<16xf32>, vector<16xi1> -> vector<16xf32>
      %reduce_sum3A_1823 = vector.extract %reduce_sum3A_1822[15] : f32 from vector<16xf32>
      %broadcast_in_dim3A_1824 = vector.broadcast %reduce_sum3A_1823 : f32 to vector<16xf32>
      %select_n3A_1825 = arith.select %eq3A_1819, %broadcast_in_dim3A_1824, %select_n3A_1771 : vector<16xi1>, vector<16xf32>
      %reduce_sum3A_1826 = arith.constant true
      %reduce_sum3A_1827 = vector.broadcast %reduce_sum3A_1826 : i1 to vector<16xi1>
      %reduce_sum3A_1828 = tpu.scan <sum>, %add3A_1813 masked %reduce_sum3A_1827 : vector<16xf32>, vector<16xi1> -> vector<16xf32>
      %reduce_sum3A_1829 = vector.extract %reduce_sum3A_1828[15] : f32 from vector<16xf32>
      %broadcast_in_dim3A_1830 = vector.broadcast %reduce_sum3A_1829 : f32 to vector<16xf32>
      %select_n3A_1831 = arith.select %eq3A_1819, %broadcast_in_dim3A_1830, %select_n3A_1777 : vector<16xi1>, vector<16xf32>
      %reduce_sum3A_1832 = arith.constant true
      %reduce_sum3A_1833 = vector.broadcast %reduce_sum3A_1832 : i1 to vector<16xi1>
      %reduce_sum3A_1834 = tpu.scan <sum>, %add3A_1816 masked %reduce_sum3A_1833 : vector<16xf32>, vector<16xi1> -> vector<16xf32>
      %reduce_sum3A_1835 = vector.extract %reduce_sum3A_1834[15] : f32 from vector<16xf32>
      %broadcast_in_dim3A_1836 = vector.broadcast %reduce_sum3A_1835 : f32 to vector<16xf32>
      %select_n3A_1837 = arith.select %eq3A_1819, %broadcast_in_dim3A_1836, %select_n3A_1783 : vector<16xi1>, vector<16xf32>
      %slice3A_1838 = vector.extract_strided_slice %and3A_1079 {offsets = [14], sizes = [1], strides = [1]} : vector<16xi32> to vector<1xi32>
      %squeeze3A_1839 = vector.extract %slice3A_1838[0] : i32 from vector<1xi32>
      %slice3A_1840 = vector.extract_strided_slice %and3A_1084 {offsets = [14], sizes = [1], strides = [1]} : vector<16xi32> to vector<1xi32>
      %squeeze3A_1841 = vector.extract %slice3A_1840[0] : i32 from vector<1xi32>
      %get3A_1842 = arith.constant 14 : i32
      %get3A_1843 = arith.index_cast %get3A_1842 : i32 to index
      %get3A_1844 = arith.index_cast %squeeze3A_1839 : i32 to index
      %get3A_1845 = arith.constant 0 : index
      %get3A_1846 = tpu.vector_load %arg9[%get3A_1843, %get3A_1844, %get3A_1845] {strides = array<i32>} : memref<16x8x32xf32, #tpu.memory_space<vmem>>, vector<16xf32>,
      %get3A_1847 = arith.constant 14 : i32
      %get3A_1848 = arith.index_cast %get3A_1847 : i32 to index
      %get3A_1849 = arith.index_cast %squeeze3A_1839 : i32 to index
      %get3A_1850 = arith.constant 16 : index
      %get3A_1851 = tpu.vector_load %arg9[%get3A_1848, %get3A_1849, %get3A_1850] {strides = array<i32>} : memref<16x8x32xf32, #tpu.memory_space<vmem>>, vector<16xf32>,
      %get3A_1852 = arith.constant 14 : i32
      %get3A_1853 = arith.index_cast %get3A_1852 : i32 to index
      %get3A_1854 = arith.index_cast %squeeze3A_1841 : i32 to index
      %get3A_1855 = arith.constant 0 : index
      %get3A_1856 = tpu.vector_load %arg10[%get3A_1853, %get3A_1854, %get3A_1855] {strides = array<i32>} : memref<16x8x32xf32, #tpu.memory_space<vmem>>, vector<16xf32>,
      %get3A_1857 = arith.constant 14 : i32
      %get3A_1858 = arith.index_cast %get3A_1857 : i32 to index
      %get3A_1859 = arith.index_cast %squeeze3A_1841 : i32 to index
      %get3A_1860 = arith.constant 16 : index
      %get3A_1861 = tpu.vector_load %arg10[%get3A_1858, %get3A_1859, %get3A_1860] {strides = array<i32>} : memref<16x8x32xf32, #tpu.memory_space<vmem>>, vector<16xf32>,
      %mul3A_1862 = arith.mulf %get3A_1846, %get3A_1846 : vector<16xf32>
      %mul3A_1863 = arith.mulf %get3A_1851, %get3A_1851 : vector<16xf32>
      %add3A_1864 = arith.addf %mul3A_1862, %mul3A_1863 : vector<16xf32>
      %mul3A_1865 = arith.mulf %get3A_1856, %get3A_1856 : vector<16xf32>
      %mul3A_1866 = arith.mulf %get3A_1861, %get3A_1861 : vector<16xf32>
      %add3A_1867 = arith.addf %mul3A_1865, %mul3A_1866 : vector<16xf32>
      %mul3A_1868 = arith.mulf %get3A_1846, %get3A_1856 : vector<16xf32>
      %mul3A_1869 = arith.mulf %get3A_1851, %get3A_1861 : vector<16xf32>
      %add3A_1870 = arith.addf %mul3A_1868, %mul3A_1869 : vector<16xf32>
      %eq3A_1871 = arith.constant 14 : i32
      %eq3A_1872 = vector.broadcast %eq3A_1871 : i32 to vector<16xi32>
      %eq3A_1873 = arith.cmpi eq, %iota3A, %eq3A_1872 : vector<16xi32>
      %reduce_sum3A_1874 = arith.constant true
      %reduce_sum3A_1875 = vector.broadcast %reduce_sum3A_1874 : i1 to vector<16xi1>
      %reduce_sum3A_1876 = tpu.scan <sum>, %add3A_1864 masked %reduce_sum3A_1875 : vector<16xf32>, vector<16xi1> -> vector<16xf32>
      %reduce_sum3A_1877 = vector.extract %reduce_sum3A_1876[15] : f32 from vector<16xf32>
      %broadcast_in_dim3A_1878 = vector.broadcast %reduce_sum3A_1877 : f32 to vector<16xf32>
      %select_n3A_1879 = arith.select %eq3A_1873, %broadcast_in_dim3A_1878, %select_n3A_1825 : vector<16xi1>, vector<16xf32>
      %reduce_sum3A_1880 = arith.constant true
      %reduce_sum3A_1881 = vector.broadcast %reduce_sum3A_1880 : i1 to vector<16xi1>
      %reduce_sum3A_1882 = tpu.scan <sum>, %add3A_1867 masked %reduce_sum3A_1881 : vector<16xf32>, vector<16xi1> -> vector<16xf32>
      %reduce_sum3A_1883 = vector.extract %reduce_sum3A_1882[15] : f32 from vector<16xf32>
      %broadcast_in_dim3A_1884 = vector.broadcast %reduce_sum3A_1883 : f32 to vector<16xf32>
      %select_n3A_1885 = arith.select %eq3A_1873, %broadcast_in_dim3A_1884, %select_n3A_1831 : vector<16xi1>, vector<16xf32>
      %reduce_sum3A_1886 = arith.constant true
      %reduce_sum3A_1887 = vector.broadcast %reduce_sum3A_1886 : i1 to vector<16xi1>
      %reduce_sum3A_1888 = tpu.scan <sum>, %add3A_1870 masked %reduce_sum3A_1887 : vector<16xf32>, vector<16xi1> -> vector<16xf32>
      %reduce_sum3A_1889 = vector.extract %reduce_sum3A_1888[15] : f32 from vector<16xf32>
      %broadcast_in_dim3A_1890 = vector.broadcast %reduce_sum3A_1889 : f32 to vector<16xf32>
      %select_n3A_1891 = arith.select %eq3A_1873, %broadcast_in_dim3A_1890, %select_n3A_1837 : vector<16xi1>, vector<16xf32>
      %slice3A_1892 = vector.extract_strided_slice %and3A_1079 {offsets = [15], sizes = [1], strides = [1]} : vector<16xi32> to vector<1xi32>
      %squeeze3A_1893 = vector.extract %slice3A_1892[0] : i32 from vector<1xi32>
      %slice3A_1894 = vector.extract_strided_slice %and3A_1084 {offsets = [15], sizes = [1], strides = [1]} : vector<16xi32> to vector<1xi32>
      %squeeze3A_1895 = vector.extract %slice3A_1894[0] : i32 from vector<1xi32>
      %get3A_1896 = arith.constant 15 : i32
      %get3A_1897 = arith.index_cast %get3A_1896 : i32 to index
      %get3A_1898 = arith.index_cast %squeeze3A_1893 : i32 to index
      %get3A_1899 = arith.constant 0 : index
      %get3A_1900 = tpu.vector_load %arg9[%get3A_1897, %get3A_1898, %get3A_1899] {strides = array<i32>} : memref<16x8x32xf32, #tpu.memory_space<vmem>>, vector<16xf32>,
      %get3A_1901 = arith.constant 15 : i32
      %get3A_1902 = arith.index_cast %get3A_1901 : i32 to index
      %get3A_1903 = arith.index_cast %squeeze3A_1893 : i32 to index
      %get3A_1904 = arith.constant 16 : index
      %get3A_1905 = tpu.vector_load %arg9[%get3A_1902, %get3A_1903, %get3A_1904] {strides = array<i32>} : memref<16x8x32xf32, #tpu.memory_space<vmem>>, vector<16xf32>,
      %get3A_1906 = arith.constant 15 : i32
      %get3A_1907 = arith.index_cast %get3A_1906 : i32 to index
      %get3A_1908 = arith.index_cast %squeeze3A_1895 : i32 to index
      %get3A_1909 = arith.constant 0 : index
      %get3A_1910 = tpu.vector_load %arg10[%get3A_1907, %get3A_1908, %get3A_1909] {strides = array<i32>} : memref<16x8x32xf32, #tpu.memory_space<vmem>>, vector<16xf32>,
      %get3A_1911 = arith.constant 15 : i32
      %get3A_1912 = arith.index_cast %get3A_1911 : i32 to index
      %get3A_1913 = arith.index_cast %squeeze3A_1895 : i32 to index
      %get3A_1914 = arith.constant 16 : index
      %get3A_1915 = tpu.vector_load %arg10[%get3A_1912, %get3A_1913, %get3A_1914] {strides = array<i32>} : memref<16x8x32xf32, #tpu.memory_space<vmem>>, vector<16xf32>,
      %mul3A_1916 = arith.mulf %get3A_1900, %get3A_1900 : vector<16xf32>
      %mul3A_1917 = arith.mulf %get3A_1905, %get3A_1905 : vector<16xf32>
      %add3A_1918 = arith.addf %mul3A_1916, %mul3A_1917 : vector<16xf32>
      %mul3A_1919 = arith.mulf %get3A_1910, %get3A_1910 : vector<16xf32>
      %mul3A_1920 = arith.mulf %get3A_1915, %get3A_1915 : vector<16xf32>
      %add3A_1921 = arith.addf %mul3A_1919, %mul3A_1920 : vector<16xf32>
      %mul3A_1922 = arith.mulf %get3A_1900, %get3A_1910 : vector<16xf32>
      %mul3A_1923 = arith.mulf %get3A_1905, %get3A_1915 : vector<16xf32>
      %add3A_1924 = arith.addf %mul3A_1922, %mul3A_1923 : vector<16xf32>
      %eq3A_1925 = arith.constant 15 : i32
      %eq3A_1926 = vector.broadcast %eq3A_1925 : i32 to vector<16xi32>
      %eq3A_1927 = arith.cmpi eq, %iota3A, %eq3A_1926 : vector<16xi32>
      %reduce_sum3A_1928 = arith.constant true
      %reduce_sum3A_1929 = vector.broadcast %reduce_sum3A_1928 : i1 to vector<16xi1>
      %reduce_sum3A_1930 = tpu.scan <sum>, %add3A_1918 masked %reduce_sum3A_1929 : vector<16xf32>, vector<16xi1> -> vector<16xf32>
      %reduce_sum3A_1931 = vector.extract %reduce_sum3A_1930[15] : f32 from vector<16xf32>
      %broadcast_in_dim3A_1932 = vector.broadcast %reduce_sum3A_1931 : f32 to vector<16xf32>
      %select_n3A_1933 = arith.select %eq3A_1927, %broadcast_in_dim3A_1932, %select_n3A_1879 : vector<16xi1>, vector<16xf32>
      %reduce_sum3A_1934 = arith.constant true
      %reduce_sum3A_1935 = vector.broadcast %reduce_sum3A_1934 : i1 to vector<16xi1>
      %reduce_sum3A_1936 = tpu.scan <sum>, %add3A_1921 masked %reduce_sum3A_1935 : vector<16xf32>, vector<16xi1> -> vector<16xf32>
      %reduce_sum3A_1937 = vector.extract %reduce_sum3A_1936[15] : f32 from vector<16xf32>
      %broadcast_in_dim3A_1938 = vector.broadcast %reduce_sum3A_1937 : f32 to vector<16xf32>
      %select_n3A_1939 = arith.select %eq3A_1927, %broadcast_in_dim3A_1938, %select_n3A_1885 : vector<16xi1>, vector<16xf32>
      %reduce_sum3A_1940 = arith.constant true
      %reduce_sum3A_1941 = vector.broadcast %reduce_sum3A_1940 : i1 to vector<16xi1>
      %reduce_sum3A_1942 = tpu.scan <sum>, %add3A_1924 masked %reduce_sum3A_1941 : vector<16xf32>, vector<16xi1> -> vector<16xf32>
      %reduce_sum3A_1943 = vector.extract %reduce_sum3A_1942[15] : f32 from vector<16xf32>
      %broadcast_in_dim3A_1944 = vector.broadcast %reduce_sum3A_1943 : f32 to vector<16xf32>
      %select_n3A_1945 = arith.select %eq3A_1927, %broadcast_in_dim3A_1944, %select_n3A_1891 : vector<16xi1>, vector<16xf32>
      %bitcast3A = vector.bitcast %select_n3A_1933 : vector<16xf32> to vector<16xi32>
      %shift_right_logical3A_1946 = arith.constant 1 : i32
      %shift_right_logical3A_1947 = vector.broadcast %shift_right_logical3A_1946 : i32 to vector<16xi32>
      %shift_right_logical3A_1948 = arith.shrui %bitcast3A, %shift_right_logical3A_1947 : vector<16xi32>
      %sub3A = arith.constant 1597463007 : i32
      %sub3A_1949 = vector.broadcast %sub3A : i32 to vector<16xi32>
      %sub3A_1950 = arith.subi %sub3A_1949, %shift_right_logical3A_1948 : vector<16xi32>
      %bitcast3A_1951 = vector.bitcast %sub3A_1950 : vector<16xi32> to vector<16xf32>
      %mul3A_1952 = arith.constant 5.000000e-01 : f32
      %mul3A_1953 = vector.broadcast %mul3A_1952 : f32 to vector<16xf32>
      %mul3A_1954 = arith.mulf %mul3A_1953, %select_n3A_1933 : vector<16xf32>
      %mul3A_1955 = arith.mulf %mul3A_1954, %bitcast3A_1951 : vector<16xf32>
      %mul3A_1956 = arith.mulf %mul3A_1955, %bitcast3A_1951 : vector<16xf32>
      %sub3A_1957 = arith.constant 1.500000e+00 : f32
      %sub3A_1958 = vector.broadcast %sub3A_1957 : f32 to vector<16xf32>
      %sub3A_1959 = arith.subf %sub3A_1958, %mul3A_1956 : vector<16xf32>
      %mul3A_1960 = arith.mulf %bitcast3A_1951, %sub3A_1959 : vector<16xf32>
      %mul3A_1961 = arith.constant 5.000000e-01 : f32
      %mul3A_1962 = vector.broadcast %mul3A_1961 : f32 to vector<16xf32>
      %mul3A_1963 = arith.mulf %mul3A_1962, %select_n3A_1933 : vector<16xf32>
      %mul3A_1964 = arith.mulf %mul3A_1963, %mul3A_1960 : vector<16xf32>
      %mul3A_1965 = arith.mulf %mul3A_1964, %mul3A_1960 : vector<16xf32>
      %sub3A_1966 = arith.constant 1.500000e+00 : f32
      %sub3A_1967 = vector.broadcast %sub3A_1966 : f32 to vector<16xf32>
      %sub3A_1968 = arith.subf %sub3A_1967, %mul3A_1965 : vector<16xf32>
      %mul3A_1969 = arith.mulf %mul3A_1960, %sub3A_1968 : vector<16xf32>
      %mul3A_1970 = arith.constant 5.000000e-01 : f32
      %mul3A_1971 = vector.broadcast %mul3A_1970 : f32 to vector<16xf32>
      %mul3A_1972 = arith.mulf %mul3A_1971, %select_n3A_1933 : vector<16xf32>
      %mul3A_1973 = arith.mulf %mul3A_1972, %mul3A_1969 : vector<16xf32>
      %mul3A_1974 = arith.mulf %mul3A_1973, %mul3A_1969 : vector<16xf32>
      %sub3A_1975 = arith.constant 1.500000e+00 : f32
      %sub3A_1976 = vector.broadcast %sub3A_1975 : f32 to vector<16xf32>
      %sub3A_1977 = arith.subf %sub3A_1976, %mul3A_1974 : vector<16xf32>
      %mul3A_1978 = arith.mulf %mul3A_1969, %sub3A_1977 : vector<16xf32>
      %mul3A_1979 = arith.mulf %select_n3A_1933, %mul3A_1978 : vector<16xf32>
      %add3A_1980 = arith.constant 1.000000e-07 : f32
      %add3A_1981 = vector.broadcast %add3A_1980 : f32 to vector<16xf32>
      %add3A_1982 = arith.addf %mul3A_1979, %add3A_1981 : vector<16xf32>
      %div3A = arith.constant 1.000000e+00 : f32
      %div3A_1983 = vector.broadcast %div3A : f32 to vector<16xf32>
      %div3A_1984 = arith.divf %div3A_1983, %add3A_1982 : vector<16xf32>
      %gt3A = arith.constant 1.000000e+00 : f32
      %gt3A_1985 = vector.broadcast %gt3A : f32 to vector<16xf32>
      %gt3A_1986 = arith.cmpf ogt, %mul3A_1979, %gt3A_1985 : vector<16xf32>
      %broadcast_in_dim3A_1987 = arith.constant 1.000000e+00 : f32
      %broadcast_in_dim3A_1988 = vector.broadcast %broadcast_in_dim3A_1987 : f32 to vector<16xf32>
      %select_n3A_1989 = arith.select %gt3A_1986, %div3A_1984, %broadcast_in_dim3A_1988 : vector<16xi1>, vector<16xf32>
      %bitcast3A_1990 = vector.bitcast %select_n3A_1939 : vector<16xf32> to vector<16xi32>
      %shift_right_logical3A_1991 = arith.constant 1 : i32
      %shift_right_logical3A_1992 = vector.broadcast %shift_right_logical3A_1991 : i32 to vector<16xi32>
      %shift_right_logical3A_1993 = arith.shrui %bitcast3A_1990, %shift_right_logical3A_1992 : vector<16xi32>
      %sub3A_1994 = arith.constant 1597463007 : i32
      %sub3A_1995 = vector.broadcast %sub3A_1994 : i32 to vector<16xi32>
      %sub3A_1996 = arith.subi %sub3A_1995, %shift_right_logical3A_1993 : vector<16xi32>
      %bitcast3A_1997 = vector.bitcast %sub3A_1996 : vector<16xi32> to vector<16xf32>
      %mul3A_1998 = arith.constant 5.000000e-01 : f32
      %mul3A_1999 = vector.broadcast %mul3A_1998 : f32 to vector<16xf32>
      %mul3A_2000 = arith.mulf %mul3A_1999, %select_n3A_1939 : vector<16xf32>
      %mul3A_2001 = arith.mulf %mul3A_2000, %bitcast3A_1997 : vector<16xf32>
      %mul3A_2002 = arith.mulf %mul3A_2001, %bitcast3A_1997 : vector<16xf32>
      %sub3A_2003 = arith.constant 1.500000e+00 : f32
      %sub3A_2004 = vector.broadcast %sub3A_2003 : f32 to vector<16xf32>
      %sub3A_2005 = arith.subf %sub3A_2004, %mul3A_2002 : vector<16xf32>
      %mul3A_2006 = arith.mulf %bitcast3A_1997, %sub3A_2005 : vector<16xf32>
      %mul3A_2007 = arith.constant 5.000000e-01 : f32
      %mul3A_2008 = vector.broadcast %mul3A_2007 : f32 to vector<16xf32>
      %mul3A_2009 = arith.mulf %mul3A_2008, %select_n3A_1939 : vector<16xf32>
      %mul3A_2010 = arith.mulf %mul3A_2009, %mul3A_2006 : vector<16xf32>
      %mul3A_2011 = arith.mulf %mul3A_2010, %mul3A_2006 : vector<16xf32>
      %sub3A_2012 = arith.constant 1.500000e+00 : f32
      %sub3A_2013 = vector.broadcast %sub3A_2012 : f32 to vector<16xf32>
      %sub3A_2014 = arith.subf %sub3A_2013, %mul3A_2011 : vector<16xf32>
      %mul3A_2015 = arith.mulf %mul3A_2006, %sub3A_2014 : vector<16xf32>
      %mul3A_2016 = arith.constant 5.000000e-01 : f32
      %mul3A_2017 = vector.broadcast %mul3A_2016 : f32 to vector<16xf32>
      %mul3A_2018 = arith.mulf %mul3A_2017, %select_n3A_1939 : vector<16xf32>
      %mul3A_2019 = arith.mulf %mul3A_2018, %mul3A_2015 : vector<16xf32>
      %mul3A_2020 = arith.mulf %mul3A_2019, %mul3A_2015 : vector<16xf32>
      %sub3A_2021 = arith.constant 1.500000e+00 : f32
      %sub3A_2022 = vector.broadcast %sub3A_2021 : f32 to vector<16xf32>
      %sub3A_2023 = arith.subf %sub3A_2022, %mul3A_2020 : vector<16xf32>
      %mul3A_2024 = arith.mulf %mul3A_2015, %sub3A_2023 : vector<16xf32>
      %mul3A_2025 = arith.mulf %select_n3A_1939, %mul3A_2024 : vector<16xf32>
      %add3A_2026 = arith.constant 1.000000e-07 : f32
      %add3A_2027 = vector.broadcast %add3A_2026 : f32 to vector<16xf32>
      %add3A_2028 = arith.addf %mul3A_2025, %add3A_2027 : vector<16xf32>
      %div3A_2029 = arith.constant 1.000000e+00 : f32
      %div3A_2030 = vector.broadcast %div3A_2029 : f32 to vector<16xf32>
      %div3A_2031 = arith.divf %div3A_2030, %add3A_2028 : vector<16xf32>
      %gt3A_2032 = arith.constant 1.000000e+00 : f32
      %gt3A_2033 = vector.broadcast %gt3A_2032 : f32 to vector<16xf32>
      %gt3A_2034 = arith.cmpf ogt, %mul3A_2025, %gt3A_2033 : vector<16xf32>
      %broadcast_in_dim3A_2035 = arith.constant 1.000000e+00 : f32
      %broadcast_in_dim3A_2036 = vector.broadcast %broadcast_in_dim3A_2035 : f32 to vector<16xf32>
      %select_n3A_2037 = arith.select %gt3A_2034, %div3A_2031, %broadcast_in_dim3A_2036 : vector<16xi1>, vector<16xf32>
      %mul3A_2038 = arith.mulf %select_n3A_1989, %select_n3A_2037 : vector<16xf32>
      %mul3A_2039 = arith.mulf %select_n3A_1945, %mul3A_2038 : vector<16xf32>
      %swap3A = arith.index_cast %mul3A_1070 : i32 to index
      %swap3A_2040 = tpu.vector_load %arg13[%swap3A] {strides = array<i32>} : memref<512xf32, #tpu.memory_space<vmem>>, vector<16xf32>,
      tpu.vector_store %arg13[%swap3A], %mul3A_2039 {strides = array<i32>} : memref<512xf32, #tpu.memory_space<vmem>>, vector<16xf32>,
      %lt3A = arith.constant 15 : i32
      %lt3A_2041 = arith.cmpi slt, %scan3A_525, %lt3A : i32
      %convert_element_type3A = arith.extui %lt3A_2041 : i1 to i32
      %cond3A = arith.constant 0 : i32
      %cond3A_2042 = arith.cmpi ne, %convert_element_type3A, %cond3A : i32
      scf.if %cond3A_2042 {
        %add3A_3043 = arith.constant 2 : i32
        %add3A_3044 = arith.addi %mul3A_527, %add3A_3043 : i32
        %mul3A_3045 = arith.constant 16 : i32
        %mul3A_3046 = arith.muli %add3A_3044, %mul3A_3045 : i32
        %get3A_3047 = arith.index_cast %mul3A_3046 : i32 to index
        %get3A_3048 = tpu.vector_load %arg7[%get3A_3047] {strides = array<i32>} : memref<512xi32, #tpu.memory_space<vmem>>, vector<16xi32>,
        %shift_right_logical3A_3049 = arith.constant 3 : i32
        %shift_right_logical3A_3050 = vector.broadcast %shift_right_logical3A_3049 : i32 to vector<16xi32>
        %shift_right_logical3A_3051 = arith.shrui %get3A_3048, %shift_right_logical3A_3050 : vector<16xi32>
        %get3A_3052 = arith.index_cast %mul3A_3046 : i32 to index
        %get3A_3053 = tpu.vector_load %arg8[%get3A_3052] {strides = array<i32>} : memref<512xi32, #tpu.memory_space<vmem>>, vector<16xi32>,
        %shift_right_logical3A_3054 = arith.constant 3 : i32
        %shift_right_logical3A_3055 = vector.broadcast %shift_right_logical3A_3054 : i32 to vector<16xi32>
        %shift_right_logical3A_3056 = arith.shrui %get3A_3053, %shift_right_logical3A_3055 : vector<16xi32>
        %slice3A_3057 = vector.extract_strided_slice %shift_right_logical3A_3051 {offsets = [0], sizes = [1], strides = [1]} : vector<16xi32> to vector<1xi32>
        %squeeze3A_3058 = vector.extract %slice3A_3057[0] : i32 from vector<1xi32>
        %dma_start3A_3059 = arith.constant 0 : i32
        %dma_start3A_3060 = arith.constant 0 : i32
        %dma_start3A_3061 = arith.constant 0 : i32
        %dma_start3A_3062 = tpu.memref_slice %arg9[%dma_start3A_3059, %dma_start3A_3060, %dma_start3A_3061] : memref<16x8x32xf32, #tpu.memory_space<vmem>> -> memref<1x8x32xf32, #tpu.memory_space<vmem>>
        %dma_start3A_3063 = arith.constant 0 : i32
        %dma_start3A_3064 = arith.constant 0 : i32
        %dma_start3A_3065 = tpu.memref_slice %arg4[%squeeze3A_3058, %dma_start3A_3063, %dma_start3A_3064] : memref<125000x8x32xf32, #tpu.memory_space<hbm>> -> memref<1x8x32xf32, #tpu.memory_space<hbm>>
        %dma_start3A_3066 = arith.constant 0 : i32
        %dma_start3A_3067 = arith.constant 0 : i32
        %dma_start3A_3068 = arith.constant 0 : i32
        %dma_start3A_3069 = tpu.memref_slice %arg9[%dma_start3A_3066, %dma_start3A_3067, %dma_start3A_3068] : memref<16x8x32xf32, #tpu.memory_space<vmem>> -> memref<1x8x32xf32, #tpu.memory_space<vmem>>
        %dma_start3A_3070 = arith.constant 0 : i32
        %dma_start3A_3071 = arith.constant 0 : i32
        %dma_start3A_3072 = tpu.memref_slice %arg4[%squeeze3A_3058, %dma_start3A_3070, %dma_start3A_3071] : memref<125000x8x32xf32, #tpu.memory_space<hbm>> -> memref<1x8x32xf32, #tpu.memory_space<hbm>>
        tpu.enqueue_dma source(%dma_start3A_3072 : memref<1x8x32xf32, #tpu.memory_space<hbm>>) target(%dma_start3A_3069 : memref<1x8x32xf32, #tpu.memory_space<vmem>>) target_semaphore(%arg14 : memref<!tpu.dma_semaphore, #tpu.memory_space<semaphore_mem>>)
        %slice3A_3073 = vector.extract_strided_slice %shift_right_logical3A_3056 {offsets = [0], sizes = [1], strides = [1]} : vector<16xi32> to vector<1xi32>
        %squeeze3A_3074 = vector.extract %slice3A_3073[0] : i32 from vector<1xi32>
        %dma_start3A_3075 = arith.constant 0 : i32
        %dma_start3A_3076 = arith.constant 0 : i32
        %dma_start3A_3077 = arith.constant 0 : i32
        %dma_start3A_3078 = tpu.memref_slice %arg10[%dma_start3A_3075, %dma_start3A_3076, %dma_start3A_3077] : memref<16x8x32xf32, #tpu.memory_space<vmem>> -> memref<1x8x32xf32, #tpu.memory_space<vmem>>
        %dma_start3A_3079 = arith.constant 0 : i32
        %dma_start3A_3080 = arith.constant 0 : i32
        %dma_start3A_3081 = tpu.memref_slice %arg5[%squeeze3A_3074, %dma_start3A_3079, %dma_start3A_3080] : memref<125000x8x32xf32, #tpu.memory_space<hbm>> -> memref<1x8x32xf32, #tpu.memory_space<hbm>>
        %dma_start3A_3082 = arith.constant 0 : i32
        %dma_start3A_3083 = arith.constant 0 : i32
        %dma_start3A_3084 = arith.constant 0 : i32
        %dma_start3A_3085 = tpu.memref_slice %arg10[%dma_start3A_3082, %dma_start3A_3083, %dma_start3A_3084] : memref<16x8x32xf32, #tpu.memory_space<vmem>> -> memref<1x8x32xf32, #tpu.memory_space<vmem>>
        %dma_start3A_3086 = arith.constant 0 : i32
        %dma_start3A_3087 = arith.constant 0 : i32
        %dma_start3A_3088 = tpu.memref_slice %arg5[%squeeze3A_3074, %dma_start3A_3086, %dma_start3A_3087] : memref<125000x8x32xf32, #tpu.memory_space<hbm>> -> memref<1x8x32xf32, #tpu.memory_space<hbm>>
        tpu.enqueue_dma source(%dma_start3A_3088 : memref<1x8x32xf32, #tpu.memory_space<hbm>>) target(%dma_start3A_3085 : memref<1x8x32xf32, #tpu.memory_space<vmem>>) target_semaphore(%arg14 : memref<!tpu.dma_semaphore, #tpu.memory_space<semaphore_mem>>)
        %slice3A_3089 = vector.extract_strided_slice %shift_right_logical3A_3051 {offsets = [1], sizes = [1], strides = [1]} : vector<16xi32> to vector<1xi32>
        %squeeze3A_3090 = vector.extract %slice3A_3089[0] : i32 from vector<1xi32>
        %dma_start3A_3091 = arith.constant 1 : i32
        %dma_start3A_3092 = arith.constant 0 : i32
        %dma_start3A_3093 = arith.constant 0 : i32
        %dma_start3A_3094 = tpu.memref_slice %arg9[%dma_start3A_3091, %dma_start3A_3092, %dma_start3A_3093] : memref<16x8x32xf32, #tpu.memory_space<vmem>> -> memref<1x8x32xf32, #tpu.memory_space<vmem>>
        %dma_start3A_3095 = arith.constant 0 : i32
        %dma_start3A_3096 = arith.constant 0 : i32
        %dma_start3A_3097 = tpu.memref_slice %arg4[%squeeze3A_3090, %dma_start3A_3095, %dma_start3A_3096] : memref<125000x8x32xf32, #tpu.memory_space<hbm>> -> memref<1x8x32xf32, #tpu.memory_space<hbm>>
        %dma_start3A_3098 = arith.constant 1 : i32
        %dma_start3A_3099 = arith.constant 0 : i32
        %dma_start3A_3100 = arith.constant 0 : i32
        %dma_start3A_3101 = tpu.memref_slice %arg9[%dma_start3A_3098, %dma_start3A_3099, %dma_start3A_3100] : memref<16x8x32xf32, #tpu.memory_space<vmem>> -> memref<1x8x32xf32, #tpu.memory_space<vmem>>
        %dma_start3A_3102 = arith.constant 0 : i32
        %dma_start3A_3103 = arith.constant 0 : i32
        %dma_start3A_3104 = tpu.memref_slice %arg4[%squeeze3A_3090, %dma_start3A_3102, %dma_start3A_3103] : memref<125000x8x32xf32, #tpu.memory_space<hbm>> -> memref<1x8x32xf32, #tpu.memory_space<hbm>>
        tpu.enqueue_dma source(%dma_start3A_3104 : memref<1x8x32xf32, #tpu.memory_space<hbm>>) target(%dma_start3A_3101 : memref<1x8x32xf32, #tpu.memory_space<vmem>>) target_semaphore(%arg14 : memref<!tpu.dma_semaphore, #tpu.memory_space<semaphore_mem>>)
        %slice3A_3105 = vector.extract_strided_slice %shift_right_logical3A_3056 {offsets = [1], sizes = [1], strides = [1]} : vector<16xi32> to vector<1xi32>
        %squeeze3A_3106 = vector.extract %slice3A_3105[0] : i32 from vector<1xi32>
        %dma_start3A_3107 = arith.constant 1 : i32
        %dma_start3A_3108 = arith.constant 0 : i32
        %dma_start3A_3109 = arith.constant 0 : i32
        %dma_start3A_3110 = tpu.memref_slice %arg10[%dma_start3A_3107, %dma_start3A_3108, %dma_start3A_3109] : memref<16x8x32xf32, #tpu.memory_space<vmem>> -> memref<1x8x32xf32, #tpu.memory_space<vmem>>
        %dma_start3A_3111 = arith.constant 0 : i32
        %dma_start3A_3112 = arith.constant 0 : i32
        %dma_start3A_3113 = tpu.memref_slice %arg5[%squeeze3A_3106, %dma_start3A_3111, %dma_start3A_3112] : memref<125000x8x32xf32, #tpu.memory_space<hbm>> -> memref<1x8x32xf32, #tpu.memory_space<hbm>>
        %dma_start3A_3114 = arith.constant 1 : i32
        %dma_start3A_3115 = arith.constant 0 : i32
        %dma_start3A_3116 = arith.constant 0 : i32
        %dma_start3A_3117 = tpu.memref_slice %arg10[%dma_start3A_3114, %dma_start3A_3115, %dma_start3A_3116] : memref<16x8x32xf32, #tpu.memory_space<vmem>> -> memref<1x8x32xf32, #tpu.memory_space<vmem>>
        %dma_start3A_3118 = arith.constant 0 : i32
        %dma_start3A_3119 = arith.constant 0 : i32
        %dma_start3A_3120 = tpu.memref_slice %arg5[%squeeze3A_3106, %dma_start3A_3118, %dma_start3A_3119] : memref<125000x8x32xf32, #tpu.memory_space<hbm>> -> memref<1x8x32xf32, #tpu.memory_space<hbm>>
        tpu.enqueue_dma source(%dma_start3A_3120 : memref<1x8x32xf32, #tpu.memory_space<hbm>>) target(%dma_start3A_3117 : memref<1x8x32xf32, #tpu.memory_space<vmem>>) target_semaphore(%arg14 : memref<!tpu.dma_semaphore, #tpu.memory_space<semaphore_mem>>)
        %slice3A_3121 = vector.extract_strided_slice %shift_right_logical3A_3051 {offsets = [2], sizes = [1], strides = [1]} : vector<16xi32> to vector<1xi32>
        %squeeze3A_3122 = vector.extract %slice3A_3121[0] : i32 from vector<1xi32>
        %dma_start3A_3123 = arith.constant 2 : i32
        %dma_start3A_3124 = arith.constant 0 : i32
        %dma_start3A_3125 = arith.constant 0 : i32
        %dma_start3A_3126 = tpu.memref_slice %arg9[%dma_start3A_3123, %dma_start3A_3124, %dma_start3A_3125] : memref<16x8x32xf32, #tpu.memory_space<vmem>> -> memref<1x8x32xf32, #tpu.memory_space<vmem>>
        %dma_start3A_3127 = arith.constant 0 : i32
        %dma_start3A_3128 = arith.constant 0 : i32
        %dma_start3A_3129 = tpu.memref_slice %arg4[%squeeze3A_3122, %dma_start3A_3127, %dma_start3A_3128] : memref<125000x8x32xf32, #tpu.memory_space<hbm>> -> memref<1x8x32xf32, #tpu.memory_space<hbm>>
        %dma_start3A_3130 = arith.constant 2 : i32
        %dma_start3A_3131 = arith.constant 0 : i32
        %dma_start3A_3132 = arith.constant 0 : i32
        %dma_start3A_3133 = tpu.memref_slice %arg9[%dma_start3A_3130, %dma_start3A_3131, %dma_start3A_3132] : memref<16x8x32xf32, #tpu.memory_space<vmem>> -> memref<1x8x32xf32, #tpu.memory_space<vmem>>
        %dma_start3A_3134 = arith.constant 0 : i32
        %dma_start3A_3135 = arith.constant 0 : i32
        %dma_start3A_3136 = tpu.memref_slice %arg4[%squeeze3A_3122, %dma_start3A_3134, %dma_start3A_3135] : memref<125000x8x32xf32, #tpu.memory_space<hbm>> -> memref<1x8x32xf32, #tpu.memory_space<hbm>>
        tpu.enqueue_dma source(%dma_start3A_3136 : memref<1x8x32xf32, #tpu.memory_space<hbm>>) target(%dma_start3A_3133 : memref<1x8x32xf32, #tpu.memory_space<vmem>>) target_semaphore(%arg14 : memref<!tpu.dma_semaphore, #tpu.memory_space<semaphore_mem>>)
        %slice3A_3137 = vector.extract_strided_slice %shift_right_logical3A_3056 {offsets = [2], sizes = [1], strides = [1]} : vector<16xi32> to vector<1xi32>
        %squeeze3A_3138 = vector.extract %slice3A_3137[0] : i32 from vector<1xi32>
        %dma_start3A_3139 = arith.constant 2 : i32
        %dma_start3A_3140 = arith.constant 0 : i32
        %dma_start3A_3141 = arith.constant 0 : i32
        %dma_start3A_3142 = tpu.memref_slice %arg10[%dma_start3A_3139, %dma_start3A_3140, %dma_start3A_3141] : memref<16x8x32xf32, #tpu.memory_space<vmem>> -> memref<1x8x32xf32, #tpu.memory_space<vmem>>
        %dma_start3A_3143 = arith.constant 0 : i32
        %dma_start3A_3144 = arith.constant 0 : i32
        %dma_start3A_3145 = tpu.memref_slice %arg5[%squeeze3A_3138, %dma_start3A_3143, %dma_start3A_3144] : memref<125000x8x32xf32, #tpu.memory_space<hbm>> -> memref<1x8x32xf32, #tpu.memory_space<hbm>>
        %dma_start3A_3146 = arith.constant 2 : i32
        %dma_start3A_3147 = arith.constant 0 : i32
        %dma_start3A_3148 = arith.constant 0 : i32
        %dma_start3A_3149 = tpu.memref_slice %arg10[%dma_start3A_3146, %dma_start3A_3147, %dma_start3A_3148] : memref<16x8x32xf32, #tpu.memory_space<vmem>> -> memref<1x8x32xf32, #tpu.memory_space<vmem>>
        %dma_start3A_3150 = arith.constant 0 : i32
        %dma_start3A_3151 = arith.constant 0 : i32
        %dma_start3A_3152 = tpu.memref_slice %arg5[%squeeze3A_3138, %dma_start3A_3150, %dma_start3A_3151] : memref<125000x8x32xf32, #tpu.memory_space<hbm>> -> memref<1x8x32xf32, #tpu.memory_space<hbm>>
        tpu.enqueue_dma source(%dma_start3A_3152 : memref<1x8x32xf32, #tpu.memory_space<hbm>>) target(%dma_start3A_3149 : memref<1x8x32xf32, #tpu.memory_space<vmem>>) target_semaphore(%arg14 : memref<!tpu.dma_semaphore, #tpu.memory_space<semaphore_mem>>)
        %slice3A_3153 = vector.extract_strided_slice %shift_right_logical3A_3051 {offsets = [3], sizes = [1], strides = [1]} : vector<16xi32> to vector<1xi32>
        %squeeze3A_3154 = vector.extract %slice3A_3153[0] : i32 from vector<1xi32>
        %dma_start3A_3155 = arith.constant 3 : i32
        %dma_start3A_3156 = arith.constant 0 : i32
        %dma_start3A_3157 = arith.constant 0 : i32
        %dma_start3A_3158 = tpu.memref_slice %arg9[%dma_start3A_3155, %dma_start3A_3156, %dma_start3A_3157] : memref<16x8x32xf32, #tpu.memory_space<vmem>> -> memref<1x8x32xf32, #tpu.memory_space<vmem>>
        %dma_start3A_3159 = arith.constant 0 : i32
        %dma_start3A_3160 = arith.constant 0 : i32
        %dma_start3A_3161 = tpu.memref_slice %arg4[%squeeze3A_3154, %dma_start3A_3159, %dma_start3A_3160] : memref<125000x8x32xf32, #tpu.memory_space<hbm>> -> memref<1x8x32xf32, #tpu.memory_space<hbm>>
        %dma_start3A_3162 = arith.constant 3 : i32
        %dma_start3A_3163 = arith.constant 0 : i32
        %dma_start3A_3164 = arith.constant 0 : i32
        %dma_start3A_3165 = tpu.memref_slice %arg9[%dma_start3A_3162, %dma_start3A_3163, %dma_start3A_3164] : memref<16x8x32xf32, #tpu.memory_space<vmem>> -> memref<1x8x32xf32, #tpu.memory_space<vmem>>
        %dma_start3A_3166 = arith.constant 0 : i32
        %dma_start3A_3167 = arith.constant 0 : i32
        %dma_start3A_3168 = tpu.memref_slice %arg4[%squeeze3A_3154, %dma_start3A_3166, %dma_start3A_3167] : memref<125000x8x32xf32, #tpu.memory_space<hbm>> -> memref<1x8x32xf32, #tpu.memory_space<hbm>>
        tpu.enqueue_dma source(%dma_start3A_3168 : memref<1x8x32xf32, #tpu.memory_space<hbm>>) target(%dma_start3A_3165 : memref<1x8x32xf32, #tpu.memory_space<vmem>>) target_semaphore(%arg14 : memref<!tpu.dma_semaphore, #tpu.memory_space<semaphore_mem>>)
        %slice3A_3169 = vector.extract_strided_slice %shift_right_logical3A_3056 {offsets = [3], sizes = [1], strides = [1]} : vector<16xi32> to vector<1xi32>
        %squeeze3A_3170 = vector.extract %slice3A_3169[0] : i32 from vector<1xi32>
        %dma_start3A_3171 = arith.constant 3 : i32
        %dma_start3A_3172 = arith.constant 0 : i32
        %dma_start3A_3173 = arith.constant 0 : i32
        %dma_start3A_3174 = tpu.memref_slice %arg10[%dma_start3A_3171, %dma_start3A_3172, %dma_start3A_3173] : memref<16x8x32xf32, #tpu.memory_space<vmem>> -> memref<1x8x32xf32, #tpu.memory_space<vmem>>
        %dma_start3A_3175 = arith.constant 0 : i32
        %dma_start3A_3176 = arith.constant 0 : i32
        %dma_start3A_3177 = tpu.memref_slice %arg5[%squeeze3A_3170, %dma_start3A_3175, %dma_start3A_3176] : memref<125000x8x32xf32, #tpu.memory_space<hbm>> -> memref<1x8x32xf32, #tpu.memory_space<hbm>>
        %dma_start3A_3178 = arith.constant 3 : i32
        %dma_start3A_3179 = arith.constant 0 : i32
        %dma_start3A_3180 = arith.constant 0 : i32
        %dma_start3A_3181 = tpu.memref_slice %arg10[%dma_start3A_3178, %dma_start3A_3179, %dma_start3A_3180] : memref<16x8x32xf32, #tpu.memory_space<vmem>> -> memref<1x8x32xf32, #tpu.memory_space<vmem>>
        %dma_start3A_3182 = arith.constant 0 : i32
        %dma_start3A_3183 = arith.constant 0 : i32
        %dma_start3A_3184 = tpu.memref_slice %arg5[%squeeze3A_3170, %dma_start3A_3182, %dma_start3A_3183] : memref<125000x8x32xf32, #tpu.memory_space<hbm>> -> memref<1x8x32xf32, #tpu.memory_space<hbm>>
        tpu.enqueue_dma source(%dma_start3A_3184 : memref<1x8x32xf32, #tpu.memory_space<hbm>>) target(%dma_start3A_3181 : memref<1x8x32xf32, #tpu.memory_space<vmem>>) target_semaphore(%arg14 : memref<!tpu.dma_semaphore, #tpu.memory_space<semaphore_mem>>)
        %slice3A_3185 = vector.extract_strided_slice %shift_right_logical3A_3051 {offsets = [4], sizes = [1], strides = [1]} : vector<16xi32> to vector<1xi32>
        %squeeze3A_3186 = vector.extract %slice3A_3185[0] : i32 from vector<1xi32>
        %dma_start3A_3187 = arith.constant 4 : i32
        %dma_start3A_3188 = arith.constant 0 : i32
        %dma_start3A_3189 = arith.constant 0 : i32
        %dma_start3A_3190 = tpu.memref_slice %arg9[%dma_start3A_3187, %dma_start3A_3188, %dma_start3A_3189] : memref<16x8x32xf32, #tpu.memory_space<vmem>> -> memref<1x8x32xf32, #tpu.memory_space<vmem>>
        %dma_start3A_3191 = arith.constant 0 : i32
        %dma_start3A_3192 = arith.constant 0 : i32
        %dma_start3A_3193 = tpu.memref_slice %arg4[%squeeze3A_3186, %dma_start3A_3191, %dma_start3A_3192] : memref<125000x8x32xf32, #tpu.memory_space<hbm>> -> memref<1x8x32xf32, #tpu.memory_space<hbm>>
        %dma_start3A_3194 = arith.constant 4 : i32
        %dma_start3A_3195 = arith.constant 0 : i32
        %dma_start3A_3196 = arith.constant 0 : i32
        %dma_start3A_3197 = tpu.memref_slice %arg9[%dma_start3A_3194, %dma_start3A_3195, %dma_start3A_3196] : memref<16x8x32xf32, #tpu.memory_space<vmem>> -> memref<1x8x32xf32, #tpu.memory_space<vmem>>
        %dma_start3A_3198 = arith.constant 0 : i32
        %dma_start3A_3199 = arith.constant 0 : i32
        %dma_start3A_3200 = tpu.memref_slice %arg4[%squeeze3A_3186, %dma_start3A_3198, %dma_start3A_3199] : memref<125000x8x32xf32, #tpu.memory_space<hbm>> -> memref<1x8x32xf32, #tpu.memory_space<hbm>>
        tpu.enqueue_dma source(%dma_start3A_3200 : memref<1x8x32xf32, #tpu.memory_space<hbm>>) target(%dma_start3A_3197 : memref<1x8x32xf32, #tpu.memory_space<vmem>>) target_semaphore(%arg14 : memref<!tpu.dma_semaphore, #tpu.memory_space<semaphore_mem>>)
        %slice3A_3201 = vector.extract_strided_slice %shift_right_logical3A_3056 {offsets = [4], sizes = [1], strides = [1]} : vector<16xi32> to vector<1xi32>
        %squeeze3A_3202 = vector.extract %slice3A_3201[0] : i32 from vector<1xi32>
        %dma_start3A_3203 = arith.constant 4 : i32
        %dma_start3A_3204 = arith.constant 0 : i32
        %dma_start3A_3205 = arith.constant 0 : i32
        %dma_start3A_3206 = tpu.memref_slice %arg10[%dma_start3A_3203, %dma_start3A_3204, %dma_start3A_3205] : memref<16x8x32xf32, #tpu.memory_space<vmem>> -> memref<1x8x32xf32, #tpu.memory_space<vmem>>
        %dma_start3A_3207 = arith.constant 0 : i32
        %dma_start3A_3208 = arith.constant 0 : i32
        %dma_start3A_3209 = tpu.memref_slice %arg5[%squeeze3A_3202, %dma_start3A_3207, %dma_start3A_3208] : memref<125000x8x32xf32, #tpu.memory_space<hbm>> -> memref<1x8x32xf32, #tpu.memory_space<hbm>>
        %dma_start3A_3210 = arith.constant 4 : i32
        %dma_start3A_3211 = arith.constant 0 : i32
        %dma_start3A_3212 = arith.constant 0 : i32
        %dma_start3A_3213 = tpu.memref_slice %arg10[%dma_start3A_3210, %dma_start3A_3211, %dma_start3A_3212] : memref<16x8x32xf32, #tpu.memory_space<vmem>> -> memref<1x8x32xf32, #tpu.memory_space<vmem>>
        %dma_start3A_3214 = arith.constant 0 : i32
        %dma_start3A_3215 = arith.constant 0 : i32
        %dma_start3A_3216 = tpu.memref_slice %arg5[%squeeze3A_3202, %dma_start3A_3214, %dma_start3A_3215] : memref<125000x8x32xf32, #tpu.memory_space<hbm>> -> memref<1x8x32xf32, #tpu.memory_space<hbm>>
        tpu.enqueue_dma source(%dma_start3A_3216 : memref<1x8x32xf32, #tpu.memory_space<hbm>>) target(%dma_start3A_3213 : memref<1x8x32xf32, #tpu.memory_space<vmem>>) target_semaphore(%arg14 : memref<!tpu.dma_semaphore, #tpu.memory_space<semaphore_mem>>)
        %slice3A_3217 = vector.extract_strided_slice %shift_right_logical3A_3051 {offsets = [5], sizes = [1], strides = [1]} : vector<16xi32> to vector<1xi32>
        %squeeze3A_3218 = vector.extract %slice3A_3217[0] : i32 from vector<1xi32>
        %dma_start3A_3219 = arith.constant 5 : i32
        %dma_start3A_3220 = arith.constant 0 : i32
        %dma_start3A_3221 = arith.constant 0 : i32
        %dma_start3A_3222 = tpu.memref_slice %arg9[%dma_start3A_3219, %dma_start3A_3220, %dma_start3A_3221] : memref<16x8x32xf32, #tpu.memory_space<vmem>> -> memref<1x8x32xf32, #tpu.memory_space<vmem>>
        %dma_start3A_3223 = arith.constant 0 : i32
        %dma_start3A_3224 = arith.constant 0 : i32
        %dma_start3A_3225 = tpu.memref_slice %arg4[%squeeze3A_3218, %dma_start3A_3223, %dma_start3A_3224] : memref<125000x8x32xf32, #tpu.memory_space<hbm>> -> memref<1x8x32xf32, #tpu.memory_space<hbm>>
        %dma_start3A_3226 = arith.constant 5 : i32
        %dma_start3A_3227 = arith.constant 0 : i32
        %dma_start3A_3228 = arith.constant 0 : i32
        %dma_start3A_3229 = tpu.memref_slice %arg9[%dma_start3A_3226, %dma_start3A_3227, %dma_start3A_3228] : memref<16x8x32xf32, #tpu.memory_space<vmem>> -> memref<1x8x32xf32, #tpu.memory_space<vmem>>
        %dma_start3A_3230 = arith.constant 0 : i32
        %dma_start3A_3231 = arith.constant 0 : i32
        %dma_start3A_3232 = tpu.memref_slice %arg4[%squeeze3A_3218, %dma_start3A_3230, %dma_start3A_3231] : memref<125000x8x32xf32, #tpu.memory_space<hbm>> -> memref<1x8x32xf32, #tpu.memory_space<hbm>>
        tpu.enqueue_dma source(%dma_start3A_3232 : memref<1x8x32xf32, #tpu.memory_space<hbm>>) target(%dma_start3A_3229 : memref<1x8x32xf32, #tpu.memory_space<vmem>>) target_semaphore(%arg14 : memref<!tpu.dma_semaphore, #tpu.memory_space<semaphore_mem>>)
        %slice3A_3233 = vector.extract_strided_slice %shift_right_logical3A_3056 {offsets = [5], sizes = [1], strides = [1]} : vector<16xi32> to vector<1xi32>
        %squeeze3A_3234 = vector.extract %slice3A_3233[0] : i32 from vector<1xi32>
        %dma_start3A_3235 = arith.constant 5 : i32
        %dma_start3A_3236 = arith.constant 0 : i32
        %dma_start3A_3237 = arith.constant 0 : i32
        %dma_start3A_3238 = tpu.memref_slice %arg10[%dma_start3A_3235, %dma_start3A_3236, %dma_start3A_3237] : memref<16x8x32xf32, #tpu.memory_space<vmem>> -> memref<1x8x32xf32, #tpu.memory_space<vmem>>
        %dma_start3A_3239 = arith.constant 0 : i32
        %dma_start3A_3240 = arith.constant 0 : i32
        %dma_start3A_3241 = tpu.memref_slice %arg5[%squeeze3A_3234, %dma_start3A_3239, %dma_start3A_3240] : memref<125000x8x32xf32, #tpu.memory_space<hbm>> -> memref<1x8x32xf32, #tpu.memory_space<hbm>>
        %dma_start3A_3242 = arith.constant 5 : i32
        %dma_start3A_3243 = arith.constant 0 : i32
        %dma_start3A_3244 = arith.constant 0 : i32
        %dma_start3A_3245 = tpu.memref_slice %arg10[%dma_start3A_3242, %dma_start3A_3243, %dma_start3A_3244] : memref<16x8x32xf32, #tpu.memory_space<vmem>> -> memref<1x8x32xf32, #tpu.memory_space<vmem>>
        %dma_start3A_3246 = arith.constant 0 : i32
        %dma_start3A_3247 = arith.constant 0 : i32
        %dma_start3A_3248 = tpu.memref_slice %arg5[%squeeze3A_3234, %dma_start3A_3246, %dma_start3A_3247] : memref<125000x8x32xf32, #tpu.memory_space<hbm>> -> memref<1x8x32xf32, #tpu.memory_space<hbm>>
        tpu.enqueue_dma source(%dma_start3A_3248 : memref<1x8x32xf32, #tpu.memory_space<hbm>>) target(%dma_start3A_3245 : memref<1x8x32xf32, #tpu.memory_space<vmem>>) target_semaphore(%arg14 : memref<!tpu.dma_semaphore, #tpu.memory_space<semaphore_mem>>)
        %slice3A_3249 = vector.extract_strided_slice %shift_right_logical3A_3051 {offsets = [6], sizes = [1], strides = [1]} : vector<16xi32> to vector<1xi32>
        %squeeze3A_3250 = vector.extract %slice3A_3249[0] : i32 from vector<1xi32>
        %dma_start3A_3251 = arith.constant 6 : i32
        %dma_start3A_3252 = arith.constant 0 : i32
        %dma_start3A_3253 = arith.constant 0 : i32
        %dma_start3A_3254 = tpu.memref_slice %arg9[%dma_start3A_3251, %dma_start3A_3252, %dma_start3A_3253] : memref<16x8x32xf32, #tpu.memory_space<vmem>> -> memref<1x8x32xf32, #tpu.memory_space<vmem>>
        %dma_start3A_3255 = arith.constant 0 : i32
        %dma_start3A_3256 = arith.constant 0 : i32
        %dma_start3A_3257 = tpu.memref_slice %arg4[%squeeze3A_3250, %dma_start3A_3255, %dma_start3A_3256] : memref<125000x8x32xf32, #tpu.memory_space<hbm>> -> memref<1x8x32xf32, #tpu.memory_space<hbm>>
        %dma_start3A_3258 = arith.constant 6 : i32
        %dma_start3A_3259 = arith.constant 0 : i32
        %dma_start3A_3260 = arith.constant 0 : i32
        %dma_start3A_3261 = tpu.memref_slice %arg9[%dma_start3A_3258, %dma_start3A_3259, %dma_start3A_3260] : memref<16x8x32xf32, #tpu.memory_space<vmem>> -> memref<1x8x32xf32, #tpu.memory_space<vmem>>
        %dma_start3A_3262 = arith.constant 0 : i32
        %dma_start3A_3263 = arith.constant 0 : i32
        %dma_start3A_3264 = tpu.memref_slice %arg4[%squeeze3A_3250, %dma_start3A_3262, %dma_start3A_3263] : memref<125000x8x32xf32, #tpu.memory_space<hbm>> -> memref<1x8x32xf32, #tpu.memory_space<hbm>>
        tpu.enqueue_dma source(%dma_start3A_3264 : memref<1x8x32xf32, #tpu.memory_space<hbm>>) target(%dma_start3A_3261 : memref<1x8x32xf32, #tpu.memory_space<vmem>>) target_semaphore(%arg14 : memref<!tpu.dma_semaphore, #tpu.memory_space<semaphore_mem>>)
        %slice3A_3265 = vector.extract_strided_slice %shift_right_logical3A_3056 {offsets = [6], sizes = [1], strides = [1]} : vector<16xi32> to vector<1xi32>
        %squeeze3A_3266 = vector.extract %slice3A_3265[0] : i32 from vector<1xi32>
        %dma_start3A_3267 = arith.constant 6 : i32
        %dma_start3A_3268 = arith.constant 0 : i32
        %dma_start3A_3269 = arith.constant 0 : i32
        %dma_start3A_3270 = tpu.memref_slice %arg10[%dma_start3A_3267, %dma_start3A_3268, %dma_start3A_3269] : memref<16x8x32xf32, #tpu.memory_space<vmem>> -> memref<1x8x32xf32, #tpu.memory_space<vmem>>
        %dma_start3A_3271 = arith.constant 0 : i32
        %dma_start3A_3272 = arith.constant 0 : i32
        %dma_start3A_3273 = tpu.memref_slice %arg5[%squeeze3A_3266, %dma_start3A_3271, %dma_start3A_3272] : memref<125000x8x32xf32, #tpu.memory_space<hbm>> -> memref<1x8x32xf32, #tpu.memory_space<hbm>>
        %dma_start3A_3274 = arith.constant 6 : i32
        %dma_start3A_3275 = arith.constant 0 : i32
        %dma_start3A_3276 = arith.constant 0 : i32
        %dma_start3A_3277 = tpu.memref_slice %arg10[%dma_start3A_3274, %dma_start3A_3275, %dma_start3A_3276] : memref<16x8x32xf32, #tpu.memory_space<vmem>> -> memref<1x8x32xf32, #tpu.memory_space<vmem>>
        %dma_start3A_3278 = arith.constant 0 : i32
        %dma_start3A_3279 = arith.constant 0 : i32
        %dma_start3A_3280 = tpu.memref_slice %arg5[%squeeze3A_3266, %dma_start3A_3278, %dma_start3A_3279] : memref<125000x8x32xf32, #tpu.memory_space<hbm>> -> memref<1x8x32xf32, #tpu.memory_space<hbm>>
        tpu.enqueue_dma source(%dma_start3A_3280 : memref<1x8x32xf32, #tpu.memory_space<hbm>>) target(%dma_start3A_3277 : memref<1x8x32xf32, #tpu.memory_space<vmem>>) target_semaphore(%arg14 : memref<!tpu.dma_semaphore, #tpu.memory_space<semaphore_mem>>)
        %slice3A_3281 = vector.extract_strided_slice %shift_right_logical3A_3051 {offsets = [7], sizes = [1], strides = [1]} : vector<16xi32> to vector<1xi32>
        %squeeze3A_3282 = vector.extract %slice3A_3281[0] : i32 from vector<1xi32>
        %dma_start3A_3283 = arith.constant 7 : i32
        %dma_start3A_3284 = arith.constant 0 : i32
        %dma_start3A_3285 = arith.constant 0 : i32
        %dma_start3A_3286 = tpu.memref_slice %arg9[%dma_start3A_3283, %dma_start3A_3284, %dma_start3A_3285] : memref<16x8x32xf32, #tpu.memory_space<vmem>> -> memref<1x8x32xf32, #tpu.memory_space<vmem>>
        %dma_start3A_3287 = arith.constant 0 : i32
        %dma_start3A_3288 = arith.constant 0 : i32
        %dma_start3A_3289 = tpu.memref_slice %arg4[%squeeze3A_3282, %dma_start3A_3287, %dma_start3A_3288] : memref<125000x8x32xf32, #tpu.memory_space<hbm>> -> memref<1x8x32xf32, #tpu.memory_space<hbm>>
        %dma_start3A_3290 = arith.constant 7 : i32
        %dma_start3A_3291 = arith.constant 0 : i32
        %dma_start3A_3292 = arith.constant 0 : i32
        %dma_start3A_3293 = tpu.memref_slice %arg9[%dma_start3A_3290, %dma_start3A_3291, %dma_start3A_3292] : memref<16x8x32xf32, #tpu.memory_space<vmem>> -> memref<1x8x32xf32, #tpu.memory_space<vmem>>
        %dma_start3A_3294 = arith.constant 0 : i32
        %dma_start3A_3295 = arith.constant 0 : i32
        %dma_start3A_3296 = tpu.memref_slice %arg4[%squeeze3A_3282, %dma_start3A_3294, %dma_start3A_3295] : memref<125000x8x32xf32, #tpu.memory_space<hbm>> -> memref<1x8x32xf32, #tpu.memory_space<hbm>>
        tpu.enqueue_dma source(%dma_start3A_3296 : memref<1x8x32xf32, #tpu.memory_space<hbm>>) target(%dma_start3A_3293 : memref<1x8x32xf32, #tpu.memory_space<vmem>>) target_semaphore(%arg14 : memref<!tpu.dma_semaphore, #tpu.memory_space<semaphore_mem>>)
        %slice3A_3297 = vector.extract_strided_slice %shift_right_logical3A_3056 {offsets = [7], sizes = [1], strides = [1]} : vector<16xi32> to vector<1xi32>
        %squeeze3A_3298 = vector.extract %slice3A_3297[0] : i32 from vector<1xi32>
        %dma_start3A_3299 = arith.constant 7 : i32
        %dma_start3A_3300 = arith.constant 0 : i32
        %dma_start3A_3301 = arith.constant 0 : i32
        %dma_start3A_3302 = tpu.memref_slice %arg10[%dma_start3A_3299, %dma_start3A_3300, %dma_start3A_3301] : memref<16x8x32xf32, #tpu.memory_space<vmem>> -> memref<1x8x32xf32, #tpu.memory_space<vmem>>
        %dma_start3A_3303 = arith.constant 0 : i32
        %dma_start3A_3304 = arith.constant 0 : i32
        %dma_start3A_3305 = tpu.memref_slice %arg5[%squeeze3A_3298, %dma_start3A_3303, %dma_start3A_3304] : memref<125000x8x32xf32, #tpu.memory_space<hbm>> -> memref<1x8x32xf32, #tpu.memory_space<hbm>>
        %dma_start3A_3306 = arith.constant 7 : i32
        %dma_start3A_3307 = arith.constant 0 : i32
        %dma_start3A_3308 = arith.constant 0 : i32
        %dma_start3A_3309 = tpu.memref_slice %arg10[%dma_start3A_3306, %dma_start3A_3307, %dma_start3A_3308] : memref<16x8x32xf32, #tpu.memory_space<vmem>> -> memref<1x8x32xf32, #tpu.memory_space<vmem>>
        %dma_start3A_3310 = arith.constant 0 : i32
        %dma_start3A_3311 = arith.constant 0 : i32
        %dma_start3A_3312 = tpu.memref_slice %arg5[%squeeze3A_3298, %dma_start3A_3310, %dma_start3A_3311] : memref<125000x8x32xf32, #tpu.memory_space<hbm>> -> memref<1x8x32xf32, #tpu.memory_space<hbm>>
        tpu.enqueue_dma source(%dma_start3A_3312 : memref<1x8x32xf32, #tpu.memory_space<hbm>>) target(%dma_start3A_3309 : memref<1x8x32xf32, #tpu.memory_space<vmem>>) target_semaphore(%arg14 : memref<!tpu.dma_semaphore, #tpu.memory_space<semaphore_mem>>)
        %slice3A_3313 = vector.extract_strided_slice %shift_right_logical3A_3051 {offsets = [8], sizes = [1], strides = [1]} : vector<16xi32> to vector<1xi32>
        %squeeze3A_3314 = vector.extract %slice3A_3313[0] : i32 from vector<1xi32>
        %dma_start3A_3315 = arith.constant 8 : i32
        %dma_start3A_3316 = arith.constant 0 : i32
        %dma_start3A_3317 = arith.constant 0 : i32
        %dma_start3A_3318 = tpu.memref_slice %arg9[%dma_start3A_3315, %dma_start3A_3316, %dma_start3A_3317] : memref<16x8x32xf32, #tpu.memory_space<vmem>> -> memref<1x8x32xf32, #tpu.memory_space<vmem>>
        %dma_start3A_3319 = arith.constant 0 : i32
        %dma_start3A_3320 = arith.constant 0 : i32
        %dma_start3A_3321 = tpu.memref_slice %arg4[%squeeze3A_3314, %dma_start3A_3319, %dma_start3A_3320] : memref<125000x8x32xf32, #tpu.memory_space<hbm>> -> memref<1x8x32xf32, #tpu.memory_space<hbm>>
        %dma_start3A_3322 = arith.constant 8 : i32
        %dma_start3A_3323 = arith.constant 0 : i32
        %dma_start3A_3324 = arith.constant 0 : i32
        %dma_start3A_3325 = tpu.memref_slice %arg9[%dma_start3A_3322, %dma_start3A_3323, %dma_start3A_3324] : memref<16x8x32xf32, #tpu.memory_space<vmem>> -> memref<1x8x32xf32, #tpu.memory_space<vmem>>
        %dma_start3A_3326 = arith.constant 0 : i32
        %dma_start3A_3327 = arith.constant 0 : i32
        %dma_start3A_3328 = tpu.memref_slice %arg4[%squeeze3A_3314, %dma_start3A_3326, %dma_start3A_3327] : memref<125000x8x32xf32, #tpu.memory_space<hbm>> -> memref<1x8x32xf32, #tpu.memory_space<hbm>>
        tpu.enqueue_dma source(%dma_start3A_3328 : memref<1x8x32xf32, #tpu.memory_space<hbm>>) target(%dma_start3A_3325 : memref<1x8x32xf32, #tpu.memory_space<vmem>>) target_semaphore(%arg14 : memref<!tpu.dma_semaphore, #tpu.memory_space<semaphore_mem>>)
        %slice3A_3329 = vector.extract_strided_slice %shift_right_logical3A_3056 {offsets = [8], sizes = [1], strides = [1]} : vector<16xi32> to vector<1xi32>
        %squeeze3A_3330 = vector.extract %slice3A_3329[0] : i32 from vector<1xi32>
        %dma_start3A_3331 = arith.constant 8 : i32
        %dma_start3A_3332 = arith.constant 0 : i32
        %dma_start3A_3333 = arith.constant 0 : i32
        %dma_start3A_3334 = tpu.memref_slice %arg10[%dma_start3A_3331, %dma_start3A_3332, %dma_start3A_3333] : memref<16x8x32xf32, #tpu.memory_space<vmem>> -> memref<1x8x32xf32, #tpu.memory_space<vmem>>
        %dma_start3A_3335 = arith.constant 0 : i32
        %dma_start3A_3336 = arith.constant 0 : i32
        %dma_start3A_3337 = tpu.memref_slice %arg5[%squeeze3A_3330, %dma_start3A_3335, %dma_start3A_3336] : memref<125000x8x32xf32, #tpu.memory_space<hbm>> -> memref<1x8x32xf32, #tpu.memory_space<hbm>>
        %dma_start3A_3338 = arith.constant 8 : i32
        %dma_start3A_3339 = arith.constant 0 : i32
        %dma_start3A_3340 = arith.constant 0 : i32
        %dma_start3A_3341 = tpu.memref_slice %arg10[%dma_start3A_3338, %dma_start3A_3339, %dma_start3A_3340] : memref<16x8x32xf32, #tpu.memory_space<vmem>> -> memref<1x8x32xf32, #tpu.memory_space<vmem>>
        %dma_start3A_3342 = arith.constant 0 : i32
        %dma_start3A_3343 = arith.constant 0 : i32
        %dma_start3A_3344 = tpu.memref_slice %arg5[%squeeze3A_3330, %dma_start3A_3342, %dma_start3A_3343] : memref<125000x8x32xf32, #tpu.memory_space<hbm>> -> memref<1x8x32xf32, #tpu.memory_space<hbm>>
        tpu.enqueue_dma source(%dma_start3A_3344 : memref<1x8x32xf32, #tpu.memory_space<hbm>>) target(%dma_start3A_3341 : memref<1x8x32xf32, #tpu.memory_space<vmem>>) target_semaphore(%arg14 : memref<!tpu.dma_semaphore, #tpu.memory_space<semaphore_mem>>)
        %slice3A_3345 = vector.extract_strided_slice %shift_right_logical3A_3051 {offsets = [9], sizes = [1], strides = [1]} : vector<16xi32> to vector<1xi32>
        %squeeze3A_3346 = vector.extract %slice3A_3345[0] : i32 from vector<1xi32>
        %dma_start3A_3347 = arith.constant 9 : i32
        %dma_start3A_3348 = arith.constant 0 : i32
        %dma_start3A_3349 = arith.constant 0 : i32
        %dma_start3A_3350 = tpu.memref_slice %arg9[%dma_start3A_3347, %dma_start3A_3348, %dma_start3A_3349] : memref<16x8x32xf32, #tpu.memory_space<vmem>> -> memref<1x8x32xf32, #tpu.memory_space<vmem>>
        %dma_start3A_3351 = arith.constant 0 : i32
        %dma_start3A_3352 = arith.constant 0 : i32
        %dma_start3A_3353 = tpu.memref_slice %arg4[%squeeze3A_3346, %dma_start3A_3351, %dma_start3A_3352] : memref<125000x8x32xf32, #tpu.memory_space<hbm>> -> memref<1x8x32xf32, #tpu.memory_space<hbm>>
        %dma_start3A_3354 = arith.constant 9 : i32
        %dma_start3A_3355 = arith.constant 0 : i32
        %dma_start3A_3356 = arith.constant 0 : i32
        %dma_start3A_3357 = tpu.memref_slice %arg9[%dma_start3A_3354, %dma_start3A_3355, %dma_start3A_3356] : memref<16x8x32xf32, #tpu.memory_space<vmem>> -> memref<1x8x32xf32, #tpu.memory_space<vmem>>
        %dma_start3A_3358 = arith.constant 0 : i32
        %dma_start3A_3359 = arith.constant 0 : i32
        %dma_start3A_3360 = tpu.memref_slice %arg4[%squeeze3A_3346, %dma_start3A_3358, %dma_start3A_3359] : memref<125000x8x32xf32, #tpu.memory_space<hbm>> -> memref<1x8x32xf32, #tpu.memory_space<hbm>>
        tpu.enqueue_dma source(%dma_start3A_3360 : memref<1x8x32xf32, #tpu.memory_space<hbm>>) target(%dma_start3A_3357 : memref<1x8x32xf32, #tpu.memory_space<vmem>>) target_semaphore(%arg14 : memref<!tpu.dma_semaphore, #tpu.memory_space<semaphore_mem>>)
        %slice3A_3361 = vector.extract_strided_slice %shift_right_logical3A_3056 {offsets = [9], sizes = [1], strides = [1]} : vector<16xi32> to vector<1xi32>
        %squeeze3A_3362 = vector.extract %slice3A_3361[0] : i32 from vector<1xi32>
        %dma_start3A_3363 = arith.constant 9 : i32
        %dma_start3A_3364 = arith.constant 0 : i32
        %dma_start3A_3365 = arith.constant 0 : i32
        %dma_start3A_3366 = tpu.memref_slice %arg10[%dma_start3A_3363, %dma_start3A_3364, %dma_start3A_3365] : memref<16x8x32xf32, #tpu.memory_space<vmem>> -> memref<1x8x32xf32, #tpu.memory_space<vmem>>
        %dma_start3A_3367 = arith.constant 0 : i32
        %dma_start3A_3368 = arith.constant 0 : i32
        %dma_start3A_3369 = tpu.memref_slice %arg5[%squeeze3A_3362, %dma_start3A_3367, %dma_start3A_3368] : memref<125000x8x32xf32, #tpu.memory_space<hbm>> -> memref<1x8x32xf32, #tpu.memory_space<hbm>>
        %dma_start3A_3370 = arith.constant 9 : i32
        %dma_start3A_3371 = arith.constant 0 : i32
        %dma_start3A_3372 = arith.constant 0 : i32
        %dma_start3A_3373 = tpu.memref_slice %arg10[%dma_start3A_3370, %dma_start3A_3371, %dma_start3A_3372] : memref<16x8x32xf32, #tpu.memory_space<vmem>> -> memref<1x8x32xf32, #tpu.memory_space<vmem>>
        %dma_start3A_3374 = arith.constant 0 : i32
        %dma_start3A_3375 = arith.constant 0 : i32
        %dma_start3A_3376 = tpu.memref_slice %arg5[%squeeze3A_3362, %dma_start3A_3374, %dma_start3A_3375] : memref<125000x8x32xf32, #tpu.memory_space<hbm>> -> memref<1x8x32xf32, #tpu.memory_space<hbm>>
        tpu.enqueue_dma source(%dma_start3A_3376 : memref<1x8x32xf32, #tpu.memory_space<hbm>>) target(%dma_start3A_3373 : memref<1x8x32xf32, #tpu.memory_space<vmem>>) target_semaphore(%arg14 : memref<!tpu.dma_semaphore, #tpu.memory_space<semaphore_mem>>)
        %slice3A_3377 = vector.extract_strided_slice %shift_right_logical3A_3051 {offsets = [10], sizes = [1], strides = [1]} : vector<16xi32> to vector<1xi32>
        %squeeze3A_3378 = vector.extract %slice3A_3377[0] : i32 from vector<1xi32>
        %dma_start3A_3379 = arith.constant 10 : i32
        %dma_start3A_3380 = arith.constant 0 : i32
        %dma_start3A_3381 = arith.constant 0 : i32
        %dma_start3A_3382 = tpu.memref_slice %arg9[%dma_start3A_3379, %dma_start3A_3380, %dma_start3A_3381] : memref<16x8x32xf32, #tpu.memory_space<vmem>> -> memref<1x8x32xf32, #tpu.memory_space<vmem>>
        %dma_start3A_3383 = arith.constant 0 : i32
        %dma_start3A_3384 = arith.constant 0 : i32
        %dma_start3A_3385 = tpu.memref_slice %arg4[%squeeze3A_3378, %dma_start3A_3383, %dma_start3A_3384] : memref<125000x8x32xf32, #tpu.memory_space<hbm>> -> memref<1x8x32xf32, #tpu.memory_space<hbm>>
        %dma_start3A_3386 = arith.constant 10 : i32
        %dma_start3A_3387 = arith.constant 0 : i32
        %dma_start3A_3388 = arith.constant 0 : i32
        %dma_start3A_3389 = tpu.memref_slice %arg9[%dma_start3A_3386, %dma_start3A_3387, %dma_start3A_3388] : memref<16x8x32xf32, #tpu.memory_space<vmem>> -> memref<1x8x32xf32, #tpu.memory_space<vmem>>
        %dma_start3A_3390 = arith.constant 0 : i32
        %dma_start3A_3391 = arith.constant 0 : i32
        %dma_start3A_3392 = tpu.memref_slice %arg4[%squeeze3A_3378, %dma_start3A_3390, %dma_start3A_3391] : memref<125000x8x32xf32, #tpu.memory_space<hbm>> -> memref<1x8x32xf32, #tpu.memory_space<hbm>>
        tpu.enqueue_dma source(%dma_start3A_3392 : memref<1x8x32xf32, #tpu.memory_space<hbm>>) target(%dma_start3A_3389 : memref<1x8x32xf32, #tpu.memory_space<vmem>>) target_semaphore(%arg14 : memref<!tpu.dma_semaphore, #tpu.memory_space<semaphore_mem>>)
        %slice3A_3393 = vector.extract_strided_slice %shift_right_logical3A_3056 {offsets = [10], sizes = [1], strides = [1]} : vector<16xi32> to vector<1xi32>
        %squeeze3A_3394 = vector.extract %slice3A_3393[0] : i32 from vector<1xi32>
        %dma_start3A_3395 = arith.constant 10 : i32
        %dma_start3A_3396 = arith.constant 0 : i32
        %dma_start3A_3397 = arith.constant 0 : i32
        %dma_start3A_3398 = tpu.memref_slice %arg10[%dma_start3A_3395, %dma_start3A_3396, %dma_start3A_3397] : memref<16x8x32xf32, #tpu.memory_space<vmem>> -> memref<1x8x32xf32, #tpu.memory_space<vmem>>
        %dma_start3A_3399 = arith.constant 0 : i32
        %dma_start3A_3400 = arith.constant 0 : i32
        %dma_start3A_3401 = tpu.memref_slice %arg5[%squeeze3A_3394, %dma_start3A_3399, %dma_start3A_3400] : memref<125000x8x32xf32, #tpu.memory_space<hbm>> -> memref<1x8x32xf32, #tpu.memory_space<hbm>>
        %dma_start3A_3402 = arith.constant 10 : i32
        %dma_start3A_3403 = arith.constant 0 : i32
        %dma_start3A_3404 = arith.constant 0 : i32
        %dma_start3A_3405 = tpu.memref_slice %arg10[%dma_start3A_3402, %dma_start3A_3403, %dma_start3A_3404] : memref<16x8x32xf32, #tpu.memory_space<vmem>> -> memref<1x8x32xf32, #tpu.memory_space<vmem>>
        %dma_start3A_3406 = arith.constant 0 : i32
        %dma_start3A_3407 = arith.constant 0 : i32
        %dma_start3A_3408 = tpu.memref_slice %arg5[%squeeze3A_3394, %dma_start3A_3406, %dma_start3A_3407] : memref<125000x8x32xf32, #tpu.memory_space<hbm>> -> memref<1x8x32xf32, #tpu.memory_space<hbm>>
        tpu.enqueue_dma source(%dma_start3A_3408 : memref<1x8x32xf32, #tpu.memory_space<hbm>>) target(%dma_start3A_3405 : memref<1x8x32xf32, #tpu.memory_space<vmem>>) target_semaphore(%arg14 : memref<!tpu.dma_semaphore, #tpu.memory_space<semaphore_mem>>)
        %slice3A_3409 = vector.extract_strided_slice %shift_right_logical3A_3051 {offsets = [11], sizes = [1], strides = [1]} : vector<16xi32> to vector<1xi32>
        %squeeze3A_3410 = vector.extract %slice3A_3409[0] : i32 from vector<1xi32>
        %dma_start3A_3411 = arith.constant 11 : i32
        %dma_start3A_3412 = arith.constant 0 : i32
        %dma_start3A_3413 = arith.constant 0 : i32
        %dma_start3A_3414 = tpu.memref_slice %arg9[%dma_start3A_3411, %dma_start3A_3412, %dma_start3A_3413] : memref<16x8x32xf32, #tpu.memory_space<vmem>> -> memref<1x8x32xf32, #tpu.memory_space<vmem>>
        %dma_start3A_3415 = arith.constant 0 : i32
        %dma_start3A_3416 = arith.constant 0 : i32
        %dma_start3A_3417 = tpu.memref_slice %arg4[%squeeze3A_3410, %dma_start3A_3415, %dma_start3A_3416] : memref<125000x8x32xf32, #tpu.memory_space<hbm>> -> memref<1x8x32xf32, #tpu.memory_space<hbm>>
        %dma_start3A_3418 = arith.constant 11 : i32
        %dma_start3A_3419 = arith.constant 0 : i32
        %dma_start3A_3420 = arith.constant 0 : i32
        %dma_start3A_3421 = tpu.memref_slice %arg9[%dma_start3A_3418, %dma_start3A_3419, %dma_start3A_3420] : memref<16x8x32xf32, #tpu.memory_space<vmem>> -> memref<1x8x32xf32, #tpu.memory_space<vmem>>
        %dma_start3A_3422 = arith.constant 0 : i32
        %dma_start3A_3423 = arith.constant 0 : i32
        %dma_start3A_3424 = tpu.memref_slice %arg4[%squeeze3A_3410, %dma_start3A_3422, %dma_start3A_3423] : memref<125000x8x32xf32, #tpu.memory_space<hbm>> -> memref<1x8x32xf32, #tpu.memory_space<hbm>>
        tpu.enqueue_dma source(%dma_start3A_3424 : memref<1x8x32xf32, #tpu.memory_space<hbm>>) target(%dma_start3A_3421 : memref<1x8x32xf32, #tpu.memory_space<vmem>>) target_semaphore(%arg14 : memref<!tpu.dma_semaphore, #tpu.memory_space<semaphore_mem>>)
        %slice3A_3425 = vector.extract_strided_slice %shift_right_logical3A_3056 {offsets = [11], sizes = [1], strides = [1]} : vector<16xi32> to vector<1xi32>
        %squeeze3A_3426 = vector.extract %slice3A_3425[0] : i32 from vector<1xi32>
        %dma_start3A_3427 = arith.constant 11 : i32
        %dma_start3A_3428 = arith.constant 0 : i32
        %dma_start3A_3429 = arith.constant 0 : i32
        %dma_start3A_3430 = tpu.memref_slice %arg10[%dma_start3A_3427, %dma_start3A_3428, %dma_start3A_3429] : memref<16x8x32xf32, #tpu.memory_space<vmem>> -> memref<1x8x32xf32, #tpu.memory_space<vmem>>
        %dma_start3A_3431 = arith.constant 0 : i32
        %dma_start3A_3432 = arith.constant 0 : i32
        %dma_start3A_3433 = tpu.memref_slice %arg5[%squeeze3A_3426, %dma_start3A_3431, %dma_start3A_3432] : memref<125000x8x32xf32, #tpu.memory_space<hbm>> -> memref<1x8x32xf32, #tpu.memory_space<hbm>>
        %dma_start3A_3434 = arith.constant 11 : i32
        %dma_start3A_3435 = arith.constant 0 : i32
        %dma_start3A_3436 = arith.constant 0 : i32
        %dma_start3A_3437 = tpu.memref_slice %arg10[%dma_start3A_3434, %dma_start3A_3435, %dma_start3A_3436] : memref<16x8x32xf32, #tpu.memory_space<vmem>> -> memref<1x8x32xf32, #tpu.memory_space<vmem>>
        %dma_start3A_3438 = arith.constant 0 : i32
        %dma_start3A_3439 = arith.constant 0 : i32
        %dma_start3A_3440 = tpu.memref_slice %arg5[%squeeze3A_3426, %dma_start3A_3438, %dma_start3A_3439] : memref<125000x8x32xf32, #tpu.memory_space<hbm>> -> memref<1x8x32xf32, #tpu.memory_space<hbm>>
        tpu.enqueue_dma source(%dma_start3A_3440 : memref<1x8x32xf32, #tpu.memory_space<hbm>>) target(%dma_start3A_3437 : memref<1x8x32xf32, #tpu.memory_space<vmem>>) target_semaphore(%arg14 : memref<!tpu.dma_semaphore, #tpu.memory_space<semaphore_mem>>)
        %slice3A_3441 = vector.extract_strided_slice %shift_right_logical3A_3051 {offsets = [12], sizes = [1], strides = [1]} : vector<16xi32> to vector<1xi32>
        %squeeze3A_3442 = vector.extract %slice3A_3441[0] : i32 from vector<1xi32>
        %dma_start3A_3443 = arith.constant 12 : i32
        %dma_start3A_3444 = arith.constant 0 : i32
        %dma_start3A_3445 = arith.constant 0 : i32
        %dma_start3A_3446 = tpu.memref_slice %arg9[%dma_start3A_3443, %dma_start3A_3444, %dma_start3A_3445] : memref<16x8x32xf32, #tpu.memory_space<vmem>> -> memref<1x8x32xf32, #tpu.memory_space<vmem>>
        %dma_start3A_3447 = arith.constant 0 : i32
        %dma_start3A_3448 = arith.constant 0 : i32
        %dma_start3A_3449 = tpu.memref_slice %arg4[%squeeze3A_3442, %dma_start3A_3447, %dma_start3A_3448] : memref<125000x8x32xf32, #tpu.memory_space<hbm>> -> memref<1x8x32xf32, #tpu.memory_space<hbm>>
        %dma_start3A_3450 = arith.constant 12 : i32
        %dma_start3A_3451 = arith.constant 0 : i32
        %dma_start3A_3452 = arith.constant 0 : i32
        %dma_start3A_3453 = tpu.memref_slice %arg9[%dma_start3A_3450, %dma_start3A_3451, %dma_start3A_3452] : memref<16x8x32xf32, #tpu.memory_space<vmem>> -> memref<1x8x32xf32, #tpu.memory_space<vmem>>
        %dma_start3A_3454 = arith.constant 0 : i32
        %dma_start3A_3455 = arith.constant 0 : i32
        %dma_start3A_3456 = tpu.memref_slice %arg4[%squeeze3A_3442, %dma_start3A_3454, %dma_start3A_3455] : memref<125000x8x32xf32, #tpu.memory_space<hbm>> -> memref<1x8x32xf32, #tpu.memory_space<hbm>>
        tpu.enqueue_dma source(%dma_start3A_3456 : memref<1x8x32xf32, #tpu.memory_space<hbm>>) target(%dma_start3A_3453 : memref<1x8x32xf32, #tpu.memory_space<vmem>>) target_semaphore(%arg14 : memref<!tpu.dma_semaphore, #tpu.memory_space<semaphore_mem>>)
        %slice3A_3457 = vector.extract_strided_slice %shift_right_logical3A_3056 {offsets = [12], sizes = [1], strides = [1]} : vector<16xi32> to vector<1xi32>
        %squeeze3A_3458 = vector.extract %slice3A_3457[0] : i32 from vector<1xi32>
        %dma_start3A_3459 = arith.constant 12 : i32
        %dma_start3A_3460 = arith.constant 0 : i32
        %dma_start3A_3461 = arith.constant 0 : i32
        %dma_start3A_3462 = tpu.memref_slice %arg10[%dma_start3A_3459, %dma_start3A_3460, %dma_start3A_3461] : memref<16x8x32xf32, #tpu.memory_space<vmem>> -> memref<1x8x32xf32, #tpu.memory_space<vmem>>
        %dma_start3A_3463 = arith.constant 0 : i32
        %dma_start3A_3464 = arith.constant 0 : i32
        %dma_start3A_3465 = tpu.memref_slice %arg5[%squeeze3A_3458, %dma_start3A_3463, %dma_start3A_3464] : memref<125000x8x32xf32, #tpu.memory_space<hbm>> -> memref<1x8x32xf32, #tpu.memory_space<hbm>>
        %dma_start3A_3466 = arith.constant 12 : i32
        %dma_start3A_3467 = arith.constant 0 : i32
        %dma_start3A_3468 = arith.constant 0 : i32
        %dma_start3A_3469 = tpu.memref_slice %arg10[%dma_start3A_3466, %dma_start3A_3467, %dma_start3A_3468] : memref<16x8x32xf32, #tpu.memory_space<vmem>> -> memref<1x8x32xf32, #tpu.memory_space<vmem>>
        %dma_start3A_3470 = arith.constant 0 : i32
        %dma_start3A_3471 = arith.constant 0 : i32
        %dma_start3A_3472 = tpu.memref_slice %arg5[%squeeze3A_3458, %dma_start3A_3470, %dma_start3A_3471] : memref<125000x8x32xf32, #tpu.memory_space<hbm>> -> memref<1x8x32xf32, #tpu.memory_space<hbm>>
        tpu.enqueue_dma source(%dma_start3A_3472 : memref<1x8x32xf32, #tpu.memory_space<hbm>>) target(%dma_start3A_3469 : memref<1x8x32xf32, #tpu.memory_space<vmem>>) target_semaphore(%arg14 : memref<!tpu.dma_semaphore, #tpu.memory_space<semaphore_mem>>)
        %slice3A_3473 = vector.extract_strided_slice %shift_right_logical3A_3051 {offsets = [13], sizes = [1], strides = [1]} : vector<16xi32> to vector<1xi32>
        %squeeze3A_3474 = vector.extract %slice3A_3473[0] : i32 from vector<1xi32>
        %dma_start3A_3475 = arith.constant 13 : i32
        %dma_start3A_3476 = arith.constant 0 : i32
        %dma_start3A_3477 = arith.constant 0 : i32
        %dma_start3A_3478 = tpu.memref_slice %arg9[%dma_start3A_3475, %dma_start3A_3476, %dma_start3A_3477] : memref<16x8x32xf32, #tpu.memory_space<vmem>> -> memref<1x8x32xf32, #tpu.memory_space<vmem>>
        %dma_start3A_3479 = arith.constant 0 : i32
        %dma_start3A_3480 = arith.constant 0 : i32
        %dma_start3A_3481 = tpu.memref_slice %arg4[%squeeze3A_3474, %dma_start3A_3479, %dma_start3A_3480] : memref<125000x8x32xf32, #tpu.memory_space<hbm>> -> memref<1x8x32xf32, #tpu.memory_space<hbm>>
        %dma_start3A_3482 = arith.constant 13 : i32
        %dma_start3A_3483 = arith.constant 0 : i32
        %dma_start3A_3484 = arith.constant 0 : i32
        %dma_start3A_3485 = tpu.memref_slice %arg9[%dma_start3A_3482, %dma_start3A_3483, %dma_start3A_3484] : memref<16x8x32xf32, #tpu.memory_space<vmem>> -> memref<1x8x32xf32, #tpu.memory_space<vmem>>
        %dma_start3A_3486 = arith.constant 0 : i32
        %dma_start3A_3487 = arith.constant 0 : i32
        %dma_start3A_3488 = tpu.memref_slice %arg4[%squeeze3A_3474, %dma_start3A_3486, %dma_start3A_3487] : memref<125000x8x32xf32, #tpu.memory_space<hbm>> -> memref<1x8x32xf32, #tpu.memory_space<hbm>>
        tpu.enqueue_dma source(%dma_start3A_3488 : memref<1x8x32xf32, #tpu.memory_space<hbm>>) target(%dma_start3A_3485 : memref<1x8x32xf32, #tpu.memory_space<vmem>>) target_semaphore(%arg14 : memref<!tpu.dma_semaphore, #tpu.memory_space<semaphore_mem>>)
        %slice3A_3489 = vector.extract_strided_slice %shift_right_logical3A_3056 {offsets = [13], sizes = [1], strides = [1]} : vector<16xi32> to vector<1xi32>
        %squeeze3A_3490 = vector.extract %slice3A_3489[0] : i32 from vector<1xi32>
        %dma_start3A_3491 = arith.constant 13 : i32
        %dma_start3A_3492 = arith.constant 0 : i32
        %dma_start3A_3493 = arith.constant 0 : i32
        %dma_start3A_3494 = tpu.memref_slice %arg10[%dma_start3A_3491, %dma_start3A_3492, %dma_start3A_3493] : memref<16x8x32xf32, #tpu.memory_space<vmem>> -> memref<1x8x32xf32, #tpu.memory_space<vmem>>
        %dma_start3A_3495 = arith.constant 0 : i32
        %dma_start3A_3496 = arith.constant 0 : i32
        %dma_start3A_3497 = tpu.memref_slice %arg5[%squeeze3A_3490, %dma_start3A_3495, %dma_start3A_3496] : memref<125000x8x32xf32, #tpu.memory_space<hbm>> -> memref<1x8x32xf32, #tpu.memory_space<hbm>>
        %dma_start3A_3498 = arith.constant 13 : i32
        %dma_start3A_3499 = arith.constant 0 : i32
        %dma_start3A_3500 = arith.constant 0 : i32
        %dma_start3A_3501 = tpu.memref_slice %arg10[%dma_start3A_3498, %dma_start3A_3499, %dma_start3A_3500] : memref<16x8x32xf32, #tpu.memory_space<vmem>> -> memref<1x8x32xf32, #tpu.memory_space<vmem>>
        %dma_start3A_3502 = arith.constant 0 : i32
        %dma_start3A_3503 = arith.constant 0 : i32
        %dma_start3A_3504 = tpu.memref_slice %arg5[%squeeze3A_3490, %dma_start3A_3502, %dma_start3A_3503] : memref<125000x8x32xf32, #tpu.memory_space<hbm>> -> memref<1x8x32xf32, #tpu.memory_space<hbm>>
        tpu.enqueue_dma source(%dma_start3A_3504 : memref<1x8x32xf32, #tpu.memory_space<hbm>>) target(%dma_start3A_3501 : memref<1x8x32xf32, #tpu.memory_space<vmem>>) target_semaphore(%arg14 : memref<!tpu.dma_semaphore, #tpu.memory_space<semaphore_mem>>)
        %slice3A_3505 = vector.extract_strided_slice %shift_right_logical3A_3051 {offsets = [14], sizes = [1], strides = [1]} : vector<16xi32> to vector<1xi32>
        %squeeze3A_3506 = vector.extract %slice3A_3505[0] : i32 from vector<1xi32>
        %dma_start3A_3507 = arith.constant 14 : i32
        %dma_start3A_3508 = arith.constant 0 : i32
        %dma_start3A_3509 = arith.constant 0 : i32
        %dma_start3A_3510 = tpu.memref_slice %arg9[%dma_start3A_3507, %dma_start3A_3508, %dma_start3A_3509] : memref<16x8x32xf32, #tpu.memory_space<vmem>> -> memref<1x8x32xf32, #tpu.memory_space<vmem>>
        %dma_start3A_3511 = arith.constant 0 : i32
        %dma_start3A_3512 = arith.constant 0 : i32
        %dma_start3A_3513 = tpu.memref_slice %arg4[%squeeze3A_3506, %dma_start3A_3511, %dma_start3A_3512] : memref<125000x8x32xf32, #tpu.memory_space<hbm>> -> memref<1x8x32xf32, #tpu.memory_space<hbm>>
        %dma_start3A_3514 = arith.constant 14 : i32
        %dma_start3A_3515 = arith.constant 0 : i32
        %dma_start3A_3516 = arith.constant 0 : i32
        %dma_start3A_3517 = tpu.memref_slice %arg9[%dma_start3A_3514, %dma_start3A_3515, %dma_start3A_3516] : memref<16x8x32xf32, #tpu.memory_space<vmem>> -> memref<1x8x32xf32, #tpu.memory_space<vmem>>
        %dma_start3A_3518 = arith.constant 0 : i32
        %dma_start3A_3519 = arith.constant 0 : i32
        %dma_start3A_3520 = tpu.memref_slice %arg4[%squeeze3A_3506, %dma_start3A_3518, %dma_start3A_3519] : memref<125000x8x32xf32, #tpu.memory_space<hbm>> -> memref<1x8x32xf32, #tpu.memory_space<hbm>>
        tpu.enqueue_dma source(%dma_start3A_3520 : memref<1x8x32xf32, #tpu.memory_space<hbm>>) target(%dma_start3A_3517 : memref<1x8x32xf32, #tpu.memory_space<vmem>>) target_semaphore(%arg14 : memref<!tpu.dma_semaphore, #tpu.memory_space<semaphore_mem>>)
        %slice3A_3521 = vector.extract_strided_slice %shift_right_logical3A_3056 {offsets = [14], sizes = [1], strides = [1]} : vector<16xi32> to vector<1xi32>
        %squeeze3A_3522 = vector.extract %slice3A_3521[0] : i32 from vector<1xi32>
        %dma_start3A_3523 = arith.constant 14 : i32
        %dma_start3A_3524 = arith.constant 0 : i32
        %dma_start3A_3525 = arith.constant 0 : i32
        %dma_start3A_3526 = tpu.memref_slice %arg10[%dma_start3A_3523, %dma_start3A_3524, %dma_start3A_3525] : memref<16x8x32xf32, #tpu.memory_space<vmem>> -> memref<1x8x32xf32, #tpu.memory_space<vmem>>
        %dma_start3A_3527 = arith.constant 0 : i32
        %dma_start3A_3528 = arith.constant 0 : i32
        %dma_start3A_3529 = tpu.memref_slice %arg5[%squeeze3A_3522, %dma_start3A_3527, %dma_start3A_3528] : memref<125000x8x32xf32, #tpu.memory_space<hbm>> -> memref<1x8x32xf32, #tpu.memory_space<hbm>>
        %dma_start3A_3530 = arith.constant 14 : i32
        %dma_start3A_3531 = arith.constant 0 : i32
        %dma_start3A_3532 = arith.constant 0 : i32
        %dma_start3A_3533 = tpu.memref_slice %arg10[%dma_start3A_3530, %dma_start3A_3531, %dma_start3A_3532] : memref<16x8x32xf32, #tpu.memory_space<vmem>> -> memref<1x8x32xf32, #tpu.memory_space<vmem>>
        %dma_start3A_3534 = arith.constant 0 : i32
        %dma_start3A_3535 = arith.constant 0 : i32
        %dma_start3A_3536 = tpu.memref_slice %arg5[%squeeze3A_3522, %dma_start3A_3534, %dma_start3A_3535] : memref<125000x8x32xf32, #tpu.memory_space<hbm>> -> memref<1x8x32xf32, #tpu.memory_space<hbm>>
        tpu.enqueue_dma source(%dma_start3A_3536 : memref<1x8x32xf32, #tpu.memory_space<hbm>>) target(%dma_start3A_3533 : memref<1x8x32xf32, #tpu.memory_space<vmem>>) target_semaphore(%arg14 : memref<!tpu.dma_semaphore, #tpu.memory_space<semaphore_mem>>)
        %slice3A_3537 = vector.extract_strided_slice %shift_right_logical3A_3051 {offsets = [15], sizes = [1], strides = [1]} : vector<16xi32> to vector<1xi32>
        %squeeze3A_3538 = vector.extract %slice3A_3537[0] : i32 from vector<1xi32>
        %dma_start3A_3539 = arith.constant 15 : i32
        %dma_start3A_3540 = arith.constant 0 : i32
        %dma_start3A_3541 = arith.constant 0 : i32
        %dma_start3A_3542 = tpu.memref_slice %arg9[%dma_start3A_3539, %dma_start3A_3540, %dma_start3A_3541] : memref<16x8x32xf32, #tpu.memory_space<vmem>> -> memref<1x8x32xf32, #tpu.memory_space<vmem>>
        %dma_start3A_3543 = arith.constant 0 : i32
        %dma_start3A_3544 = arith.constant 0 : i32
        %dma_start3A_3545 = tpu.memref_slice %arg4[%squeeze3A_3538, %dma_start3A_3543, %dma_start3A_3544] : memref<125000x8x32xf32, #tpu.memory_space<hbm>> -> memref<1x8x32xf32, #tpu.memory_space<hbm>>
        %dma_start3A_3546 = arith.constant 15 : i32
        %dma_start3A_3547 = arith.constant 0 : i32
        %dma_start3A_3548 = arith.constant 0 : i32
        %dma_start3A_3549 = tpu.memref_slice %arg9[%dma_start3A_3546, %dma_start3A_3547, %dma_start3A_3548] : memref<16x8x32xf32, #tpu.memory_space<vmem>> -> memref<1x8x32xf32, #tpu.memory_space<vmem>>
        %dma_start3A_3550 = arith.constant 0 : i32
        %dma_start3A_3551 = arith.constant 0 : i32
        %dma_start3A_3552 = tpu.memref_slice %arg4[%squeeze3A_3538, %dma_start3A_3550, %dma_start3A_3551] : memref<125000x8x32xf32, #tpu.memory_space<hbm>> -> memref<1x8x32xf32, #tpu.memory_space<hbm>>
        tpu.enqueue_dma source(%dma_start3A_3552 : memref<1x8x32xf32, #tpu.memory_space<hbm>>) target(%dma_start3A_3549 : memref<1x8x32xf32, #tpu.memory_space<vmem>>) target_semaphore(%arg14 : memref<!tpu.dma_semaphore, #tpu.memory_space<semaphore_mem>>)
        %slice3A_3553 = vector.extract_strided_slice %shift_right_logical3A_3056 {offsets = [15], sizes = [1], strides = [1]} : vector<16xi32> to vector<1xi32>
        %squeeze3A_3554 = vector.extract %slice3A_3553[0] : i32 from vector<1xi32>
        %dma_start3A_3555 = arith.constant 15 : i32
        %dma_start3A_3556 = arith.constant 0 : i32
        %dma_start3A_3557 = arith.constant 0 : i32
        %dma_start3A_3558 = tpu.memref_slice %arg10[%dma_start3A_3555, %dma_start3A_3556, %dma_start3A_3557] : memref<16x8x32xf32, #tpu.memory_space<vmem>> -> memref<1x8x32xf32, #tpu.memory_space<vmem>>
        %dma_start3A_3559 = arith.constant 0 : i32
        %dma_start3A_3560 = arith.constant 0 : i32
        %dma_start3A_3561 = tpu.memref_slice %arg5[%squeeze3A_3554, %dma_start3A_3559, %dma_start3A_3560] : memref<125000x8x32xf32, #tpu.memory_space<hbm>> -> memref<1x8x32xf32, #tpu.memory_space<hbm>>
        %dma_start3A_3562 = arith.constant 15 : i32
        %dma_start3A_3563 = arith.constant 0 : i32
        %dma_start3A_3564 = arith.constant 0 : i32
        %dma_start3A_3565 = tpu.memref_slice %arg10[%dma_start3A_3562, %dma_start3A_3563, %dma_start3A_3564] : memref<16x8x32xf32, #tpu.memory_space<vmem>> -> memref<1x8x32xf32, #tpu.memory_space<vmem>>
        %dma_start3A_3566 = arith.constant 0 : i32
        %dma_start3A_3567 = arith.constant 0 : i32
        %dma_start3A_3568 = tpu.memref_slice %arg5[%squeeze3A_3554, %dma_start3A_3566, %dma_start3A_3567] : memref<125000x8x32xf32, #tpu.memory_space<hbm>> -> memref<1x8x32xf32, #tpu.memory_space<hbm>>
        tpu.enqueue_dma source(%dma_start3A_3568 : memref<1x8x32xf32, #tpu.memory_space<hbm>>) target(%dma_start3A_3565 : memref<1x8x32xf32, #tpu.memory_space<vmem>>) target_semaphore(%arg14 : memref<!tpu.dma_semaphore, #tpu.memory_space<semaphore_mem>>)
      } else {
      }
      %dma_wait3A_2043 = arith.constant 0 : i32
      %dma_wait3A_2044 = arith.constant 0 : i32
      %dma_wait3A_2045 = arith.constant 0 : i32
      %dma_wait3A_2046 = tpu.memref_slice %arg4[%dma_wait3A_2043, %dma_wait3A_2044, %dma_wait3A_2045] : memref<125000x8x32xf32, #tpu.memory_space<hbm>> -> memref<16x8x32xf32, #tpu.memory_space<hbm>>
      %dma_wait3A_2047 = arith.constant 0 : i32
      %dma_wait3A_2048 = arith.constant 0 : i32
      %dma_wait3A_2049 = arith.constant 0 : i32
      %dma_wait3A_2050 = tpu.memref_slice %arg4[%dma_wait3A_2047, %dma_wait3A_2048, %dma_wait3A_2049] : memref<125000x8x32xf32, #tpu.memory_space<hbm>> -> memref<16x8x32xf32, #tpu.memory_space<hbm>>
      tpu.wait_dma2 semaphore(%arg15 : memref<!tpu.dma_semaphore, #tpu.memory_space<semaphore_mem>>) src(%dma_wait3A_2050 : memref<16x8x32xf32, #tpu.memory_space<hbm>>) dst(%arg11 : memref<16x8x32xf32, #tpu.memory_space<vmem>>)
      %dma_wait3A_2051 = arith.constant 0 : i32
      %dma_wait3A_2052 = arith.constant 0 : i32
      %dma_wait3A_2053 = arith.constant 0 : i32
      %dma_wait3A_2054 = tpu.memref_slice %arg5[%dma_wait3A_2051, %dma_wait3A_2052, %dma_wait3A_2053] : memref<125000x8x32xf32, #tpu.memory_space<hbm>> -> memref<16x8x32xf32, #tpu.memory_space<hbm>>
      %dma_wait3A_2055 = arith.constant 0 : i32
      %dma_wait3A_2056 = arith.constant 0 : i32
      %dma_wait3A_2057 = arith.constant 0 : i32
      %dma_wait3A_2058 = tpu.memref_slice %arg5[%dma_wait3A_2055, %dma_wait3A_2056, %dma_wait3A_2057] : memref<125000x8x32xf32, #tpu.memory_space<hbm>> -> memref<16x8x32xf32, #tpu.memory_space<hbm>>
      tpu.wait_dma2 semaphore(%arg15 : memref<!tpu.dma_semaphore, #tpu.memory_space<semaphore_mem>>) src(%dma_wait3A_2058 : memref<16x8x32xf32, #tpu.memory_space<hbm>>) dst(%arg12 : memref<16x8x32xf32, #tpu.memory_space<vmem>>)
      %add3A_2059 = arith.constant 1 : i32
      %add3A_2060 = arith.addi %mul3A_527, %add3A_2059 : i32
      %mul3A_2061 = arith.constant 16 : i32
      %mul3A_2062 = arith.muli %add3A_2060, %mul3A_2061 : i32
      %broadcast_in_dim3A_2063 = arith.constant 0.000000e+00 : f32
      %broadcast_in_dim3A_2064 = vector.broadcast %broadcast_in_dim3A_2063 : f32 to vector<16xf32>
      %broadcast_in_dim3A_2065 = arith.constant 0.000000e+00 : f32
      %broadcast_in_dim3A_2066 = vector.broadcast %broadcast_in_dim3A_2065 : f32 to vector<16xf32>
      %broadcast_in_dim3A_2067 = arith.constant 0.000000e+00 : f32
      %broadcast_in_dim3A_2068 = vector.broadcast %broadcast_in_dim3A_2067 : f32 to vector<16xf32>
      %get3A_2069 = arith.index_cast %mul3A_2062 : i32 to index
      %get3A_2070 = tpu.vector_load %arg7[%get3A_2069] {strides = array<i32>} : memref<512xi32, #tpu.memory_space<vmem>>, vector<16xi32>,
      %and3A_2071 = arith.constant 7 : i32
      %and3A_2072 = vector.broadcast %and3A_2071 : i32 to vector<16xi32>
      %and3A_2073 = arith.andi %get3A_2070, %and3A_2072 : vector<16xi32>
      %get3A_2074 = arith.index_cast %mul3A_2062 : i32 to index
      %get3A_2075 = tpu.vector_load %arg8[%get3A_2074] {strides = array<i32>} : memref<512xi32, #tpu.memory_space<vmem>>, vector<16xi32>,
      %and3A_2076 = arith.constant 7 : i32
      %and3A_2077 = vector.broadcast %and3A_2076 : i32 to vector<16xi32>
      %and3A_2078 = arith.andi %get3A_2075, %and3A_2077 : vector<16xi32>
      %slice3A_2079 = vector.extract_strided_slice %and3A_2073 {offsets = [0], sizes = [1], strides = [1]} : vector<16xi32> to vector<1xi32>
      %squeeze3A_2080 = vector.extract %slice3A_2079[0] : i32 from vector<1xi32>
      %slice3A_2081 = vector.extract_strided_slice %and3A_2078 {offsets = [0], sizes = [1], strides = [1]} : vector<16xi32> to vector<1xi32>
      %squeeze3A_2082 = vector.extract %slice3A_2081[0] : i32 from vector<1xi32>
      %get3A_2083 = arith.constant 0 : i32
      %get3A_2084 = arith.index_cast %get3A_2083 : i32 to index
      %get3A_2085 = arith.index_cast %squeeze3A_2080 : i32 to index
      %get3A_2086 = arith.constant 0 : index
      %get3A_2087 = tpu.vector_load %arg11[%get3A_2084, %get3A_2085, %get3A_2086] {strides = array<i32>} : memref<16x8x32xf32, #tpu.memory_space<vmem>>, vector<16xf32>,
      %get3A_2088 = arith.constant 0 : i32
      %get3A_2089 = arith.index_cast %get3A_2088 : i32 to index
      %get3A_2090 = arith.index_cast %squeeze3A_2080 : i32 to index
      %get3A_2091 = arith.constant 16 : index
      %get3A_2092 = tpu.vector_load %arg11[%get3A_2089, %get3A_2090, %get3A_2091] {strides = array<i32>} : memref<16x8x32xf32, #tpu.memory_space<vmem>>, vector<16xf32>,
      %get3A_2093 = arith.constant 0 : i32
      %get3A_2094 = arith.index_cast %get3A_2093 : i32 to index
      %get3A_2095 = arith.index_cast %squeeze3A_2082 : i32 to index
      %get3A_2096 = arith.constant 0 : index
      %get3A_2097 = tpu.vector_load %arg12[%get3A_2094, %get3A_2095, %get3A_2096] {strides = array<i32>} : memref<16x8x32xf32, #tpu.memory_space<vmem>>, vector<16xf32>,
      %get3A_2098 = arith.constant 0 : i32
      %get3A_2099 = arith.index_cast %get3A_2098 : i32 to index
      %get3A_2100 = arith.index_cast %squeeze3A_2082 : i32 to index
      %get3A_2101 = arith.constant 16 : index
      %get3A_2102 = tpu.vector_load %arg12[%get3A_2099, %get3A_2100, %get3A_2101] {strides = array<i32>} : memref<16x8x32xf32, #tpu.memory_space<vmem>>, vector<16xf32>,
      %mul3A_2103 = arith.mulf %get3A_2087, %get3A_2087 : vector<16xf32>
      %mul3A_2104 = arith.mulf %get3A_2092, %get3A_2092 : vector<16xf32>
      %add3A_2105 = arith.addf %mul3A_2103, %mul3A_2104 : vector<16xf32>
      %mul3A_2106 = arith.mulf %get3A_2097, %get3A_2097 : vector<16xf32>
      %mul3A_2107 = arith.mulf %get3A_2102, %get3A_2102 : vector<16xf32>
      %add3A_2108 = arith.addf %mul3A_2106, %mul3A_2107 : vector<16xf32>
      %mul3A_2109 = arith.mulf %get3A_2087, %get3A_2097 : vector<16xf32>
      %mul3A_2110 = arith.mulf %get3A_2092, %get3A_2102 : vector<16xf32>
      %add3A_2111 = arith.addf %mul3A_2109, %mul3A_2110 : vector<16xf32>
      %eq3A_2112 = arith.constant 0 : i32
      %eq3A_2113 = vector.broadcast %eq3A_2112 : i32 to vector<16xi32>
      %eq3A_2114 = arith.cmpi eq, %iota3A, %eq3A_2113 : vector<16xi32>
      %reduce_sum3A_2115 = arith.constant true
      %reduce_sum3A_2116 = vector.broadcast %reduce_sum3A_2115 : i1 to vector<16xi1>
      %reduce_sum3A_2117 = tpu.scan <sum>, %add3A_2105 masked %reduce_sum3A_2116 : vector<16xf32>, vector<16xi1> -> vector<16xf32>
      %reduce_sum3A_2118 = vector.extract %reduce_sum3A_2117[15] : f32 from vector<16xf32>
      %broadcast_in_dim3A_2119 = vector.broadcast %reduce_sum3A_2118 : f32 to vector<16xf32>
      %select_n3A_2120 = arith.select %eq3A_2114, %broadcast_in_dim3A_2119, %broadcast_in_dim3A_2064 : vector<16xi1>, vector<16xf32>
      %reduce_sum3A_2121 = arith.constant true
      %reduce_sum3A_2122 = vector.broadcast %reduce_sum3A_2121 : i1 to vector<16xi1>
      %reduce_sum3A_2123 = tpu.scan <sum>, %add3A_2108 masked %reduce_sum3A_2122 : vector<16xf32>, vector<16xi1> -> vector<16xf32>
      %reduce_sum3A_2124 = vector.extract %reduce_sum3A_2123[15] : f32 from vector<16xf32>
      %broadcast_in_dim3A_2125 = vector.broadcast %reduce_sum3A_2124 : f32 to vector<16xf32>
      %select_n3A_2126 = arith.select %eq3A_2114, %broadcast_in_dim3A_2125, %broadcast_in_dim3A_2066 : vector<16xi1>, vector<16xf32>
      %reduce_sum3A_2127 = arith.constant true
      %reduce_sum3A_2128 = vector.broadcast %reduce_sum3A_2127 : i1 to vector<16xi1>
      %reduce_sum3A_2129 = tpu.scan <sum>, %add3A_2111 masked %reduce_sum3A_2128 : vector<16xf32>, vector<16xi1> -> vector<16xf32>
      %reduce_sum3A_2130 = vector.extract %reduce_sum3A_2129[15] : f32 from vector<16xf32>
      %broadcast_in_dim3A_2131 = vector.broadcast %reduce_sum3A_2130 : f32 to vector<16xf32>
      %select_n3A_2132 = arith.select %eq3A_2114, %broadcast_in_dim3A_2131, %broadcast_in_dim3A_2068 : vector<16xi1>, vector<16xf32>
      %slice3A_2133 = vector.extract_strided_slice %and3A_2073 {offsets = [1], sizes = [1], strides = [1]} : vector<16xi32> to vector<1xi32>
      %squeeze3A_2134 = vector.extract %slice3A_2133[0] : i32 from vector<1xi32>
      %slice3A_2135 = vector.extract_strided_slice %and3A_2078 {offsets = [1], sizes = [1], strides = [1]} : vector<16xi32> to vector<1xi32>
      %squeeze3A_2136 = vector.extract %slice3A_2135[0] : i32 from vector<1xi32>
      %get3A_2137 = arith.constant 1 : i32
      %get3A_2138 = arith.index_cast %get3A_2137 : i32 to index
      %get3A_2139 = arith.index_cast %squeeze3A_2134 : i32 to index
      %get3A_2140 = arith.constant 0 : index
      %get3A_2141 = tpu.vector_load %arg11[%get3A_2138, %get3A_2139, %get3A_2140] {strides = array<i32>} : memref<16x8x32xf32, #tpu.memory_space<vmem>>, vector<16xf32>,
      %get3A_2142 = arith.constant 1 : i32
      %get3A_2143 = arith.index_cast %get3A_2142 : i32 to index
      %get3A_2144 = arith.index_cast %squeeze3A_2134 : i32 to index
      %get3A_2145 = arith.constant 16 : index
      %get3A_2146 = tpu.vector_load %arg11[%get3A_2143, %get3A_2144, %get3A_2145] {strides = array<i32>} : memref<16x8x32xf32, #tpu.memory_space<vmem>>, vector<16xf32>,
      %get3A_2147 = arith.constant 1 : i32
      %get3A_2148 = arith.index_cast %get3A_2147 : i32 to index
      %get3A_2149 = arith.index_cast %squeeze3A_2136 : i32 to index
      %get3A_2150 = arith.constant 0 : index
      %get3A_2151 = tpu.vector_load %arg12[%get3A_2148, %get3A_2149, %get3A_2150] {strides = array<i32>} : memref<16x8x32xf32, #tpu.memory_space<vmem>>, vector<16xf32>,
      %get3A_2152 = arith.constant 1 : i32
      %get3A_2153 = arith.index_cast %get3A_2152 : i32 to index
      %get3A_2154 = arith.index_cast %squeeze3A_2136 : i32 to index
      %get3A_2155 = arith.constant 16 : index
      %get3A_2156 = tpu.vector_load %arg12[%get3A_2153, %get3A_2154, %get3A_2155] {strides = array<i32>} : memref<16x8x32xf32, #tpu.memory_space<vmem>>, vector<16xf32>,
      %mul3A_2157 = arith.mulf %get3A_2141, %get3A_2141 : vector<16xf32>
      %mul3A_2158 = arith.mulf %get3A_2146, %get3A_2146 : vector<16xf32>
      %add3A_2159 = arith.addf %mul3A_2157, %mul3A_2158 : vector<16xf32>
      %mul3A_2160 = arith.mulf %get3A_2151, %get3A_2151 : vector<16xf32>
      %mul3A_2161 = arith.mulf %get3A_2156, %get3A_2156 : vector<16xf32>
      %add3A_2162 = arith.addf %mul3A_2160, %mul3A_2161 : vector<16xf32>
      %mul3A_2163 = arith.mulf %get3A_2141, %get3A_2151 : vector<16xf32>
      %mul3A_2164 = arith.mulf %get3A_2146, %get3A_2156 : vector<16xf32>
      %add3A_2165 = arith.addf %mul3A_2163, %mul3A_2164 : vector<16xf32>
      %eq3A_2166 = arith.constant 1 : i32
      %eq3A_2167 = vector.broadcast %eq3A_2166 : i32 to vector<16xi32>
      %eq3A_2168 = arith.cmpi eq, %iota3A, %eq3A_2167 : vector<16xi32>
      %reduce_sum3A_2169 = arith.constant true
      %reduce_sum3A_2170 = vector.broadcast %reduce_sum3A_2169 : i1 to vector<16xi1>
      %reduce_sum3A_2171 = tpu.scan <sum>, %add3A_2159 masked %reduce_sum3A_2170 : vector<16xf32>, vector<16xi1> -> vector<16xf32>
      %reduce_sum3A_2172 = vector.extract %reduce_sum3A_2171[15] : f32 from vector<16xf32>
      %broadcast_in_dim3A_2173 = vector.broadcast %reduce_sum3A_2172 : f32 to vector<16xf32>
      %select_n3A_2174 = arith.select %eq3A_2168, %broadcast_in_dim3A_2173, %select_n3A_2120 : vector<16xi1>, vector<16xf32>
      %reduce_sum3A_2175 = arith.constant true
      %reduce_sum3A_2176 = vector.broadcast %reduce_sum3A_2175 : i1 to vector<16xi1>
      %reduce_sum3A_2177 = tpu.scan <sum>, %add3A_2162 masked %reduce_sum3A_2176 : vector<16xf32>, vector<16xi1> -> vector<16xf32>
      %reduce_sum3A_2178 = vector.extract %reduce_sum3A_2177[15] : f32 from vector<16xf32>
      %broadcast_in_dim3A_2179 = vector.broadcast %reduce_sum3A_2178 : f32 to vector<16xf32>
      %select_n3A_2180 = arith.select %eq3A_2168, %broadcast_in_dim3A_2179, %select_n3A_2126 : vector<16xi1>, vector<16xf32>
      %reduce_sum3A_2181 = arith.constant true
      %reduce_sum3A_2182 = vector.broadcast %reduce_sum3A_2181 : i1 to vector<16xi1>
      %reduce_sum3A_2183 = tpu.scan <sum>, %add3A_2165 masked %reduce_sum3A_2182 : vector<16xf32>, vector<16xi1> -> vector<16xf32>
      %reduce_sum3A_2184 = vector.extract %reduce_sum3A_2183[15] : f32 from vector<16xf32>
      %broadcast_in_dim3A_2185 = vector.broadcast %reduce_sum3A_2184 : f32 to vector<16xf32>
      %select_n3A_2186 = arith.select %eq3A_2168, %broadcast_in_dim3A_2185, %select_n3A_2132 : vector<16xi1>, vector<16xf32>
      %slice3A_2187 = vector.extract_strided_slice %and3A_2073 {offsets = [2], sizes = [1], strides = [1]} : vector<16xi32> to vector<1xi32>
      %squeeze3A_2188 = vector.extract %slice3A_2187[0] : i32 from vector<1xi32>
      %slice3A_2189 = vector.extract_strided_slice %and3A_2078 {offsets = [2], sizes = [1], strides = [1]} : vector<16xi32> to vector<1xi32>
      %squeeze3A_2190 = vector.extract %slice3A_2189[0] : i32 from vector<1xi32>
      %get3A_2191 = arith.constant 2 : i32
      %get3A_2192 = arith.index_cast %get3A_2191 : i32 to index
      %get3A_2193 = arith.index_cast %squeeze3A_2188 : i32 to index
      %get3A_2194 = arith.constant 0 : index
      %get3A_2195 = tpu.vector_load %arg11[%get3A_2192, %get3A_2193, %get3A_2194] {strides = array<i32>} : memref<16x8x32xf32, #tpu.memory_space<vmem>>, vector<16xf32>,
      %get3A_2196 = arith.constant 2 : i32
      %get3A_2197 = arith.index_cast %get3A_2196 : i32 to index
      %get3A_2198 = arith.index_cast %squeeze3A_2188 : i32 to index
      %get3A_2199 = arith.constant 16 : index
      %get3A_2200 = tpu.vector_load %arg11[%get3A_2197, %get3A_2198, %get3A_2199] {strides = array<i32>} : memref<16x8x32xf32, #tpu.memory_space<vmem>>, vector<16xf32>,
      %get3A_2201 = arith.constant 2 : i32
      %get3A_2202 = arith.index_cast %get3A_2201 : i32 to index
      %get3A_2203 = arith.index_cast %squeeze3A_2190 : i32 to index
      %get3A_2204 = arith.constant 0 : index
      %get3A_2205 = tpu.vector_load %arg12[%get3A_2202, %get3A_2203, %get3A_2204] {strides = array<i32>} : memref<16x8x32xf32, #tpu.memory_space<vmem>>, vector<16xf32>,
      %get3A_2206 = arith.constant 2 : i32
      %get3A_2207 = arith.index_cast %get3A_2206 : i32 to index
      %get3A_2208 = arith.index_cast %squeeze3A_2190 : i32 to index
      %get3A_2209 = arith.constant 16 : index
      %get3A_2210 = tpu.vector_load %arg12[%get3A_2207, %get3A_2208, %get3A_2209] {strides = array<i32>} : memref<16x8x32xf32, #tpu.memory_space<vmem>>, vector<16xf32>,
      %mul3A_2211 = arith.mulf %get3A_2195, %get3A_2195 : vector<16xf32>
      %mul3A_2212 = arith.mulf %get3A_2200, %get3A_2200 : vector<16xf32>
      %add3A_2213 = arith.addf %mul3A_2211, %mul3A_2212 : vector<16xf32>
      %mul3A_2214 = arith.mulf %get3A_2205, %get3A_2205 : vector<16xf32>
      %mul3A_2215 = arith.mulf %get3A_2210, %get3A_2210 : vector<16xf32>
      %add3A_2216 = arith.addf %mul3A_2214, %mul3A_2215 : vector<16xf32>
      %mul3A_2217 = arith.mulf %get3A_2195, %get3A_2205 : vector<16xf32>
      %mul3A_2218 = arith.mulf %get3A_2200, %get3A_2210 : vector<16xf32>
      %add3A_2219 = arith.addf %mul3A_2217, %mul3A_2218 : vector<16xf32>
      %eq3A_2220 = arith.constant 2 : i32
      %eq3A_2221 = vector.broadcast %eq3A_2220 : i32 to vector<16xi32>
      %eq3A_2222 = arith.cmpi eq, %iota3A, %eq3A_2221 : vector<16xi32>
      %reduce_sum3A_2223 = arith.constant true
      %reduce_sum3A_2224 = vector.broadcast %reduce_sum3A_2223 : i1 to vector<16xi1>
      %reduce_sum3A_2225 = tpu.scan <sum>, %add3A_2213 masked %reduce_sum3A_2224 : vector<16xf32>, vector<16xi1> -> vector<16xf32>
      %reduce_sum3A_2226 = vector.extract %reduce_sum3A_2225[15] : f32 from vector<16xf32>
      %broadcast_in_dim3A_2227 = vector.broadcast %reduce_sum3A_2226 : f32 to vector<16xf32>
      %select_n3A_2228 = arith.select %eq3A_2222, %broadcast_in_dim3A_2227, %select_n3A_2174 : vector<16xi1>, vector<16xf32>
      %reduce_sum3A_2229 = arith.constant true
      %reduce_sum3A_2230 = vector.broadcast %reduce_sum3A_2229 : i1 to vector<16xi1>
      %reduce_sum3A_2231 = tpu.scan <sum>, %add3A_2216 masked %reduce_sum3A_2230 : vector<16xf32>, vector<16xi1> -> vector<16xf32>
      %reduce_sum3A_2232 = vector.extract %reduce_sum3A_2231[15] : f32 from vector<16xf32>
      %broadcast_in_dim3A_2233 = vector.broadcast %reduce_sum3A_2232 : f32 to vector<16xf32>
      %select_n3A_2234 = arith.select %eq3A_2222, %broadcast_in_dim3A_2233, %select_n3A_2180 : vector<16xi1>, vector<16xf32>
      %reduce_sum3A_2235 = arith.constant true
      %reduce_sum3A_2236 = vector.broadcast %reduce_sum3A_2235 : i1 to vector<16xi1>
      %reduce_sum3A_2237 = tpu.scan <sum>, %add3A_2219 masked %reduce_sum3A_2236 : vector<16xf32>, vector<16xi1> -> vector<16xf32>
      %reduce_sum3A_2238 = vector.extract %reduce_sum3A_2237[15] : f32 from vector<16xf32>
      %broadcast_in_dim3A_2239 = vector.broadcast %reduce_sum3A_2238 : f32 to vector<16xf32>
      %select_n3A_2240 = arith.select %eq3A_2222, %broadcast_in_dim3A_2239, %select_n3A_2186 : vector<16xi1>, vector<16xf32>
      %slice3A_2241 = vector.extract_strided_slice %and3A_2073 {offsets = [3], sizes = [1], strides = [1]} : vector<16xi32> to vector<1xi32>
      %squeeze3A_2242 = vector.extract %slice3A_2241[0] : i32 from vector<1xi32>
      %slice3A_2243 = vector.extract_strided_slice %and3A_2078 {offsets = [3], sizes = [1], strides = [1]} : vector<16xi32> to vector<1xi32>
      %squeeze3A_2244 = vector.extract %slice3A_2243[0] : i32 from vector<1xi32>
      %get3A_2245 = arith.constant 3 : i32
      %get3A_2246 = arith.index_cast %get3A_2245 : i32 to index
      %get3A_2247 = arith.index_cast %squeeze3A_2242 : i32 to index
      %get3A_2248 = arith.constant 0 : index
      %get3A_2249 = tpu.vector_load %arg11[%get3A_2246, %get3A_2247, %get3A_2248] {strides = array<i32>} : memref<16x8x32xf32, #tpu.memory_space<vmem>>, vector<16xf32>,
      %get3A_2250 = arith.constant 3 : i32
      %get3A_2251 = arith.index_cast %get3A_2250 : i32 to index
      %get3A_2252 = arith.index_cast %squeeze3A_2242 : i32 to index
      %get3A_2253 = arith.constant 16 : index
      %get3A_2254 = tpu.vector_load %arg11[%get3A_2251, %get3A_2252, %get3A_2253] {strides = array<i32>} : memref<16x8x32xf32, #tpu.memory_space<vmem>>, vector<16xf32>,
      %get3A_2255 = arith.constant 3 : i32
      %get3A_2256 = arith.index_cast %get3A_2255 : i32 to index
      %get3A_2257 = arith.index_cast %squeeze3A_2244 : i32 to index
      %get3A_2258 = arith.constant 0 : index
      %get3A_2259 = tpu.vector_load %arg12[%get3A_2256, %get3A_2257, %get3A_2258] {strides = array<i32>} : memref<16x8x32xf32, #tpu.memory_space<vmem>>, vector<16xf32>,
      %get3A_2260 = arith.constant 3 : i32
      %get3A_2261 = arith.index_cast %get3A_2260 : i32 to index
      %get3A_2262 = arith.index_cast %squeeze3A_2244 : i32 to index
      %get3A_2263 = arith.constant 16 : index
      %get3A_2264 = tpu.vector_load %arg12[%get3A_2261, %get3A_2262, %get3A_2263] {strides = array<i32>} : memref<16x8x32xf32, #tpu.memory_space<vmem>>, vector<16xf32>,
      %mul3A_2265 = arith.mulf %get3A_2249, %get3A_2249 : vector<16xf32>
      %mul3A_2266 = arith.mulf %get3A_2254, %get3A_2254 : vector<16xf32>
      %add3A_2267 = arith.addf %mul3A_2265, %mul3A_2266 : vector<16xf32>
      %mul3A_2268 = arith.mulf %get3A_2259, %get3A_2259 : vector<16xf32>
      %mul3A_2269 = arith.mulf %get3A_2264, %get3A_2264 : vector<16xf32>
      %add3A_2270 = arith.addf %mul3A_2268, %mul3A_2269 : vector<16xf32>
      %mul3A_2271 = arith.mulf %get3A_2249, %get3A_2259 : vector<16xf32>
      %mul3A_2272 = arith.mulf %get3A_2254, %get3A_2264 : vector<16xf32>
      %add3A_2273 = arith.addf %mul3A_2271, %mul3A_2272 : vector<16xf32>
      %eq3A_2274 = arith.constant 3 : i32
      %eq3A_2275 = vector.broadcast %eq3A_2274 : i32 to vector<16xi32>
      %eq3A_2276 = arith.cmpi eq, %iota3A, %eq3A_2275 : vector<16xi32>
      %reduce_sum3A_2277 = arith.constant true
      %reduce_sum3A_2278 = vector.broadcast %reduce_sum3A_2277 : i1 to vector<16xi1>
      %reduce_sum3A_2279 = tpu.scan <sum>, %add3A_2267 masked %reduce_sum3A_2278 : vector<16xf32>, vector<16xi1> -> vector<16xf32>
      %reduce_sum3A_2280 = vector.extract %reduce_sum3A_2279[15] : f32 from vector<16xf32>
      %broadcast_in_dim3A_2281 = vector.broadcast %reduce_sum3A_2280 : f32 to vector<16xf32>
      %select_n3A_2282 = arith.select %eq3A_2276, %broadcast_in_dim3A_2281, %select_n3A_2228 : vector<16xi1>, vector<16xf32>
      %reduce_sum3A_2283 = arith.constant true
      %reduce_sum3A_2284 = vector.broadcast %reduce_sum3A_2283 : i1 to vector<16xi1>
      %reduce_sum3A_2285 = tpu.scan <sum>, %add3A_2270 masked %reduce_sum3A_2284 : vector<16xf32>, vector<16xi1> -> vector<16xf32>
      %reduce_sum3A_2286 = vector.extract %reduce_sum3A_2285[15] : f32 from vector<16xf32>
      %broadcast_in_dim3A_2287 = vector.broadcast %reduce_sum3A_2286 : f32 to vector<16xf32>
      %select_n3A_2288 = arith.select %eq3A_2276, %broadcast_in_dim3A_2287, %select_n3A_2234 : vector<16xi1>, vector<16xf32>
      %reduce_sum3A_2289 = arith.constant true
      %reduce_sum3A_2290 = vector.broadcast %reduce_sum3A_2289 : i1 to vector<16xi1>
      %reduce_sum3A_2291 = tpu.scan <sum>, %add3A_2273 masked %reduce_sum3A_2290 : vector<16xf32>, vector<16xi1> -> vector<16xf32>
      %reduce_sum3A_2292 = vector.extract %reduce_sum3A_2291[15] : f32 from vector<16xf32>
      %broadcast_in_dim3A_2293 = vector.broadcast %reduce_sum3A_2292 : f32 to vector<16xf32>
      %select_n3A_2294 = arith.select %eq3A_2276, %broadcast_in_dim3A_2293, %select_n3A_2240 : vector<16xi1>, vector<16xf32>
      %slice3A_2295 = vector.extract_strided_slice %and3A_2073 {offsets = [4], sizes = [1], strides = [1]} : vector<16xi32> to vector<1xi32>
      %squeeze3A_2296 = vector.extract %slice3A_2295[0] : i32 from vector<1xi32>
      %slice3A_2297 = vector.extract_strided_slice %and3A_2078 {offsets = [4], sizes = [1], strides = [1]} : vector<16xi32> to vector<1xi32>
      %squeeze3A_2298 = vector.extract %slice3A_2297[0] : i32 from vector<1xi32>
      %get3A_2299 = arith.constant 4 : i32
      %get3A_2300 = arith.index_cast %get3A_2299 : i32 to index
      %get3A_2301 = arith.index_cast %squeeze3A_2296 : i32 to index
      %get3A_2302 = arith.constant 0 : index
      %get3A_2303 = tpu.vector_load %arg11[%get3A_2300, %get3A_2301, %get3A_2302] {strides = array<i32>} : memref<16x8x32xf32, #tpu.memory_space<vmem>>, vector<16xf32>,
      %get3A_2304 = arith.constant 4 : i32
      %get3A_2305 = arith.index_cast %get3A_2304 : i32 to index
      %get3A_2306 = arith.index_cast %squeeze3A_2296 : i32 to index
      %get3A_2307 = arith.constant 16 : index
      %get3A_2308 = tpu.vector_load %arg11[%get3A_2305, %get3A_2306, %get3A_2307] {strides = array<i32>} : memref<16x8x32xf32, #tpu.memory_space<vmem>>, vector<16xf32>,
      %get3A_2309 = arith.constant 4 : i32
      %get3A_2310 = arith.index_cast %get3A_2309 : i32 to index
      %get3A_2311 = arith.index_cast %squeeze3A_2298 : i32 to index
      %get3A_2312 = arith.constant 0 : index
      %get3A_2313 = tpu.vector_load %arg12[%get3A_2310, %get3A_2311, %get3A_2312] {strides = array<i32>} : memref<16x8x32xf32, #tpu.memory_space<vmem>>, vector<16xf32>,
      %get3A_2314 = arith.constant 4 : i32
      %get3A_2315 = arith.index_cast %get3A_2314 : i32 to index
      %get3A_2316 = arith.index_cast %squeeze3A_2298 : i32 to index
      %get3A_2317 = arith.constant 16 : index
      %get3A_2318 = tpu.vector_load %arg12[%get3A_2315, %get3A_2316, %get3A_2317] {strides = array<i32>} : memref<16x8x32xf32, #tpu.memory_space<vmem>>, vector<16xf32>,
      %mul3A_2319 = arith.mulf %get3A_2303, %get3A_2303 : vector<16xf32>
      %mul3A_2320 = arith.mulf %get3A_2308, %get3A_2308 : vector<16xf32>
      %add3A_2321 = arith.addf %mul3A_2319, %mul3A_2320 : vector<16xf32>
      %mul3A_2322 = arith.mulf %get3A_2313, %get3A_2313 : vector<16xf32>
      %mul3A_2323 = arith.mulf %get3A_2318, %get3A_2318 : vector<16xf32>
      %add3A_2324 = arith.addf %mul3A_2322, %mul3A_2323 : vector<16xf32>
      %mul3A_2325 = arith.mulf %get3A_2303, %get3A_2313 : vector<16xf32>
      %mul3A_2326 = arith.mulf %get3A_2308, %get3A_2318 : vector<16xf32>
      %add3A_2327 = arith.addf %mul3A_2325, %mul3A_2326 : vector<16xf32>
      %eq3A_2328 = arith.constant 4 : i32
      %eq3A_2329 = vector.broadcast %eq3A_2328 : i32 to vector<16xi32>
      %eq3A_2330 = arith.cmpi eq, %iota3A, %eq3A_2329 : vector<16xi32>
      %reduce_sum3A_2331 = arith.constant true
      %reduce_sum3A_2332 = vector.broadcast %reduce_sum3A_2331 : i1 to vector<16xi1>
      %reduce_sum3A_2333 = tpu.scan <sum>, %add3A_2321 masked %reduce_sum3A_2332 : vector<16xf32>, vector<16xi1> -> vector<16xf32>
      %reduce_sum3A_2334 = vector.extract %reduce_sum3A_2333[15] : f32 from vector<16xf32>
      %broadcast_in_dim3A_2335 = vector.broadcast %reduce_sum3A_2334 : f32 to vector<16xf32>
      %select_n3A_2336 = arith.select %eq3A_2330, %broadcast_in_dim3A_2335, %select_n3A_2282 : vector<16xi1>, vector<16xf32>
      %reduce_sum3A_2337 = arith.constant true
      %reduce_sum3A_2338 = vector.broadcast %reduce_sum3A_2337 : i1 to vector<16xi1>
      %reduce_sum3A_2339 = tpu.scan <sum>, %add3A_2324 masked %reduce_sum3A_2338 : vector<16xf32>, vector<16xi1> -> vector<16xf32>
      %reduce_sum3A_2340 = vector.extract %reduce_sum3A_2339[15] : f32 from vector<16xf32>
      %broadcast_in_dim3A_2341 = vector.broadcast %reduce_sum3A_2340 : f32 to vector<16xf32>
      %select_n3A_2342 = arith.select %eq3A_2330, %broadcast_in_dim3A_2341, %select_n3A_2288 : vector<16xi1>, vector<16xf32>
      %reduce_sum3A_2343 = arith.constant true
      %reduce_sum3A_2344 = vector.broadcast %reduce_sum3A_2343 : i1 to vector<16xi1>
      %reduce_sum3A_2345 = tpu.scan <sum>, %add3A_2327 masked %reduce_sum3A_2344 : vector<16xf32>, vector<16xi1> -> vector<16xf32>
      %reduce_sum3A_2346 = vector.extract %reduce_sum3A_2345[15] : f32 from vector<16xf32>
      %broadcast_in_dim3A_2347 = vector.broadcast %reduce_sum3A_2346 : f32 to vector<16xf32>
      %select_n3A_2348 = arith.select %eq3A_2330, %broadcast_in_dim3A_2347, %select_n3A_2294 : vector<16xi1>, vector<16xf32>
      %slice3A_2349 = vector.extract_strided_slice %and3A_2073 {offsets = [5], sizes = [1], strides = [1]} : vector<16xi32> to vector<1xi32>
      %squeeze3A_2350 = vector.extract %slice3A_2349[0] : i32 from vector<1xi32>
      %slice3A_2351 = vector.extract_strided_slice %and3A_2078 {offsets = [5], sizes = [1], strides = [1]} : vector<16xi32> to vector<1xi32>
      %squeeze3A_2352 = vector.extract %slice3A_2351[0] : i32 from vector<1xi32>
      %get3A_2353 = arith.constant 5 : i32
      %get3A_2354 = arith.index_cast %get3A_2353 : i32 to index
      %get3A_2355 = arith.index_cast %squeeze3A_2350 : i32 to index
      %get3A_2356 = arith.constant 0 : index
      %get3A_2357 = tpu.vector_load %arg11[%get3A_2354, %get3A_2355, %get3A_2356] {strides = array<i32>} : memref<16x8x32xf32, #tpu.memory_space<vmem>>, vector<16xf32>,
      %get3A_2358 = arith.constant 5 : i32
      %get3A_2359 = arith.index_cast %get3A_2358 : i32 to index
      %get3A_2360 = arith.index_cast %squeeze3A_2350 : i32 to index
      %get3A_2361 = arith.constant 16 : index
      %get3A_2362 = tpu.vector_load %arg11[%get3A_2359, %get3A_2360, %get3A_2361] {strides = array<i32>} : memref<16x8x32xf32, #tpu.memory_space<vmem>>, vector<16xf32>,
      %get3A_2363 = arith.constant 5 : i32
      %get3A_2364 = arith.index_cast %get3A_2363 : i32 to index
      %get3A_2365 = arith.index_cast %squeeze3A_2352 : i32 to index
      %get3A_2366 = arith.constant 0 : index
      %get3A_2367 = tpu.vector_load %arg12[%get3A_2364, %get3A_2365, %get3A_2366] {strides = array<i32>} : memref<16x8x32xf32, #tpu.memory_space<vmem>>, vector<16xf32>,
      %get3A_2368 = arith.constant 5 : i32
      %get3A_2369 = arith.index_cast %get3A_2368 : i32 to index
      %get3A_2370 = arith.index_cast %squeeze3A_2352 : i32 to index
      %get3A_2371 = arith.constant 16 : index
      %get3A_2372 = tpu.vector_load %arg12[%get3A_2369, %get3A_2370, %get3A_2371] {strides = array<i32>} : memref<16x8x32xf32, #tpu.memory_space<vmem>>, vector<16xf32>,
      %mul3A_2373 = arith.mulf %get3A_2357, %get3A_2357 : vector<16xf32>
      %mul3A_2374 = arith.mulf %get3A_2362, %get3A_2362 : vector<16xf32>
      %add3A_2375 = arith.addf %mul3A_2373, %mul3A_2374 : vector<16xf32>
      %mul3A_2376 = arith.mulf %get3A_2367, %get3A_2367 : vector<16xf32>
      %mul3A_2377 = arith.mulf %get3A_2372, %get3A_2372 : vector<16xf32>
      %add3A_2378 = arith.addf %mul3A_2376, %mul3A_2377 : vector<16xf32>
      %mul3A_2379 = arith.mulf %get3A_2357, %get3A_2367 : vector<16xf32>
      %mul3A_2380 = arith.mulf %get3A_2362, %get3A_2372 : vector<16xf32>
      %add3A_2381 = arith.addf %mul3A_2379, %mul3A_2380 : vector<16xf32>
      %eq3A_2382 = arith.constant 5 : i32
      %eq3A_2383 = vector.broadcast %eq3A_2382 : i32 to vector<16xi32>
      %eq3A_2384 = arith.cmpi eq, %iota3A, %eq3A_2383 : vector<16xi32>
      %reduce_sum3A_2385 = arith.constant true
      %reduce_sum3A_2386 = vector.broadcast %reduce_sum3A_2385 : i1 to vector<16xi1>
      %reduce_sum3A_2387 = tpu.scan <sum>, %add3A_2375 masked %reduce_sum3A_2386 : vector<16xf32>, vector<16xi1> -> vector<16xf32>
      %reduce_sum3A_2388 = vector.extract %reduce_sum3A_2387[15] : f32 from vector<16xf32>
      %broadcast_in_dim3A_2389 = vector.broadcast %reduce_sum3A_2388 : f32 to vector<16xf32>
      %select_n3A_2390 = arith.select %eq3A_2384, %broadcast_in_dim3A_2389, %select_n3A_2336 : vector<16xi1>, vector<16xf32>
      %reduce_sum3A_2391 = arith.constant true
      %reduce_sum3A_2392 = vector.broadcast %reduce_sum3A_2391 : i1 to vector<16xi1>
      %reduce_sum3A_2393 = tpu.scan <sum>, %add3A_2378 masked %reduce_sum3A_2392 : vector<16xf32>, vector<16xi1> -> vector<16xf32>
      %reduce_sum3A_2394 = vector.extract %reduce_sum3A_2393[15] : f32 from vector<16xf32>
      %broadcast_in_dim3A_2395 = vector.broadcast %reduce_sum3A_2394 : f32 to vector<16xf32>
      %select_n3A_2396 = arith.select %eq3A_2384, %broadcast_in_dim3A_2395, %select_n3A_2342 : vector<16xi1>, vector<16xf32>
      %reduce_sum3A_2397 = arith.constant true
      %reduce_sum3A_2398 = vector.broadcast %reduce_sum3A_2397 : i1 to vector<16xi1>
      %reduce_sum3A_2399 = tpu.scan <sum>, %add3A_2381 masked %reduce_sum3A_2398 : vector<16xf32>, vector<16xi1> -> vector<16xf32>
      %reduce_sum3A_2400 = vector.extract %reduce_sum3A_2399[15] : f32 from vector<16xf32>
      %broadcast_in_dim3A_2401 = vector.broadcast %reduce_sum3A_2400 : f32 to vector<16xf32>
      %select_n3A_2402 = arith.select %eq3A_2384, %broadcast_in_dim3A_2401, %select_n3A_2348 : vector<16xi1>, vector<16xf32>
      %slice3A_2403 = vector.extract_strided_slice %and3A_2073 {offsets = [6], sizes = [1], strides = [1]} : vector<16xi32> to vector<1xi32>
      %squeeze3A_2404 = vector.extract %slice3A_2403[0] : i32 from vector<1xi32>
      %slice3A_2405 = vector.extract_strided_slice %and3A_2078 {offsets = [6], sizes = [1], strides = [1]} : vector<16xi32> to vector<1xi32>
      %squeeze3A_2406 = vector.extract %slice3A_2405[0] : i32 from vector<1xi32>
      %get3A_2407 = arith.constant 6 : i32
      %get3A_2408 = arith.index_cast %get3A_2407 : i32 to index
      %get3A_2409 = arith.index_cast %squeeze3A_2404 : i32 to index
      %get3A_2410 = arith.constant 0 : index
      %get3A_2411 = tpu.vector_load %arg11[%get3A_2408, %get3A_2409, %get3A_2410] {strides = array<i32>} : memref<16x8x32xf32, #tpu.memory_space<vmem>>, vector<16xf32>,
      %get3A_2412 = arith.constant 6 : i32
      %get3A_2413 = arith.index_cast %get3A_2412 : i32 to index
      %get3A_2414 = arith.index_cast %squeeze3A_2404 : i32 to index
      %get3A_2415 = arith.constant 16 : index
      %get3A_2416 = tpu.vector_load %arg11[%get3A_2413, %get3A_2414, %get3A_2415] {strides = array<i32>} : memref<16x8x32xf32, #tpu.memory_space<vmem>>, vector<16xf32>,
      %get3A_2417 = arith.constant 6 : i32
      %get3A_2418 = arith.index_cast %get3A_2417 : i32 to index
      %get3A_2419 = arith.index_cast %squeeze3A_2406 : i32 to index
      %get3A_2420 = arith.constant 0 : index
      %get3A_2421 = tpu.vector_load %arg12[%get3A_2418, %get3A_2419, %get3A_2420] {strides = array<i32>} : memref<16x8x32xf32, #tpu.memory_space<vmem>>, vector<16xf32>,
      %get3A_2422 = arith.constant 6 : i32
      %get3A_2423 = arith.index_cast %get3A_2422 : i32 to index
      %get3A_2424 = arith.index_cast %squeeze3A_2406 : i32 to index
      %get3A_2425 = arith.constant 16 : index
      %get3A_2426 = tpu.vector_load %arg12[%get3A_2423, %get3A_2424, %get3A_2425] {strides = array<i32>} : memref<16x8x32xf32, #tpu.memory_space<vmem>>, vector<16xf32>,
      %mul3A_2427 = arith.mulf %get3A_2411, %get3A_2411 : vector<16xf32>
      %mul3A_2428 = arith.mulf %get3A_2416, %get3A_2416 : vector<16xf32>
      %add3A_2429 = arith.addf %mul3A_2427, %mul3A_2428 : vector<16xf32>
      %mul3A_2430 = arith.mulf %get3A_2421, %get3A_2421 : vector<16xf32>
      %mul3A_2431 = arith.mulf %get3A_2426, %get3A_2426 : vector<16xf32>
      %add3A_2432 = arith.addf %mul3A_2430, %mul3A_2431 : vector<16xf32>
      %mul3A_2433 = arith.mulf %get3A_2411, %get3A_2421 : vector<16xf32>
      %mul3A_2434 = arith.mulf %get3A_2416, %get3A_2426 : vector<16xf32>
      %add3A_2435 = arith.addf %mul3A_2433, %mul3A_2434 : vector<16xf32>
      %eq3A_2436 = arith.constant 6 : i32
      %eq3A_2437 = vector.broadcast %eq3A_2436 : i32 to vector<16xi32>
      %eq3A_2438 = arith.cmpi eq, %iota3A, %eq3A_2437 : vector<16xi32>
      %reduce_sum3A_2439 = arith.constant true
      %reduce_sum3A_2440 = vector.broadcast %reduce_sum3A_2439 : i1 to vector<16xi1>
      %reduce_sum3A_2441 = tpu.scan <sum>, %add3A_2429 masked %reduce_sum3A_2440 : vector<16xf32>, vector<16xi1> -> vector<16xf32>
      %reduce_sum3A_2442 = vector.extract %reduce_sum3A_2441[15] : f32 from vector<16xf32>
      %broadcast_in_dim3A_2443 = vector.broadcast %reduce_sum3A_2442 : f32 to vector<16xf32>
      %select_n3A_2444 = arith.select %eq3A_2438, %broadcast_in_dim3A_2443, %select_n3A_2390 : vector<16xi1>, vector<16xf32>
      %reduce_sum3A_2445 = arith.constant true
      %reduce_sum3A_2446 = vector.broadcast %reduce_sum3A_2445 : i1 to vector<16xi1>
      %reduce_sum3A_2447 = tpu.scan <sum>, %add3A_2432 masked %reduce_sum3A_2446 : vector<16xf32>, vector<16xi1> -> vector<16xf32>
      %reduce_sum3A_2448 = vector.extract %reduce_sum3A_2447[15] : f32 from vector<16xf32>
      %broadcast_in_dim3A_2449 = vector.broadcast %reduce_sum3A_2448 : f32 to vector<16xf32>
      %select_n3A_2450 = arith.select %eq3A_2438, %broadcast_in_dim3A_2449, %select_n3A_2396 : vector<16xi1>, vector<16xf32>
      %reduce_sum3A_2451 = arith.constant true
      %reduce_sum3A_2452 = vector.broadcast %reduce_sum3A_2451 : i1 to vector<16xi1>
      %reduce_sum3A_2453 = tpu.scan <sum>, %add3A_2435 masked %reduce_sum3A_2452 : vector<16xf32>, vector<16xi1> -> vector<16xf32>
      %reduce_sum3A_2454 = vector.extract %reduce_sum3A_2453[15] : f32 from vector<16xf32>
      %broadcast_in_dim3A_2455 = vector.broadcast %reduce_sum3A_2454 : f32 to vector<16xf32>
      %select_n3A_2456 = arith.select %eq3A_2438, %broadcast_in_dim3A_2455, %select_n3A_2402 : vector<16xi1>, vector<16xf32>
      %slice3A_2457 = vector.extract_strided_slice %and3A_2073 {offsets = [7], sizes = [1], strides = [1]} : vector<16xi32> to vector<1xi32>
      %squeeze3A_2458 = vector.extract %slice3A_2457[0] : i32 from vector<1xi32>
      %slice3A_2459 = vector.extract_strided_slice %and3A_2078 {offsets = [7], sizes = [1], strides = [1]} : vector<16xi32> to vector<1xi32>
      %squeeze3A_2460 = vector.extract %slice3A_2459[0] : i32 from vector<1xi32>
      %get3A_2461 = arith.constant 7 : i32
      %get3A_2462 = arith.index_cast %get3A_2461 : i32 to index
      %get3A_2463 = arith.index_cast %squeeze3A_2458 : i32 to index
      %get3A_2464 = arith.constant 0 : index
      %get3A_2465 = tpu.vector_load %arg11[%get3A_2462, %get3A_2463, %get3A_2464] {strides = array<i32>} : memref<16x8x32xf32, #tpu.memory_space<vmem>>, vector<16xf32>,
      %get3A_2466 = arith.constant 7 : i32
      %get3A_2467 = arith.index_cast %get3A_2466 : i32 to index
      %get3A_2468 = arith.index_cast %squeeze3A_2458 : i32 to index
      %get3A_2469 = arith.constant 16 : index
      %get3A_2470 = tpu.vector_load %arg11[%get3A_2467, %get3A_2468, %get3A_2469] {strides = array<i32>} : memref<16x8x32xf32, #tpu.memory_space<vmem>>, vector<16xf32>,
      %get3A_2471 = arith.constant 7 : i32
      %get3A_2472 = arith.index_cast %get3A_2471 : i32 to index
      %get3A_2473 = arith.index_cast %squeeze3A_2460 : i32 to index
      %get3A_2474 = arith.constant 0 : index
      %get3A_2475 = tpu.vector_load %arg12[%get3A_2472, %get3A_2473, %get3A_2474] {strides = array<i32>} : memref<16x8x32xf32, #tpu.memory_space<vmem>>, vector<16xf32>,
      %get3A_2476 = arith.constant 7 : i32
      %get3A_2477 = arith.index_cast %get3A_2476 : i32 to index
      %get3A_2478 = arith.index_cast %squeeze3A_2460 : i32 to index
      %get3A_2479 = arith.constant 16 : index
      %get3A_2480 = tpu.vector_load %arg12[%get3A_2477, %get3A_2478, %get3A_2479] {strides = array<i32>} : memref<16x8x32xf32, #tpu.memory_space<vmem>>, vector<16xf32>,
      %mul3A_2481 = arith.mulf %get3A_2465, %get3A_2465 : vector<16xf32>
      %mul3A_2482 = arith.mulf %get3A_2470, %get3A_2470 : vector<16xf32>
      %add3A_2483 = arith.addf %mul3A_2481, %mul3A_2482 : vector<16xf32>
      %mul3A_2484 = arith.mulf %get3A_2475, %get3A_2475 : vector<16xf32>
      %mul3A_2485 = arith.mulf %get3A_2480, %get3A_2480 : vector<16xf32>
      %add3A_2486 = arith.addf %mul3A_2484, %mul3A_2485 : vector<16xf32>
      %mul3A_2487 = arith.mulf %get3A_2465, %get3A_2475 : vector<16xf32>
      %mul3A_2488 = arith.mulf %get3A_2470, %get3A_2480 : vector<16xf32>
      %add3A_2489 = arith.addf %mul3A_2487, %mul3A_2488 : vector<16xf32>
      %eq3A_2490 = arith.constant 7 : i32
      %eq3A_2491 = vector.broadcast %eq3A_2490 : i32 to vector<16xi32>
      %eq3A_2492 = arith.cmpi eq, %iota3A, %eq3A_2491 : vector<16xi32>
      %reduce_sum3A_2493 = arith.constant true
      %reduce_sum3A_2494 = vector.broadcast %reduce_sum3A_2493 : i1 to vector<16xi1>
      %reduce_sum3A_2495 = tpu.scan <sum>, %add3A_2483 masked %reduce_sum3A_2494 : vector<16xf32>, vector<16xi1> -> vector<16xf32>
      %reduce_sum3A_2496 = vector.extract %reduce_sum3A_2495[15] : f32 from vector<16xf32>
      %broadcast_in_dim3A_2497 = vector.broadcast %reduce_sum3A_2496 : f32 to vector<16xf32>
      %select_n3A_2498 = arith.select %eq3A_2492, %broadcast_in_dim3A_2497, %select_n3A_2444 : vector<16xi1>, vector<16xf32>
      %reduce_sum3A_2499 = arith.constant true
      %reduce_sum3A_2500 = vector.broadcast %reduce_sum3A_2499 : i1 to vector<16xi1>
      %reduce_sum3A_2501 = tpu.scan <sum>, %add3A_2486 masked %reduce_sum3A_2500 : vector<16xf32>, vector<16xi1> -> vector<16xf32>
      %reduce_sum3A_2502 = vector.extract %reduce_sum3A_2501[15] : f32 from vector<16xf32>
      %broadcast_in_dim3A_2503 = vector.broadcast %reduce_sum3A_2502 : f32 to vector<16xf32>
      %select_n3A_2504 = arith.select %eq3A_2492, %broadcast_in_dim3A_2503, %select_n3A_2450 : vector<16xi1>, vector<16xf32>
      %reduce_sum3A_2505 = arith.constant true
      %reduce_sum3A_2506 = vector.broadcast %reduce_sum3A_2505 : i1 to vector<16xi1>
      %reduce_sum3A_2507 = tpu.scan <sum>, %add3A_2489 masked %reduce_sum3A_2506 : vector<16xf32>, vector<16xi1> -> vector<16xf32>
      %reduce_sum3A_2508 = vector.extract %reduce_sum3A_2507[15] : f32 from vector<16xf32>
      %broadcast_in_dim3A_2509 = vector.broadcast %reduce_sum3A_2508 : f32 to vector<16xf32>
      %select_n3A_2510 = arith.select %eq3A_2492, %broadcast_in_dim3A_2509, %select_n3A_2456 : vector<16xi1>, vector<16xf32>
      %slice3A_2511 = vector.extract_strided_slice %and3A_2073 {offsets = [8], sizes = [1], strides = [1]} : vector<16xi32> to vector<1xi32>
      %squeeze3A_2512 = vector.extract %slice3A_2511[0] : i32 from vector<1xi32>
      %slice3A_2513 = vector.extract_strided_slice %and3A_2078 {offsets = [8], sizes = [1], strides = [1]} : vector<16xi32> to vector<1xi32>
      %squeeze3A_2514 = vector.extract %slice3A_2513[0] : i32 from vector<1xi32>
      %get3A_2515 = arith.constant 8 : i32
      %get3A_2516 = arith.index_cast %get3A_2515 : i32 to index
      %get3A_2517 = arith.index_cast %squeeze3A_2512 : i32 to index
      %get3A_2518 = arith.constant 0 : index
      %get3A_2519 = tpu.vector_load %arg11[%get3A_2516, %get3A_2517, %get3A_2518] {strides = array<i32>} : memref<16x8x32xf32, #tpu.memory_space<vmem>>, vector<16xf32>,
      %get3A_2520 = arith.constant 8 : i32
      %get3A_2521 = arith.index_cast %get3A_2520 : i32 to index
      %get3A_2522 = arith.index_cast %squeeze3A_2512 : i32 to index
      %get3A_2523 = arith.constant 16 : index
      %get3A_2524 = tpu.vector_load %arg11[%get3A_2521, %get3A_2522, %get3A_2523] {strides = array<i32>} : memref<16x8x32xf32, #tpu.memory_space<vmem>>, vector<16xf32>,
      %get3A_2525 = arith.constant 8 : i32
      %get3A_2526 = arith.index_cast %get3A_2525 : i32 to index
      %get3A_2527 = arith.index_cast %squeeze3A_2514 : i32 to index
      %get3A_2528 = arith.constant 0 : index
      %get3A_2529 = tpu.vector_load %arg12[%get3A_2526, %get3A_2527, %get3A_2528] {strides = array<i32>} : memref<16x8x32xf32, #tpu.memory_space<vmem>>, vector<16xf32>,
      %get3A_2530 = arith.constant 8 : i32
      %get3A_2531 = arith.index_cast %get3A_2530 : i32 to index
      %get3A_2532 = arith.index_cast %squeeze3A_2514 : i32 to index
      %get3A_2533 = arith.constant 16 : index
      %get3A_2534 = tpu.vector_load %arg12[%get3A_2531, %get3A_2532, %get3A_2533] {strides = array<i32>} : memref<16x8x32xf32, #tpu.memory_space<vmem>>, vector<16xf32>,
      %mul3A_2535 = arith.mulf %get3A_2519, %get3A_2519 : vector<16xf32>
      %mul3A_2536 = arith.mulf %get3A_2524, %get3A_2524 : vector<16xf32>
      %add3A_2537 = arith.addf %mul3A_2535, %mul3A_2536 : vector<16xf32>
      %mul3A_2538 = arith.mulf %get3A_2529, %get3A_2529 : vector<16xf32>
      %mul3A_2539 = arith.mulf %get3A_2534, %get3A_2534 : vector<16xf32>
      %add3A_2540 = arith.addf %mul3A_2538, %mul3A_2539 : vector<16xf32>
      %mul3A_2541 = arith.mulf %get3A_2519, %get3A_2529 : vector<16xf32>
      %mul3A_2542 = arith.mulf %get3A_2524, %get3A_2534 : vector<16xf32>
      %add3A_2543 = arith.addf %mul3A_2541, %mul3A_2542 : vector<16xf32>
      %eq3A_2544 = arith.constant 8 : i32
      %eq3A_2545 = vector.broadcast %eq3A_2544 : i32 to vector<16xi32>
      %eq3A_2546 = arith.cmpi eq, %iota3A, %eq3A_2545 : vector<16xi32>
      %reduce_sum3A_2547 = arith.constant true
      %reduce_sum3A_2548 = vector.broadcast %reduce_sum3A_2547 : i1 to vector<16xi1>
      %reduce_sum3A_2549 = tpu.scan <sum>, %add3A_2537 masked %reduce_sum3A_2548 : vector<16xf32>, vector<16xi1> -> vector<16xf32>
      %reduce_sum3A_2550 = vector.extract %reduce_sum3A_2549[15] : f32 from vector<16xf32>
      %broadcast_in_dim3A_2551 = vector.broadcast %reduce_sum3A_2550 : f32 to vector<16xf32>
      %select_n3A_2552 = arith.select %eq3A_2546, %broadcast_in_dim3A_2551, %select_n3A_2498 : vector<16xi1>, vector<16xf32>
      %reduce_sum3A_2553 = arith.constant true
      %reduce_sum3A_2554 = vector.broadcast %reduce_sum3A_2553 : i1 to vector<16xi1>
      %reduce_sum3A_2555 = tpu.scan <sum>, %add3A_2540 masked %reduce_sum3A_2554 : vector<16xf32>, vector<16xi1> -> vector<16xf32>
      %reduce_sum3A_2556 = vector.extract %reduce_sum3A_2555[15] : f32 from vector<16xf32>
      %broadcast_in_dim3A_2557 = vector.broadcast %reduce_sum3A_2556 : f32 to vector<16xf32>
      %select_n3A_2558 = arith.select %eq3A_2546, %broadcast_in_dim3A_2557, %select_n3A_2504 : vector<16xi1>, vector<16xf32>
      %reduce_sum3A_2559 = arith.constant true
      %reduce_sum3A_2560 = vector.broadcast %reduce_sum3A_2559 : i1 to vector<16xi1>
      %reduce_sum3A_2561 = tpu.scan <sum>, %add3A_2543 masked %reduce_sum3A_2560 : vector<16xf32>, vector<16xi1> -> vector<16xf32>
      %reduce_sum3A_2562 = vector.extract %reduce_sum3A_2561[15] : f32 from vector<16xf32>
      %broadcast_in_dim3A_2563 = vector.broadcast %reduce_sum3A_2562 : f32 to vector<16xf32>
      %select_n3A_2564 = arith.select %eq3A_2546, %broadcast_in_dim3A_2563, %select_n3A_2510 : vector<16xi1>, vector<16xf32>
      %slice3A_2565 = vector.extract_strided_slice %and3A_2073 {offsets = [9], sizes = [1], strides = [1]} : vector<16xi32> to vector<1xi32>
      %squeeze3A_2566 = vector.extract %slice3A_2565[0] : i32 from vector<1xi32>
      %slice3A_2567 = vector.extract_strided_slice %and3A_2078 {offsets = [9], sizes = [1], strides = [1]} : vector<16xi32> to vector<1xi32>
      %squeeze3A_2568 = vector.extract %slice3A_2567[0] : i32 from vector<1xi32>
      %get3A_2569 = arith.constant 9 : i32
      %get3A_2570 = arith.index_cast %get3A_2569 : i32 to index
      %get3A_2571 = arith.index_cast %squeeze3A_2566 : i32 to index
      %get3A_2572 = arith.constant 0 : index
      %get3A_2573 = tpu.vector_load %arg11[%get3A_2570, %get3A_2571, %get3A_2572] {strides = array<i32>} : memref<16x8x32xf32, #tpu.memory_space<vmem>>, vector<16xf32>,
      %get3A_2574 = arith.constant 9 : i32
      %get3A_2575 = arith.index_cast %get3A_2574 : i32 to index
      %get3A_2576 = arith.index_cast %squeeze3A_2566 : i32 to index
      %get3A_2577 = arith.constant 16 : index
      %get3A_2578 = tpu.vector_load %arg11[%get3A_2575, %get3A_2576, %get3A_2577] {strides = array<i32>} : memref<16x8x32xf32, #tpu.memory_space<vmem>>, vector<16xf32>,
      %get3A_2579 = arith.constant 9 : i32
      %get3A_2580 = arith.index_cast %get3A_2579 : i32 to index
      %get3A_2581 = arith.index_cast %squeeze3A_2568 : i32 to index
      %get3A_2582 = arith.constant 0 : index
      %get3A_2583 = tpu.vector_load %arg12[%get3A_2580, %get3A_2581, %get3A_2582] {strides = array<i32>} : memref<16x8x32xf32, #tpu.memory_space<vmem>>, vector<16xf32>,
      %get3A_2584 = arith.constant 9 : i32
      %get3A_2585 = arith.index_cast %get3A_2584 : i32 to index
      %get3A_2586 = arith.index_cast %squeeze3A_2568 : i32 to index
      %get3A_2587 = arith.constant 16 : index
      %get3A_2588 = tpu.vector_load %arg12[%get3A_2585, %get3A_2586, %get3A_2587] {strides = array<i32>} : memref<16x8x32xf32, #tpu.memory_space<vmem>>, vector<16xf32>,
      %mul3A_2589 = arith.mulf %get3A_2573, %get3A_2573 : vector<16xf32>
      %mul3A_2590 = arith.mulf %get3A_2578, %get3A_2578 : vector<16xf32>
      %add3A_2591 = arith.addf %mul3A_2589, %mul3A_2590 : vector<16xf32>
      %mul3A_2592 = arith.mulf %get3A_2583, %get3A_2583 : vector<16xf32>
      %mul3A_2593 = arith.mulf %get3A_2588, %get3A_2588 : vector<16xf32>
      %add3A_2594 = arith.addf %mul3A_2592, %mul3A_2593 : vector<16xf32>
      %mul3A_2595 = arith.mulf %get3A_2573, %get3A_2583 : vector<16xf32>
      %mul3A_2596 = arith.mulf %get3A_2578, %get3A_2588 : vector<16xf32>
      %add3A_2597 = arith.addf %mul3A_2595, %mul3A_2596 : vector<16xf32>
      %eq3A_2598 = arith.constant 9 : i32
      %eq3A_2599 = vector.broadcast %eq3A_2598 : i32 to vector<16xi32>
      %eq3A_2600 = arith.cmpi eq, %iota3A, %eq3A_2599 : vector<16xi32>
      %reduce_sum3A_2601 = arith.constant true
      %reduce_sum3A_2602 = vector.broadcast %reduce_sum3A_2601 : i1 to vector<16xi1>
      %reduce_sum3A_2603 = tpu.scan <sum>, %add3A_2591 masked %reduce_sum3A_2602 : vector<16xf32>, vector<16xi1> -> vector<16xf32>
      %reduce_sum3A_2604 = vector.extract %reduce_sum3A_2603[15] : f32 from vector<16xf32>
      %broadcast_in_dim3A_2605 = vector.broadcast %reduce_sum3A_2604 : f32 to vector<16xf32>
      %select_n3A_2606 = arith.select %eq3A_2600, %broadcast_in_dim3A_2605, %select_n3A_2552 : vector<16xi1>, vector<16xf32>
      %reduce_sum3A_2607 = arith.constant true
      %reduce_sum3A_2608 = vector.broadcast %reduce_sum3A_2607 : i1 to vector<16xi1>
      %reduce_sum3A_2609 = tpu.scan <sum>, %add3A_2594 masked %reduce_sum3A_2608 : vector<16xf32>, vector<16xi1> -> vector<16xf32>
      %reduce_sum3A_2610 = vector.extract %reduce_sum3A_2609[15] : f32 from vector<16xf32>
      %broadcast_in_dim3A_2611 = vector.broadcast %reduce_sum3A_2610 : f32 to vector<16xf32>
      %select_n3A_2612 = arith.select %eq3A_2600, %broadcast_in_dim3A_2611, %select_n3A_2558 : vector<16xi1>, vector<16xf32>
      %reduce_sum3A_2613 = arith.constant true
      %reduce_sum3A_2614 = vector.broadcast %reduce_sum3A_2613 : i1 to vector<16xi1>
      %reduce_sum3A_2615 = tpu.scan <sum>, %add3A_2597 masked %reduce_sum3A_2614 : vector<16xf32>, vector<16xi1> -> vector<16xf32>
      %reduce_sum3A_2616 = vector.extract %reduce_sum3A_2615[15] : f32 from vector<16xf32>
      %broadcast_in_dim3A_2617 = vector.broadcast %reduce_sum3A_2616 : f32 to vector<16xf32>
      %select_n3A_2618 = arith.select %eq3A_2600, %broadcast_in_dim3A_2617, %select_n3A_2564 : vector<16xi1>, vector<16xf32>
      %slice3A_2619 = vector.extract_strided_slice %and3A_2073 {offsets = [10], sizes = [1], strides = [1]} : vector<16xi32> to vector<1xi32>
      %squeeze3A_2620 = vector.extract %slice3A_2619[0] : i32 from vector<1xi32>
      %slice3A_2621 = vector.extract_strided_slice %and3A_2078 {offsets = [10], sizes = [1], strides = [1]} : vector<16xi32> to vector<1xi32>
      %squeeze3A_2622 = vector.extract %slice3A_2621[0] : i32 from vector<1xi32>
      %get3A_2623 = arith.constant 10 : i32
      %get3A_2624 = arith.index_cast %get3A_2623 : i32 to index
      %get3A_2625 = arith.index_cast %squeeze3A_2620 : i32 to index
      %get3A_2626 = arith.constant 0 : index
      %get3A_2627 = tpu.vector_load %arg11[%get3A_2624, %get3A_2625, %get3A_2626] {strides = array<i32>} : memref<16x8x32xf32, #tpu.memory_space<vmem>>, vector<16xf32>,
      %get3A_2628 = arith.constant 10 : i32
      %get3A_2629 = arith.index_cast %get3A_2628 : i32 to index
      %get3A_2630 = arith.index_cast %squeeze3A_2620 : i32 to index
      %get3A_2631 = arith.constant 16 : index
      %get3A_2632 = tpu.vector_load %arg11[%get3A_2629, %get3A_2630, %get3A_2631] {strides = array<i32>} : memref<16x8x32xf32, #tpu.memory_space<vmem>>, vector<16xf32>,
      %get3A_2633 = arith.constant 10 : i32
      %get3A_2634 = arith.index_cast %get3A_2633 : i32 to index
      %get3A_2635 = arith.index_cast %squeeze3A_2622 : i32 to index
      %get3A_2636 = arith.constant 0 : index
      %get3A_2637 = tpu.vector_load %arg12[%get3A_2634, %get3A_2635, %get3A_2636] {strides = array<i32>} : memref<16x8x32xf32, #tpu.memory_space<vmem>>, vector<16xf32>,
      %get3A_2638 = arith.constant 10 : i32
      %get3A_2639 = arith.index_cast %get3A_2638 : i32 to index
      %get3A_2640 = arith.index_cast %squeeze3A_2622 : i32 to index
      %get3A_2641 = arith.constant 16 : index
      %get3A_2642 = tpu.vector_load %arg12[%get3A_2639, %get3A_2640, %get3A_2641] {strides = array<i32>} : memref<16x8x32xf32, #tpu.memory_space<vmem>>, vector<16xf32>,
      %mul3A_2643 = arith.mulf %get3A_2627, %get3A_2627 : vector<16xf32>
      %mul3A_2644 = arith.mulf %get3A_2632, %get3A_2632 : vector<16xf32>
      %add3A_2645 = arith.addf %mul3A_2643, %mul3A_2644 : vector<16xf32>
      %mul3A_2646 = arith.mulf %get3A_2637, %get3A_2637 : vector<16xf32>
      %mul3A_2647 = arith.mulf %get3A_2642, %get3A_2642 : vector<16xf32>
      %add3A_2648 = arith.addf %mul3A_2646, %mul3A_2647 : vector<16xf32>
      %mul3A_2649 = arith.mulf %get3A_2627, %get3A_2637 : vector<16xf32>
      %mul3A_2650 = arith.mulf %get3A_2632, %get3A_2642 : vector<16xf32>
      %add3A_2651 = arith.addf %mul3A_2649, %mul3A_2650 : vector<16xf32>
      %eq3A_2652 = arith.constant 10 : i32
      %eq3A_2653 = vector.broadcast %eq3A_2652 : i32 to vector<16xi32>
      %eq3A_2654 = arith.cmpi eq, %iota3A, %eq3A_2653 : vector<16xi32>
      %reduce_sum3A_2655 = arith.constant true
      %reduce_sum3A_2656 = vector.broadcast %reduce_sum3A_2655 : i1 to vector<16xi1>
      %reduce_sum3A_2657 = tpu.scan <sum>, %add3A_2645 masked %reduce_sum3A_2656 : vector<16xf32>, vector<16xi1> -> vector<16xf32>
      %reduce_sum3A_2658 = vector.extract %reduce_sum3A_2657[15] : f32 from vector<16xf32>
      %broadcast_in_dim3A_2659 = vector.broadcast %reduce_sum3A_2658 : f32 to vector<16xf32>
      %select_n3A_2660 = arith.select %eq3A_2654, %broadcast_in_dim3A_2659, %select_n3A_2606 : vector<16xi1>, vector<16xf32>
      %reduce_sum3A_2661 = arith.constant true
      %reduce_sum3A_2662 = vector.broadcast %reduce_sum3A_2661 : i1 to vector<16xi1>
      %reduce_sum3A_2663 = tpu.scan <sum>, %add3A_2648 masked %reduce_sum3A_2662 : vector<16xf32>, vector<16xi1> -> vector<16xf32>
      %reduce_sum3A_2664 = vector.extract %reduce_sum3A_2663[15] : f32 from vector<16xf32>
      %broadcast_in_dim3A_2665 = vector.broadcast %reduce_sum3A_2664 : f32 to vector<16xf32>
      %select_n3A_2666 = arith.select %eq3A_2654, %broadcast_in_dim3A_2665, %select_n3A_2612 : vector<16xi1>, vector<16xf32>
      %reduce_sum3A_2667 = arith.constant true
      %reduce_sum3A_2668 = vector.broadcast %reduce_sum3A_2667 : i1 to vector<16xi1>
      %reduce_sum3A_2669 = tpu.scan <sum>, %add3A_2651 masked %reduce_sum3A_2668 : vector<16xf32>, vector<16xi1> -> vector<16xf32>
      %reduce_sum3A_2670 = vector.extract %reduce_sum3A_2669[15] : f32 from vector<16xf32>
      %broadcast_in_dim3A_2671 = vector.broadcast %reduce_sum3A_2670 : f32 to vector<16xf32>
      %select_n3A_2672 = arith.select %eq3A_2654, %broadcast_in_dim3A_2671, %select_n3A_2618 : vector<16xi1>, vector<16xf32>
      %slice3A_2673 = vector.extract_strided_slice %and3A_2073 {offsets = [11], sizes = [1], strides = [1]} : vector<16xi32> to vector<1xi32>
      %squeeze3A_2674 = vector.extract %slice3A_2673[0] : i32 from vector<1xi32>
      %slice3A_2675 = vector.extract_strided_slice %and3A_2078 {offsets = [11], sizes = [1], strides = [1]} : vector<16xi32> to vector<1xi32>
      %squeeze3A_2676 = vector.extract %slice3A_2675[0] : i32 from vector<1xi32>
      %get3A_2677 = arith.constant 11 : i32
      %get3A_2678 = arith.index_cast %get3A_2677 : i32 to index
      %get3A_2679 = arith.index_cast %squeeze3A_2674 : i32 to index
      %get3A_2680 = arith.constant 0 : index
      %get3A_2681 = tpu.vector_load %arg11[%get3A_2678, %get3A_2679, %get3A_2680] {strides = array<i32>} : memref<16x8x32xf32, #tpu.memory_space<vmem>>, vector<16xf32>,
      %get3A_2682 = arith.constant 11 : i32
      %get3A_2683 = arith.index_cast %get3A_2682 : i32 to index
      %get3A_2684 = arith.index_cast %squeeze3A_2674 : i32 to index
      %get3A_2685 = arith.constant 16 : index
      %get3A_2686 = tpu.vector_load %arg11[%get3A_2683, %get3A_2684, %get3A_2685] {strides = array<i32>} : memref<16x8x32xf32, #tpu.memory_space<vmem>>, vector<16xf32>,
      %get3A_2687 = arith.constant 11 : i32
      %get3A_2688 = arith.index_cast %get3A_2687 : i32 to index
      %get3A_2689 = arith.index_cast %squeeze3A_2676 : i32 to index
      %get3A_2690 = arith.constant 0 : index
      %get3A_2691 = tpu.vector_load %arg12[%get3A_2688, %get3A_2689, %get3A_2690] {strides = array<i32>} : memref<16x8x32xf32, #tpu.memory_space<vmem>>, vector<16xf32>,
      %get3A_2692 = arith.constant 11 : i32
      %get3A_2693 = arith.index_cast %get3A_2692 : i32 to index
      %get3A_2694 = arith.index_cast %squeeze3A_2676 : i32 to index
      %get3A_2695 = arith.constant 16 : index
      %get3A_2696 = tpu.vector_load %arg12[%get3A_2693, %get3A_2694, %get3A_2695] {strides = array<i32>} : memref<16x8x32xf32, #tpu.memory_space<vmem>>, vector<16xf32>,
      %mul3A_2697 = arith.mulf %get3A_2681, %get3A_2681 : vector<16xf32>
      %mul3A_2698 = arith.mulf %get3A_2686, %get3A_2686 : vector<16xf32>
      %add3A_2699 = arith.addf %mul3A_2697, %mul3A_2698 : vector<16xf32>
      %mul3A_2700 = arith.mulf %get3A_2691, %get3A_2691 : vector<16xf32>
      %mul3A_2701 = arith.mulf %get3A_2696, %get3A_2696 : vector<16xf32>
      %add3A_2702 = arith.addf %mul3A_2700, %mul3A_2701 : vector<16xf32>
      %mul3A_2703 = arith.mulf %get3A_2681, %get3A_2691 : vector<16xf32>
      %mul3A_2704 = arith.mulf %get3A_2686, %get3A_2696 : vector<16xf32>
      %add3A_2705 = arith.addf %mul3A_2703, %mul3A_2704 : vector<16xf32>
      %eq3A_2706 = arith.constant 11 : i32
      %eq3A_2707 = vector.broadcast %eq3A_2706 : i32 to vector<16xi32>
      %eq3A_2708 = arith.cmpi eq, %iota3A, %eq3A_2707 : vector<16xi32>
      %reduce_sum3A_2709 = arith.constant true
      %reduce_sum3A_2710 = vector.broadcast %reduce_sum3A_2709 : i1 to vector<16xi1>
      %reduce_sum3A_2711 = tpu.scan <sum>, %add3A_2699 masked %reduce_sum3A_2710 : vector<16xf32>, vector<16xi1> -> vector<16xf32>
      %reduce_sum3A_2712 = vector.extract %reduce_sum3A_2711[15] : f32 from vector<16xf32>
      %broadcast_in_dim3A_2713 = vector.broadcast %reduce_sum3A_2712 : f32 to vector<16xf32>
      %select_n3A_2714 = arith.select %eq3A_2708, %broadcast_in_dim3A_2713, %select_n3A_2660 : vector<16xi1>, vector<16xf32>
      %reduce_sum3A_2715 = arith.constant true
      %reduce_sum3A_2716 = vector.broadcast %reduce_sum3A_2715 : i1 to vector<16xi1>
      %reduce_sum3A_2717 = tpu.scan <sum>, %add3A_2702 masked %reduce_sum3A_2716 : vector<16xf32>, vector<16xi1> -> vector<16xf32>
      %reduce_sum3A_2718 = vector.extract %reduce_sum3A_2717[15] : f32 from vector<16xf32>
      %broadcast_in_dim3A_2719 = vector.broadcast %reduce_sum3A_2718 : f32 to vector<16xf32>
      %select_n3A_2720 = arith.select %eq3A_2708, %broadcast_in_dim3A_2719, %select_n3A_2666 : vector<16xi1>, vector<16xf32>
      %reduce_sum3A_2721 = arith.constant true
      %reduce_sum3A_2722 = vector.broadcast %reduce_sum3A_2721 : i1 to vector<16xi1>
      %reduce_sum3A_2723 = tpu.scan <sum>, %add3A_2705 masked %reduce_sum3A_2722 : vector<16xf32>, vector<16xi1> -> vector<16xf32>
      %reduce_sum3A_2724 = vector.extract %reduce_sum3A_2723[15] : f32 from vector<16xf32>
      %broadcast_in_dim3A_2725 = vector.broadcast %reduce_sum3A_2724 : f32 to vector<16xf32>
      %select_n3A_2726 = arith.select %eq3A_2708, %broadcast_in_dim3A_2725, %select_n3A_2672 : vector<16xi1>, vector<16xf32>
      %slice3A_2727 = vector.extract_strided_slice %and3A_2073 {offsets = [12], sizes = [1], strides = [1]} : vector<16xi32> to vector<1xi32>
      %squeeze3A_2728 = vector.extract %slice3A_2727[0] : i32 from vector<1xi32>
      %slice3A_2729 = vector.extract_strided_slice %and3A_2078 {offsets = [12], sizes = [1], strides = [1]} : vector<16xi32> to vector<1xi32>
      %squeeze3A_2730 = vector.extract %slice3A_2729[0] : i32 from vector<1xi32>
      %get3A_2731 = arith.constant 12 : i32
      %get3A_2732 = arith.index_cast %get3A_2731 : i32 to index
      %get3A_2733 = arith.index_cast %squeeze3A_2728 : i32 to index
      %get3A_2734 = arith.constant 0 : index
      %get3A_2735 = tpu.vector_load %arg11[%get3A_2732, %get3A_2733, %get3A_2734] {strides = array<i32>} : memref<16x8x32xf32, #tpu.memory_space<vmem>>, vector<16xf32>,
      %get3A_2736 = arith.constant 12 : i32
      %get3A_2737 = arith.index_cast %get3A_2736 : i32 to index
      %get3A_2738 = arith.index_cast %squeeze3A_2728 : i32 to index
      %get3A_2739 = arith.constant 16 : index
      %get3A_2740 = tpu.vector_load %arg11[%get3A_2737, %get3A_2738, %get3A_2739] {strides = array<i32>} : memref<16x8x32xf32, #tpu.memory_space<vmem>>, vector<16xf32>,
      %get3A_2741 = arith.constant 12 : i32
      %get3A_2742 = arith.index_cast %get3A_2741 : i32 to index
      %get3A_2743 = arith.index_cast %squeeze3A_2730 : i32 to index
      %get3A_2744 = arith.constant 0 : index
      %get3A_2745 = tpu.vector_load %arg12[%get3A_2742, %get3A_2743, %get3A_2744] {strides = array<i32>} : memref<16x8x32xf32, #tpu.memory_space<vmem>>, vector<16xf32>,
      %get3A_2746 = arith.constant 12 : i32
      %get3A_2747 = arith.index_cast %get3A_2746 : i32 to index
      %get3A_2748 = arith.index_cast %squeeze3A_2730 : i32 to index
      %get3A_2749 = arith.constant 16 : index
      %get3A_2750 = tpu.vector_load %arg12[%get3A_2747, %get3A_2748, %get3A_2749] {strides = array<i32>} : memref<16x8x32xf32, #tpu.memory_space<vmem>>, vector<16xf32>,
      %mul3A_2751 = arith.mulf %get3A_2735, %get3A_2735 : vector<16xf32>
      %mul3A_2752 = arith.mulf %get3A_2740, %get3A_2740 : vector<16xf32>
      %add3A_2753 = arith.addf %mul3A_2751, %mul3A_2752 : vector<16xf32>
      %mul3A_2754 = arith.mulf %get3A_2745, %get3A_2745 : vector<16xf32>
      %mul3A_2755 = arith.mulf %get3A_2750, %get3A_2750 : vector<16xf32>
      %add3A_2756 = arith.addf %mul3A_2754, %mul3A_2755 : vector<16xf32>
      %mul3A_2757 = arith.mulf %get3A_2735, %get3A_2745 : vector<16xf32>
      %mul3A_2758 = arith.mulf %get3A_2740, %get3A_2750 : vector<16xf32>
      %add3A_2759 = arith.addf %mul3A_2757, %mul3A_2758 : vector<16xf32>
      %eq3A_2760 = arith.constant 12 : i32
      %eq3A_2761 = vector.broadcast %eq3A_2760 : i32 to vector<16xi32>
      %eq3A_2762 = arith.cmpi eq, %iota3A, %eq3A_2761 : vector<16xi32>
      %reduce_sum3A_2763 = arith.constant true
      %reduce_sum3A_2764 = vector.broadcast %reduce_sum3A_2763 : i1 to vector<16xi1>
      %reduce_sum3A_2765 = tpu.scan <sum>, %add3A_2753 masked %reduce_sum3A_2764 : vector<16xf32>, vector<16xi1> -> vector<16xf32>
      %reduce_sum3A_2766 = vector.extract %reduce_sum3A_2765[15] : f32 from vector<16xf32>
      %broadcast_in_dim3A_2767 = vector.broadcast %reduce_sum3A_2766 : f32 to vector<16xf32>
      %select_n3A_2768 = arith.select %eq3A_2762, %broadcast_in_dim3A_2767, %select_n3A_2714 : vector<16xi1>, vector<16xf32>
      %reduce_sum3A_2769 = arith.constant true
      %reduce_sum3A_2770 = vector.broadcast %reduce_sum3A_2769 : i1 to vector<16xi1>
      %reduce_sum3A_2771 = tpu.scan <sum>, %add3A_2756 masked %reduce_sum3A_2770 : vector<16xf32>, vector<16xi1> -> vector<16xf32>
      %reduce_sum3A_2772 = vector.extract %reduce_sum3A_2771[15] : f32 from vector<16xf32>
      %broadcast_in_dim3A_2773 = vector.broadcast %reduce_sum3A_2772 : f32 to vector<16xf32>
      %select_n3A_2774 = arith.select %eq3A_2762, %broadcast_in_dim3A_2773, %select_n3A_2720 : vector<16xi1>, vector<16xf32>
      %reduce_sum3A_2775 = arith.constant true
      %reduce_sum3A_2776 = vector.broadcast %reduce_sum3A_2775 : i1 to vector<16xi1>
      %reduce_sum3A_2777 = tpu.scan <sum>, %add3A_2759 masked %reduce_sum3A_2776 : vector<16xf32>, vector<16xi1> -> vector<16xf32>
      %reduce_sum3A_2778 = vector.extract %reduce_sum3A_2777[15] : f32 from vector<16xf32>
      %broadcast_in_dim3A_2779 = vector.broadcast %reduce_sum3A_2778 : f32 to vector<16xf32>
      %select_n3A_2780 = arith.select %eq3A_2762, %broadcast_in_dim3A_2779, %select_n3A_2726 : vector<16xi1>, vector<16xf32>
      %slice3A_2781 = vector.extract_strided_slice %and3A_2073 {offsets = [13], sizes = [1], strides = [1]} : vector<16xi32> to vector<1xi32>
      %squeeze3A_2782 = vector.extract %slice3A_2781[0] : i32 from vector<1xi32>
      %slice3A_2783 = vector.extract_strided_slice %and3A_2078 {offsets = [13], sizes = [1], strides = [1]} : vector<16xi32> to vector<1xi32>
      %squeeze3A_2784 = vector.extract %slice3A_2783[0] : i32 from vector<1xi32>
      %get3A_2785 = arith.constant 13 : i32
      %get3A_2786 = arith.index_cast %get3A_2785 : i32 to index
      %get3A_2787 = arith.index_cast %squeeze3A_2782 : i32 to index
      %get3A_2788 = arith.constant 0 : index
      %get3A_2789 = tpu.vector_load %arg11[%get3A_2786, %get3A_2787, %get3A_2788] {strides = array<i32>} : memref<16x8x32xf32, #tpu.memory_space<vmem>>, vector<16xf32>,
      %get3A_2790 = arith.constant 13 : i32
      %get3A_2791 = arith.index_cast %get3A_2790 : i32 to index
      %get3A_2792 = arith.index_cast %squeeze3A_2782 : i32 to index
      %get3A_2793 = arith.constant 16 : index
      %get3A_2794 = tpu.vector_load %arg11[%get3A_2791, %get3A_2792, %get3A_2793] {strides = array<i32>} : memref<16x8x32xf32, #tpu.memory_space<vmem>>, vector<16xf32>,
      %get3A_2795 = arith.constant 13 : i32
      %get3A_2796 = arith.index_cast %get3A_2795 : i32 to index
      %get3A_2797 = arith.index_cast %squeeze3A_2784 : i32 to index
      %get3A_2798 = arith.constant 0 : index
      %get3A_2799 = tpu.vector_load %arg12[%get3A_2796, %get3A_2797, %get3A_2798] {strides = array<i32>} : memref<16x8x32xf32, #tpu.memory_space<vmem>>, vector<16xf32>,
      %get3A_2800 = arith.constant 13 : i32
      %get3A_2801 = arith.index_cast %get3A_2800 : i32 to index
      %get3A_2802 = arith.index_cast %squeeze3A_2784 : i32 to index
      %get3A_2803 = arith.constant 16 : index
      %get3A_2804 = tpu.vector_load %arg12[%get3A_2801, %get3A_2802, %get3A_2803] {strides = array<i32>} : memref<16x8x32xf32, #tpu.memory_space<vmem>>, vector<16xf32>,
      %mul3A_2805 = arith.mulf %get3A_2789, %get3A_2789 : vector<16xf32>
      %mul3A_2806 = arith.mulf %get3A_2794, %get3A_2794 : vector<16xf32>
      %add3A_2807 = arith.addf %mul3A_2805, %mul3A_2806 : vector<16xf32>
      %mul3A_2808 = arith.mulf %get3A_2799, %get3A_2799 : vector<16xf32>
      %mul3A_2809 = arith.mulf %get3A_2804, %get3A_2804 : vector<16xf32>
      %add3A_2810 = arith.addf %mul3A_2808, %mul3A_2809 : vector<16xf32>
      %mul3A_2811 = arith.mulf %get3A_2789, %get3A_2799 : vector<16xf32>
      %mul3A_2812 = arith.mulf %get3A_2794, %get3A_2804 : vector<16xf32>
      %add3A_2813 = arith.addf %mul3A_2811, %mul3A_2812 : vector<16xf32>
      %eq3A_2814 = arith.constant 13 : i32
      %eq3A_2815 = vector.broadcast %eq3A_2814 : i32 to vector<16xi32>
      %eq3A_2816 = arith.cmpi eq, %iota3A, %eq3A_2815 : vector<16xi32>
      %reduce_sum3A_2817 = arith.constant true
      %reduce_sum3A_2818 = vector.broadcast %reduce_sum3A_2817 : i1 to vector<16xi1>
      %reduce_sum3A_2819 = tpu.scan <sum>, %add3A_2807 masked %reduce_sum3A_2818 : vector<16xf32>, vector<16xi1> -> vector<16xf32>
      %reduce_sum3A_2820 = vector.extract %reduce_sum3A_2819[15] : f32 from vector<16xf32>
      %broadcast_in_dim3A_2821 = vector.broadcast %reduce_sum3A_2820 : f32 to vector<16xf32>
      %select_n3A_2822 = arith.select %eq3A_2816, %broadcast_in_dim3A_2821, %select_n3A_2768 : vector<16xi1>, vector<16xf32>
      %reduce_sum3A_2823 = arith.constant true
      %reduce_sum3A_2824 = vector.broadcast %reduce_sum3A_2823 : i1 to vector<16xi1>
      %reduce_sum3A_2825 = tpu.scan <sum>, %add3A_2810 masked %reduce_sum3A_2824 : vector<16xf32>, vector<16xi1> -> vector<16xf32>
      %reduce_sum3A_2826 = vector.extract %reduce_sum3A_2825[15] : f32 from vector<16xf32>
      %broadcast_in_dim3A_2827 = vector.broadcast %reduce_sum3A_2826 : f32 to vector<16xf32>
      %select_n3A_2828 = arith.select %eq3A_2816, %broadcast_in_dim3A_2827, %select_n3A_2774 : vector<16xi1>, vector<16xf32>
      %reduce_sum3A_2829 = arith.constant true
      %reduce_sum3A_2830 = vector.broadcast %reduce_sum3A_2829 : i1 to vector<16xi1>
      %reduce_sum3A_2831 = tpu.scan <sum>, %add3A_2813 masked %reduce_sum3A_2830 : vector<16xf32>, vector<16xi1> -> vector<16xf32>
      %reduce_sum3A_2832 = vector.extract %reduce_sum3A_2831[15] : f32 from vector<16xf32>
      %broadcast_in_dim3A_2833 = vector.broadcast %reduce_sum3A_2832 : f32 to vector<16xf32>
      %select_n3A_2834 = arith.select %eq3A_2816, %broadcast_in_dim3A_2833, %select_n3A_2780 : vector<16xi1>, vector<16xf32>
      %slice3A_2835 = vector.extract_strided_slice %and3A_2073 {offsets = [14], sizes = [1], strides = [1]} : vector<16xi32> to vector<1xi32>
      %squeeze3A_2836 = vector.extract %slice3A_2835[0] : i32 from vector<1xi32>
      %slice3A_2837 = vector.extract_strided_slice %and3A_2078 {offsets = [14], sizes = [1], strides = [1]} : vector<16xi32> to vector<1xi32>
      %squeeze3A_2838 = vector.extract %slice3A_2837[0] : i32 from vector<1xi32>
      %get3A_2839 = arith.constant 14 : i32
      %get3A_2840 = arith.index_cast %get3A_2839 : i32 to index
      %get3A_2841 = arith.index_cast %squeeze3A_2836 : i32 to index
      %get3A_2842 = arith.constant 0 : index
      %get3A_2843 = tpu.vector_load %arg11[%get3A_2840, %get3A_2841, %get3A_2842] {strides = array<i32>} : memref<16x8x32xf32, #tpu.memory_space<vmem>>, vector<16xf32>,
      %get3A_2844 = arith.constant 14 : i32
      %get3A_2845 = arith.index_cast %get3A_2844 : i32 to index
      %get3A_2846 = arith.index_cast %squeeze3A_2836 : i32 to index
      %get3A_2847 = arith.constant 16 : index
      %get3A_2848 = tpu.vector_load %arg11[%get3A_2845, %get3A_2846, %get3A_2847] {strides = array<i32>} : memref<16x8x32xf32, #tpu.memory_space<vmem>>, vector<16xf32>,
      %get3A_2849 = arith.constant 14 : i32
      %get3A_2850 = arith.index_cast %get3A_2849 : i32 to index
      %get3A_2851 = arith.index_cast %squeeze3A_2838 : i32 to index
      %get3A_2852 = arith.constant 0 : index
      %get3A_2853 = tpu.vector_load %arg12[%get3A_2850, %get3A_2851, %get3A_2852] {strides = array<i32>} : memref<16x8x32xf32, #tpu.memory_space<vmem>>, vector<16xf32>,
      %get3A_2854 = arith.constant 14 : i32
      %get3A_2855 = arith.index_cast %get3A_2854 : i32 to index
      %get3A_2856 = arith.index_cast %squeeze3A_2838 : i32 to index
      %get3A_2857 = arith.constant 16 : index
      %get3A_2858 = tpu.vector_load %arg12[%get3A_2855, %get3A_2856, %get3A_2857] {strides = array<i32>} : memref<16x8x32xf32, #tpu.memory_space<vmem>>, vector<16xf32>,
      %mul3A_2859 = arith.mulf %get3A_2843, %get3A_2843 : vector<16xf32>
      %mul3A_2860 = arith.mulf %get3A_2848, %get3A_2848 : vector<16xf32>
      %add3A_2861 = arith.addf %mul3A_2859, %mul3A_2860 : vector<16xf32>
      %mul3A_2862 = arith.mulf %get3A_2853, %get3A_2853 : vector<16xf32>
      %mul3A_2863 = arith.mulf %get3A_2858, %get3A_2858 : vector<16xf32>
      %add3A_2864 = arith.addf %mul3A_2862, %mul3A_2863 : vector<16xf32>
      %mul3A_2865 = arith.mulf %get3A_2843, %get3A_2853 : vector<16xf32>
      %mul3A_2866 = arith.mulf %get3A_2848, %get3A_2858 : vector<16xf32>
      %add3A_2867 = arith.addf %mul3A_2865, %mul3A_2866 : vector<16xf32>
      %eq3A_2868 = arith.constant 14 : i32
      %eq3A_2869 = vector.broadcast %eq3A_2868 : i32 to vector<16xi32>
      %eq3A_2870 = arith.cmpi eq, %iota3A, %eq3A_2869 : vector<16xi32>
      %reduce_sum3A_2871 = arith.constant true
      %reduce_sum3A_2872 = vector.broadcast %reduce_sum3A_2871 : i1 to vector<16xi1>
      %reduce_sum3A_2873 = tpu.scan <sum>, %add3A_2861 masked %reduce_sum3A_2872 : vector<16xf32>, vector<16xi1> -> vector<16xf32>
      %reduce_sum3A_2874 = vector.extract %reduce_sum3A_2873[15] : f32 from vector<16xf32>
      %broadcast_in_dim3A_2875 = vector.broadcast %reduce_sum3A_2874 : f32 to vector<16xf32>
      %select_n3A_2876 = arith.select %eq3A_2870, %broadcast_in_dim3A_2875, %select_n3A_2822 : vector<16xi1>, vector<16xf32>
      %reduce_sum3A_2877 = arith.constant true
      %reduce_sum3A_2878 = vector.broadcast %reduce_sum3A_2877 : i1 to vector<16xi1>
      %reduce_sum3A_2879 = tpu.scan <sum>, %add3A_2864 masked %reduce_sum3A_2878 : vector<16xf32>, vector<16xi1> -> vector<16xf32>
      %reduce_sum3A_2880 = vector.extract %reduce_sum3A_2879[15] : f32 from vector<16xf32>
      %broadcast_in_dim3A_2881 = vector.broadcast %reduce_sum3A_2880 : f32 to vector<16xf32>
      %select_n3A_2882 = arith.select %eq3A_2870, %broadcast_in_dim3A_2881, %select_n3A_2828 : vector<16xi1>, vector<16xf32>
      %reduce_sum3A_2883 = arith.constant true
      %reduce_sum3A_2884 = vector.broadcast %reduce_sum3A_2883 : i1 to vector<16xi1>
      %reduce_sum3A_2885 = tpu.scan <sum>, %add3A_2867 masked %reduce_sum3A_2884 : vector<16xf32>, vector<16xi1> -> vector<16xf32>
      %reduce_sum3A_2886 = vector.extract %reduce_sum3A_2885[15] : f32 from vector<16xf32>
      %broadcast_in_dim3A_2887 = vector.broadcast %reduce_sum3A_2886 : f32 to vector<16xf32>
      %select_n3A_2888 = arith.select %eq3A_2870, %broadcast_in_dim3A_2887, %select_n3A_2834 : vector<16xi1>, vector<16xf32>
      %slice3A_2889 = vector.extract_strided_slice %and3A_2073 {offsets = [15], sizes = [1], strides = [1]} : vector<16xi32> to vector<1xi32>
      %squeeze3A_2890 = vector.extract %slice3A_2889[0] : i32 from vector<1xi32>
      %slice3A_2891 = vector.extract_strided_slice %and3A_2078 {offsets = [15], sizes = [1], strides = [1]} : vector<16xi32> to vector<1xi32>
      %squeeze3A_2892 = vector.extract %slice3A_2891[0] : i32 from vector<1xi32>
      %get3A_2893 = arith.constant 15 : i32
      %get3A_2894 = arith.index_cast %get3A_2893 : i32 to index
      %get3A_2895 = arith.index_cast %squeeze3A_2890 : i32 to index
      %get3A_2896 = arith.constant 0 : index
      %get3A_2897 = tpu.vector_load %arg11[%get3A_2894, %get3A_2895, %get3A_2896] {strides = array<i32>} : memref<16x8x32xf32, #tpu.memory_space<vmem>>, vector<16xf32>,
      %get3A_2898 = arith.constant 15 : i32
      %get3A_2899 = arith.index_cast %get3A_2898 : i32 to index
      %get3A_2900 = arith.index_cast %squeeze3A_2890 : i32 to index
      %get3A_2901 = arith.constant 16 : index
      %get3A_2902 = tpu.vector_load %arg11[%get3A_2899, %get3A_2900, %get3A_2901] {strides = array<i32>} : memref<16x8x32xf32, #tpu.memory_space<vmem>>, vector<16xf32>,
      %get3A_2903 = arith.constant 15 : i32
      %get3A_2904 = arith.index_cast %get3A_2903 : i32 to index
      %get3A_2905 = arith.index_cast %squeeze3A_2892 : i32 to index
      %get3A_2906 = arith.constant 0 : index
      %get3A_2907 = tpu.vector_load %arg12[%get3A_2904, %get3A_2905, %get3A_2906] {strides = array<i32>} : memref<16x8x32xf32, #tpu.memory_space<vmem>>, vector<16xf32>,
      %get3A_2908 = arith.constant 15 : i32
      %get3A_2909 = arith.index_cast %get3A_2908 : i32 to index
      %get3A_2910 = arith.index_cast %squeeze3A_2892 : i32 to index
      %get3A_2911 = arith.constant 16 : index
      %get3A_2912 = tpu.vector_load %arg12[%get3A_2909, %get3A_2910, %get3A_2911] {strides = array<i32>} : memref<16x8x32xf32, #tpu.memory_space<vmem>>, vector<16xf32>,
      %mul3A_2913 = arith.mulf %get3A_2897, %get3A_2897 : vector<16xf32>
      %mul3A_2914 = arith.mulf %get3A_2902, %get3A_2902 : vector<16xf32>
      %add3A_2915 = arith.addf %mul3A_2913, %mul3A_2914 : vector<16xf32>
      %mul3A_2916 = arith.mulf %get3A_2907, %get3A_2907 : vector<16xf32>
      %mul3A_2917 = arith.mulf %get3A_2912, %get3A_2912 : vector<16xf32>
      %add3A_2918 = arith.addf %mul3A_2916, %mul3A_2917 : vector<16xf32>
      %mul3A_2919 = arith.mulf %get3A_2897, %get3A_2907 : vector<16xf32>
      %mul3A_2920 = arith.mulf %get3A_2902, %get3A_2912 : vector<16xf32>
      %add3A_2921 = arith.addf %mul3A_2919, %mul3A_2920 : vector<16xf32>
      %eq3A_2922 = arith.constant 15 : i32
      %eq3A_2923 = vector.broadcast %eq3A_2922 : i32 to vector<16xi32>
      %eq3A_2924 = arith.cmpi eq, %iota3A, %eq3A_2923 : vector<16xi32>
      %reduce_sum3A_2925 = arith.constant true
      %reduce_sum3A_2926 = vector.broadcast %reduce_sum3A_2925 : i1 to vector<16xi1>
      %reduce_sum3A_2927 = tpu.scan <sum>, %add3A_2915 masked %reduce_sum3A_2926 : vector<16xf32>, vector<16xi1> -> vector<16xf32>
      %reduce_sum3A_2928 = vector.extract %reduce_sum3A_2927[15] : f32 from vector<16xf32>
      %broadcast_in_dim3A_2929 = vector.broadcast %reduce_sum3A_2928 : f32 to vector<16xf32>
      %select_n3A_2930 = arith.select %eq3A_2924, %broadcast_in_dim3A_2929, %select_n3A_2876 : vector<16xi1>, vector<16xf32>
      %reduce_sum3A_2931 = arith.constant true
      %reduce_sum3A_2932 = vector.broadcast %reduce_sum3A_2931 : i1 to vector<16xi1>
      %reduce_sum3A_2933 = tpu.scan <sum>, %add3A_2918 masked %reduce_sum3A_2932 : vector<16xf32>, vector<16xi1> -> vector<16xf32>
      %reduce_sum3A_2934 = vector.extract %reduce_sum3A_2933[15] : f32 from vector<16xf32>
      %broadcast_in_dim3A_2935 = vector.broadcast %reduce_sum3A_2934 : f32 to vector<16xf32>
      %select_n3A_2936 = arith.select %eq3A_2924, %broadcast_in_dim3A_2935, %select_n3A_2882 : vector<16xi1>, vector<16xf32>
      %reduce_sum3A_2937 = arith.constant true
      %reduce_sum3A_2938 = vector.broadcast %reduce_sum3A_2937 : i1 to vector<16xi1>
      %reduce_sum3A_2939 = tpu.scan <sum>, %add3A_2921 masked %reduce_sum3A_2938 : vector<16xf32>, vector<16xi1> -> vector<16xf32>
      %reduce_sum3A_2940 = vector.extract %reduce_sum3A_2939[15] : f32 from vector<16xf32>
      %broadcast_in_dim3A_2941 = vector.broadcast %reduce_sum3A_2940 : f32 to vector<16xf32>
      %select_n3A_2942 = arith.select %eq3A_2924, %broadcast_in_dim3A_2941, %select_n3A_2888 : vector<16xi1>, vector<16xf32>
      %bitcast3A_2943 = vector.bitcast %select_n3A_2930 : vector<16xf32> to vector<16xi32>
      %shift_right_logical3A_2944 = arith.constant 1 : i32
      %shift_right_logical3A_2945 = vector.broadcast %shift_right_logical3A_2944 : i32 to vector<16xi32>
      %shift_right_logical3A_2946 = arith.shrui %bitcast3A_2943, %shift_right_logical3A_2945 : vector<16xi32>
      %sub3A_2947 = arith.constant 1597463007 : i32
      %sub3A_2948 = vector.broadcast %sub3A_2947 : i32 to vector<16xi32>
      %sub3A_2949 = arith.subi %sub3A_2948, %shift_right_logical3A_2946 : vector<16xi32>
      %bitcast3A_2950 = vector.bitcast %sub3A_2949 : vector<16xi32> to vector<16xf32>
      %mul3A_2951 = arith.constant 5.000000e-01 : f32
      %mul3A_2952 = vector.broadcast %mul3A_2951 : f32 to vector<16xf32>
      %mul3A_2953 = arith.mulf %mul3A_2952, %select_n3A_2930 : vector<16xf32>
      %mul3A_2954 = arith.mulf %mul3A_2953, %bitcast3A_2950 : vector<16xf32>
      %mul3A_2955 = arith.mulf %mul3A_2954, %bitcast3A_2950 : vector<16xf32>
      %sub3A_2956 = arith.constant 1.500000e+00 : f32
      %sub3A_2957 = vector.broadcast %sub3A_2956 : f32 to vector<16xf32>
      %sub3A_2958 = arith.subf %sub3A_2957, %mul3A_2955 : vector<16xf32>
      %mul3A_2959 = arith.mulf %bitcast3A_2950, %sub3A_2958 : vector<16xf32>
      %mul3A_2960 = arith.constant 5.000000e-01 : f32
      %mul3A_2961 = vector.broadcast %mul3A_2960 : f32 to vector<16xf32>
      %mul3A_2962 = arith.mulf %mul3A_2961, %select_n3A_2930 : vector<16xf32>
      %mul3A_2963 = arith.mulf %mul3A_2962, %mul3A_2959 : vector<16xf32>
      %mul3A_2964 = arith.mulf %mul3A_2963, %mul3A_2959 : vector<16xf32>
      %sub3A_2965 = arith.constant 1.500000e+00 : f32
      %sub3A_2966 = vector.broadcast %sub3A_2965 : f32 to vector<16xf32>
      %sub3A_2967 = arith.subf %sub3A_2966, %mul3A_2964 : vector<16xf32>
      %mul3A_2968 = arith.mulf %mul3A_2959, %sub3A_2967 : vector<16xf32>
      %mul3A_2969 = arith.constant 5.000000e-01 : f32
      %mul3A_2970 = vector.broadcast %mul3A_2969 : f32 to vector<16xf32>
      %mul3A_2971 = arith.mulf %mul3A_2970, %select_n3A_2930 : vector<16xf32>
      %mul3A_2972 = arith.mulf %mul3A_2971, %mul3A_2968 : vector<16xf32>
      %mul3A_2973 = arith.mulf %mul3A_2972, %mul3A_2968 : vector<16xf32>
      %sub3A_2974 = arith.constant 1.500000e+00 : f32
      %sub3A_2975 = vector.broadcast %sub3A_2974 : f32 to vector<16xf32>
      %sub3A_2976 = arith.subf %sub3A_2975, %mul3A_2973 : vector<16xf32>
      %mul3A_2977 = arith.mulf %mul3A_2968, %sub3A_2976 : vector<16xf32>
      %mul3A_2978 = arith.mulf %select_n3A_2930, %mul3A_2977 : vector<16xf32>
      %add3A_2979 = arith.constant 1.000000e-07 : f32
      %add3A_2980 = vector.broadcast %add3A_2979 : f32 to vector<16xf32>
      %add3A_2981 = arith.addf %mul3A_2978, %add3A_2980 : vector<16xf32>
      %div3A_2982 = arith.constant 1.000000e+00 : f32
      %div3A_2983 = vector.broadcast %div3A_2982 : f32 to vector<16xf32>
      %div3A_2984 = arith.divf %div3A_2983, %add3A_2981 : vector<16xf32>
      %gt3A_2985 = arith.constant 1.000000e+00 : f32
      %gt3A_2986 = vector.broadcast %gt3A_2985 : f32 to vector<16xf32>
      %gt3A_2987 = arith.cmpf ogt, %mul3A_2978, %gt3A_2986 : vector<16xf32>
      %broadcast_in_dim3A_2988 = arith.constant 1.000000e+00 : f32
      %broadcast_in_dim3A_2989 = vector.broadcast %broadcast_in_dim3A_2988 : f32 to vector<16xf32>
      %select_n3A_2990 = arith.select %gt3A_2987, %div3A_2984, %broadcast_in_dim3A_2989 : vector<16xi1>, vector<16xf32>
      %bitcast3A_2991 = vector.bitcast %select_n3A_2936 : vector<16xf32> to vector<16xi32>
      %shift_right_logical3A_2992 = arith.constant 1 : i32
      %shift_right_logical3A_2993 = vector.broadcast %shift_right_logical3A_2992 : i32 to vector<16xi32>
      %shift_right_logical3A_2994 = arith.shrui %bitcast3A_2991, %shift_right_logical3A_2993 : vector<16xi32>
      %sub3A_2995 = arith.constant 1597463007 : i32
      %sub3A_2996 = vector.broadcast %sub3A_2995 : i32 to vector<16xi32>
      %sub3A_2997 = arith.subi %sub3A_2996, %shift_right_logical3A_2994 : vector<16xi32>
      %bitcast3A_2998 = vector.bitcast %sub3A_2997 : vector<16xi32> to vector<16xf32>
      %mul3A_2999 = arith.constant 5.000000e-01 : f32
      %mul3A_3000 = vector.broadcast %mul3A_2999 : f32 to vector<16xf32>
      %mul3A_3001 = arith.mulf %mul3A_3000, %select_n3A_2936 : vector<16xf32>
      %mul3A_3002 = arith.mulf %mul3A_3001, %bitcast3A_2998 : vector<16xf32>
      %mul3A_3003 = arith.mulf %mul3A_3002, %bitcast3A_2998 : vector<16xf32>
      %sub3A_3004 = arith.constant 1.500000e+00 : f32
      %sub3A_3005 = vector.broadcast %sub3A_3004 : f32 to vector<16xf32>
      %sub3A_3006 = arith.subf %sub3A_3005, %mul3A_3003 : vector<16xf32>
      %mul3A_3007 = arith.mulf %bitcast3A_2998, %sub3A_3006 : vector<16xf32>
      %mul3A_3008 = arith.constant 5.000000e-01 : f32
      %mul3A_3009 = vector.broadcast %mul3A_3008 : f32 to vector<16xf32>
      %mul3A_3010 = arith.mulf %mul3A_3009, %select_n3A_2936 : vector<16xf32>
      %mul3A_3011 = arith.mulf %mul3A_3010, %mul3A_3007 : vector<16xf32>
      %mul3A_3012 = arith.mulf %mul3A_3011, %mul3A_3007 : vector<16xf32>
      %sub3A_3013 = arith.constant 1.500000e+00 : f32
      %sub3A_3014 = vector.broadcast %sub3A_3013 : f32 to vector<16xf32>
      %sub3A_3015 = arith.subf %sub3A_3014, %mul3A_3012 : vector<16xf32>
      %mul3A_3016 = arith.mulf %mul3A_3007, %sub3A_3015 : vector<16xf32>
      %mul3A_3017 = arith.constant 5.000000e-01 : f32
      %mul3A_3018 = vector.broadcast %mul3A_3017 : f32 to vector<16xf32>
      %mul3A_3019 = arith.mulf %mul3A_3018, %select_n3A_2936 : vector<16xf32>
      %mul3A_3020 = arith.mulf %mul3A_3019, %mul3A_3016 : vector<16xf32>
      %mul3A_3021 = arith.mulf %mul3A_3020, %mul3A_3016 : vector<16xf32>
      %sub3A_3022 = arith.constant 1.500000e+00 : f32
      %sub3A_3023 = vector.broadcast %sub3A_3022 : f32 to vector<16xf32>
      %sub3A_3024 = arith.subf %sub3A_3023, %mul3A_3021 : vector<16xf32>
      %mul3A_3025 = arith.mulf %mul3A_3016, %sub3A_3024 : vector<16xf32>
      %mul3A_3026 = arith.mulf %select_n3A_2936, %mul3A_3025 : vector<16xf32>
      %add3A_3027 = arith.constant 1.000000e-07 : f32
      %add3A_3028 = vector.broadcast %add3A_3027 : f32 to vector<16xf32>
      %add3A_3029 = arith.addf %mul3A_3026, %add3A_3028 : vector<16xf32>
      %div3A_3030 = arith.constant 1.000000e+00 : f32
      %div3A_3031 = vector.broadcast %div3A_3030 : f32 to vector<16xf32>
      %div3A_3032 = arith.divf %div3A_3031, %add3A_3029 : vector<16xf32>
      %gt3A_3033 = arith.constant 1.000000e+00 : f32
      %gt3A_3034 = vector.broadcast %gt3A_3033 : f32 to vector<16xf32>
      %gt3A_3035 = arith.cmpf ogt, %mul3A_3026, %gt3A_3034 : vector<16xf32>
      %broadcast_in_dim3A_3036 = arith.constant 1.000000e+00 : f32
      %broadcast_in_dim3A_3037 = vector.broadcast %broadcast_in_dim3A_3036 : f32 to vector<16xf32>
      %select_n3A_3038 = arith.select %gt3A_3035, %div3A_3032, %broadcast_in_dim3A_3037 : vector<16xi1>, vector<16xf32>
      %mul3A_3039 = arith.mulf %select_n3A_2990, %select_n3A_3038 : vector<16xf32>
      %mul3A_3040 = arith.mulf %select_n3A_2942, %mul3A_3039 : vector<16xf32>
      %swap3A_3041 = arith.index_cast %mul3A_2062 : i32 to index
      %swap3A_3042 = tpu.vector_load %arg13[%swap3A_3041] {strides = array<i32>} : memref<512xf32, #tpu.memory_space<vmem>>, vector<16xf32>,
      tpu.vector_store %arg13[%swap3A_3041], %mul3A_3040 {strides = array<i32>} : memref<512xf32, #tpu.memory_space<vmem>>, vector<16xf32>,
    }
    %scan3A_524 = arith.constant 16 : i32
    "tpu.region"() ({
      %run_scoped3A = tpu.sem_alloc : memref<!tpu.dma_semaphore, #tpu.memory_space<semaphore_mem>>
      %dma_start3A_525 = tpu.memref_slice %arg6[%mul3A_2] : memref<16384xf32, #tpu.memory_space<hbm>> -> memref<512xf32, #tpu.memory_space<hbm>>
      %dma_start3A_526 = tpu.memref_slice %arg6[%mul3A_2] : memref<16384xf32, #tpu.memory_space<hbm>> -> memref<512xf32, #tpu.memory_space<hbm>>
      tpu.enqueue_dma source(%arg13 : memref<512xf32, #tpu.memory_space<vmem>>) target(%dma_start3A_526 : memref<512xf32, #tpu.memory_space<hbm>>) target_semaphore(%run_scoped3A : memref<!tpu.dma_semaphore, #tpu.memory_space<semaphore_mem>>)
      %dma_wait3A = tpu.memref_slice %arg6[%mul3A_2] : memref<16384xf32, #tpu.memory_space<hbm>> -> memref<512xf32, #tpu.memory_space<hbm>>
      %dma_wait3A_527 = tpu.memref_slice %arg6[%mul3A_2] : memref<16384xf32, #tpu.memory_space<hbm>> -> memref<512xf32, #tpu.memory_space<hbm>>
      tpu.wait_dma2 semaphore(%run_scoped3A : memref<!tpu.dma_semaphore, #tpu.memory_space<semaphore_mem>>) src(%arg13 : memref<512xf32, #tpu.memory_space<vmem>>) dst(%dma_wait3A_527 : memref<512xf32, #tpu.memory_space<hbm>>)
      tpu.yield
    }) : () -> ()
    return
  }
}

</mosaic_0001>

<sc_bundles>
// kernel: kernel.3.cloned.1.call-start
scs
__scs_entry_jumppad:
0x0: {  	(pc) =	sbr.rel $0x88, $3  }
0x1: {  	(tag) =	ssettag $0x0;
	lr =	simm.s32 $0x1  }
0x2: {  	[smem:$0x3F9D] =	sst lr;
	_ =	strace $0xD0000000  }
0x3: {  	_ = 	snop  }
0x4: {  	_ = 	snop  }
0x5: {  	_ = 	snop  }
0x6: {  	_ = 	snop  }
0x7: {  	_ = 	snop  }
__scs_overlays_trampoline_lowered:
0x8: {  	[smem:$0x3FAC] =	sst s0  }
0x9: {  	[smem:$0x3FAD] =	sst s1  }
0xa: {  	[smem:$0x3FAE] =	sst s2  }
0xb: {  	[smem:$0x3FAF] =	sst s3  }
0xc: {  	[smem:$0x3FB0] =	sst s4  }
0xd: {  	[smem:$0x3FB1] =	sst s5  }
0xe: {  	[smem:$0x3FB2] =	sst s6  }
0xf: {  	[smem:$0x3FB3] =	sst s7  }
0x10: {  	[smem:$0x3FB4] =	sst s8  }
0x11: {  	[smem:$0x3FB5] =	sst s9;
	s0 =	simm.s32 @!p0 $0x0  }
0x12: {  	s1 =	sld [smem:$0x3F9B];
	s0 =	simm.s32 @p0 $0x1  }
0x13: {  	[smem:$0x3FB6] =	sst s0;
	s0 =	simm.s32 @!p1 $0x0  }
0x14: {  	s2 =	sld [smem:$0x3F9A];
	s0 =	simm.s32 @p1 $0x1  }
0x15: {  	[smem:$0x3FB7] =	sst s0;
	s0 =	simm.s32 @!p2 $0x0  }
0x16: {  	s3 =	sld [smem:$0x3FDB];
	s0 =	simm.s32 @p2 $0x1  }
0x17: {  	s4 =	simm.s32 $0x1BF5;
	[smem:$0x3FB9] =	sst s0  }
0x18: {  	s0 =	sld [smem:$0x3F9C];
	_ =	swait.ge [sflag:s4], $0x0  }
0x19: {  	s7 =	sld [smem:$0x3F9D]  }
0x1a: {  	s8 =	sadd.s32 $0xFFFFE003, lr  }
0x1b: {  	s9 =	sadd.s32 $0xFFFFFEF7, lr;
	s5 =	simm.s32 $0xFFFFFFFF;
	p2 =	slt.u32 s8, $0xFFFFF086  }
0x1c: {  	p1 =	slt.u32 s9, $0xF7A;
	s5 =	simm.s32 @!p2 $0x0  }
0x1d: {  	s5 =	simm.s32 @p1 $0x1;
	p0 =	seq.s32 s7, s2  }
0x1e: {  	s7 =	smul.u32 @!p0 $0xF7A, s2;
	p2 =	seq.s32 @!p0 s5, $0x0  }
0x1f: {  	s9 =	smul.u32 $0xF7A, s1;
	s8 =	simm.s32 @!p0 $0x1BF5;
	p2 =	por !p2, p0  }
0x20: {  	[sflag:s8] =	ssyncset.s32 @!p0 $0xFFFFF086;
	s6 =	sadd.s32 @!p0 s3, s7;
	s7 =	simm.s32 @!p0 $0x108  }
0x21: {  	s3 =	sadd.s32 s3, s9;
	s6 =	sadd.s32 @!p0 $0x88, s6;
	s7 =	simm.s32 @p2 $0x1082  }
0x22: {  	[simem:s7], [sflag:s8] =	dma.local @!p0 [hbm:s6], $0xF7A  }
0x23: {  	s9 =	sor.u32 $0xD0000000, s2;
	s6 =	simm.s32 $0x108;
	_ =	swait.ge @!p0 [sflag:s8], $0x0  }
0x24: {  	s3 =	sadd.s32 $0x88, s3;
	s6 =	simm.s32 @!p1 $0x1082;
	[sflag:s4] =	ssyncset.s32 $0xFFFFF086  }
0x25: {  	[simem:s6], [sflag:s4] =	dma.local [hbm:s3], $0xF7A  }
0x26: {  	[smem:$0x3F9D] =	sst s1;
	(tag) =	ssettag s2;
	_ =	strace s9  }
0x27: {  	s1 =	sld [smem:$0x3FAD]  }
0x28: {  	s2 =	sld [smem:$0x3FAE]  }
0x29: {  	s4 =	sld [smem:$0x3FB0]  }
0x2a: {  	p0 =	seq.s32 s5, $0x0;
	s5 =	sld [smem:$0x3FB1]  }
0x2b: {  	s6 =	sld [smem:$0x3FB2]  }
0x2c: {  	s7 =	sld [smem:$0x3FB3]  }
0x2d: {  	s3 =	simm.s32 $0x108;
	s8 =	sld [smem:$0x3FB4]  }
0x2e: {  	s3 =	simm.s32 @!p0 $0x1082;
	s9 =	sld [smem:$0x3FB5]  }
0x2f: {  	lr =	sadd.s32 s0, s3;
	s0 =	sld [smem:$0x3FAC]  }
0x30: {  	s3 =	sld [smem:$0x3FAF]  }
0x31: {  	[smem:$0x3FB8] =	sst s10  }
0x32: {  	s10 =	sld [smem:$0x3FB6];
	_ =	sdelay $0x3  }
0x33: {  	p0 =	seq.s32 s10, $0x1;
	s10 =	sld [smem:$0x3FB8];
	_ =	sdelay $0x3  }
0x34: {  	[smem:$0x3FB8] =	sst s10  }
0x35: {  	s10 =	sld [smem:$0x3FB7];
	_ =	sdelay $0x3  }
0x36: {  	p1 =	seq.s32 s10, $0x1;
	s10 =	sld [smem:$0x3FB8];
	_ =	sdelay $0x3  }
0x37: {  	[smem:$0x3FB8] =	sst s10  }
0x38: {  	s10 =	sld [smem:$0x3FB9]  }
0x39: {  	_ = 	snop;
	(pc) =	sbr.ind lr, $3  }
0x3a: {  	_ = 	snop  }
0x3b: {  	_ = 	snop  }
0x3c: {  	p2 =	seq.s32 s10, $0x1;
	s10 =	sld [smem:$0x3FB8]  }
0x3d: {  	_ =	shalt  }
0x3e: {  	_ =	shalt  }
0x3f: {  	_ =	shalt  }
0x40: {  	_ =	shalt  }
0x41: {  	_ =	shalt  }
0x42: {  	_ =	shalt  }
0x43: {  	_ =	shalt  }
0x44: {  	_ =	shalt  }
0x45: {  	_ =	shalt  }
0x46: {  	_ =	shalt  }
0x47: {  	_ =	shalt  }
0x48: {  	_ =	shalt  }
0x49: {  	_ =	shalt  }
0x4a: {  	_ =	shalt  }
0x4b: {  	_ =	shalt  }
0x4c: {  	_ =	shalt  }
0x4d: {  	_ =	shalt  }
0x4e: {  	_ =	shalt  }
0x4f: {  	_ =	shalt  }
0x50: {  	_ =	shalt  }
0x51: {  	_ =	shalt  }
0x52: {  	_ =	shalt  }
0x53: {  	_ =	shalt  }
0x54: {  	_ =	shalt  }
0x55: {  	_ =	shalt  }
0x56: {  	_ =	shalt  }
0x57: {  	_ =	shalt  }
0x58: {  	_ =	shalt  }
0x59: {  	_ =	shalt  }
0x5a: {  	_ =	shalt  }
0x5b: {  	_ =	shalt  }
0x5c: {  	_ =	shalt  }
0x5d: {  	_ =	shalt  }
0x5e: {  	_ =	shalt  }
0x5f: {  	_ =	shalt  }
0x60: {  	_ =	shalt  }
0x61: {  	_ =	shalt  }
0x62: {  	_ =	shalt  }
0x63: {  	_ =	shalt  }
0x64: {  	_ =	shalt  }
0x65: {  	_ =	shalt  }
0x66: {  	_ =	shalt  }
0x67: {  	_ =	shalt  }
0x68: {  	_ =	shalt  }
0x69: {  	_ =	shalt  }
0x6a: {  	_ =	shalt  }
0x6b: {  	_ =	shalt  }
0x6c: {  	_ =	shalt  }
0x6d: {  	_ =	shalt  }
0x6e: {  	_ =	shalt  }
0x6f: {  	_ =	shalt  }
0x70: {  	_ =	shalt  }
0x71: {  	_ =	shalt  }
0x72: {  	_ =	shalt  }
0x73: {  	_ =	shalt  }
0x74: {  	_ =	shalt  }
0x75: {  	_ =	shalt  }
0x76: {  	_ =	shalt  }
0x77: {  	_ =	shalt  }
0x78: {  	_ =	shalt  }
0x79: {  	_ =	shalt  }
0x7a: {  	_ =	shalt  }
0x7b: {  	_ =	shalt  }
0x7c: {  	_ =	shalt  }
0x7d: {  	_ =	shalt  }
0x7e: {  	_ =	shalt  }
0x7f: {  	_ =	shalt  }
0x80: {  	_ =	shalt  }
0x81: {  	_ =	shalt  }
0x82: {  	_ =	shalt  }
0x83: {  	_ =	shalt  }
0x84: {  	_ =	shalt  }
0x85: {  	_ =	shalt  }
0x86: {  	_ =	shalt  }
0x87: {  	_ =	shalt  }
.Lfunc_end0:
.L_simem_size_0:
called_computation_lowered:
.L_overlay_start_0:
0x88: {  	s2 =	sld [smem:$0x3FD9]  }
0x89: {  	s3 =	sld [smem:$0x3FFE];
	_ =	sdelay $0x1  }
0x8a: {  	s1 =	srdreg.scid  }
0x8b: {  	s0 =	sand.u32 $0x1, s1  }
0x8c: {  	s17 =	sshll.u32 s0, $0xA;
	s2 =	sadd.s32 s3, s2  }
0x8d: {  	s2 =	sadd.s32 s2, s17  }
0x8e: {  	[smem:$0x3FC4] =	sst s2  }
0x8f: {  	_ = 	snop  }
0x90: {  	s2 =	sld [smem:$0x3FC9]  }
0x91: {  	s18 =	sld [smem:$0x3FC8]  }
0x92: {  	s4 =	sld [smem:$0x3FD0];
	(tm) =	ssettm $0x1  }
0x93: {  	s5 =	sld [smem:$0x3FFB];
	_ =	sdelay $0x3  }
0x94: {  	_ =	strace s5  }
0x95: {  	s5 =	sld [smem:$0x3FFC];
	_ =	sdelay $0x3  }
0x96: {  	_ =	strace s5  }
0x97: {  	s5 =	sld [smem:$0x3FFD];
	_ =	sdelay $0x3  }
0x98: {  	_ =	strace s5  }
0x99: {  	_ =	strace $0x8FFFFFFF  }
0x9a: {  	s19 =	sld [smem:$0x3FDB];
	_ =	sdelay $0x1  }
0x9b: {  	s6 =	simm.s32 $_scs_section_size  }
0x9c: {  	s7 =	simm.s32 $_size__tile_overlayer_lowered;
	s8 =	simm.s32 $_tile_overlayer_lowered  }
0x9d: {  	s22 =	simm.s32 $0x1BFF;
	s21 =	sshll.u32 s8, $0x1;
	s5 =	sadd.s32 s6, s19  }
0x9e: {  	s9 =	simm.s32 $0x0;
	s20 =	sshll.u32 s7, $0x1;
	s7 =	sadd.s32 s21, s5  }
0x9f: {  	[timem:s9], [sflag:s22] =	dma.local [hbm:s7], s20  }
0xa0: {  	_ =	swait.ge [sflag:s22], s20  }
0xa1: {  	s6 =	ssub.s32 $0x0, s20;
	[sflag:s22] =	ssyncset.done $0x0  }
0xa2: {  	[sflag:s22] =	ssyncadd.s32 s6;
	_ =	sdelay $0x1  }
0xa3: {  	s23 =	simm.s32 $0x1B8B  }
0xa4: {  	_ =	swait.ge [sflag:s23], $0x1  }
0xa5: {  	[sflag:s23] =	ssyncset.done $0x0  }
0xa6: {  	s25 =	simm.s32 $0x1B8E;
	s24 =	sld [smem:$0x3FFE];
	[sflag:s23] =	ssyncadd.s32 $0xFFFFFFFF  }
0xa7: {  	s26 =	simm.s32 $execute0_lowered;
	[smem:$0x3FD2] =	sst s25  }
0xa8: {  	s7 =	sshll.u32 s26, $0x1;
	_ =	strace $0x80000046;
	[dreg:$0x1] =	wrdreg $0xFFFFFFFF  }
0xa9: {  	s28 =	simm.s32 $_size_execute0_lowered;
	s5 =	sadd.s32 s5, s7;
	[dreg:$0x0] =	wrdreg $0x0  }
0xaa: {  	s7 =	sshll.u32 s28, $0x1;
	[dreg:$0x2] =	wrdreg s5  }
0xab: {  	[dreg:$0x3] =	wrdreg s7  }
0xac: {  	[dreg:$0x4] =	wrdreg $0xC0  }
0xad: {  	_ =	task [dreg:s9], $0x5FFFF  }
0xae: {  	[dreg:$0x1] =	wrdreg $0xFFFFFFFF  }
0xaf: {  	[dreg:$0x0] =	wrdreg $0x60  }
0xb0: {  	[dreg:$0x2] =	wrdreg s2  }
0xb1: {  	[dreg:$0x3] =	wrdreg s18  }
0xb2: {  	[dreg:$0x4] =	wrdreg s24  }
0xb3: {  	[dreg:$0x5] =	wrdreg s4  }
0xb4: {  	[dreg:$0x6] =	wrdreg $0x9  }
0xb5: {  	_ =	task.clear_ibuf [dreg:s9], $0x7FFFF;
	_ =	strace $0x90000046  }
0xb6: {  	s29 =	simm.s32 $0x9;
	_ =	strace $0x80000048  }
0xb7: {  	_ =	swait.ge [sflag:s29], $0x1  }
0xb8: {  	[sflag:s29] =	ssyncadd.s32 $0xFFFFFFFF  }
0xb9: {  	_ =	strace $0x90000048  }
0xba: {  	_ =	sfence  }
0xbb: {  	s30 =	sld [smem:$0x0];
	_ =	sdelay $0x2  }
0xbc: {  	s31 =	sshll.u32 s1, $0xD;
	s1 =	sshrl.u32 s1, $0x2  }
0xbd: {  	s3 =	sand.u32 $0x4000, s31;
	s1 =	sadd.s32 s1, s30  }
0xbe: {  	s0 =	sor.u32 s3, s0;
	s1 =	sshll.u32 s1, $0x11  }
0xbf: {  	s0 =	sor.u32 s1, s0  }
0xc0: {  	s0 =	sadd.s32 $0x8F2B, s0  }
0xc1: {  	[sflag:s0] =	ssyncadd.remote.s32 $0x1  }
0xc2: {  	_ =	sfence.sel $0xFFFF  }
0xc3: {  	[dreg:$0x0] =	wrdreg $0xFFFFFFFF;
	(pc) =	sbr.abs _section_cstart, $3  }
0xc4: {  	[dreg:$0x1] =	wrdreg $0xFFFFFFFF  }
0xc5: {  	_ =	task.clear_ibuf [dreg:s9], $0x2FFFF;
	_ =	strace $0x9FFFFFFF  }
0xc6: {  	(tm) =	ssettm $0x7FFFFFFF  }
0xc7: {  	_ =	shalt  }
tec
execute0_lowered:
.L_overlay_start_1:
0x0: {  	(tag) =	ssettag $0x1  }
0x1: {  	s0 =	rddreg [dreg:$0x0]  }
0x2: {  	s2 =	rddreg [dreg:$0x1]  }
0x3: {  	s4 =	rddreg [dreg:$0x2]  }
0x4: {  	s5 =	rddreg [dreg:$0x3]  }
0x5: {  	s1 =	simm.s32 $0x0;
	s6 =	srdreg.scid;
	s8 =	stileid.u32  }
0x6: {  	s22 =	simm.s32 $0x3;
	s28 =	simm.s32 $0x9C00;
	s29 =	simm.s32 $0xDC00  }
0x7: {  	s30 =	simm.s32 $0xA000;
	s31 =	simm.s32 $0xE000;
	s10 =	simm.s32 $0xA800  }
0x8: {  	s11 =	simm.s32 $0xB400;
	s12 =	simm.s32 $0xF400;
	s13 =	simm.s32 $0xB800  }
0x9: {  	s14 =	simm.s32 $0xF800;
	s15 =	simm.s32 $0xBC00;
	s16 =	simm.s32 $0xFC00  }
0xa: {  	s17 =	simm.s32 $0xC000;
	s18 =	simm.s32 $0x10000;
	s19 =	simm.s32 $0x1  }
0xb: {  	s20 =	simm.s32 $0x2;
	s23 =	simm.s32 $0x0;
	[smem:$0x7FF] =	sst s1  }
0xc: {  	vm0 =	vmmov $0x1;
	vm15 =	vmmov $0x3;
	vm1 =	vmmov $0x7;
	s3 =	sadd.s32 $0x400, s4;
	s6 =	sand.u32 $0x1, s6;
	s8 =	sshll.u32 s8, $0x7  }
0xd: {  	vm5 =	vmmov $0xf;
	vm4 =	vmmov $0xff;
	v0 =	vimm.s32 $0x0;
	s4 =	sadd.s32 $0xF42800, s4;
	s7 =	ssub.s32 $0x2, s6;
	s6 =	sshll.u32 s6, $0x6  }
0xe: {  	v59 =	vimm.s32 $0x0;
	v0 =	vsel vm4, $0xFFFFFFFF, v0;
	vm4 =	vmmov $0x7fff;
	_ =	strace $0x80000047;
	s9 =	sshrl.u32 s7, $0x1;
	s6 =	sor.u32 s6, s8  }
0xf: {  	vm6 =	vmmov $0x1f;
	v60 =	vimm.s32 $0x0;
	[tilespmem:$0x1FFA0] =	vst v0;
	v0 =	vsel vm4, $0xFFFFFFFF, v59;
	s8 =	simm.s32 $0xB000;
	s7 =	ssub.s32 s7, s9;
	s0 =	sadd.s32 s0, s6  }
.Ltmp0:
0x10: {  	vm2 =	vmmov $0x3f;
	v61 =	vimm.s32 $0x0;
	[tilespmem:$0x1FFB0] =	vst v0;
	v0 =	vsel vm6, $0xFFFFFFFF, v60;
	s24 =	sadd.s32 s2, s6;
	s25 =	sadd.s32 s5, s6;
	(pc) =	sbr.rel .LBB2_1-.Ltmp0, $4  }
0x11: {  	vm3 =	vmmov $0x7f;
	v62 =	vimm.s32 $0x0;
	s2 =	simm.s32 $0xE400;
	s5 =	simm.s32 $0xE800;
	[tilespmem:$0x1FFC0] =	vst v0;
	v0 =	vsel vm2, $0xFFFFFFFF, v61;
	[dreg:$0x5] =	wrdreg s0  }
0x12: {  	vm9 =	vmmov $0x1ff;
	v63 =	vimm.s32 $0x0;
	s6 =	simm.s32 $0xAC00;
	s9 =	simm.s32 $0xF000;
	[dreg:$0x6] =	wrdreg s24;
	[tilespmem:$0x1FFD0] =	vst v0;
	v0 =	vsel vm3, $0xFFFFFFFF, v62  }
0x13: {  	vm10 =	vmmov $0x3ff;
	vm11 =	vmmov $0x7ff;
	[dreg:$0x7] =	wrdreg s25;
	s26 =	smax.u32 s7, $0x1;
	s0 =	simm.s32 $0xA400;
	[tilespmem:$0x1FFE0] =	vst v0;
	v0 =	vsel vm1, $0xFFFFFFFF, v63  }
0x14: {  	vm12 =	vmmov $0xfff;
	vm13 =	vmmov $0x1fff;
	vm14 =	vmmov $0x3fff;
	s7 =	simm.s32 $0xEC00;
	[dreg:$0x8] =	wrdreg s26;
	s26 =	simm.s32 $0xD800;
	[tilespmem:$0x1FFF0] =	vst v0  }
.LBB2_5:
0x15: {  	s21 =	rddreg [dreg:$0x7];
	s22 =	simm.s32 $0x10400  }
0x16: {  	[hbm4b:s21+s1] =	stream.linear.scatter [tilespmem:s22], [sflag:$0x3], $0x200, $0x38;
	[tilespmem:$0x10600] =	vst v63  }
0x17: {  	s22 =	simm.s32 $0x3  }
0x18: {  	_ =	swait.ge [sflag:s22], $0x200  }
0x19: {  	s23 =	rddreg [dreg:$0x9]  }
0x1a: {  	s25 =	rddreg [dreg:$0x8];
	s23 =	sadd.s32 $0x1, s23  }
0x1b: {  	p0 =	sne.s32 s23, s25  }
.Ltmp1:
0x1c: {  	_ = 	snop;
	(pc) =	sbr.rel @!p0 .LBB2_6-.Ltmp1, $3  }
0x1d: {  	_ =	sdelay $0x1  }
0x1e: {  	[sflag:s22] =	ssyncset.done $0x0  }
0x1f: {  	[sflag:s22] =	ssyncadd.s32 $0xFFFFFE00  }
.LBB2_1:
0x20: {  	[dreg:$0x9] =	wrdreg s23  }
0x21: {  	s21 =	rddreg [dreg:$0x5]  }
0x22: {  	[tilespmem:s1], [sflag:$0x3] =	stream.linear.gather [hbm4b:s21+s1], $0x200, $0x38;
	[tilespmem:$0x10600] =	vst v63  }
0x23: {  	_ =	swait.ge [sflag:s22], $0x200  }
0x24: {  	[sflag:s22] =	ssyncset.done $0x0  }
0x25: {  	s25 =	simm.s32 $0x200;
	s24 =	rddreg [dreg:$0x6];
	[sflag:s22] =	ssyncadd.s32 $0xFFFFFE00  }
0x26: {  	[tilespmem:s25], [sflag:$0x3] =	stream.linear.gather [hbm4b:s24+s1], $0x200, $0x38;
	[tilespmem:$0x10600] =	vst v63  }
0x27: {  	_ =	swait.ge [sflag:s22], $0x200  }
0x28: {  	[sflag:s22] =	ssyncset.done $0x0  }
0x29: {  	[sflag:s22] =	ssyncadd.s32 $0xFFFFFE00  }
0x2a: {  	v0 =	vld [tilespmem:$0x0];
	_ =	sdelay $0x1  }
0x2b: {  	v2 =	vld [tilespmem:$0x200];
	_ =	sdelay $0x2  }
0x2c: {  	v0 =	vshrl.u32 v0, $0x3  }
0x2d: {  	v1 =	vshll.u32 v0, $0x7  }
0x2e: {  	v62 =	vshrl.u32 v2, $0x3;
	(v2sf) =	vpush v1, $0x0  }
0x2f: {  	v0 =	vshll.u32 v62, $0x7  }
0x30: {  	(v2sf) =	vpush v0, $0x0;
	_ =	sdelay $0x1  }
0x31: {  	(v2sf) =	vpush v1, $0x1;
	_ =	sdelay $0x4  }
0x32: {  	(v2sf) =	vpush v0, $0x1;
	_ =	sdelay $0x5  }
0x33: {  	s22 =	spop (v2sf);
	(v2sf) =	vpush v1, $0x2;
	_ =	sdelay $0x1  }
0x34: {  	s24 =	spop (v2sf);
	(v2sf) =	vpush v0, $0x2;
	_ =	sdelay $0x1  }
0x35: {  	s21 =	sand.u32 $0x1FFFFF80, s22;
	s22 =	spop (v2sf);
	(v2sf) =	vpush v1, $0x3;
	_ =	sdelay $0x2  }
0x36: {  	s23 =	simm.s32 $0x400;
	s21 =	sadd.s32 s3, s21  }
0x37: {  	[tilespmem:s23], [sflag:$0x1] =	stream.linear.gather [hbm4b:s21+s1], $0x400, $0x38;
	[tilespmem:$0x10600] =	vst v63  }
0x38: {  	s21 =	sand.u32 $0x1FFFFF80, s24;
	s24 =	spop (v2sf);
	(v2sf) =	vpush v0, $0x3  }
0x39: {  	s25 =	simm.s32 $0x4400;
	s21 =	sadd.s32 s4, s21  }
0x3a: {  	[tilespmem:s25], [sflag:$0x1] =	stream.linear.gather [hbm4b:s21+s1], $0x400, $0x38;
	[tilespmem:$0x10600] =	vst v63  }
0x3b: {  	s21 =	sand.u32 $0x1FFFFF80, s22  }
0x3c: {  	s23 =	simm.s32 $0x800;
	s21 =	sadd.s32 s3, s21  }
0x3d: {  	[tilespmem:s23], [sflag:$0x1] =	stream.linear.gather [hbm4b:s21+s1], $0x400, $0x38;
	[tilespmem:$0x10600] =	vst v63  }
0x3e: {  	s22 =	spop (v2sf);
	(v2sf) =	vpush v1, $0x4  }
0x3f: {  	s21 =	sand.u32 $0x1FFFFF80, s24  }
0x40: {  	s25 =	simm.s32 $0x4800;
	s21 =	sadd.s32 s4, s21;
	s24 =	spop (v2sf);
	(v2sf) =	vpush v0, $0x4  }
0x41: {  	[tilespmem:s25], [sflag:$0x1] =	stream.linear.gather [hbm4b:s21+s1], $0x400, $0x38;
	[tilespmem:$0x10600] =	vst v63  }
0x42: {  	s21 =	sand.u32 $0x1FFFFF80, s22;
	s22 =	spop (v2sf);
	(v2sf) =	vpush v1, $0x5;
	_ =	sdelay $0x2  }
0x43: {  	s23 =	simm.s32 $0xC00;
	s21 =	sadd.s32 s3, s21  }
0x44: {  	[tilespmem:s23], [sflag:$0x1] =	stream.linear.gather [hbm4b:s21+s1], $0x400, $0x38;
	[tilespmem:$0x10600] =	vst v63  }
0x45: {  	s21 =	sand.u32 $0x1FFFFF80, s24;
	s24 =	spop (v2sf);
	(v2sf) =	vpush v0, $0x5  }
0x46: {  	s25 =	simm.s32 $0x4C00;
	s21 =	sadd.s32 s4, s21  }
0x47: {  	[tilespmem:s25], [sflag:$0x1] =	stream.linear.gather [hbm4b:s21+s1], $0x400, $0x38;
	[tilespmem:$0x10600] =	vst v63  }
0x48: {  	s21 =	sand.u32 $0x1FFFFF80, s22  }
0x49: {  	s23 =	simm.s32 $0x1000;
	s21 =	sadd.s32 s3, s21  }
0x4a: {  	[tilespmem:s23], [sflag:$0x1] =	stream.linear.gather [hbm4b:s21+s1], $0x400, $0x38;
	[tilespmem:$0x10600] =	vst v63  }
0x4b: {  	s22 =	spop (v2sf);
	(v2sf) =	vpush v1, $0x6  }
0x4c: {  	s21 =	sand.u32 $0x1FFFFF80, s24  }
0x4d: {  	s25 =	simm.s32 $0x5000;
	s21 =	sadd.s32 s4, s21;
	s24 =	spop (v2sf);
	(v2sf) =	vpush v0, $0x6  }
0x4e: {  	[tilespmem:s25], [sflag:$0x1] =	stream.linear.gather [hbm4b:s21+s1], $0x400, $0x38;
	[tilespmem:$0x10600] =	vst v63  }
0x4f: {  	s21 =	sand.u32 $0x1FFFFF80, s22;
	s22 =	spop (v2sf);
	(v2sf) =	vpush v1, $0x7;
	_ =	sdelay $0x2  }
0x50: {  	s23 =	simm.s32 $0x1400;
	s21 =	sadd.s32 s3, s21  }
0x51: {  	[tilespmem:s23], [sflag:$0x1] =	stream.linear.gather [hbm4b:s21+s1], $0x400, $0x38;
	[tilespmem:$0x10600] =	vst v63  }
0x52: {  	s21 =	sand.u32 $0x1FFFFF80, s24;
	s24 =	spop (v2sf);
	(v2sf) =	vpush v0, $0x7  }
0x53: {  	s25 =	simm.s32 $0x5400;
	s21 =	sadd.s32 s4, s21  }
0x54: {  	[tilespmem:s25], [sflag:$0x1] =	stream.linear.gather [hbm4b:s21+s1], $0x400, $0x38;
	[tilespmem:$0x10600] =	vst v63  }
0x55: {  	s21 =	sand.u32 $0x1FFFFF80, s22  }
0x56: {  	s23 =	simm.s32 $0x1800;
	s21 =	sadd.s32 s3, s21  }
0x57: {  	[tilespmem:s23], [sflag:$0x1] =	stream.linear.gather [hbm4b:s21+s1], $0x400, $0x38;
	[tilespmem:$0x10600] =	vst v63  }
0x58: {  	s22 =	spop (v2sf);
	(v2sf) =	vpush v1, $0x8  }
0x59: {  	s21 =	sand.u32 $0x1FFFFF80, s24  }
0x5a: {  	s25 =	simm.s32 $0x5800;
	s21 =	sadd.s32 s4, s21;
	s24 =	spop (v2sf);
	(v2sf) =	vpush v0, $0x8  }
0x5b: {  	[tilespmem:s25], [sflag:$0x1] =	stream.linear.gather [hbm4b:s21+s1], $0x400, $0x38;
	[tilespmem:$0x10600] =	vst v63  }
0x5c: {  	s21 =	sand.u32 $0x1FFFFF80, s22;
	s22 =	spop (v2sf);
	(v2sf) =	vpush v1, $0x9;
	_ =	sdelay $0x2  }
0x5d: {  	s23 =	simm.s32 $0x1C00;
	s21 =	sadd.s32 s3, s21  }
0x5e: {  	[tilespmem:s23], [sflag:$0x1] =	stream.linear.gather [hbm4b:s21+s1], $0x400, $0x38;
	[tilespmem:$0x10600] =	vst v63  }
0x5f: {  	s21 =	sand.u32 $0x1FFFFF80, s24;
	s24 =	spop (v2sf);
	(v2sf) =	vpush v0, $0x9  }
0x60: {  	s25 =	simm.s32 $0x5C00;
	s21 =	sadd.s32 s4, s21  }
0x61: {  	[tilespmem:s25], [sflag:$0x1] =	stream.linear.gather [hbm4b:s21+s1], $0x400, $0x38;
	[tilespmem:$0x10600] =	vst v63  }
0x62: {  	s21 =	sand.u32 $0x1FFFFF80, s22  }
0x63: {  	s23 =	simm.s32 $0x2000;
	s21 =	sadd.s32 s3, s21  }
0x64: {  	[tilespmem:s23], [sflag:$0x1] =	stream.linear.gather [hbm4b:s21+s1], $0x400, $0x38;
	[tilespmem:$0x10600] =	vst v63  }
0x65: {  	s22 =	spop (v2sf);
	(v2sf) =	vpush v1, $0xA  }
0x66: {  	s21 =	sand.u32 $0x1FFFFF80, s24  }
0x67: {  	s25 =	simm.s32 $0x6000;
	s21 =	sadd.s32 s4, s21;
	s24 =	spop (v2sf);
	(v2sf) =	vpush v0, $0xA  }
0x68: {  	[tilespmem:s25], [sflag:$0x1] =	stream.linear.gather [hbm4b:s21+s1], $0x400, $0x38;
	[tilespmem:$0x10600] =	vst v63  }
0x69: {  	s21 =	sand.u32 $0x1FFFFF80, s22;
	s22 =	spop (v2sf);
	(v2sf) =	vpush v1, $0xB;
	_ =	sdelay $0x2  }
0x6a: {  	s23 =	simm.s32 $0x2400;
	s21 =	sadd.s32 s3, s21  }
0x6b: {  	[tilespmem:s23], [sflag:$0x1] =	stream.linear.gather [hbm4b:s21+s1], $0x400, $0x38;
	[tilespmem:$0x10600] =	vst v63  }
0x6c: {  	s21 =	sand.u32 $0x1FFFFF80, s24;
	s24 =	spop (v2sf);
	(v2sf) =	vpush v0, $0xB  }
0x6d: {  	s25 =	simm.s32 $0x6400;
	s21 =	sadd.s32 s4, s21  }
0x6e: {  	[tilespmem:s25], [sflag:$0x1] =	stream.linear.gather [hbm4b:s21+s1], $0x400, $0x38;
	[tilespmem:$0x10600] =	vst v63  }
0x6f: {  	s21 =	sand.u32 $0x1FFFFF80, s22  }
0x70: {  	s23 =	simm.s32 $0x2800;
	s21 =	sadd.s32 s3, s21  }
0x71: {  	[tilespmem:s23], [sflag:$0x1] =	stream.linear.gather [hbm4b:s21+s1], $0x400, $0x38;
	[tilespmem:$0x10600] =	vst v63  }
0x72: {  	s22 =	spop (v2sf);
	(v2sf) =	vpush v1, $0xC  }
0x73: {  	s21 =	sand.u32 $0x1FFFFF80, s24  }
0x74: {  	s25 =	simm.s32 $0x6800;
	s21 =	sadd.s32 s4, s21;
	s24 =	spop (v2sf);
	(v2sf) =	vpush v0, $0xC  }
0x75: {  	[tilespmem:s25], [sflag:$0x1] =	stream.linear.gather [hbm4b:s21+s1], $0x400, $0x38;
	[tilespmem:$0x10600] =	vst v63  }
0x76: {  	s21 =	sand.u32 $0x1FFFFF80, s22;
	s22 =	spop (v2sf);
	(v2sf) =	vpush v1, $0xD;
	_ =	sdelay $0x1  }
0x77: {  	s23 =	simm.s32 $0x2C00;
	s21 =	sadd.s32 s3, s21  }
0x78: {  	[tilespmem:s23], [sflag:$0x1] =	stream.linear.gather [hbm4b:s21+s1], $0x400, $0x38;
	[tilespmem:$0x10600] =	vst v63  }
0x79: {  	s21 =	sand.u32 $0x1FFFFF80, s24  }
0x7a: {  	s25 =	simm.s32 $0x6C00;
	s24 =	spop (v2sf);
	s21 =	sadd.s32 s4, s21  }
0x7b: {  	(v2sf) =	vpush v0, $0xD;
	[tilespmem:s25], [sflag:$0x1] =	stream.linear.gather [hbm4b:s21+s1], $0x400, $0x38;
	[tilespmem:$0x10600] =	vst v63  }
0x7c: {  	s21 =	sand.u32 $0x1FFFFF80, s22  }
0x7d: {  	s23 =	simm.s32 $0x3000;
	s21 =	sadd.s32 s3, s21  }
0x7e: {  	[tilespmem:s23], [sflag:$0x1] =	stream.linear.gather [hbm4b:s21+s1], $0x400, $0x38;
	[tilespmem:$0x10600] =	vst v63  }
0x7f: {  	s21 =	sand.u32 $0x1FFFFF80, s24  }
0x80: {  	s25 =	simm.s32 $0x7000;
	s21 =	sadd.s32 s4, s21;
	s22 =	spop (v2sf);
	(v2sf) =	vpush v1, $0xE  }
0x81: {  	[tilespmem:s25], [sflag:$0x1] =	stream.linear.gather [hbm4b:s21+s1], $0x400, $0x38;
	[tilespmem:$0x10600] =	vst v63  }
0x82: {  	s24 =	spop (v2sf);
	(v2sf) =	vpush v0, $0xE  }
0x83: {  	s21 =	sand.u32 $0x1FFFFF80, s22  }
0x84: {  	s23 =	simm.s32 $0x3400;
	s21 =	sadd.s32 s3, s21;
	s22 =	spop (v2sf)  }
0x85: {  	(v2sf) =	vpush v1, $0xF;
	[tilespmem:s23], [sflag:$0x1] =	stream.linear.gather [hbm4b:s21+s1], $0x400, $0x38;
	[tilespmem:$0x10600] =	vst v63  }
0x86: {  	s21 =	sand.u32 $0x1FFFFF80, s24  }
0x87: {  	s25 =	simm.s32 $0x7400;
	s21 =	sadd.s32 s4, s21  }
0x88: {  	[tilespmem:s25], [sflag:$0x1] =	stream.linear.gather [hbm4b:s21+s1], $0x400, $0x38;
	[tilespmem:$0x10600] =	vst v63  }
0x89: {  	s21 =	sand.u32 $0x1FFFFF80, s22  }
0x8a: {  	s23 =	simm.s32 $0x3800;
	s24 =	spop (v2sf);
	(v2sf) =	vpush v0, $0xF;
	s21 =	sadd.s32 s3, s21  }
0x8b: {  	[tilespmem:s23], [sflag:$0x1] =	stream.linear.gather [hbm4b:s21+s1], $0x400, $0x38;
	[tilespmem:$0x10600] =	vst v63  }
0x8c: {  	s21 =	sand.u32 $0x1FFFFF80, s24  }
0x8d: {  	s25 =	simm.s32 $0x7800;
	s21 =	sadd.s32 s4, s21  }
0x8e: {  	[tilespmem:s25], [sflag:$0x1] =	stream.linear.gather [hbm4b:s21+s1], $0x400, $0x38;
	[tilespmem:$0x10600] =	vst v63  }
0x8f: {  	s22 =	spop (v2sf)  }
0x90: {  	s21 =	sand.u32 $0x1FFFFF80, s22  }
0x91: {  	s23 =	simm.s32 $0x3C00;
	s24 =	spop (v2sf);
	s21 =	sadd.s32 s3, s21  }
0x92: {  	[tilespmem:s23], [sflag:$0x1] =	stream.linear.gather [hbm4b:s21+s1], $0x400, $0x38;
	[tilespmem:$0x10600] =	vst v63  }
0x93: {  	s21 =	sand.u32 $0x1FFFFF80, s24  }
0x94: {  	s25 =	simm.s32 $0x7C00;
	s22 =	spop (v2sf);
	s21 =	sadd.s32 s4, s21  }
0x95: {  	[tilespmem:s25], [sflag:$0x1] =	stream.linear.gather [hbm4b:s21+s1], $0x400, $0x38;
	[tilespmem:$0x10600] =	vst v63  }
0x96: {  	s21 =	sand.u32 $0x1FFFFF80, s22  }
0x97: {  	s23 =	simm.s32 $0x4000;
	s21 =	sadd.s32 s3, s21  }
0x98: {  	v63 =	vld [tilespmem:$0x1FFB0];
	[tilespmem:s23], [sflag:$0x1] =	stream.linear.gather [hbm4b:s21+s1], $0x400, $0x38  }
.Ltmp2:
0x99: {  	s24 =	spop (v2sf);
	(pc) =	sbr.rel .LBB2_2-.Ltmp2, $4  }
0x9a: {  	s21 =	sand.u32 $0x1FFFFF80, s24  }
0x9b: {  	s25 =	simm.s32 $0x8000;
	s21 =	sadd.s32 s4, s21  }
0x9c: {  	[tilespmem:s25], [sflag:$0x1] =	stream.linear.gather [hbm4b:s21+s1], $0x400, $0x38;
	[tilespmem:$0x10600] =	vst v63  }
0x9d: {  	vm7 =	vnez.u8 v63;
	s21 =	simm.s32 $0x0  }
.LBB2_4:
0x9e: {  	_ =	swait.ge [sflag:s20], $0x4000  }
0x9f: {  	[sflag:s20] =	ssyncset.done $0x0  }
0xa0: {  	[sflag:s20] =	ssyncadd.s32 $0xFFFFC000  }
0xa1: {  	_ =	swait.ge [sflag:s20], $0x4000  }
0xa2: {  	[sflag:s20] =	ssyncset.done $0x0  }
0xa3: {  	[sflag:s20] =	ssyncadd.s32 $0xFFFFC000  }
0xa4: {  	v0 =	vld [tilespmem:s22+$0x10];
	_ =	sdelay $0x2  }
0xa5: {  	v1 =	vld [tilespmem:s22+$0x210];
	_ =	sdelay $0x1  }
0xa6: {  	v0 =	vand.u32 $0x7, v0  }
0xa7: {  	v5 =	vshll.u32 v0, $0x7  }
0xa8: {  	(v2sf) =	vpush v5, $0x1  }
0xa9: {  	v23 =	vand.u32 $0x7, v1;
	(v2sf) =	vpush v5, $0x0  }
0xaa: {  	v4 =	vshll.u32 v23, $0x7  }
0xab: {  	(v2sf) =	vpush v4, $0x1;
	_ =	sdelay $0x3  }
0xac: {  	(v2sf) =	vpush v4, $0x0;
	_ =	sdelay $0x2  }
0xad: {  	(v2sf) =	vpush v5, $0x3;
	_ =	sdelay $0x1  }
0xae: {  	(v2sf) =	vpush v5, $0x2;
	_ =	sdelay $0x1  }
0xaf: {  	(v2sf) =	vpush v4, $0x3  }
0xb0: {  	(v2sf) =	vpush v4, $0x2;
	s23 =	spop (v2sf)  }
0xb1: {  	s24 =	spop (v2sf);
	(v2sf) =	vpush v5, $0x5  }
0xb2: {  	(v2sf) =	vpush v5, $0x4  }
0xb3: {  	v6 =	vld [tilespmem:s23+$0x8800];
	s25 =	spop (v2sf);
	(v2sf) =	vpush v4, $0x5  }
0xb4: {  	v7 =	vld [tilespmem:s23+$0x8810]  }
0xb5: {  	v24 =	vld [tilespmem:s24+$0x8400]  }
0xb6: {  	v25 =	vld [tilespmem:s24+$0x8410]  }
0xb7: {  	s24 =	spop (v2sf);
	v8 =	vld [tilespmem:s25+$0xC800];
	(v2sf) =	vpush v4, $0x4  }
0xb8: {  	v9 =	vld [tilespmem:s25+$0xC810]  }
0xb9: {  	v2 =	vld [tilespmem:s24+$0xC400]  }
0xba: {  	v3 =	vld [tilespmem:s24+$0xC410];
	s23 =	spop (v2sf)  }
0xbb: {  	v17 =	vld [tilespmem:s23+$0x9000]  }
0xbc: {  	s24 =	spop (v2sf);
	v32 =	vld [tilespmem:s23+$0x9010];
	v28 =	vmul.f32 v6, v6  }
0xbd: {  	(v2sf) =	vpush v5, $0x7;
	v12 =	vld [tilespmem:s24+$0x8C00];
	v29 =	vmul.f32 v7, v7;
	v10 =	vmul.f32 v24, v24  }
0xbe: {  	s25 =	spop (v2sf);
	v15 =	vld [tilespmem:s24+$0x8C10];
	v11 =	vmul.f32 v25, v25;
	v31 =	vmul.f32 v8, v8  }
0xbf: {  	(v2sf) =	vpush v5, $0x6;
	s24 =	spop (v2sf);
	v33 =	vld [tilespmem:s25+$0xD000];
	v13 =	vmul.f32 v2, v2;
	v14 =	vmul.f32 v3, v3  }
0xc0: {  	v26 =	vld [tilespmem:s24+$0xCC00];
	v10 =	vadd.f32 v11, v10;
	v0 =	vmul.f32 v2, v24;
	v1 =	vmul.f32 v3, v25;
	s23 =	spop (v2sf)  }
0xc1: {  	v30 =	vld [tilespmem:s24+$0xCC10];
	v6 =	vmul.f32 v8, v6;
	v27 =	vadd.f32 v14, v13;
	s24 =	spop (v2sf);
	(v2sf) =	vpush v4, $0x7  }
0xc2: {  	v34 =	vld [tilespmem:s25+$0xD010];
	v7 =	vmul.f32 v9, v7;
	v0 =	vadd.f32 v1, v0;
	(xrf2) =	vadd.scan.msk.f32 $0xffff, v10;
	s25 =	spop (v2sf);
	(v2sf) =	vpush v4, $0x6  }
0xc3: {  	v16 =	vmul.f32 v9, v9;
	v11 =	vadd.f32 v29, v28;
	v42 =	vmul.f32 v17, v17;
	(xrf2) =	vadd.scan.msk.f32 $0xffff, v27  }
0xc4: {  	v6 =	vadd.f32 v7, v6;
	v35 =	vmul.f32 v12, v12;
	v36 =	vmul.f32 v15, v15;
	(xrf2) =	vadd.scan.msk.f32 $0xffff, v0  }
0xc5: {  	v43 =	vmul.f32 v32, v32;
	v1 =	vadd.f32 v16, v31;
	v37 =	vmul.f32 v26, v26;
	(xrf2) =	vadd.scan.msk.f32 $0xffff, v11;
	v39 =	vld [tilespmem:s24+$0x9400]  }
0xc6: {  	v38 =	vmul.f32 v30, v30;
	v3 =	vadd.f32 v36, v35;
	v41 =	vld [tilespmem:s24+$0x9410];
	s24 =	spop (v2sf);
	(v2sf) =	vpush v5, $0x9  }
0xc7: {  	v2 =	vmul.f32 v26, v12;
	v40 =	vmul.f32 v30, v15;
	(xrf2) =	vadd.scan.msk.f32 $0xffff, v1;
	v58 =	vld [tilespmem:s23+$0x9800];
	(v2sf) =	vpush v5, $0x8  }
0xc8: {  	v45 =	vmul.f32 v33, v33;
	v0 =	vadd.f32 v38, v37;
	(xrf2) =	vadd.scan.msk.f32 $0xffff, v6;
	v60 =	vld [tilespmem:s23+$0x9810];
	(v2sf) =	vpush v4, $0x9  }
0xc9: {  	v46 =	vmul.f32 v34, v34;
	v2 =	vadd.f32 v40, v2;
	(xrf2) =	vadd.scan.msk.f32 $0xffff, v3;
	v62 =	vld [tilespmem:s25+$0xD800];
	(v2sf) =	vpush v4, $0x8  }
0xca: {  	v48 =	vmul.f32 v33, v17;
	v7 =	vmul.f32 v34, v32;
	v1 =	vadd.f32 v43, v42;
	(xrf2) =	vadd.scan.msk.f32 $0xffff, v0;
	v63 =	vld [tilespmem:s25+$0xD810]  }
0xcb: {  	v49 =	vadd.f32 v46, v45;
	v44 =	vld [tilespmem:s24+$0xD400];
	(xrf2) =	vadd.scan.msk.f32 $0xffff, v2;
	v51 =	vmul.f32 v39, v39;
	v52 =	vmul.f32 v41, v41  }
0xcc: {  	v50 =	vadd.f32 v7, v48;
	v47 =	vld [tilespmem:s24+$0xD410];
	s23 =	spop (v2sf);
	(xrf2) =	vadd.scan.msk.f32 $0xffff, v1;
	v53, _, _ =	vpop (xrf2)  }
0xcd: {  	v24 =	vld [tilespmem:s23+$0xA000];
	(xrf2) =	vadd.scan.msk.f32 $0xffff, v49;
	v56, _, _ =	vpop (xrf2);
	v1 =	vadd.f32 v52, v51  }
0xce: {  	s24 =	spop (v2sf);
	v37 =	vld [tilespmem:s23+$0xA010];
	v6 =	vbroadcast v53, $0xF;
	v26 =	vmul.f32 v58, v58;
	(v2sf) =	vpush v5, $0xB;
	v0, _, _ =	vpop (xrf2);
	(xrf2) =	vadd.scan.msk.f32 $0xffff, v50  }
0xcf: {  	v18 =	vld [tilespmem:s24+$0x9C00];
	v27 =	vmul.f32 v60, v60;
	v9 =	vbroadcast v56, $0xF;
	v59, _, _ =	vpop (xrf2);
	(xrf2) =	vadd.scan.msk.f32 $0xffff, v1  }
0xd0: {  	v20 =	vld [tilespmem:s24+$0x9C10];
	v45 =	vmul.f32 v62, v62;
	v54 =	vmul.f32 v44, v44;
	s25 =	spop (v2sf);
	(v2sf) =	vpush v5, $0xA  }
0xd1: {  	v55 =	vmul.f32 v47, v47;
	v13 =	vmul.f32 v44, v39;
	v39 =	vld [tilespmem:$0x1FFF0];
	v61, _, _ =	vpop (xrf2);
	s24 =	spop (v2sf);
	(v2sf) =	vpush v4, $0xB  }
0xd2: {  	v26 =	vadd.f32 v27, v26;
	v8 =	vmul.f32 v62, v58;
	v10 =	vmul.f32 v63, v60;
	v1, _, _ =	vpop (xrf2);
	v38 =	vld [tilespmem:s25+$0xE000]  }
0xd3: {  	v11 =	vmul.f32 v47, v41;
	v3 =	vbroadcast v59, $0xF;
	v57 =	vadd.f32 v55, v54;
	v32, _, _ =	vpop (xrf2);
	v41 =	vld [tilespmem:s25+$0xE010]  }
0xd4: {  	v46 =	vmul.f32 v63, v63;
	v10 =	vadd.f32 v10, v8;
	v19, _, _ =	vpop (xrf2);
	v21 =	vld [tilespmem:s24+$0xDC00];
	(v2sf) =	vpush v4, $0xA  }
0xd5: {  	v56 =	vmul.f32 v24, v24;
	v3 =	vsel vm1, v6, v3;
	(xrf2) =	vadd.scan.msk.f32 $0xffff, v57;
	v2, _, _ =	vpop (xrf2);
	v23 =	vld [tilespmem:s24+$0xDC10];
	s23 =	spop (v2sf);
	(v2sf) =	vpush v5, $0xD  }
0xd6: {  	v7 =	vbroadcast v61, $0xF;
	v33 =	vbroadcast v32, $0xF;
	v22, _, _ =	vpop (xrf2);
	s24 =	spop (v2sf);
	v47 =	vld [tilespmem:s23+$0xA800];
	(v2sf) =	vpush v5, $0xC  }
0xd7: {  	v48 =	vmul.f32 v18, v18;
	v49 =	vmul.f32 v20, v20;
	v35, _, _ =	vpop (xrf2);
	v43 =	vld [tilespmem:s24+$0xA400];
	s25 =	spop (v2sf);
	(v2sf) =	vpush v4, $0xD  }
0xd8: {  	v57 =	vmul.f32 v37, v37;
	v6 =	vsel vm2, v3, v33;
	v3, _, _ =	vpop (xrf2);
	v25 =	vld [tilespmem:s24+$0xA410];
	s24 =	spop (v2sf);
	(v2sf) =	vpush v4, $0xC  }
0xd9: {  	v11 =	vadd.f32 v11, v13;
	v34 =	vbroadcast v19, $0xF;
	v36 =	vbroadcast v22, $0xF;
	v50 =	vld [tilespmem:s23+$0xA810];
	v40, _, _ =	vpop (xrf2)  }
0xda: {  	v7 =	vsel vm1, v9, v7;
	v19 =	vbroadcast v35, $0xF;
	v32 =	vld [tilespmem:s25+$0xE800];
	v9 =	vbroadcast v40, $0xF  }
0xdb: {  	vm4 =	vnez.u8 v39;
	(xrf2) =	vadd.scan.msk.f32 $0xffff, v11;
	v51 =	vld [tilespmem:s25+$0xE810];
	v58 =	vmul.f32 v38, v38;
	v61 =	vmul.f32 v41, v41  }
0xdc: {  	v7 =	vsel vm2, v7, v34;
	(xrf2) =	vadd.scan.msk.f32 $0xffff, v26;
	v28 =	vld [tilespmem:s24+$0xE400];
	v62 =	vmul.f32 v38, v24;
	v26 =	vmul.f32 v41, v37  }
0xdd: {  	v6 =	vsel vm4, v6, v36;
	v29 =	vld [tilespmem:s24+$0xE410];
	s23 =	spop (v2sf);
	v30 =	vmul.f32 v21, v21;
	v31 =	vmul.f32 v23, v23  }
0xde: {  	v17 =	vsel vm4, v7, v19;
	v53 =	vmul.f32 v21, v18;
	v55 =	vmul.f32 v23, v20;
	v16 =	vld [tilespmem:s23+$0xB000]  }
0xdf: {  	v42, _, _ =	vpop (xrf2);
	v35 =	vld [tilespmem:s23+$0xB010];
	v7 =	vsel vm5, v6, v9;
	v6 =	vadd.f32 v46, v45;
	s24 =	spop (v2sf);
	(v2sf) =	vpush v5, $0xF  }
0xe0: {  	v44 =	vbroadcast v42, $0xF;
	v9 =	vadd.f32 v49, v48;
	v54 =	vld [tilespmem:s24+$0xAC00];
	s25 =	spop (v2sf);
	(v2sf) =	vpush v5, $0xE  }
0xe1: {  	v40 =	vmul.f32 v47, v47;
	v52 =	vadd.f32 v31, v30;
	(xrf2) =	vadd.scan.msk.f32 $0xffff, v6;
	v19 =	vld [tilespmem:s24+$0xAC10];
	(v2sf) =	vpush v4, $0xF  }
0xe2: {  	v42 =	vmul.f32 v50, v50;
	v60 =	vadd.f32 v55, v53;
	(xrf2) =	vadd.scan.msk.f32 $0xffff, v10;
	v38 =	vld [tilespmem:s25+$0xF000];
	(v2sf) =	vpush v4, $0xE  }
0xe3: {  	v30 =	vmul.f32 v43, v43;
	v33 =	vmul.f32 v25, v25;
	v8 =	vsel vm5, v17, v44;
	(xrf2) =	vadd.scan.msk.f32 $0xffff, v9;
	s24 =	spop (v2sf);
	v41 =	vld [tilespmem:s25+$0xF010]  }
0xe4: {  	v6 =	vadd.f32 v57, v56;
	v44 =	vmul.f32 v51, v51;
	v12 =	vmul.f32 v32, v47;
	(xrf2) =	vadd.scan.msk.f32 $0xffff, v52;
	v59 =	vld [tilespmem:s24+$0xEC00];
	s23 =	spop (v2sf)  }
0xe5: {  	v31 =	vadd.f32 v61, v58;
	v46 =	vmul.f32 v51, v50;
	v34 =	vmul.f32 v28, v28;
	(xrf2) =	vadd.scan.msk.f32 $0xffff, v60;
	v63 =	vld [tilespmem:s24+$0xEC10];
	s24 =	spop (v2sf)  }
0xe6: {  	v36 =	vmul.f32 v29, v29;
	v37 =	vmul.f32 v28, v43;
	v9 =	vadd.f32 v26, v62;
	(xrf2) =	vadd.scan.msk.f32 $0xffff, v6;
	s25 =	spop (v2sf);
	v24 =	vld [tilespmem:s24+$0xB400]  }
0xe7: {  	v39 =	vmul.f32 v29, v25;
	v43 =	vmul.f32 v32, v32;
	(xrf2) =	vadd.scan.msk.f32 $0xffff, v31;
	v5 =	vadd.f32 v33, v30;
	v25 =	vld [tilespmem:s24+$0xB410];
	s24 =	spop (v2sf)  }
0xe8: {  	v58 =	vmul.f32 v16, v16;
	v6 =	vadd.f32 v36, v34;
	(xrf2) =	vadd.scan.msk.f32 $0xffff, v9;
	v47 =	vmul.f32 v54, v54;
	v52 =	vld [tilespmem:s24+$0xF410]  }
0xe9: {  	v10 =	vadd.f32 v39, v37;
	v4, _, _ =	vpop (xrf2);
	(xrf2) =	vadd.scan.msk.f32 $0xffff, v5;
	v62 =	vmul.f32 v38, v38;
	v37 =	vmul.f32 v38, v16;
	v38 =	vld [tilespmem:s25+$0xF810]  }
0xea: {  	v45 =	vadd.f32 v42, v40;
	v15, _, _ =	vpop (xrf2);
	(xrf2) =	vadd.scan.msk.f32 $0xffff, v6;
	v51 =	vmul.f32 v59, v59;
	v54 =	vmul.f32 v59, v54;
	v59 =	vld [tilespmem:s23+$0xB810]  }
0xeb: {  	v61 =	vmul.f32 v35, v35;
	v49 =	vadd.f32 v44, v43;
	v26, _, _ =	vpop (xrf2);
	(xrf2) =	vadd.scan.msk.f32 $0xffff, v10;
	v50 =	vmul.f32 v19, v19  }
0xec: {  	v9 =	vadd.f32 v46, v12;
	v55 =	vld [tilespmem:s23+$0xB800];
	v5, _, _ =	vpop (xrf2);
	(xrf2) =	vadd.scan.msk.f32 $0xffff, v45;
	v36 =	vmul.f32 v41, v41;
	v53 =	vmul.f32 v63, v63  }
0xed: {  	v48 =	vld [tilespmem:s24+$0xF400];
	v21, _, _ =	vpop (xrf2);
	(xrf2) =	vadd.scan.msk.f32 $0xffff, v49;
	v56 =	vadd.f32 v50, v47;
	v57 =	vmul.f32 v63, v19;
	v43 =	vmul.f32 v25, v25  }
0xee: {  	v19, _, _ =	vpop (xrf2);
	(xrf2) =	vadd.scan.msk.f32 $0xffff, v9;
	v63 =	vld [tilespmem:s25+$0xF800];
	v60 =	vadd.f32 v53, v51;
	v46 =	vmul.f32 v52, v52;
	v25 =	vmul.f32 v52, v25;
	s23 =	spop (v2sf)  }
0xef: {  	v6, _, _ =	vpop (xrf2);
	v11 =	vadd.f32 v57, v54;
	(xrf2) =	vadd.scan.msk.f32 $0xffff, v56;
	v52 =	vmul.f32 v38, v38;
	v53 =	vmul.f32 v38, v59;
	v38 =	vld [tilespmem:$0x1FFC0];
	s24 =	spop (v2sf)  }
0xf0: {  	v39 =	vadd.f32 v61, v58;
	v40 =	vmul.f32 v41, v35;
	v31, _, _ =	vpop (xrf2);
	(xrf2) =	vadd.scan.msk.f32 $0xffff, v60;
	s25 =	spop (v2sf);
	v42 =	vld [tilespmem:s24+$0xBC00]  }
0xf1: {  	v15 =	vbroadcast v15, $0xF;
	v10 =	vadd.f32 v36, v62;
	v41 =	vmul.f32 v24, v24;
	v27, _, _ =	vpop (xrf2);
	(xrf2) =	vadd.scan.msk.f32 $0xffff, v11;
	v45 =	vld [tilespmem:s24+$0xBC10];
	s24 =	spop (v2sf)  }
0xf2: {  	v12 =	vadd.f32 v40, v37;
	v44 =	vmul.f32 v48, v48;
	v9, _, _ =	vpop (xrf2);
	v47 =	vmul.f32 v48, v24;
	(xrf2) =	vadd.scan.msk.f32 $0xffff, v39;
	v48 =	vld [tilespmem:s24+$0xFC00]  }
0xf3: {  	v49 =	vmul.f32 v55, v55;
	v19 =	vbroadcast v19, $0xF;
	v20 =	vadd.f32 v43, v41;
	v24, _, _ =	vpop (xrf2);
	(xrf2) =	vadd.scan.msk.f32 $0xffff, v10;
	v11 =	vld [tilespmem:s23+$0xC000]  }
0xf4: {  	v27 =	vbroadcast v27, $0xF;
	v51 =	vmul.f32 v59, v59;
	v34, _, _ =	vpop (xrf2);
	v50 =	vadd.f32 v46, v44;
	(xrf2) =	vadd.scan.msk.f32 $0xffff, v12;
	v33 =	vld [tilespmem:s24+$0xFC10]  }
0xf5: {  	v35 =	vmul.f32 v63, v63;
	v18 =	vmul.f32 v63, v55;
	v14 =	vadd.f32 v25, v47;
	v10, _, _ =	vpop (xrf2);
	v13 =	vld [tilespmem:s23+$0xC010];
	(xrf2) =	vadd.scan.msk.f32 $0xffff, v20  }
0xf6: {  	v39 =	vbroadcast v26, $0xF;
	v46 =	vbroadcast v31, $0xF;
	v28 =	vadd.f32 v51, v49;
	v25, _, _ =	vpop (xrf2);
	(xrf2) =	vadd.scan.msk.f32 $0xffff, v50;
	v17 =	vld [tilespmem:s25+$0x10000]  }
0xf7: {  	v55 =	vadd.f32 v52, v35;
	v29, _, _ =	vpop (xrf2);
	v35 =	vld [tilespmem:s25+$0x10010];
	v54 =	vmul.f32 v42, v42;
	v22 =	vmul.f32 v48, v42  }
0xf8: {  	vm8 =	vmmov vm2;
	v12, _, _ =	vpop (xrf2);
	(xrf2) =	vadd.scan.msk.f32 $0xffff, v14;
	v56 =	vmul.f32 v45, v45;
	v57 =	vmul.f32 v48, v48  }
0xf9: {  	v18 =	vadd.f32 v53, v18;
	v53 =	vld [tilespmem:$0x1FFA0];
	(xrf2) =	vadd.scan.msk.f32 $0xffff, v28;
	v59, _, _ =	vpop (xrf2);
	v58 =	vmul.f32 v33, v33;
	v61 =	vmul.f32 v33, v45  }
0xfa: {  	v49 =	vbroadcast v24, $0xF;
	v50 =	vld [tilespmem:$0x1FFE0];
	(xrf2) =	vadd.scan.msk.f32 $0xffff, v55;
	v36 =	vmul.f32 v11, v11;
	v62, _, _ =	vpop (xrf2);
	v60 =	vadd.f32 v56, v54  }
0xfb: {  	v37 =	vmul.f32 v13, v13;
	(xrf2) =	vadd.scan.msk.f32 $0xffff, v18;
	v48 =	vld [tilespmem:$0x1FFD0];
	v63 =	vadd.f32 v58, v57;
	v16 =	vadd.f32 v61, v22;
	v22, _, _ =	vpop (xrf2)  }
0xfc: {  	vm6 =	vnez.u8 v38;
	v43 =	vmul.f32 v35, v35;
	v42 =	vmul.f32 v17, v17;
	(xrf2) =	vadd.scan.msk.f32 $0xffff, v60;
	v40, _, _ =	vpop (xrf2)  }
0xfd: {  	v51 =	vbroadcast v34, $0xF;
	v7 =	vsel vm6, v7, v15;
	v41 =	vadd.f32 v37, v36;
	(xrf2) =	vadd.scan.msk.f32 $0xffff, v63;
	v44, _, _ =	vpop (xrf2)  }
0xfe: {  	v8 =	vsel vm6, v8, v39;
	vm0 =	vnez.u8 v53;
	v26 =	vadd.f32 v43, v42;
	(xrf2) =	vadd.scan.msk.f32 $0xffff, v16;
	v28, _, _ =	vpop (xrf2)  }
0xff: {  	v55 =	vbroadcast v29, $0xF;
	vm3 =	vnez.u8 v50;
	v45 =	vbroadcast v21, $0xF;
	(xrf2) =	vadd.scan.msk.f32 $0xffff, v41;
	v47, _, _ =	vpop (xrf2)  }
0x100: {  	v20 =	vbroadcast v62, $0xF;
	v54 =	vbroadcast v25, $0xF;
	vm2 =	vnez.u8 v48;
	v52, _, _ =	vpop (xrf2);
	(xrf2) =	vadd.scan.msk.f32 $0xffff, v26  }
0x101: {  	v57 =	vbroadcast v59, $0xF;
	v7 =	vsel vm2, v7, v45;
	v8 =	vsel vm2, v8, v19  }
0x102: {  	v14 =	vbroadcast v40, $0xF;
	v7 =	vsel vm3, v7, v46;
	v8 =	vsel vm3, v8, v27;
	v24, _, _ =	vpop (xrf2)  }
0x103: {  	v61 =	vbroadcast v44, $0xF;
	v7 =	vsel vm0, v7, v49;
	v8 =	vsel vm0, v8, v51;
	v56, _, _ =	vpop (xrf2)  }
0x104: {  	v7 =	vsel vm9, v7, v54;
	v8 =	vsel vm9, v8, v55;
	v18 =	vbroadcast v47, $0xF;
	v58, _, _ =	vpop (xrf2)  }
0x105: {  	v7 =	vsel vm10, v7, v57;
	v8 =	vsel vm10, v8, v20;
	v25 =	vbroadcast v52, $0xF;
	v59, _, _ =	vpop (xrf2)  }
0x106: {  	v7 =	vsel vm11, v7, v14;
	v8 =	vsel vm11, v8, v61;
	v62 =	vbroadcast v56, $0xF;
	v60, _, _ =	vpop (xrf2)  }
0x107: {  	v7 =	vsel vm12, v7, v18;
	v27 =	vbroadcast v58, $0xF;
	v63, _, _ =	vpop (xrf2);
	v19 =	vbroadcast v60, $0xF  }
0x108: {  	v8 =	vsel vm12, v8, v25;
	v7 =	vsel vm13, v7, v62;
	v26, _, _ =	vpop (xrf2);
	v30 =	vbroadcast v63, $0xF  }
0x109: {  	v8 =	vsel vm13, v8, v27;
	v29, _, _ =	vpop (xrf2);
	v7 =	vsel vm14, v7, v19  }
0x10a: {  	v7 =	vsel vm7, v7, v29;
	v8 =	vsel vm14, v8, v30;
	v31, _, _ =	vpop (xrf2)  }
0x10b: {  	v15 =	vshrl.u32 v7, $0x1;
	v32 =	vmul.f32 $5.000000000e-01, v7;
	v8 =	vsel vm7, v8, v31  }
0x10c: {  	v33 =	vsub.s32 $0x5F3759DF, v15;
	v34 =	vshrl.u32 v8, $0x1;
	v36 =	vmul.f32 $5.000000000e-01, v8  }
0x10d: {  	v15 =	vmul.f32 v33, v32;
	v19 =	vsub.s32 $0x5F3759DF, v34  }
0x10e: {  	v37 =	vmul.f32 v19, v36  }
0x10f: {  	v15 =	vmul.f32 v33, v15  }
0x110: {  	v23 =	vmul.f32 v19, v37  }
0x111: {  	v15 =	vsub.f32 $1.500000000e+00, v15  }
0x112: {  	v38 =	vsub.f32 $1.500000000e+00, v23  }
0x113: {  	v14 =	vmul.f32 v33, v15  }
0x114: {  	v15 =	vmul.f32 v19, v38  }
0x115: {  	v39 =	vmul.f32 v14, v32  }
0x116: {  	v41 =	vmul.f32 v15, v36  }
0x117: {  	v40 =	vmul.f32 v39, v14  }
0x118: {  	v23 =	vmul.f32 v41, v15  }
0x119: {  	v19 =	vsub.f32 $1.500000000e+00, v40  }
0x11a: {  	v42 =	vsub.f32 $1.500000000e+00, v23  }
0x11b: {  	v14 =	vmul.f32 v19, v14  }
0x11c: {  	v15 =	vmul.f32 v42, v15  }
0x11d: {  	v18 =	vmul.f32 v14, v32  }
0x11e: {  	v19 =	vmul.f32 v15, v36  }
0x11f: {  	v18 =	vmul.f32 v18, v14  }
0x120: {  	v19 =	vmul.f32 v19, v15  }
0x121: {  	v18 =	vsub.f32 $1.500000000e+00, v18  }
0x122: {  	v43 =	vsub.f32 $1.500000000e+00, v19  }
0x123: {  	v0 =	vbroadcast v0, $0xF;
	v14 =	vmul.f32 v18, v14  }
0x124: {  	v1 =	vbroadcast v1, $0xF;
	v15 =	vmul.f32 v43, v15  }
0x125: {  	v44 =	vmul.f32 v14, v7  }
0x126: {  	v0 =	vsel vm1, v0, v1;
	v2 =	vbroadcast v2, $0xF;
	v45 =	vmul.f32 v15, v8  }
0x127: {  	v46 =	vmul.f32 v17, v11;
	v47 =	vmul.f32 v35, v13;
	v48 =	vadd.f32 $1.000000010e-07, v44  }
0x128: {  	v0 =	vsel vm8, v0, v2;
	v3 =	vbroadcast v3, $0xF;
	v50 =	vadd.f32 $1.000000010e-07, v45  }
0x129: {  	v49 =	vbroadcast v4, $0xF;
	v7 =	vadd.f32 v47, v46;
	(erf) = vrcp.f32 v48  }
0x12a: {  	v0 =	vsel vm4, v0, v3;
	v5 =	vbroadcast v5, $0xF;
	(erf) = vrcp.f32 v50  }
0x12b: {  	v51 =	vbroadcast v6, $0xF;
	v0 =	vsel vm5, v0, v49;
	(xrf2) =	vadd.scan.msk.f32 $0xffff, v7  }
0x12c: {  	v52 =	vbroadcast v9, $0xF;
	v0 =	vsel vm6, v0, v5  }
0x12d: {  	v53 =	vbroadcast v10, $0xF;
	v0 =	vsel vm2, v0, v51  }
0x12e: {  	v54 =	vbroadcast v12, $0xF;
	v0 =	vsel vm3, v0, v52  }
0x12f: {  	v55 =	vbroadcast v22, $0xF;
	v0 =	vsel vm0, v0, v53  }
0x130: {  	v56 =	vbroadcast v28, $0xF;
	v0 =	vsel vm9, v0, v54  }
0x131: {  	v57 =	vbroadcast v24, $0xF;
	v0 =	vsel vm10, v0, v55  }
0x132: {  	v59 =	vbroadcast v59, $0xF;
	v0 =	vsel vm11, v0, v56;
	v60 =	vbroadcast v26, $0xF;
	v58 =	vpop (erf)  }
0x133: {  	s21 =	sadd.s32 $0x80, s21;
	v0 =	vsel vm12, v0, v57;
	vm0 =	vgt.f32 v44, $1.000000000e+00;
	vm15 =	vgt.f32 v45, $1.000000000e+00;
	v61 =	vpop (erf)  }
0x134: {  	p0 =	sne.s32 s21, $0x800;
	v0 =	vsel vm13, v0, v59;
	v62 =	vnsel vm0, $0x3F800000, v58;
	v1 =	vnsel vm15, $0x3F800000, v61  }
.Ltmp3:
0x135: {  	v0 =	vsel vm14, v0, v60;
	v63, _, _ =	vpop (xrf2);
	v1 =	vmul.f32 v1, v62;
	(pc) =	sbr.rel @!p0 .LBB2_5-.Ltmp3, $3  }
0x136: {  	v0 =	vsel vm7, v0, v63  }
0x137: {  	v0 =	vmul.f32 v1, v0;
	_ =	sdelay $0x1  }
0x138: {  	vm0 =	vmmov vm1;
	vm1 =	vmmov vm4;
	vm15 =	vmmov vm8;
	[tilespmem:s22+$0x10410] =	vst v0  }
.LBB2_2:
0x139: {  	s22 =	sshra.s32 s21, $0x2  }
0x13a: {  	v0 =	vld [tilespmem:s22+$0x10];
	_ =	sdelay $0x3  }
0x13b: {  	v2 =	vld [tilespmem:s22+$0x210]  }
0x13c: {  	v0 =	vshrl.u32 v0, $0x3  }
0x13d: {  	v1 =	vshll.u32 v0, $0x7  }
0x13e: {  	(v2sf) =	vpush v1, $0x0;
	_ =	sdelay $0x1  }
0x13f: {  	v35 =	vshrl.u32 v2, $0x3  }
0x140: {  	v0 =	vshll.u32 v35, $0x7  }
0x141: {  	(v2sf) =	vpush v0, $0x0;
	_ =	sdelay $0x1  }
0x142: {  	(v2sf) =	vpush v1, $0x1;
	_ =	sdelay $0x2  }
0x143: {  	(v2sf) =	vpush v0, $0x1;
	_ =	sdelay $0x2  }
0x144: {  	(v2sf) =	vpush v1, $0x2;
	_ =	sdelay $0x2  }
0x145: {  	(v2sf) =	vpush v0, $0x2;
	s23 =	spop (v2sf)  }
0x146: {  	s23 =	sand.u32 $0x1FFFFF80, s23  }
0x147: {  	s24 =	simm.s32 $0x8400;
	s23 =	sadd.s32 s3, s23  }
0x148: {  	(v2sf) =	vpush v1, $0x3;
	[tilespmem:s24], [sflag:$0x2] =	stream.linear.gather [hbm4b:s23+s1], $0x400, $0x38;
	[tilespmem:$0x10600] =	vst v63  }
0x149: {  	s24 =	spop (v2sf)  }
0x14a: {  	s23 =	sand.u32 $0x1FFFFF80, s24  }
0x14b: {  	s25 =	simm.s32 $0xC400;
	(v2sf) =	vpush v0, $0x3;
	s24 =	spop (v2sf);
	s23 =	sadd.s32 s4, s23  }
0x14c: {  	[tilespmem:s25], [sflag:$0x2] =	stream.linear.gather [hbm4b:s23+s1], $0x400, $0x38;
	[tilespmem:$0x10600] =	vst v63  }
0x14d: {  	s23 =	sand.u32 $0x1FFFFF80, s24  }
0x14e: {  	(v2sf) =	vpush v1, $0x4;
	s25 =	simm.s32 $0x8800;
	s24 =	spop (v2sf);
	s23 =	sadd.s32 s3, s23  }
0x14f: {  	[tilespmem:s25], [sflag:$0x2] =	stream.linear.gather [hbm4b:s23+s1], $0x400, $0x38;
	[tilespmem:$0x10600] =	vst v63  }
0x150: {  	s23 =	sand.u32 $0x1FFFFF80, s24  }
0x151: {  	s25 =	simm.s32 $0xC800;
	s24 =	spop (v2sf);
	s23 =	sadd.s32 s4, s23  }
0x152: {  	[tilespmem:s25], [sflag:$0x2] =	stream.linear.gather [hbm4b:s23+s1], $0x400, $0x38;
	[tilespmem:$0x10600] =	vst v63  }
0x153: {  	(v2sf) =	vpush v0, $0x4;
	s23 =	sand.u32 $0x1FFFFF80, s24  }
0x154: {  	s25 =	simm.s32 $0x8C00;
	s24 =	spop (v2sf);
	s23 =	sadd.s32 s3, s23  }
0x155: {  	(v2sf) =	vpush v1, $0x5;
	[tilespmem:s25], [sflag:$0x2] =	stream.linear.gather [hbm4b:s23+s1], $0x400, $0x38;
	[tilespmem:$0x10600] =	vst v63  }
0x156: {  	s23 =	sand.u32 $0x1FFFFF80, s24  }
0x157: {  	s25 =	simm.s32 $0xCC00;
	s24 =	spop (v2sf);
	s23 =	sadd.s32 s4, s23  }
0x158: {  	[tilespmem:s25], [sflag:$0x2] =	stream.linear.gather [hbm4b:s23+s1], $0x400, $0x38;
	[tilespmem:$0x10600] =	vst v63  }
0x159: {  	s23 =	sand.u32 $0x1FFFFF80, s24  }
0x15a: {  	(v2sf) =	vpush v0, $0x5;
	s25 =	simm.s32 $0x9000;
	s24 =	spop (v2sf);
	s23 =	sadd.s32 s3, s23  }
0x15b: {  	[tilespmem:s25], [sflag:$0x2] =	stream.linear.gather [hbm4b:s23+s1], $0x400, $0x38;
	[tilespmem:$0x10600] =	vst v63  }
0x15c: {  	(v2sf) =	vpush v1, $0x6;
	s23 =	sand.u32 $0x1FFFFF80, s24  }
0x15d: {  	s25 =	simm.s32 $0xD000;
	s24 =	spop (v2sf);
	s23 =	sadd.s32 s4, s23  }
0x15e: {  	[tilespmem:s25], [sflag:$0x2] =	stream.linear.gather [hbm4b:s23+s1], $0x400, $0x38;
	[tilespmem:$0x10600] =	vst v63  }
0x15f: {  	(v2sf) =	vpush v0, $0x6;
	s23 =	sand.u32 $0x1FFFFF80, s24  }
0x160: {  	s25 =	simm.s32 $0x9400;
	s23 =	sadd.s32 s3, s23  }
0x161: {  	[tilespmem:s25], [sflag:$0x2] =	stream.linear.gather [hbm4b:s23+s1], $0x400, $0x38;
	[tilespmem:$0x10600] =	vst v63  }
0x162: {  	s24 =	spop (v2sf)  }
0x163: {  	s23 =	sand.u32 $0x1FFFFF80, s24  }
0x164: {  	s25 =	simm.s32 $0xD400;
	(v2sf) =	vpush v1, $0x7;
	s23 =	sadd.s32 s4, s23;
	s24 =	spop (v2sf)  }
0x165: {  	[tilespmem:s25], [sflag:$0x2] =	stream.linear.gather [hbm4b:s23+s1], $0x400, $0x38;
	[tilespmem:$0x10600] =	vst v63  }
0x166: {  	(v2sf) =	vpush v0, $0x7;
	s23 =	sand.u32 $0x1FFFFF80, s24  }
0x167: {  	s25 =	simm.s32 $0x9800;
	s23 =	sadd.s32 s3, s23  }
0x168: {  	[tilespmem:s25], [sflag:$0x2] =	stream.linear.gather [hbm4b:s23+s1], $0x400, $0x38;
	[tilespmem:$0x10600] =	vst v63  }
0x169: {  	s25 =	spop (v2sf)  }
0x16a: {  	s23 =	sand.u32 $0x1FFFFF80, s25  }
0x16b: {  	(v2sf) =	vpush v1, $0x8;
	s24 =	spop (v2sf);
	s23 =	sadd.s32 s4, s23  }
0x16c: {  	[tilespmem:s26], [sflag:$0x2] =	stream.linear.gather [hbm4b:s23+s1], $0x400, $0x38;
	[tilespmem:$0x10600] =	vst v63  }
0x16d: {  	(v2sf) =	vpush v0, $0x8;
	s23 =	sand.u32 $0x1FFFFF80, s24  }
0x16e: {  	s25 =	spop (v2sf);
	s23 =	sadd.s32 s3, s23  }
0x16f: {  	[tilespmem:s28], [sflag:$0x2] =	stream.linear.gather [hbm4b:s23+s1], $0x400, $0x38;
	[tilespmem:$0x10600] =	vst v63  }
0x170: {  	(v2sf) =	vpush v1, $0x9;
	s23 =	sand.u32 $0x1FFFFF80, s25  }
0x171: {  	s23 =	sadd.s32 s4, s23  }
0x172: {  	[tilespmem:s29], [sflag:$0x2] =	stream.linear.gather [hbm4b:s23+s1], $0x400, $0x38;
	[tilespmem:$0x10600] =	vst v63  }
0x173: {  	s24 =	spop (v2sf)  }
0x174: {  	s23 =	sand.u32 $0x1FFFFF80, s24  }
0x175: {  	(v2sf) =	vpush v0, $0x9;
	s23 =	sadd.s32 s3, s23;
	s25 =	spop (v2sf)  }
0x176: {  	[tilespmem:s30], [sflag:$0x2] =	stream.linear.gather [hbm4b:s23+s1], $0x400, $0x38;
	[tilespmem:$0x10600] =	vst v63  }
0x177: {  	(v2sf) =	vpush v1, $0xA;
	s23 =	sand.u32 $0x1FFFFF80, s25  }
0x178: {  	s23 =	sadd.s32 s4, s23  }
0x179: {  	[tilespmem:s31], [sflag:$0x2] =	stream.linear.gather [hbm4b:s23+s1], $0x400, $0x38;
	[tilespmem:$0x10600] =	vst v63  }
0x17a: {  	s24 =	spop (v2sf)  }
0x17b: {  	s23 =	sand.u32 $0x1FFFFF80, s24  }
0x17c: {  	(v2sf) =	vpush v0, $0xA;
	s25 =	spop (v2sf);
	s23 =	sadd.s32 s3, s23  }
0x17d: {  	[tilespmem:s0], [sflag:$0x2] =	stream.linear.gather [hbm4b:s23+s1], $0x400, $0x38;
	[tilespmem:$0x10600] =	vst v63  }
0x17e: {  	(v2sf) =	vpush v1, $0xB;
	s23 =	sand.u32 $0x1FFFFF80, s25  }
0x17f: {  	s24 =	spop (v2sf);
	s23 =	sadd.s32 s4, s23  }
0x180: {  	[tilespmem:s2], [sflag:$0x2] =	stream.linear.gather [hbm4b:s23+s1], $0x400, $0x38;
	[tilespmem:$0x10600] =	vst v63  }
0x181: {  	(v2sf) =	vpush v0, $0xB;
	s23 =	sand.u32 $0x1FFFFF80, s24  }
0x182: {  	s23 =	sadd.s32 s3, s23  }
0x183: {  	[tilespmem:s10], [sflag:$0x2] =	stream.linear.gather [hbm4b:s23+s1], $0x400, $0x38;
	[tilespmem:$0x10600] =	vst v63  }
0x184: {  	s25 =	spop (v2sf)  }
0x185: {  	s23 =	sand.u32 $0x1FFFFF80, s25  }
0x186: {  	(v2sf) =	vpush v1, $0xC;
	s23 =	sadd.s32 s4, s23;
	s24 =	spop (v2sf)  }
0x187: {  	[tilespmem:s5], [sflag:$0x2] =	stream.linear.gather [hbm4b:s23+s1], $0x400, $0x38;
	[tilespmem:$0x10600] =	vst v63  }
0x188: {  	(v2sf) =	vpush v0, $0xC;
	s23 =	sand.u32 $0x1FFFFF80, s24  }
0x189: {  	s23 =	sadd.s32 s3, s23  }
0x18a: {  	[tilespmem:s6], [sflag:$0x2] =	stream.linear.gather [hbm4b:s23+s1], $0x400, $0x38;
	[tilespmem:$0x10600] =	vst v63  }
0x18b: {  	s25 =	spop (v2sf)  }
0x18c: {  	s23 =	sand.u32 $0x1FFFFF80, s25  }
0x18d: {  	(v2sf) =	vpush v1, $0xD;
	s24 =	spop (v2sf);
	s23 =	sadd.s32 s4, s23  }
0x18e: {  	[tilespmem:s7], [sflag:$0x2] =	stream.linear.gather [hbm4b:s23+s1], $0x400, $0x38;
	[tilespmem:$0x10600] =	vst v63  }
0x18f: {  	(v2sf) =	vpush v0, $0xD;
	s23 =	sand.u32 $0x1FFFFF80, s24  }
0x190: {  	s25 =	spop (v2sf);
	s23 =	sadd.s32 s3, s23  }
0x191: {  	[tilespmem:s8], [sflag:$0x2] =	stream.linear.gather [hbm4b:s23+s1], $0x400, $0x38;
	[tilespmem:$0x10600] =	vst v63  }
0x192: {  	(v2sf) =	vpush v1, $0xE;
	s23 =	sand.u32 $0x1FFFFF80, s25  }
0x193: {  	s23 =	sadd.s32 s4, s23  }
0x194: {  	[tilespmem:s9], [sflag:$0x2] =	stream.linear.gather [hbm4b:s23+s1], $0x400, $0x38;
	[tilespmem:$0x10600] =	vst v63  }
0x195: {  	s24 =	spop (v2sf)  }
0x196: {  	s23 =	sand.u32 $0x1FFFFF80, s24  }
0x197: {  	(v2sf) =	vpush v0, $0xE;
	s23 =	sadd.s32 s3, s23;
	s25 =	spop (v2sf)  }
0x198: {  	[tilespmem:s11], [sflag:$0x2] =	stream.linear.gather [hbm4b:s23+s1], $0x400, $0x38;
	[tilespmem:$0x10600] =	vst v63  }
0x199: {  	(v2sf) =	vpush v1, $0xF;
	s23 =	sand.u32 $0x1FFFFF80, s25  }
0x19a: {  	s23 =	sadd.s32 s4, s23  }
0x19b: {  	[tilespmem:s12], [sflag:$0x2] =	stream.linear.gather [hbm4b:s23+s1], $0x400, $0x38;
	[tilespmem:$0x10600] =	vst v63  }
0x19c: {  	s24 =	spop (v2sf)  }
0x19d: {  	s23 =	sand.u32 $0x1FFFFF80, s24  }
0x19e: {  	(v2sf) =	vpush v0, $0xF;
	s25 =	spop (v2sf);
	s23 =	sadd.s32 s3, s23  }
0x19f: {  	[tilespmem:s13], [sflag:$0x2] =	stream.linear.gather [hbm4b:s23+s1], $0x400, $0x38;
	[tilespmem:$0x10600] =	vst v63  }
0x1a0: {  	s23 =	sand.u32 $0x1FFFFF80, s25  }
0x1a1: {  	s24 =	spop (v2sf);
	s23 =	sadd.s32 s4, s23  }
0x1a2: {  	[tilespmem:s14], [sflag:$0x2] =	stream.linear.gather [hbm4b:s23+s1], $0x400, $0x38;
	[tilespmem:$0x10600] =	vst v63  }
0x1a3: {  	s23 =	sand.u32 $0x1FFFFF80, s24  }
0x1a4: {  	s23 =	sadd.s32 s3, s23  }
0x1a5: {  	[tilespmem:s15], [sflag:$0x2] =	stream.linear.gather [hbm4b:s23+s1], $0x400, $0x38;
	[tilespmem:$0x10600] =	vst v63  }
0x1a6: {  	s25 =	spop (v2sf)  }
0x1a7: {  	s23 =	sand.u32 $0x1FFFFF80, s25  }
0x1a8: {  	s23 =	sadd.s32 s4, s23;
	s24 =	spop (v2sf)  }
0x1a9: {  	[tilespmem:s16], [sflag:$0x2] =	stream.linear.gather [hbm4b:s23+s1], $0x400, $0x38;
	[tilespmem:$0x10600] =	vst v63  }
0x1aa: {  	s23 =	sand.u32 $0x1FFFFF80, s24  }
0x1ab: {  	s23 =	sadd.s32 s3, s23  }
0x1ac: {  	[tilespmem:s17], [sflag:$0x2] =	stream.linear.gather [hbm4b:s23+s1], $0x400, $0x38;
	[tilespmem:$0x10600] =	vst v63  }
0x1ad: {  	s25 =	spop (v2sf)  }
0x1ae: {  	s23 =	sand.u32 $0x1FFFFF80, s25  }
0x1af: {  	s23 =	sadd.s32 s4, s23  }
0x1b0: {  	[tilespmem:s18], [sflag:$0x2] =	stream.linear.gather [hbm4b:s23+s1], $0x400, $0x38;
	[tilespmem:$0x10600] =	vst v63  }
0x1b1: {  	_ =	swait.ge [sflag:s19], $0x4000  }
0x1b2: {  	[sflag:s19] =	ssyncset.done $0x0  }
0x1b3: {  	[sflag:s19] =	ssyncadd.s32 $0xFFFFC000  }
0x1b4: {  	_ =	swait.ge [sflag:s19], $0x4000  }
0x1b5: {  	[sflag:s19] =	ssyncset.done $0x0  }
0x1b6: {  	[sflag:s19] =	ssyncadd.s32 $0xFFFFC000  }
0x1b7: {  	v36 =	vld [tilespmem:s22+$0x0];
	_ =	sdelay $0x1  }
0x1b8: {  	v37 =	vld [tilespmem:s22+$0x200];
	_ =	sdelay $0x2  }
0x1b9: {  	v0 =	vand.u32 $0x7, v36  }
0x1ba: {  	v5 =	vshll.u32 v0, $0x7  }
0x1bb: {  	v38 =	vand.u32 $0x7, v37;
	(v2sf) =	vpush v5, $0x1  }
0x1bc: {  	v4 =	vshll.u32 v38, $0x7;
	(v2sf) =	vpush v5, $0x0  }
0x1bd: {  	(v2sf) =	vpush v4, $0x1  }
0x1be: {  	(v2sf) =	vpush v4, $0x0;
	_ =	sdelay $0x7  }
0x1bf: {  	(v2sf) =	vpush v5, $0x3;
	_ =	sdelay $0x1  }
0x1c0: {  	(v2sf) =	vpush v5, $0x2;
	_ =	sdelay $0x1  }
0x1c1: {  	(v2sf) =	vpush v4, $0x3;
	s23 =	spop (v2sf)  }
0x1c2: {  	(v2sf) =	vpush v4, $0x2;
	s24 =	spop (v2sf)  }
0x1c3: {  	(v2sf) =	vpush v5, $0x5;
	v39 =	vld [tilespmem:s24+$0x400];
	s25 =	spop (v2sf)  }
0x1c4: {  	v40 =	vld [tilespmem:s24+$0x410];
	s24 =	spop (v2sf);
	(v2sf) =	vpush v5, $0x4  }
0x1c5: {  	(v2sf) =	vpush v4, $0x5;
	_ =	sdelay $0x1  }
0x1c6: {  	v6 =	vld [tilespmem:s23+$0x800]  }
0x1c7: {  	v7 =	vld [tilespmem:s23+$0x810]  }
0x1c8: {  	v8 =	vld [tilespmem:s25+$0x4800]  }
0x1c9: {  	v9 =	vld [tilespmem:s25+$0x4810]  }
0x1ca: {  	v41 =	vld [tilespmem:s24+$0x4400];
	(v2sf) =	vpush v4, $0x4  }
0x1cb: {  	v3 =	vld [tilespmem:s24+$0x4410];
	s23 =	spop (v2sf)  }
0x1cc: {  	v17 =	vld [tilespmem:s23+$0x1000]  }
0x1cd: {  	s24 =	spop (v2sf);
	v48 =	vld [tilespmem:s23+$0x1010]  }
0x1ce: {  	v12 =	vld [tilespmem:s24+$0xC00]  }
0x1cf: {  	s25 =	spop (v2sf);
	v15 =	vld [tilespmem:s24+$0xC10];
	(v2sf) =	vpush v5, $0x7;
	v10 =	vmul.f32 v39, v39;
	v11 =	vmul.f32 v40, v40  }
0x1d0: {  	v44 =	vmul.f32 v6, v6;
	s24 =	spop (v2sf);
	v49 =	vld [tilespmem:s25+$0x5000];
	(v2sf) =	vpush v5, $0x6  }
0x1d1: {  	v42 =	vld [tilespmem:s24+$0x4C00];
	v13 =	vmul.f32 v41, v41;
	v14 =	vmul.f32 v3, v3;
	v10 =	vadd.f32 v11, v10;
	s23 =	spop (v2sf)  }
0x1d2: {  	v46 =	vld [tilespmem:s24+$0x4C10];
	v0 =	vmul.f32 v41, v39;
	v1 =	vmul.f32 v3, v40;
	s24 =	spop (v2sf);
	(v2sf) =	vpush v4, $0x7  }
0x1d3: {  	v45 =	vmul.f32 v7, v7;
	v50 =	vld [tilespmem:s25+$0x5010];
	v43 =	vadd.f32 v14, v13;
	s25 =	spop (v2sf);
	(v2sf) =	vpush v4, $0x6  }
0x1d4: {  	v6 =	vmul.f32 v8, v6;
	v7 =	vmul.f32 v9, v7;
	v0 =	vadd.f32 v1, v0;
	(xrf2) =	vadd.scan.msk.f32 $0xffff, v10  }
0x1d5: {  	v47 =	vmul.f32 v8, v8;
	v16 =	vmul.f32 v9, v9;
	v11 =	vadd.f32 v45, v44;
	(xrf2) =	vadd.scan.msk.f32 $0xffff, v43  }
0x1d6: {  	v6 =	vadd.f32 v7, v6;
	v51 =	vmul.f32 v12, v12;
	v52 =	vmul.f32 v15, v15;
	(xrf2) =	vadd.scan.msk.f32 $0xffff, v0  }
0x1d7: {  	v58 =	vmul.f32 v17, v17;
	v59 =	vmul.f32 v48, v48;
	v1 =	vadd.f32 v16, v47;
	v55 =	vld [tilespmem:s24+$0x1400]  }
0x1d8: {  	v53 =	vmul.f32 v42, v42;
	v54 =	vmul.f32 v46, v46;
	v3 =	vadd.f32 v52, v51;
	(xrf2) =	vadd.scan.msk.f32 $0xffff, v11;
	v57 =	vld [tilespmem:s24+$0x1410]  }
0x1d9: {  	v2 =	vmul.f32 v42, v12;
	v56 =	vmul.f32 v46, v15;
	(xrf2) =	vadd.scan.msk.f32 $0xffff, v1;
	v35 =	vld [tilespmem:s23+$0x1800];
	s24 =	spop (v2sf);
	(v2sf) =	vpush v5, $0x9  }
0x1da: {  	v61 =	vmul.f32 v49, v49;
	v62 =	vmul.f32 v50, v50;
	v0 =	vadd.f32 v54, v53;
	v37 =	vld [tilespmem:s23+$0x1810];
	(xrf2) =	vadd.scan.msk.f32 $0xffff, v6  }
0x1db: {  	v25 =	vmul.f32 v49, v17;
	v2 =	vadd.f32 v56, v2;
	(xrf2) =	vadd.scan.msk.f32 $0xffff, v3;
	v39 =	vld [tilespmem:s25+$0x5800];
	(v2sf) =	vpush v5, $0x8  }
0x1dc: {  	v7 =	vmul.f32 v50, v48;
	v26 =	vadd.f32 v62, v61;
	v1 =	vadd.f32 v59, v58;
	(xrf2) =	vadd.scan.msk.f32 $0xffff, v0;
	v60 =	vld [tilespmem:s24+$0x5400]  }
0x1dd: {  	(xrf2) =	vadd.scan.msk.f32 $0xffff, v2;
	v63 =	vld [tilespmem:s24+$0x5410];
	(v2sf) =	vpush v4, $0x9;
	v28 =	vmul.f32 v55, v55;
	v29 =	vmul.f32 v57, v57  }
0x1de: {  	v27 =	vadd.f32 v7, v25;
	v40 =	vld [tilespmem:s25+$0x5810];
	(xrf2) =	vadd.scan.msk.f32 $0xffff, v1;
	v30, _, _ =	vpop (xrf2);
	(v2sf) =	vpush v4, $0x8  }
0x1df: {  	s23 =	spop (v2sf);
	(xrf2) =	vadd.scan.msk.f32 $0xffff, v26;
	v33, _, _ =	vpop (xrf2);
	v1 =	vadd.f32 v29, v28  }
0x1e0: {  	s24 =	spop (v2sf);
	v6 =	vbroadcast v30, $0xF;
	v26 =	vmul.f32 v35, v35;
	v0, _, _ =	vpop (xrf2);
	(xrf2) =	vadd.scan.msk.f32 $0xffff, v27;
	(v2sf) =	vpush v5, $0xB  }
0x1e1: {  	v18 =	vld [tilespmem:s24+$0x1C00];
	v9 =	vbroadcast v33, $0xF;
	v27 =	vmul.f32 v37, v37;
	(xrf2) =	vadd.scan.msk.f32 $0xffff, v1;
	s25 =	spop (v2sf);
	(v2sf) =	vpush v5, $0xA  }
0x1e2: {  	v20 =	vld [tilespmem:s24+$0x1C10];
	v36, _, _ =	vpop (xrf2);
	v31 =	vmul.f32 v60, v60;
	v32 =	vmul.f32 v63, v63;
	s24 =	spop (v2sf);
	(v2sf) =	vpush v4, $0xB  }
0x1e3: {  	v24 =	vld [tilespmem:s23+$0x2000];
	v53 =	vmul.f32 v39, v39;
	v54 =	vmul.f32 v40, v40;
	v38, _, _ =	vpop (xrf2)  }
0x1e4: {  	v46 =	vld [tilespmem:s23+$0x2010];
	v8 =	vmul.f32 v39, v35;
	v10 =	vmul.f32 v40, v37;
	v34 =	vadd.f32 v32, v31;
	v1, _, _ =	vpop (xrf2)  }
0x1e5: {  	v3 =	vbroadcast v36, $0xF;
	v13 =	vmul.f32 v60, v55;
	v41, _, _ =	vpop (xrf2);
	v47 =	vld [tilespmem:s25+$0x6000]  }
0x1e6: {  	v11 =	vmul.f32 v63, v57;
	v26 =	vadd.f32 v27, v26;
	v7 =	vbroadcast v38, $0xF;
	(xrf2) =	vadd.scan.msk.f32 $0xffff, v34;
	v19, _, _ =	vpop (xrf2);
	v49 =	vld [tilespmem:s25+$0x6010]  }
0x1e7: {  	v10 =	vadd.f32 v10, v8;
	v3 =	vsel vm0, v6, v3;
	v2, _, _ =	vpop (xrf2);
	v21 =	vld [tilespmem:s24+$0x5C00];
	(v2sf) =	vpush v4, $0xA  }
0x1e8: {  	v11 =	vadd.f32 v11, v13;
	v56 =	vmul.f32 v18, v18;
	v42 =	vbroadcast v41, $0xF;
	v22, _, _ =	vpop (xrf2);
	v23 =	vld [tilespmem:s24+$0x5C10];
	s23 =	spop (v2sf)  }
0x1e9: {  	v57 =	vmul.f32 v20, v20;
	v43 =	vbroadcast v19, $0xF;
	v44, _, _ =	vpop (xrf2);
	(v2sf) =	vpush v5, $0xD;
	v55 =	vld [tilespmem:s23+$0x2800]  }
0x1ea: {  	v7 =	vsel vm0, v9, v7;
	v6 =	vsel vm15, v3, v42;
	v45 =	vbroadcast v22, $0xF;
	v3, _, _ =	vpop (xrf2);
	s24 =	spop (v2sf);
	v58 =	vld [tilespmem:s23+$0x2810]  }
0x1eb: {  	v7 =	vsel vm15, v7, v43;
	v19 =	vbroadcast v44, $0xF;
	(xrf2) =	vadd.scan.msk.f32 $0xffff, v11;
	v51 =	vld [tilespmem:s24+$0x2400];
	(v2sf) =	vpush v5, $0xC;
	v48, _, _ =	vpop (xrf2)  }
0x1ec: {  	s25 =	spop (v2sf);
	v25 =	vld [tilespmem:s24+$0x2410];
	(xrf2) =	vadd.scan.msk.f32 $0xffff, v26;
	v26 =	vmul.f32 v24, v24;
	(v2sf) =	vpush v4, $0xD;
	v9 =	vbroadcast v48, $0xF  }
0x1ed: {  	s24 =	spop (v2sf);
	v32 =	vld [tilespmem:s25+$0x6800];
	(v2sf) =	vpush v4, $0xC;
	v35 =	vmul.f32 v49, v49;
	v36 =	vmul.f32 v47, v24  }
0x1ee: {  	v6 =	vsel vm1, v6, v45;
	v59 =	vld [tilespmem:s25+$0x6810];
	v38 =	vmul.f32 v49, v46;
	v30 =	vmul.f32 v21, v21  }
0x1ef: {  	v17 =	vsel vm1, v7, v19;
	v28 =	vld [tilespmem:s24+$0x6400];
	s23 =	spop (v2sf);
	v31 =	vmul.f32 v23, v23;
	v61 =	vmul.f32 v21, v18  }
0x1f0: {  	v29 =	vld [tilespmem:s24+$0x6410];
	v50, _, _ =	vpop (xrf2);
	v7 =	vsel vm5, v6, v9;
	v6 =	vadd.f32 v54, v53;
	s24 =	spop (v2sf);
	(v2sf) =	vpush v5, $0xF  }
0x1f1: {  	v63 =	vmul.f32 v23, v20;
	v16 =	vld [tilespmem:s23+$0x3000];
	v52 =	vbroadcast v50, $0xF;
	s25 =	spop (v2sf);
	(v2sf) =	vpush v5, $0xE  }
0x1f2: {  	v20 =	vld [tilespmem:s23+$0x3010];
	v9 =	vadd.f32 v57, v56;
	v49 =	vmul.f32 v58, v58;
	(xrf2) =	vadd.scan.msk.f32 $0xffff, v6;
	(v2sf) =	vpush v4, $0xF  }
0x1f3: {  	v60 =	vadd.f32 v31, v30;
	v30 =	vmul.f32 v46, v46;
	(xrf2) =	vadd.scan.msk.f32 $0xffff, v10;
	v62 =	vld [tilespmem:s24+$0x2C00];
	(v2sf) =	vpush v4, $0xE  }
0x1f4: {  	v31 =	vmul.f32 v47, v47;
	v34 =	vadd.f32 v63, v61;
	v39 =	vmul.f32 v51, v51;
	(xrf2) =	vadd.scan.msk.f32 $0xffff, v9;
	v19 =	vld [tilespmem:s24+$0x2C10]  }
0x1f5: {  	v41 =	vmul.f32 v25, v25;
	v47 =	vmul.f32 v55, v55;
	v6 =	vadd.f32 v30, v26;
	(xrf2) =	vadd.scan.msk.f32 $0xffff, v60;
	v45 =	vld [tilespmem:s25+$0x7000]  }
0x1f6: {  	v8 =	vsel vm5, v17, v52;
	v50 =	vmul.f32 v32, v32;
	v40 =	vadd.f32 v35, v31;
	(xrf2) =	vadd.scan.msk.f32 $0xffff, v34;
	s24 =	spop (v2sf);
	v48 =	vld [tilespmem:s25+$0x7010]  }
0x1f7: {  	v42 =	vmul.f32 v28, v28;
	v43 =	vmul.f32 v29, v29;
	v9 =	vadd.f32 v38, v36;
	(xrf2) =	vadd.scan.msk.f32 $0xffff, v6;
	v33 =	vld [tilespmem:s24+$0x6C00]  }
0x1f8: {  	v44 =	vmul.f32 v28, v51;
	v46 =	vmul.f32 v29, v25;
	(xrf2) =	vadd.scan.msk.f32 $0xffff, v40;
	v5 =	vadd.f32 v41, v39;
	v37 =	vld [tilespmem:s24+$0x6C10];
	s23 =	spop (v2sf)  }
0x1f9: {  	v52 =	vmul.f32 v59, v59;
	v12 =	vmul.f32 v32, v55;
	v6 =	vadd.f32 v43, v42;
	(xrf2) =	vadd.scan.msk.f32 $0xffff, v9;
	v4, _, _ =	vpop (xrf2);
	v63 =	vld [tilespmem:s23+$0x3800]  }
0x1fa: {  	v54 =	vmul.f32 v59, v58;
	v35 =	vmul.f32 v16, v16;
	v10 =	vadd.f32 v46, v44;
	(xrf2) =	vadd.scan.msk.f32 $0xffff, v5;
	s24 =	spop (v2sf);
	v15, _, _ =	vpop (xrf2);
	v36 =	vld [tilespmem:s23+$0x3810]  }
0x1fb: {  	v53 =	vadd.f32 v49, v47;
	v38 =	vmul.f32 v20, v20;
	(xrf2) =	vadd.scan.msk.f32 $0xffff, v6;
	s25 =	spop (v2sf);
	v51 =	vld [tilespmem:s24+$0x3400];
	v15 =	vbroadcast v15, $0xF  }
0x1fc: {  	v57 =	vadd.f32 v52, v50;
	v25 =	vld [tilespmem:s24+$0x3410];
	v26, _, _ =	vpop (xrf2);
	(xrf2) =	vadd.scan.msk.f32 $0xffff, v10;
	s24 =	spop (v2sf);
	v55 =	vmul.f32 v62, v62;
	v58 =	vmul.f32 v19, v19  }
0x1fd: {  	v9 =	vadd.f32 v54, v12;
	v5, _, _ =	vpop (xrf2);
	(xrf2) =	vadd.scan.msk.f32 $0xffff, v53;
	v56 =	vld [tilespmem:s24+$0x7400];
	v59 =	vmul.f32 v33, v33;
	v61 =	vmul.f32 v37, v37  }
0x1fe: {  	v60 =	vld [tilespmem:s24+$0x7410];
	v21, _, _ =	vpop (xrf2);
	(xrf2) =	vadd.scan.msk.f32 $0xffff, v57;
	v62 =	vmul.f32 v33, v62;
	v33 =	vadd.f32 v58, v55;
	v34 =	vmul.f32 v37, v19  }
0x1ff: {  	v40 =	vld [tilespmem:s25+$0x7800];
	v39 =	vmul.f32 v45, v45;
	v41 =	vmul.f32 v48, v48;
	v19, _, _ =	vpop (xrf2);
	(xrf2) =	vadd.scan.msk.f32 $0xffff, v9;
	v37 =	vadd.f32 v61, v59;
	s23 =	spop (v2sf)  }
0x200: {  	v43 =	vld [tilespmem:s25+$0x7810];
	v42 =	vmul.f32 v45, v16;
	v20 =	vmul.f32 v48, v20;
	v6, _, _ =	vpop (xrf2);
	v11 =	vadd.f32 v34, v62;
	(xrf2) =	vadd.scan.msk.f32 $0xffff, v33;
	s24 =	spop (v2sf)  }
0x201: {  	v14 =	vadd.f32 v38, v35;
	v53 =	vmul.f32 v63, v63;
	v16, _, _ =	vpop (xrf2);
	v44 =	vmul.f32 v51, v51;
	(xrf2) =	vadd.scan.msk.f32 $0xffff, v37;
	s25 =	spop (v2sf);
	v45 =	vld [tilespmem:s24+$0x3C00]  }
0x202: {  	v10 =	vadd.f32 v41, v39;
	v46 =	vmul.f32 v25, v25;
	v31, _, _ =	vpop (xrf2);
	v47 =	vmul.f32 v56, v56;
	(xrf2) =	vadd.scan.msk.f32 $0xffff, v11;
	v48 =	vld [tilespmem:s24+$0x3C10];
	s24 =	spop (v2sf)  }
0x203: {  	v12 =	vadd.f32 v20, v42;
	v9, _, _ =	vpop (xrf2);
	v49 =	vmul.f32 v60, v60;
	v50 =	vmul.f32 v56, v51;
	(xrf2) =	vadd.scan.msk.f32 $0xffff, v14;
	v51 =	vld [tilespmem:s24+$0x7C00]  }
0x204: {  	v54 =	vmul.f32 v36, v36;
	v41 =	vbroadcast v26, $0xF;
	v23 =	vadd.f32 v46, v44;
	v33, _, _ =	vpop (xrf2);
	(xrf2) =	vadd.scan.msk.f32 $0xffff, v10;
	v11 =	vld [tilespmem:s23+$0x4000]  }
0x205: {  	v13 =	vmul.f32 v43, v36;
	v25 =	vmul.f32 v60, v25;
	v34, _, _ =	vpop (xrf2);
	v14 =	vadd.f32 v49, v47;
	(xrf2) =	vadd.scan.msk.f32 $0xffff, v12;
	v52 =	vld [tilespmem:s24+$0x7C10]  }
0x206: {  	v35 =	vmul.f32 v40, v40;
	v55 =	vmul.f32 v43, v43;
	v10, _, _ =	vpop (xrf2);
	v12 =	vld [tilespmem:s23+$0x4010];
	(xrf2) =	vadd.scan.msk.f32 $0xffff, v23  }
0x207: {  	v18 =	vmul.f32 v40, v63;
	v57 =	vadd.f32 v54, v53;
	v20 =	vadd.f32 v25, v50;
	v56, _, _ =	vpop (xrf2);
	(xrf2) =	vadd.scan.msk.f32 $0xffff, v14;
	v28 =	vld [tilespmem:s25+$0x8000]  }
0x208: {  	v60 =	vadd.f32 v55, v35;
	v59, _, _ =	vpop (xrf2);
	v29 =	vld [tilespmem:s25+$0x8010];
	v58 =	vmul.f32 v45, v45;
	v22 =	vmul.f32 v51, v45  }
0x209: {  	v18 =	vadd.f32 v13, v18;
	v13, _, _ =	vpop (xrf2);
	(xrf2) =	vadd.scan.msk.f32 $0xffff, v20;
	v61 =	vmul.f32 v48, v48;
	v62 =	vmul.f32 v51, v51  }
0x20a: {  	(xrf2) =	vadd.scan.msk.f32 $0xffff, v57;
	v36, _, _ =	vpop (xrf2);
	v63 =	vmul.f32 v52, v52;
	v37 =	vmul.f32 v52, v48  }
0x20b: {  	v19 =	vbroadcast v19, $0xF;
	v53 =	vld [tilespmem:$0x1FFA0];
	(xrf2) =	vadd.scan.msk.f32 $0xffff, v60;
	v39 =	vmul.f32 v11, v11;
	v38, _, _ =	vpop (xrf2);
	v17 =	vadd.f32 v61, v58  }
0x20c: {  	v40 =	vmul.f32 v12, v12;
	(xrf2) =	vadd.scan.msk.f32 $0xffff, v18;
	v14 =	vadd.f32 v63, v62;
	v20 =	vadd.f32 v37, v22;
	v22, _, _ =	vpop (xrf2)  }
0x20d: {  	v7 =	vsel vm6, v7, v15;
	v44 =	vmul.f32 v28, v28;
	v45 =	vmul.f32 v29, v29;
	(xrf2) =	vadd.scan.msk.f32 $0xffff, v17;
	v42, _, _ =	vpop (xrf2)  }
0x20e: {  	v8 =	vsel vm6, v8, v41;
	v47 =	vbroadcast v21, $0xF;
	v43 =	vadd.f32 v40, v39;
	(xrf2) =	vadd.scan.msk.f32 $0xffff, v14;
	v46, _, _ =	vpop (xrf2)  }
0x20f: {  	v16 =	vbroadcast v16, $0xF;
	v8 =	vsel vm2, v8, v19;
	v18 =	vadd.f32 v45, v44;
	(xrf2) =	vadd.scan.msk.f32 $0xffff, v20;
	v24, _, _ =	vpop (xrf2)  }
0x210: {  	v50 =	vbroadcast v33, $0xF;
	v7 =	vsel vm2, v7, v47;
	vm8 =	vnez.u8 v53;
	(xrf2) =	vadd.scan.msk.f32 $0xffff, v43;
	v49, _, _ =	vpop (xrf2)  }
0x211: {  	v7 =	vsel vm3, v7, v16;
	v54 =	vbroadcast v56, $0xF;
	v48 =	vbroadcast v31, $0xF;
	v52, _, _ =	vpop (xrf2);
	(xrf2) =	vadd.scan.msk.f32 $0xffff, v18  }
0x212: {  	v7 =	vsel vm8, v7, v50;
	v55 =	vbroadcast v59, $0xF;
	v51 =	vbroadcast v34, $0xF  }
0x213: {  	v7 =	vsel vm9, v7, v54;
	v57 =	vbroadcast v36, $0xF;
	v8 =	vsel vm3, v8, v48;
	v18, _, _ =	vpop (xrf2)  }
0x214: {  	v23 =	vbroadcast v38, $0xF;
	v8 =	vsel vm8, v8, v51;
	v17 =	vbroadcast v42, $0xF;
	v56, _, _ =	vpop (xrf2)  }
0x215: {  	v7 =	vsel vm10, v7, v57;
	v8 =	vsel vm9, v8, v55;
	v15 =	vbroadcast v46, $0xF;
	v58, _, _ =	vpop (xrf2)  }
0x216: {  	v8 =	vsel vm10, v8, v23;
	v7 =	vsel vm11, v7, v17;
	v14 =	vbroadcast v49, $0xF;
	v59, _, _ =	vpop (xrf2)  }
0x217: {  	v8 =	vsel vm11, v8, v15;
	v63 =	vbroadcast v52, $0xF;
	v61 =	vbroadcast v56, $0xF;
	v60, _, _ =	vpop (xrf2)  }
0x218: {  	v7 =	vsel vm12, v7, v14;
	v26 =	vbroadcast v58, $0xF;
	v62, _, _ =	vpop (xrf2);
	v16 =	vbroadcast v60, $0xF  }
0x219: {  	v8 =	vsel vm12, v8, v63;
	v7 =	vsel vm13, v7, v61;
	v25, _, _ =	vpop (xrf2);
	v30 =	vbroadcast v62, $0xF  }
0x21a: {  	v8 =	vsel vm13, v8, v26;
	v27, _, _ =	vpop (xrf2);
	v7 =	vsel vm14, v7, v16  }
0x21b: {  	v7 =	vsel vm7, v7, v27;
	v8 =	vsel vm14, v8, v30;
	v31, _, _ =	vpop (xrf2)  }
0x21c: {  	v32 =	vshrl.u32 v7, $0x1;
	v33 =	vmul.f32 $5.000000000e-01, v7;
	v8 =	vsel vm7, v8, v31  }
0x21d: {  	v34 =	vsub.s32 $0x5F3759DF, v32;
	v35 =	vshrl.u32 v8, $0x1;
	v36 =	vmul.f32 $5.000000000e-01, v8  }
0x21e: {  	v15 =	vmul.f32 v34, v33;
	v17 =	vsub.s32 $0x5F3759DF, v35  }
0x21f: {  	v37 =	vmul.f32 v17, v36  }
0x220: {  	v15 =	vmul.f32 v34, v15  }
0x221: {  	v23 =	vmul.f32 v17, v37  }
0x222: {  	v15 =	vsub.f32 $1.500000000e+00, v15  }
0x223: {  	v38 =	vsub.f32 $1.500000000e+00, v23  }
0x224: {  	v14 =	vmul.f32 v34, v15  }
0x225: {  	v15 =	vmul.f32 v17, v38  }
0x226: {  	v39 =	vmul.f32 v14, v33  }
0x227: {  	v41 =	vmul.f32 v15, v36  }
0x228: {  	v40 =	vmul.f32 v39, v14  }
0x229: {  	v23 =	vmul.f32 v41, v15  }
0x22a: {  	v17 =	vsub.f32 $1.500000000e+00, v40  }
0x22b: {  	v42 =	vsub.f32 $1.500000000e+00, v23  }
0x22c: {  	v14 =	vmul.f32 v17, v14  }
0x22d: {  	v0 =	vbroadcast v0, $0xF;
	v15 =	vmul.f32 v42, v15  }
0x22e: {  	v1 =	vbroadcast v1, $0xF;
	v16 =	vmul.f32 v14, v33  }
0x22f: {  	v2 =	vbroadcast v2, $0xF;
	v17 =	vmul.f32 v15, v36  }
0x230: {  	vm4 =	vmmov vm14;
	v3 =	vbroadcast v3, $0xF;
	v16 =	vmul.f32 v16, v14  }
0x231: {  	v0 =	vsel vm0, v0, v1;
	v5 =	vbroadcast v5, $0xF;
	v17 =	vmul.f32 v17, v15  }
0x232: {  	v53 =	vbroadcast v10, $0xF;
	v54 =	vbroadcast v13, $0xF;
	v16 =	vsub.f32 $1.500000000e+00, v16  }
0x233: {  	v47 =	vmul.f32 v29, v12;
	v51 =	vbroadcast v6, $0xF;
	v43 =	vsub.f32 $1.500000000e+00, v17  }
0x234: {  	v0 =	vsel vm15, v0, v2;
	v46 =	vmul.f32 v28, v11;
	v14 =	vmul.f32 v16, v14  }
0x235: {  	v49 =	vbroadcast v4, $0xF;
	vm14 =	vmmov vm13;
	v15 =	vmul.f32 v43, v15  }
0x236: {  	vm13 =	vmmov vm12;
	vm12 =	vmmov vm11;
	v44 =	vmul.f32 v14, v7  }
0x237: {  	vm11 =	vmmov vm10;
	vm10 =	vmmov vm9;
	v45 =	vmul.f32 v15, v8  }
0x238: {  	vm9 =	vmmov vm8;
	vm8 =	vmmov vm3;
	v48 =	vadd.f32 $1.000000010e-07, v44  }
0x239: {  	vm3 =	vmmov vm1;
	vm1 =	vmmov vm0;
	v50 =	vadd.f32 $1.000000010e-07, v45  }
0x23a: {  	vm0 =	vmmov vm5;
	v7 =	vadd.f32 v47, v46;
	(erf) = vrcp.f32 v48  }
0x23b: {  	vm5 =	vmmov vm6;
	v0 =	vsel vm3, v0, v3;
	(erf) = vrcp.f32 v50  }
0x23c: {  	v55 =	vbroadcast v22, $0xF;
	vm3 =	vmmov vm5;
	v0 =	vsel vm0, v0, v49;
	(xrf2) =	vadd.scan.msk.f32 $0xffff, v7  }
0x23d: {  	v52 =	vbroadcast v9, $0xF;
	vm6 =	vmmov vm2;
	v0 =	vsel vm3, v0, v5  }
0x23e: {  	v57 =	vbroadcast v18, $0xF;
	v56 =	vbroadcast v24, $0xF;
	v0 =	vsel vm6, v0, v51  }
0x23f: {  	vm5 =	vmmov vm0;
	vm0 =	vmmov vm9;
	v0 =	vsel vm8, v0, v52  }
0x240: {  	v59 =	vbroadcast v59, $0xF;
	vm9 =	vmmov vm10;
	v0 =	vsel vm0, v0, v53  }
0x241: {  	v60 =	vbroadcast v25, $0xF;
	vm10 =	vmmov vm11;
	v0 =	vsel vm9, v0, v54  }
0x242: {  	vm2 =	vmmov vm15;
	vm11 =	vmmov vm12;
	v0 =	vsel vm10, v0, v55  }
0x243: {  	vm12 =	vmmov vm13;
	vm13 =	vmmov vm14;
	v0 =	vsel vm11, v0, v56;
	v58 =	vpop (erf)  }
0x244: {  	v0 =	vsel vm12, v0, v57;
	vm15 =	vgt.f32 v44, $1.000000000e+00;
	vm0 =	vgt.f32 v45, $1.000000000e+00;
	v61 =	vpop (erf)  }
0x245: {  	p0 =	seq.s32 s21, $0x780;
	v0 =	vsel vm13, v0, v59;
	v62 =	vnsel vm15, $0x3F800000, v58;
	v1 =	vnsel vm0, $0x3F800000, v61  }
.Ltmp4:
0x246: {  	v0 =	vsel vm4, v0, v60;
	v63, _, _ =	vpop (xrf2);
	v1 =	vmul.f32 v1, v62;
	(pc) =	sbr.rel @p0 .LBB2_4-.Ltmp4, $3  }
0x247: {  	v0 =	vsel vm7, v0, v63  }
0x248: {  	v0 =	vmul.f32 v1, v0;
	_ =	sdelay $0x1  }
0x249: {  	vm14 =	vmmov vm4;
	[tilespmem:s22+$0x10400] =	vst v0  }
0x24a: {  	v0 =	vld [tilespmem:s22+$0x20];
	_ =	sdelay $0x3  }
0x24b: {  	v2 =	vld [tilespmem:s22+$0x220]  }
0x24c: {  	v0 =	vshrl.u32 v0, $0x3  }
0x24d: {  	v1 =	vshll.u32 v0, $0x7  }
0x24e: {  	(v2sf) =	vpush v1, $0x0;
	_ =	sdelay $0x1  }
0x24f: {  	v63 =	vshrl.u32 v2, $0x3  }
0x250: {  	v0 =	vshll.u32 v63, $0x7  }
0x251: {  	(v2sf) =	vpush v0, $0x0;
	_ =	sdelay $0x1  }
0x252: {  	(v2sf) =	vpush v1, $0x1;
	_ =	sdelay $0x2  }
0x253: {  	(v2sf) =	vpush v0, $0x1;
	_ =	sdelay $0x5  }
0x254: {  	s23 =	spop (v2sf);
	(v2sf) =	vpush v1, $0x2  }
0x255: {  	s23 =	sand.u32 $0x1FFFFF80, s23  }
0x256: {  	s24 =	simm.s32 $0x400;
	s23 =	sadd.s32 s3, s23  }
0x257: {  	[tilespmem:s24], [sflag:$0x1] =	stream.linear.gather [hbm4b:s23+s1], $0x400, $0x38;
	[tilespmem:$0x10600] =	vst v63  }
0x258: {  	s24 =	spop (v2sf);
	(v2sf) =	vpush v0, $0x2;
	_ =	sdelay $0x1  }
0x259: {  	s23 =	sand.u32 $0x1FFFFF80, s24;
	s24 =	spop (v2sf);
	(v2sf) =	vpush v1, $0x3  }
0x25a: {  	s25 =	simm.s32 $0x4400;
	s23 =	sadd.s32 s4, s23  }
0x25b: {  	[tilespmem:s25], [sflag:$0x1] =	stream.linear.gather [hbm4b:s23+s1], $0x400, $0x38;
	[tilespmem:$0x10600] =	vst v63  }
0x25c: {  	s23 =	sand.u32 $0x1FFFFF80, s24;
	s24 =	spop (v2sf);
	(v2sf) =	vpush v0, $0x3;
	_ =	sdelay $0x3  }
0x25d: {  	s25 =	simm.s32 $0x800;
	s23 =	sadd.s32 s3, s23  }
0x25e: {  	[tilespmem:s25], [sflag:$0x1] =	stream.linear.gather [hbm4b:s23+s1], $0x400, $0x38;
	[tilespmem:$0x10600] =	vst v63  }
0x25f: {  	s23 =	sand.u32 $0x1FFFFF80, s24;
	s24 =	spop (v2sf);
	(v2sf) =	vpush v1, $0x4  }
0x260: {  	s25 =	simm.s32 $0x4800;
	s23 =	sadd.s32 s4, s23  }
0x261: {  	[tilespmem:s25], [sflag:$0x1] =	stream.linear.gather [hbm4b:s23+s1], $0x400, $0x38;
	[tilespmem:$0x10600] =	vst v63  }
0x262: {  	s23 =	sand.u32 $0x1FFFFF80, s24  }
0x263: {  	s25 =	simm.s32 $0xC00;
	s23 =	sadd.s32 s3, s23;
	s24 =	spop (v2sf);
	(v2sf) =	vpush v0, $0x4  }
0x264: {  	[tilespmem:s25], [sflag:$0x1] =	stream.linear.gather [hbm4b:s23+s1], $0x400, $0x38;
	[tilespmem:$0x10600] =	vst v63  }
0x265: {  	s23 =	sand.u32 $0x1FFFFF80, s24;
	s24 =	spop (v2sf);
	(v2sf) =	vpush v1, $0x5  }
0x266: {  	s25 =	simm.s32 $0x4C00;
	s23 =	sadd.s32 s4, s23  }
0x267: {  	[tilespmem:s25], [sflag:$0x1] =	stream.linear.gather [hbm4b:s23+s1], $0x400, $0x38;
	[tilespmem:$0x10600] =	vst v63  }
0x268: {  	s23 =	sand.u32 $0x1FFFFF80, s24;
	s24 =	spop (v2sf);
	(v2sf) =	vpush v0, $0x5;
	_ =	sdelay $0x3  }
0x269: {  	s25 =	simm.s32 $0x1000;
	s23 =	sadd.s32 s3, s23  }
0x26a: {  	[tilespmem:s25], [sflag:$0x1] =	stream.linear.gather [hbm4b:s23+s1], $0x400, $0x38;
	[tilespmem:$0x10600] =	vst v63  }
0x26b: {  	s23 =	sand.u32 $0x1FFFFF80, s24;
	s24 =	spop (v2sf);
	(v2sf) =	vpush v1, $0x6  }
0x26c: {  	s25 =	simm.s32 $0x5000;
	s23 =	sadd.s32 s4, s23  }
0x26d: {  	[tilespmem:s25], [sflag:$0x1] =	stream.linear.gather [hbm4b:s23+s1], $0x400, $0x38;
	[tilespmem:$0x10600] =	vst v63  }
0x26e: {  	s23 =	sand.u32 $0x1FFFFF80, s24  }
0x26f: {  	s25 =	simm.s32 $0x1400;
	s23 =	sadd.s32 s3, s23;
	s24 =	spop (v2sf);
	(v2sf) =	vpush v0, $0x6  }
0x270: {  	[tilespmem:s25], [sflag:$0x1] =	stream.linear.gather [hbm4b:s23+s1], $0x400, $0x38;
	[tilespmem:$0x10600] =	vst v63  }
0x271: {  	s23 =	sand.u32 $0x1FFFFF80, s24;
	s24 =	spop (v2sf);
	(v2sf) =	vpush v1, $0x7  }
0x272: {  	s25 =	simm.s32 $0x5400;
	s23 =	sadd.s32 s4, s23  }
0x273: {  	[tilespmem:s25], [sflag:$0x1] =	stream.linear.gather [hbm4b:s23+s1], $0x400, $0x38;
	[tilespmem:$0x10600] =	vst v63  }
0x274: {  	s23 =	sand.u32 $0x1FFFFF80, s24;
	s24 =	spop (v2sf);
	(v2sf) =	vpush v0, $0x7;
	_ =	sdelay $0x3  }
0x275: {  	s25 =	simm.s32 $0x1800;
	s23 =	sadd.s32 s3, s23  }
0x276: {  	[tilespmem:s25], [sflag:$0x1] =	stream.linear.gather [hbm4b:s23+s1], $0x400, $0x38;
	[tilespmem:$0x10600] =	vst v63  }
0x277: {  	s23 =	sand.u32 $0x1FFFFF80, s24;
	s24 =	spop (v2sf);
	(v2sf) =	vpush v1, $0x8  }
0x278: {  	s25 =	simm.s32 $0x5800;
	s23 =	sadd.s32 s4, s23  }
0x279: {  	[tilespmem:s25], [sflag:$0x1] =	stream.linear.gather [hbm4b:s23+s1], $0x400, $0x38;
	[tilespmem:$0x10600] =	vst v63  }
0x27a: {  	s23 =	sand.u32 $0x1FFFFF80, s24  }
0x27b: {  	s25 =	simm.s32 $0x1C00;
	s23 =	sadd.s32 s3, s23;
	s24 =	spop (v2sf);
	(v2sf) =	vpush v0, $0x8  }
0x27c: {  	[tilespmem:s25], [sflag:$0x1] =	stream.linear.gather [hbm4b:s23+s1], $0x400, $0x38;
	[tilespmem:$0x10600] =	vst v63  }
0x27d: {  	s23 =	sand.u32 $0x1FFFFF80, s24;
	s24 =	spop (v2sf);
	(v2sf) =	vpush v1, $0x9  }
0x27e: {  	s25 =	simm.s32 $0x5C00;
	s23 =	sadd.s32 s4, s23  }
0x27f: {  	[tilespmem:s25], [sflag:$0x1] =	stream.linear.gather [hbm4b:s23+s1], $0x400, $0x38;
	[tilespmem:$0x10600] =	vst v63  }
0x280: {  	s23 =	sand.u32 $0x1FFFFF80, s24;
	s24 =	spop (v2sf);
	(v2sf) =	vpush v0, $0x9;
	_ =	sdelay $0x3  }
0x281: {  	s25 =	simm.s32 $0x2000;
	s23 =	sadd.s32 s3, s23  }
0x282: {  	[tilespmem:s25], [sflag:$0x1] =	stream.linear.gather [hbm4b:s23+s1], $0x400, $0x38;
	[tilespmem:$0x10600] =	vst v63  }
0x283: {  	s23 =	sand.u32 $0x1FFFFF80, s24;
	s24 =	spop (v2sf);
	(v2sf) =	vpush v1, $0xA  }
0x284: {  	s25 =	simm.s32 $0x6000;
	s23 =	sadd.s32 s4, s23  }
0x285: {  	[tilespmem:s25], [sflag:$0x1] =	stream.linear.gather [hbm4b:s23+s1], $0x400, $0x38;
	[tilespmem:$0x10600] =	vst v63  }
0x286: {  	s23 =	sand.u32 $0x1FFFFF80, s24  }
0x287: {  	s25 =	simm.s32 $0x2400;
	s23 =	sadd.s32 s3, s23;
	s24 =	spop (v2sf);
	(v2sf) =	vpush v0, $0xA  }
0x288: {  	[tilespmem:s25], [sflag:$0x1] =	stream.linear.gather [hbm4b:s23+s1], $0x400, $0x38;
	[tilespmem:$0x10600] =	vst v63  }
0x289: {  	s23 =	sand.u32 $0x1FFFFF80, s24;
	s24 =	spop (v2sf);
	(v2sf) =	vpush v1, $0xB  }
0x28a: {  	s25 =	simm.s32 $0x6400;
	s23 =	sadd.s32 s4, s23  }
0x28b: {  	[tilespmem:s25], [sflag:$0x1] =	stream.linear.gather [hbm4b:s23+s1], $0x400, $0x38;
	[tilespmem:$0x10600] =	vst v63  }
0x28c: {  	s23 =	sand.u32 $0x1FFFFF80, s24;
	s24 =	spop (v2sf);
	(v2sf) =	vpush v0, $0xB;
	_ =	sdelay $0x3  }
0x28d: {  	s25 =	simm.s32 $0x2800;
	s23 =	sadd.s32 s3, s23  }
0x28e: {  	[tilespmem:s25], [sflag:$0x1] =	stream.linear.gather [hbm4b:s23+s1], $0x400, $0x38;
	[tilespmem:$0x10600] =	vst v63  }
0x28f: {  	s23 =	sand.u32 $0x1FFFFF80, s24;
	s24 =	spop (v2sf);
	(v2sf) =	vpush v1, $0xC  }
0x290: {  	s25 =	simm.s32 $0x6800;
	s23 =	sadd.s32 s4, s23  }
0x291: {  	[tilespmem:s25], [sflag:$0x1] =	stream.linear.gather [hbm4b:s23+s1], $0x400, $0x38;
	[tilespmem:$0x10600] =	vst v63  }
0x292: {  	s23 =	sand.u32 $0x1FFFFF80, s24  }
0x293: {  	s25 =	simm.s32 $0x2C00;
	s23 =	sadd.s32 s3, s23;
	s24 =	spop (v2sf);
	(v2sf) =	vpush v0, $0xC  }
0x294: {  	[tilespmem:s25], [sflag:$0x1] =	stream.linear.gather [hbm4b:s23+s1], $0x400, $0x38;
	[tilespmem:$0x10600] =	vst v63  }
0x295: {  	s23 =	sand.u32 $0x1FFFFF80, s24;
	s24 =	spop (v2sf);
	(v2sf) =	vpush v1, $0xD  }
0x296: {  	s25 =	simm.s32 $0x6C00;
	s23 =	sadd.s32 s4, s23  }
0x297: {  	[tilespmem:s25], [sflag:$0x1] =	stream.linear.gather [hbm4b:s23+s1], $0x400, $0x38;
	[tilespmem:$0x10600] =	vst v63  }
0x298: {  	s23 =	sand.u32 $0x1FFFFF80, s24;
	s24 =	spop (v2sf);
	(v2sf) =	vpush v0, $0xD;
	_ =	sdelay $0x3  }
0x299: {  	s25 =	simm.s32 $0x3000;
	s23 =	sadd.s32 s3, s23  }
0x29a: {  	[tilespmem:s25], [sflag:$0x1] =	stream.linear.gather [hbm4b:s23+s1], $0x400, $0x38;
	[tilespmem:$0x10600] =	vst v63  }
0x29b: {  	s23 =	sand.u32 $0x1FFFFF80, s24;
	s24 =	spop (v2sf);
	(v2sf) =	vpush v1, $0xE  }
0x29c: {  	s25 =	simm.s32 $0x7000;
	s23 =	sadd.s32 s4, s23  }
0x29d: {  	[tilespmem:s25], [sflag:$0x1] =	stream.linear.gather [hbm4b:s23+s1], $0x400, $0x38;
	[tilespmem:$0x10600] =	vst v63  }
0x29e: {  	s23 =	sand.u32 $0x1FFFFF80, s24  }
0x29f: {  	s25 =	simm.s32 $0x3400;
	s23 =	sadd.s32 s3, s23;
	s24 =	spop (v2sf);
	(v2sf) =	vpush v0, $0xE  }
0x2a0: {  	[tilespmem:s25], [sflag:$0x1] =	stream.linear.gather [hbm4b:s23+s1], $0x400, $0x38;
	[tilespmem:$0x10600] =	vst v63  }
0x2a1: {  	s23 =	sand.u32 $0x1FFFFF80, s24;
	s24 =	spop (v2sf);
	(v2sf) =	vpush v1, $0xF  }
0x2a2: {  	s25 =	simm.s32 $0x7400;
	s23 =	sadd.s32 s4, s23  }
0x2a3: {  	[tilespmem:s25], [sflag:$0x1] =	stream.linear.gather [hbm4b:s23+s1], $0x400, $0x38;
	[tilespmem:$0x10600] =	vst v63  }
0x2a4: {  	s23 =	sand.u32 $0x1FFFFF80, s24;
	s24 =	spop (v2sf);
	(v2sf) =	vpush v0, $0xF  }
0x2a5: {  	s25 =	simm.s32 $0x3800;
	s23 =	sadd.s32 s3, s23  }
0x2a6: {  	[tilespmem:s25], [sflag:$0x1] =	stream.linear.gather [hbm4b:s23+s1], $0x400, $0x38;
	[tilespmem:$0x10600] =	vst v63  }
0x2a7: {  	s23 =	sand.u32 $0x1FFFFF80, s24  }
0x2a8: {  	s25 =	simm.s32 $0x7800;
	s23 =	sadd.s32 s4, s23  }
0x2a9: {  	[tilespmem:s25], [sflag:$0x1] =	stream.linear.gather [hbm4b:s23+s1], $0x400, $0x38;
	[tilespmem:$0x10600] =	vst v63  }
0x2aa: {  	s24 =	spop (v2sf)  }
0x2ab: {  	s23 =	sand.u32 $0x1FFFFF80, s24  }
0x2ac: {  	s25 =	simm.s32 $0x3C00;
	s23 =	sadd.s32 s3, s23  }
0x2ad: {  	[tilespmem:s25], [sflag:$0x1] =	stream.linear.gather [hbm4b:s23+s1], $0x400, $0x38;
	[tilespmem:$0x10600] =	vst v63  }
0x2ae: {  	s24 =	spop (v2sf)  }
0x2af: {  	s23 =	sand.u32 $0x1FFFFF80, s24  }
0x2b0: {  	s25 =	simm.s32 $0x7C00;
	s24 =	spop (v2sf);
	s23 =	sadd.s32 s4, s23  }
0x2b1: {  	[tilespmem:s25], [sflag:$0x1] =	stream.linear.gather [hbm4b:s23+s1], $0x400, $0x38;
	[tilespmem:$0x10600] =	vst v63  }
0x2b2: {  	s23 =	sand.u32 $0x1FFFFF80, s24;
	s25 =	simm.s32 $0x4000  }
.Ltmp5:
0x2b3: {  	s24 =	spop (v2sf);
	s23 =	sadd.s32 s3, s23;
	(pc) =	sbr.rel .LBB2_4-.Ltmp5, $4  }
0x2b4: {  	[tilespmem:s25], [sflag:$0x1] =	stream.linear.gather [hbm4b:s23+s1], $0x400, $0x38;
	[tilespmem:$0x10600] =	vst v63  }
0x2b5: {  	s23 =	sand.u32 $0x1FFFFF80, s24  }
0x2b6: {  	s25 =	simm.s32 $0x8000;
	s23 =	sadd.s32 s4, s23  }
0x2b7: {  	[tilespmem:s25], [sflag:$0x1] =	stream.linear.gather [hbm4b:s23+s1], $0x400, $0x38;
	[tilespmem:$0x10600] =	vst v63  }
.LBB2_6:
0x2b8: {  	_ =	sfence.sel $0x180000  }
0x2b9: {  	[bflag:$0x0] =	sbarrier.arrive $0xFFFF  }
0x2ba: {  	_ =	strace $0x90000047  }
0x2bb: {  	s0 =	stileid.u32;
	[bflag:$0x2] =	sbarrier.arrive $0xFFFF  }
0x2bc: {  	p0 =	sne.s32 s0, $0x0;
	s0 =	rddreg [dreg:$0x4]  }
0x2bd: {  	s0 =	sadd.s32 @!p0 $0x100000, s0  }
0x2be: {  	[sflag:s0] =	ssyncadd.tile.s32 @!p0 $0x1;
	_ =	shalt  }
.Lfunc_end2:
_tile_overlayer_lowered:
.L_overlay_start_2:
0x2bf: {  	(tag) =	ssettag $0x2  }
0x2c0: {  	s0 =	rddreg [dreg:$0x0];
	s2 =	stileid.u32  }
0x2c1: {  	s1 =	rddreg [dreg:$0x1];
	p0 =	sne.s32 s2, $0x0  }
0x2c2: {  	s3 =	rddreg [dreg:$0x2];
	[bflag:$0x3] =	sbarrier.arrive $0xFFFF;
	s2 =	simm.s32 @!p0 $0x1C03  }
0x2c3: {  	[timem:s3], [sflag:s2] =	dma.local @!p0 [hbm:s0], s1  }
0x2c4: {  	s0 =	simm.s32 @!p0 $0x3  }
0x2c5: {  	_ =	swait.ge @!p0 [sflag:s0], s1  }
0x2c6: {  	s1 =	ssub.s32 @!p0 $0x0, s1;
	[sflag:s0] =	ssyncset.done @!p0 $0x0  }
0x2c7: {  	[sflag:s0] =	ssyncadd.s32 @!p0 s1  }
0x2c8: {  	[bflag:$0x3] =	sbarrier.arrive $0xFFFF  }
0x2c9: {  	_ =	shalt  }

</sc_bundles>
